<compile_context>
chip_gen: v7x
topology: tpu7x:2x2x1
jax: 0.10.2.dev20260603
libtpu: 0.0.44.dev20260713+nightly
codegen_flags: <defaults>
</compile_context>

<pallas_src>
import jax
import jax.numpy as jnp
from jax import lax
from jax.experimental import pallas as pl
from jax.experimental.pallas import tpu as pltpu
from jax.experimental.pallas import tpu_sc as plsc

B = 16384
L = 16
NS = 16
CHUNK = B // NS
NV = CHUNK // L
PAGE_SIZE = 16
WIN = CHUNK + 8


def _body(seq_hbm, ll_hbm, fp_hbm, out_hbm,
          sl_v, ll_v, fp_v, fl_v, ex_v, out_v, cnt_s, sem_fp, sem_ll):
    sid = lax.axis_index("s")
    base = sid * CHUNK

    for d_i in range(4):
        cnt_s[d_i] = jnp.int32(0)

    ll_cp = pltpu.async_copy(ll_hbm.at[pl.ds(base, CHUNK)], ll_v, sem_ll)
    pltpu.sync_copy(seq_hbm.at[pl.ds(base, CHUNK)], sl_v)

    acc = jnp.zeros((L,), jnp.int32)
    for j in range(NV):
        s = sl_v[pl.ds(j * L, L)]
        flag = jnp.where((s & (PAGE_SIZE - 1)) == 1, jnp.int32(1), jnp.int32(0))
        fl_v[pl.ds(j * L, L)] = flag
        acc = acc + flag
    carry = jnp.sum(acc)

    v = carry
    plsc.subcore_barrier()
    for d_i, d in enumerate((1, 2, 4, 8)):
        val = jnp.where(sid + d < NS, v, jnp.int32(0))
        tgt = (sid + d) & (NS - 1)
        plsc.fetch_and_add(cnt_s.at[d_i], val, subcore_id=tgt)
        plsc.subcore_barrier()
        v = v + cnt_s[d_i]
    my_base = v - carry

    off = jnp.minimum(my_base, jnp.int32(B - WIN))
    off = pl.multiple_of((off // 8) * 8, 8)
    fp_cp = pltpu.async_copy(fp_hbm.at[pl.ds(off, WIN)], fp_v, sem_fp)
    rel = my_base - off

    run = rel
    for j in range(NV):
        f = fl_v[pl.ds(j * L, L)]
        inc = plsc.cumsum(f)
        ex_v[pl.ds(j * L, L)] = inc - f + run
        run = run + jnp.sum(f)

    ll_cp.wait()
    fp_cp.wait()

    for j in range(NV):
        f = fl_v[pl.ds(j * L, L)]
        idx = ex_v[pl.ds(j * L, L)]
        page = plsc.load_gather(fp_v, [idx])
        ll = ll_v[pl.ds(j * L, L)]
        out_v[pl.ds(j * L, L)] = jnp.where(f == 1, page * PAGE_SIZE, ll + 1)
    pltpu.sync_copy(out_v, out_hbm.at[pl.ds(base, CHUNK)])


@jax.jit
def _run(seq_lens, last_loc, free_page):
    mesh = plsc.VectorSubcoreMesh(
        core_axis_name="c", subcore_axis_name="s", num_cores=1, num_subcores=NS)
    f = pl.kernel(
        _body,
        out_type=jax.ShapeDtypeStruct((B,), jnp.int32),
        mesh=mesh,
        compiler_params=pltpu.CompilerParams(needs_layout_passes=False),
        scratch_types=[
            pltpu.VMEM((CHUNK,), jnp.int32),
            pltpu.VMEM((CHUNK,), jnp.int32),
            pltpu.VMEM((WIN,), jnp.int32),
            pltpu.VMEM((CHUNK,), jnp.int32),
            pltpu.VMEM((CHUNK,), jnp.int32),
            pltpu.VMEM((CHUNK,), jnp.int32),
            pltpu.SMEM((4,), jnp.int32),
            pltpu.SemaphoreType.DMA,
            pltpu.SemaphoreType.DMA,
        ],
    )
    return f(seq_lens, last_loc, free_page)


def kernel(seq_lens, last_loc, free_page):
    return _run(seq_lens, last_loc, free_page)

# --- scband reference (transcript-rebuilt; emitter-appended) ---
"""Pipeline reference for scband-model-torch-32212254720221 (READ-ONLY COPY).

The authoritative reference and input builder live on the scoring server;
editing this copy changes nothing except your own understanding.
"""

import jax, jax.numpy as jnp
import numpy as np


def setup_inputs(seed: int = 0) -> dict:
    key = jax.random.key(seed)
    k1, k2, k3 = jax.random.split(key, 3)
    batch = 16384
    seq_lens = jax.random.randint(k1, (batch,), 0, 8192, dtype=jnp.int32)
    last_loc = jax.random.randint(k2, (batch,), 0, 1048576, dtype=jnp.int32)
    free_page = jax.random.randint(k3, (batch,), 0, 65536, dtype=jnp.int32)
    return {"seq_lens": seq_lens, "last_loc": last_loc, "free_page": free_page}


def reference(seq_lens, last_loc, free_page):
    # Faithful jax translation of the torch forward (vectorized form of the
    # per-request loop; the loop carries an exclusive prefix-sum of
    # num_new_pages, which is exactly cumsum - self).
    page_size = 16
    pre_lens = seq_lens - 1
    num_pages_before = (pre_lens + page_size - 1) // page_size
    num_pages_after = (seq_lens + page_size - 1) // page_size
    num_new_pages = num_pages_after - num_pages_before
    # exclusive cumulative sum == new_page_start_locs in the torch loop
    new_page_start_locs = jnp.cumsum(num_new_pages) - num_new_pages
    # gather the first free page id assigned to each request
    page_start = jnp.take(free_page, new_page_start_locs, axis=0)
    out_indices = jnp.where(num_new_pages == 0, last_loc + 1, page_start * page_size)
    return out_indices.astype(jnp.int32)

if __name__ == "__main__":
    import jax
    _d = setup_inputs()
    print(jax.jit(kernel)(*tuple(_d.values())))

</pallas_src>

<mosaic_0001>
#map = affine_map<(d0, d1) -> (0)>
module attributes {stable_mosaic.version = 14 : i64} {
  func.func @_body(%arg0: i32, %arg1: i32, %arg2: memref<16384xi32, #tpu.memory_space<hbm>>, %arg3: memref<16384xi32, #tpu.memory_space<hbm>>, %arg4: memref<16384xi32, #tpu.memory_space<hbm>>, %arg5: memref<16384xi32, #tpu.memory_space<hbm>>, %arg6: memref<1024xi32, #tpu.memory_space<vmem>>, %arg7: memref<1024xi32, #tpu.memory_space<vmem>>, %arg8: memref<1032xi32, #tpu.memory_space<vmem>>, %arg9: memref<1024xi32, #tpu.memory_space<vmem>>, %arg10: memref<1024xi32, #tpu.memory_space<vmem>>, %arg11: memref<1024xi32, #tpu.memory_space<vmem>>, %arg12: memref<4xi32, #tpu.memory_space<smem>>, %arg13: memref<!tpu.dma_semaphore, #tpu.memory_space<semaphore_mem>>, %arg14: memref<!tpu.dma_semaphore, #tpu.memory_space<semaphore_mem>>) attributes {dimension_semantics = [#tpu.dimension_semantics<core_parallel>, #tpu.dimension_semantics<subcore_parallel>], iteration_bounds = array<i64: 1, 16>, scalar_prefetch = 0 : i64, scratch_operands = 9 : i64, tpu.core_type = #tpu.core_type<sc_vector_subcore>, window_params = [{transform_indices = #map}, {transform_indices = #map}, {transform_indices = #map}, {transform_indices = #map}]} {
    %mul3A = arith.constant 1024 : i32
    %mul3A_0 = arith.muli %arg1, %mul3A : i32
    %swap3A = arith.constant 0 : i32
    %swap3A_1 = arith.constant 0 : i32
    %swap3A_2 = arith.index_cast %swap3A_1 : i32 to index
    %swap3A_3 = memref.load %arg12[%swap3A_2] : memref<4xi32, #tpu.memory_space<smem>>
    memref.store %swap3A, %arg12[%swap3A_2] : memref<4xi32, #tpu.memory_space<smem>>
    %swap3A_4 = arith.constant 0 : i32
    %swap3A_5 = arith.constant 1 : i32
    %swap3A_6 = arith.index_cast %swap3A_5 : i32 to index
    %swap3A_7 = memref.load %arg12[%swap3A_6] : memref<4xi32, #tpu.memory_space<smem>>
    memref.store %swap3A_4, %arg12[%swap3A_6] : memref<4xi32, #tpu.memory_space<smem>>
    %swap3A_8 = arith.constant 0 : i32
    %swap3A_9 = arith.constant 2 : i32
    %swap3A_10 = arith.index_cast %swap3A_9 : i32 to index
    %swap3A_11 = memref.load %arg12[%swap3A_10] : memref<4xi32, #tpu.memory_space<smem>>
    memref.store %swap3A_8, %arg12[%swap3A_10] : memref<4xi32, #tpu.memory_space<smem>>
    %swap3A_12 = arith.constant 0 : i32
    %swap3A_13 = arith.constant 3 : i32
    %swap3A_14 = arith.index_cast %swap3A_13 : i32 to index
    %swap3A_15 = memref.load %arg12[%swap3A_14] : memref<4xi32, #tpu.memory_space<smem>>
    memref.store %swap3A_12, %arg12[%swap3A_14] : memref<4xi32, #tpu.memory_space<smem>>
    %dma_start3A = tpu.memref_slice %arg3[%mul3A_0] : memref<16384xi32, #tpu.memory_space<hbm>> -> memref<1024xi32, #tpu.memory_space<hbm>>
    %dma_start3A_16 = tpu.memref_slice %arg3[%mul3A_0] : memref<16384xi32, #tpu.memory_space<hbm>> -> memref<1024xi32, #tpu.memory_space<hbm>>
    tpu.enqueue_dma source(%dma_start3A_16 : memref<1024xi32, #tpu.memory_space<hbm>>) target(%arg7 : memref<1024xi32, #tpu.memory_space<vmem>>) target_semaphore(%arg14 : memref<!tpu.dma_semaphore, #tpu.memory_space<semaphore_mem>>)
    "tpu.region"() ({
      %run_scoped3A = tpu.sem_alloc : memref<!tpu.dma_semaphore, #tpu.memory_space<semaphore_mem>>
      %dma_start3A_3308 = tpu.memref_slice %arg2[%mul3A_0] : memref<16384xi32, #tpu.memory_space<hbm>> -> memref<1024xi32, #tpu.memory_space<hbm>>
      %dma_start3A_3309 = tpu.memref_slice %arg2[%mul3A_0] : memref<16384xi32, #tpu.memory_space<hbm>> -> memref<1024xi32, #tpu.memory_space<hbm>>
      tpu.enqueue_dma source(%dma_start3A_3309 : memref<1024xi32, #tpu.memory_space<hbm>>) target(%arg6 : memref<1024xi32, #tpu.memory_space<vmem>>) target_semaphore(%run_scoped3A : memref<!tpu.dma_semaphore, #tpu.memory_space<semaphore_mem>>)
      %dma_wait3A_3310 = tpu.memref_slice %arg2[%mul3A_0] : memref<16384xi32, #tpu.memory_space<hbm>> -> memref<1024xi32, #tpu.memory_space<hbm>>
      %dma_wait3A_3311 = tpu.memref_slice %arg2[%mul3A_0] : memref<16384xi32, #tpu.memory_space<hbm>> -> memref<1024xi32, #tpu.memory_space<hbm>>
      tpu.wait_dma2 semaphore(%run_scoped3A : memref<!tpu.dma_semaphore, #tpu.memory_space<semaphore_mem>>) src(%dma_wait3A_3311 : memref<1024xi32, #tpu.memory_space<hbm>>) dst(%arg6 : memref<1024xi32, #tpu.memory_space<vmem>>)
      tpu.yield
    }) : () -> ()
    %broadcast_in_dim3A = arith.constant 0 : i32
    %broadcast_in_dim3A_17 = vector.broadcast %broadcast_in_dim3A : i32 to vector<16xi32>
    %get3A = arith.constant 0 : index
    %get3A_18 = tpu.vector_load %arg6[%get3A] {strides = array<i32>} : memref<1024xi32, #tpu.memory_space<vmem>>, vector<16xi32>,
    %and3A = arith.constant 15 : i32
    %and3A_19 = vector.broadcast %and3A : i32 to vector<16xi32>
    %and3A_20 = arith.andi %get3A_18, %and3A_19 : vector<16xi32>
    %eq3A = arith.constant 1 : i32
    %eq3A_21 = vector.broadcast %eq3A : i32 to vector<16xi32>
    %eq3A_22 = arith.cmpi eq, %and3A_20, %eq3A_21 : vector<16xi32>
    %jit3A = arith.constant 1 : i32
    %jit3A_23 = arith.constant 0 : i32
    %broadcast_in_dim3A_24 = vector.broadcast %jit3A : i32 to vector<16xi32>
    %broadcast_in_dim3A_25 = vector.broadcast %jit3A_23 : i32 to vector<16xi32>
    %select_n3A = arith.select %eq3A_22, %broadcast_in_dim3A_24, %broadcast_in_dim3A_25 : vector<16xi1>, vector<16xi32>
    %swap3A_26 = arith.constant 0 : index
    %swap3A_27 = tpu.vector_load %arg9[%swap3A_26] {strides = array<i32>} : memref<1024xi32, #tpu.memory_space<vmem>>, vector<16xi32>,
    tpu.vector_store %arg9[%swap3A_26], %select_n3A {strides = array<i32>} : memref<1024xi32, #tpu.memory_space<vmem>>, vector<16xi32>,
    %add3A = arith.addi %broadcast_in_dim3A_17, %select_n3A : vector<16xi32>
    %get3A_28 = arith.constant 16 : index
    %get3A_29 = tpu.vector_load %arg6[%get3A_28] {strides = array<i32>} : memref<1024xi32, #tpu.memory_space<vmem>>, vector<16xi32>,
    %and3A_30 = arith.constant 15 : i32
    %and3A_31 = vector.broadcast %and3A_30 : i32 to vector<16xi32>
    %and3A_32 = arith.andi %get3A_29, %and3A_31 : vector<16xi32>
    %eq3A_33 = arith.constant 1 : i32
    %eq3A_34 = vector.broadcast %eq3A_33 : i32 to vector<16xi32>
    %eq3A_35 = arith.cmpi eq, %and3A_32, %eq3A_34 : vector<16xi32>
    %jit3A_36 = arith.constant 1 : i32
    %jit3A_37 = arith.constant 0 : i32
    %broadcast_in_dim3A_38 = vector.broadcast %jit3A_36 : i32 to vector<16xi32>
    %broadcast_in_dim3A_39 = vector.broadcast %jit3A_37 : i32 to vector<16xi32>
    %select_n3A_40 = arith.select %eq3A_35, %broadcast_in_dim3A_38, %broadcast_in_dim3A_39 : vector<16xi1>, vector<16xi32>
    %swap3A_41 = arith.constant 16 : index
    %swap3A_42 = tpu.vector_load %arg9[%swap3A_41] {strides = array<i32>} : memref<1024xi32, #tpu.memory_space<vmem>>, vector<16xi32>,
    tpu.vector_store %arg9[%swap3A_41], %select_n3A_40 {strides = array<i32>} : memref<1024xi32, #tpu.memory_space<vmem>>, vector<16xi32>,
    %add3A_43 = arith.addi %add3A, %select_n3A_40 : vector<16xi32>
    %get3A_44 = arith.constant 32 : index
    %get3A_45 = tpu.vector_load %arg6[%get3A_44] {strides = array<i32>} : memref<1024xi32, #tpu.memory_space<vmem>>, vector<16xi32>,
    %and3A_46 = arith.constant 15 : i32
    %and3A_47 = vector.broadcast %and3A_46 : i32 to vector<16xi32>
    %and3A_48 = arith.andi %get3A_45, %and3A_47 : vector<16xi32>
    %eq3A_49 = arith.constant 1 : i32
    %eq3A_50 = vector.broadcast %eq3A_49 : i32 to vector<16xi32>
    %eq3A_51 = arith.cmpi eq, %and3A_48, %eq3A_50 : vector<16xi32>
    %jit3A_52 = arith.constant 1 : i32
    %jit3A_53 = arith.constant 0 : i32
    %broadcast_in_dim3A_54 = vector.broadcast %jit3A_52 : i32 to vector<16xi32>
    %broadcast_in_dim3A_55 = vector.broadcast %jit3A_53 : i32 to vector<16xi32>
    %select_n3A_56 = arith.select %eq3A_51, %broadcast_in_dim3A_54, %broadcast_in_dim3A_55 : vector<16xi1>, vector<16xi32>
    %swap3A_57 = arith.constant 32 : index
    %swap3A_58 = tpu.vector_load %arg9[%swap3A_57] {strides = array<i32>} : memref<1024xi32, #tpu.memory_space<vmem>>, vector<16xi32>,
    tpu.vector_store %arg9[%swap3A_57], %select_n3A_56 {strides = array<i32>} : memref<1024xi32, #tpu.memory_space<vmem>>, vector<16xi32>,
    %add3A_59 = arith.addi %add3A_43, %select_n3A_56 : vector<16xi32>
    %get3A_60 = arith.constant 48 : index
    %get3A_61 = tpu.vector_load %arg6[%get3A_60] {strides = array<i32>} : memref<1024xi32, #tpu.memory_space<vmem>>, vector<16xi32>,
    %and3A_62 = arith.constant 15 : i32
    %and3A_63 = vector.broadcast %and3A_62 : i32 to vector<16xi32>
    %and3A_64 = arith.andi %get3A_61, %and3A_63 : vector<16xi32>
    %eq3A_65 = arith.constant 1 : i32
    %eq3A_66 = vector.broadcast %eq3A_65 : i32 to vector<16xi32>
    %eq3A_67 = arith.cmpi eq, %and3A_64, %eq3A_66 : vector<16xi32>
    %jit3A_68 = arith.constant 1 : i32
    %jit3A_69 = arith.constant 0 : i32
    %broadcast_in_dim3A_70 = vector.broadcast %jit3A_68 : i32 to vector<16xi32>
    %broadcast_in_dim3A_71 = vector.broadcast %jit3A_69 : i32 to vector<16xi32>
    %select_n3A_72 = arith.select %eq3A_67, %broadcast_in_dim3A_70, %broadcast_in_dim3A_71 : vector<16xi1>, vector<16xi32>
    %swap3A_73 = arith.constant 48 : index
    %swap3A_74 = tpu.vector_load %arg9[%swap3A_73] {strides = array<i32>} : memref<1024xi32, #tpu.memory_space<vmem>>, vector<16xi32>,
    tpu.vector_store %arg9[%swap3A_73], %select_n3A_72 {strides = array<i32>} : memref<1024xi32, #tpu.memory_space<vmem>>, vector<16xi32>,
    %add3A_75 = arith.addi %add3A_59, %select_n3A_72 : vector<16xi32>
    %get3A_76 = arith.constant 64 : index
    %get3A_77 = tpu.vector_load %arg6[%get3A_76] {strides = array<i32>} : memref<1024xi32, #tpu.memory_space<vmem>>, vector<16xi32>,
    %and3A_78 = arith.constant 15 : i32
    %and3A_79 = vector.broadcast %and3A_78 : i32 to vector<16xi32>
    %and3A_80 = arith.andi %get3A_77, %and3A_79 : vector<16xi32>
    %eq3A_81 = arith.constant 1 : i32
    %eq3A_82 = vector.broadcast %eq3A_81 : i32 to vector<16xi32>
    %eq3A_83 = arith.cmpi eq, %and3A_80, %eq3A_82 : vector<16xi32>
    %jit3A_84 = arith.constant 1 : i32
    %jit3A_85 = arith.constant 0 : i32
    %broadcast_in_dim3A_86 = vector.broadcast %jit3A_84 : i32 to vector<16xi32>
    %broadcast_in_dim3A_87 = vector.broadcast %jit3A_85 : i32 to vector<16xi32>
    %select_n3A_88 = arith.select %eq3A_83, %broadcast_in_dim3A_86, %broadcast_in_dim3A_87 : vector<16xi1>, vector<16xi32>
    %swap3A_89 = arith.constant 64 : index
    %swap3A_90 = tpu.vector_load %arg9[%swap3A_89] {strides = array<i32>} : memref<1024xi32, #tpu.memory_space<vmem>>, vector<16xi32>,
    tpu.vector_store %arg9[%swap3A_89], %select_n3A_88 {strides = array<i32>} : memref<1024xi32, #tpu.memory_space<vmem>>, vector<16xi32>,
    %add3A_91 = arith.addi %add3A_75, %select_n3A_88 : vector<16xi32>
    %get3A_92 = arith.constant 80 : index
    %get3A_93 = tpu.vector_load %arg6[%get3A_92] {strides = array<i32>} : memref<1024xi32, #tpu.memory_space<vmem>>, vector<16xi32>,
    %and3A_94 = arith.constant 15 : i32
    %and3A_95 = vector.broadcast %and3A_94 : i32 to vector<16xi32>
    %and3A_96 = arith.andi %get3A_93, %and3A_95 : vector<16xi32>
    %eq3A_97 = arith.constant 1 : i32
    %eq3A_98 = vector.broadcast %eq3A_97 : i32 to vector<16xi32>
    %eq3A_99 = arith.cmpi eq, %and3A_96, %eq3A_98 : vector<16xi32>
    %jit3A_100 = arith.constant 1 : i32
    %jit3A_101 = arith.constant 0 : i32
    %broadcast_in_dim3A_102 = vector.broadcast %jit3A_100 : i32 to vector<16xi32>
    %broadcast_in_dim3A_103 = vector.broadcast %jit3A_101 : i32 to vector<16xi32>
    %select_n3A_104 = arith.select %eq3A_99, %broadcast_in_dim3A_102, %broadcast_in_dim3A_103 : vector<16xi1>, vector<16xi32>
    %swap3A_105 = arith.constant 80 : index
    %swap3A_106 = tpu.vector_load %arg9[%swap3A_105] {strides = array<i32>} : memref<1024xi32, #tpu.memory_space<vmem>>, vector<16xi32>,
    tpu.vector_store %arg9[%swap3A_105], %select_n3A_104 {strides = array<i32>} : memref<1024xi32, #tpu.memory_space<vmem>>, vector<16xi32>,
    %add3A_107 = arith.addi %add3A_91, %select_n3A_104 : vector<16xi32>
    %get3A_108 = arith.constant 96 : index
    %get3A_109 = tpu.vector_load %arg6[%get3A_108] {strides = array<i32>} : memref<1024xi32, #tpu.memory_space<vmem>>, vector<16xi32>,
    %and3A_110 = arith.constant 15 : i32
    %and3A_111 = vector.broadcast %and3A_110 : i32 to vector<16xi32>
    %and3A_112 = arith.andi %get3A_109, %and3A_111 : vector<16xi32>
    %eq3A_113 = arith.constant 1 : i32
    %eq3A_114 = vector.broadcast %eq3A_113 : i32 to vector<16xi32>
    %eq3A_115 = arith.cmpi eq, %and3A_112, %eq3A_114 : vector<16xi32>
    %jit3A_116 = arith.constant 1 : i32
    %jit3A_117 = arith.constant 0 : i32
    %broadcast_in_dim3A_118 = vector.broadcast %jit3A_116 : i32 to vector<16xi32>
    %broadcast_in_dim3A_119 = vector.broadcast %jit3A_117 : i32 to vector<16xi32>
    %select_n3A_120 = arith.select %eq3A_115, %broadcast_in_dim3A_118, %broadcast_in_dim3A_119 : vector<16xi1>, vector<16xi32>
    %swap3A_121 = arith.constant 96 : index
    %swap3A_122 = tpu.vector_load %arg9[%swap3A_121] {strides = array<i32>} : memref<1024xi32, #tpu.memory_space<vmem>>, vector<16xi32>,
    tpu.vector_store %arg9[%swap3A_121], %select_n3A_120 {strides = array<i32>} : memref<1024xi32, #tpu.memory_space<vmem>>, vector<16xi32>,
    %add3A_123 = arith.addi %add3A_107, %select_n3A_120 : vector<16xi32>
    %get3A_124 = arith.constant 112 : index
    %get3A_125 = tpu.vector_load %arg6[%get3A_124] {strides = array<i32>} : memref<1024xi32, #tpu.memory_space<vmem>>, vector<16xi32>,
    %and3A_126 = arith.constant 15 : i32
    %and3A_127 = vector.broadcast %and3A_126 : i32 to vector<16xi32>
    %and3A_128 = arith.andi %get3A_125, %and3A_127 : vector<16xi32>
    %eq3A_129 = arith.constant 1 : i32
    %eq3A_130 = vector.broadcast %eq3A_129 : i32 to vector<16xi32>
    %eq3A_131 = arith.cmpi eq, %and3A_128, %eq3A_130 : vector<16xi32>
    %jit3A_132 = arith.constant 1 : i32
    %jit3A_133 = arith.constant 0 : i32
    %broadcast_in_dim3A_134 = vector.broadcast %jit3A_132 : i32 to vector<16xi32>
    %broadcast_in_dim3A_135 = vector.broadcast %jit3A_133 : i32 to vector<16xi32>
    %select_n3A_136 = arith.select %eq3A_131, %broadcast_in_dim3A_134, %broadcast_in_dim3A_135 : vector<16xi1>, vector<16xi32>
    %swap3A_137 = arith.constant 112 : index
    %swap3A_138 = tpu.vector_load %arg9[%swap3A_137] {strides = array<i32>} : memref<1024xi32, #tpu.memory_space<vmem>>, vector<16xi32>,
    tpu.vector_store %arg9[%swap3A_137], %select_n3A_136 {strides = array<i32>} : memref<1024xi32, #tpu.memory_space<vmem>>, vector<16xi32>,
    %add3A_139 = arith.addi %add3A_123, %select_n3A_136 : vector<16xi32>
    %get3A_140 = arith.constant 128 : index
    %get3A_141 = tpu.vector_load %arg6[%get3A_140] {strides = array<i32>} : memref<1024xi32, #tpu.memory_space<vmem>>, vector<16xi32>,
    %and3A_142 = arith.constant 15 : i32
    %and3A_143 = vector.broadcast %and3A_142 : i32 to vector<16xi32>
    %and3A_144 = arith.andi %get3A_141, %and3A_143 : vector<16xi32>
    %eq3A_145 = arith.constant 1 : i32
    %eq3A_146 = vector.broadcast %eq3A_145 : i32 to vector<16xi32>
    %eq3A_147 = arith.cmpi eq, %and3A_144, %eq3A_146 : vector<16xi32>
    %jit3A_148 = arith.constant 1 : i32
    %jit3A_149 = arith.constant 0 : i32
    %broadcast_in_dim3A_150 = vector.broadcast %jit3A_148 : i32 to vector<16xi32>
    %broadcast_in_dim3A_151 = vector.broadcast %jit3A_149 : i32 to vector<16xi32>
    %select_n3A_152 = arith.select %eq3A_147, %broadcast_in_dim3A_150, %broadcast_in_dim3A_151 : vector<16xi1>, vector<16xi32>
    %swap3A_153 = arith.constant 128 : index
    %swap3A_154 = tpu.vector_load %arg9[%swap3A_153] {strides = array<i32>} : memref<1024xi32, #tpu.memory_space<vmem>>, vector<16xi32>,
    tpu.vector_store %arg9[%swap3A_153], %select_n3A_152 {strides = array<i32>} : memref<1024xi32, #tpu.memory_space<vmem>>, vector<16xi32>,
    %add3A_155 = arith.addi %add3A_139, %select_n3A_152 : vector<16xi32>
    %get3A_156 = arith.constant 144 : index
    %get3A_157 = tpu.vector_load %arg6[%get3A_156] {strides = array<i32>} : memref<1024xi32, #tpu.memory_space<vmem>>, vector<16xi32>,
    %and3A_158 = arith.constant 15 : i32
    %and3A_159 = vector.broadcast %and3A_158 : i32 to vector<16xi32>
    %and3A_160 = arith.andi %get3A_157, %and3A_159 : vector<16xi32>
    %eq3A_161 = arith.constant 1 : i32
    %eq3A_162 = vector.broadcast %eq3A_161 : i32 to vector<16xi32>
    %eq3A_163 = arith.cmpi eq, %and3A_160, %eq3A_162 : vector<16xi32>
    %jit3A_164 = arith.constant 1 : i32
    %jit3A_165 = arith.constant 0 : i32
    %broadcast_in_dim3A_166 = vector.broadcast %jit3A_164 : i32 to vector<16xi32>
    %broadcast_in_dim3A_167 = vector.broadcast %jit3A_165 : i32 to vector<16xi32>
    %select_n3A_168 = arith.select %eq3A_163, %broadcast_in_dim3A_166, %broadcast_in_dim3A_167 : vector<16xi1>, vector<16xi32>
    %swap3A_169 = arith.constant 144 : index
    %swap3A_170 = tpu.vector_load %arg9[%swap3A_169] {strides = array<i32>} : memref<1024xi32, #tpu.memory_space<vmem>>, vector<16xi32>,
    tpu.vector_store %arg9[%swap3A_169], %select_n3A_168 {strides = array<i32>} : memref<1024xi32, #tpu.memory_space<vmem>>, vector<16xi32>,
    %add3A_171 = arith.addi %add3A_155, %select_n3A_168 : vector<16xi32>
    %get3A_172 = arith.constant 160 : index
    %get3A_173 = tpu.vector_load %arg6[%get3A_172] {strides = array<i32>} : memref<1024xi32, #tpu.memory_space<vmem>>, vector<16xi32>,
    %and3A_174 = arith.constant 15 : i32
    %and3A_175 = vector.broadcast %and3A_174 : i32 to vector<16xi32>
    %and3A_176 = arith.andi %get3A_173, %and3A_175 : vector<16xi32>
    %eq3A_177 = arith.constant 1 : i32
    %eq3A_178 = vector.broadcast %eq3A_177 : i32 to vector<16xi32>
    %eq3A_179 = arith.cmpi eq, %and3A_176, %eq3A_178 : vector<16xi32>
    %jit3A_180 = arith.constant 1 : i32
    %jit3A_181 = arith.constant 0 : i32
    %broadcast_in_dim3A_182 = vector.broadcast %jit3A_180 : i32 to vector<16xi32>
    %broadcast_in_dim3A_183 = vector.broadcast %jit3A_181 : i32 to vector<16xi32>
    %select_n3A_184 = arith.select %eq3A_179, %broadcast_in_dim3A_182, %broadcast_in_dim3A_183 : vector<16xi1>, vector<16xi32>
    %swap3A_185 = arith.constant 160 : index
    %swap3A_186 = tpu.vector_load %arg9[%swap3A_185] {strides = array<i32>} : memref<1024xi32, #tpu.memory_space<vmem>>, vector<16xi32>,
    tpu.vector_store %arg9[%swap3A_185], %select_n3A_184 {strides = array<i32>} : memref<1024xi32, #tpu.memory_space<vmem>>, vector<16xi32>,
    %add3A_187 = arith.addi %add3A_171, %select_n3A_184 : vector<16xi32>
    %get3A_188 = arith.constant 176 : index
    %get3A_189 = tpu.vector_load %arg6[%get3A_188] {strides = array<i32>} : memref<1024xi32, #tpu.memory_space<vmem>>, vector<16xi32>,
    %and3A_190 = arith.constant 15 : i32
    %and3A_191 = vector.broadcast %and3A_190 : i32 to vector<16xi32>
    %and3A_192 = arith.andi %get3A_189, %and3A_191 : vector<16xi32>
    %eq3A_193 = arith.constant 1 : i32
    %eq3A_194 = vector.broadcast %eq3A_193 : i32 to vector<16xi32>
    %eq3A_195 = arith.cmpi eq, %and3A_192, %eq3A_194 : vector<16xi32>
    %jit3A_196 = arith.constant 1 : i32
    %jit3A_197 = arith.constant 0 : i32
    %broadcast_in_dim3A_198 = vector.broadcast %jit3A_196 : i32 to vector<16xi32>
    %broadcast_in_dim3A_199 = vector.broadcast %jit3A_197 : i32 to vector<16xi32>
    %select_n3A_200 = arith.select %eq3A_195, %broadcast_in_dim3A_198, %broadcast_in_dim3A_199 : vector<16xi1>, vector<16xi32>
    %swap3A_201 = arith.constant 176 : index
    %swap3A_202 = tpu.vector_load %arg9[%swap3A_201] {strides = array<i32>} : memref<1024xi32, #tpu.memory_space<vmem>>, vector<16xi32>,
    tpu.vector_store %arg9[%swap3A_201], %select_n3A_200 {strides = array<i32>} : memref<1024xi32, #tpu.memory_space<vmem>>, vector<16xi32>,
    %add3A_203 = arith.addi %add3A_187, %select_n3A_200 : vector<16xi32>
    %get3A_204 = arith.constant 192 : index
    %get3A_205 = tpu.vector_load %arg6[%get3A_204] {strides = array<i32>} : memref<1024xi32, #tpu.memory_space<vmem>>, vector<16xi32>,
    %and3A_206 = arith.constant 15 : i32
    %and3A_207 = vector.broadcast %and3A_206 : i32 to vector<16xi32>
    %and3A_208 = arith.andi %get3A_205, %and3A_207 : vector<16xi32>
    %eq3A_209 = arith.constant 1 : i32
    %eq3A_210 = vector.broadcast %eq3A_209 : i32 to vector<16xi32>
    %eq3A_211 = arith.cmpi eq, %and3A_208, %eq3A_210 : vector<16xi32>
    %jit3A_212 = arith.constant 1 : i32
    %jit3A_213 = arith.constant 0 : i32
    %broadcast_in_dim3A_214 = vector.broadcast %jit3A_212 : i32 to vector<16xi32>
    %broadcast_in_dim3A_215 = vector.broadcast %jit3A_213 : i32 to vector<16xi32>
    %select_n3A_216 = arith.select %eq3A_211, %broadcast_in_dim3A_214, %broadcast_in_dim3A_215 : vector<16xi1>, vector<16xi32>
    %swap3A_217 = arith.constant 192 : index
    %swap3A_218 = tpu.vector_load %arg9[%swap3A_217] {strides = array<i32>} : memref<1024xi32, #tpu.memory_space<vmem>>, vector<16xi32>,
    tpu.vector_store %arg9[%swap3A_217], %select_n3A_216 {strides = array<i32>} : memref<1024xi32, #tpu.memory_space<vmem>>, vector<16xi32>,
    %add3A_219 = arith.addi %add3A_203, %select_n3A_216 : vector<16xi32>
    %get3A_220 = arith.constant 208 : index
    %get3A_221 = tpu.vector_load %arg6[%get3A_220] {strides = array<i32>} : memref<1024xi32, #tpu.memory_space<vmem>>, vector<16xi32>,
    %and3A_222 = arith.constant 15 : i32
    %and3A_223 = vector.broadcast %and3A_222 : i32 to vector<16xi32>
    %and3A_224 = arith.andi %get3A_221, %and3A_223 : vector<16xi32>
    %eq3A_225 = arith.constant 1 : i32
    %eq3A_226 = vector.broadcast %eq3A_225 : i32 to vector<16xi32>
    %eq3A_227 = arith.cmpi eq, %and3A_224, %eq3A_226 : vector<16xi32>
    %jit3A_228 = arith.constant 1 : i32
    %jit3A_229 = arith.constant 0 : i32
    %broadcast_in_dim3A_230 = vector.broadcast %jit3A_228 : i32 to vector<16xi32>
    %broadcast_in_dim3A_231 = vector.broadcast %jit3A_229 : i32 to vector<16xi32>
    %select_n3A_232 = arith.select %eq3A_227, %broadcast_in_dim3A_230, %broadcast_in_dim3A_231 : vector<16xi1>, vector<16xi32>
    %swap3A_233 = arith.constant 208 : index
    %swap3A_234 = tpu.vector_load %arg9[%swap3A_233] {strides = array<i32>} : memref<1024xi32, #tpu.memory_space<vmem>>, vector<16xi32>,
    tpu.vector_store %arg9[%swap3A_233], %select_n3A_232 {strides = array<i32>} : memref<1024xi32, #tpu.memory_space<vmem>>, vector<16xi32>,
    %add3A_235 = arith.addi %add3A_219, %select_n3A_232 : vector<16xi32>
    %get3A_236 = arith.constant 224 : index
    %get3A_237 = tpu.vector_load %arg6[%get3A_236] {strides = array<i32>} : memref<1024xi32, #tpu.memory_space<vmem>>, vector<16xi32>,
    %and3A_238 = arith.constant 15 : i32
    %and3A_239 = vector.broadcast %and3A_238 : i32 to vector<16xi32>
    %and3A_240 = arith.andi %get3A_237, %and3A_239 : vector<16xi32>
    %eq3A_241 = arith.constant 1 : i32
    %eq3A_242 = vector.broadcast %eq3A_241 : i32 to vector<16xi32>
    %eq3A_243 = arith.cmpi eq, %and3A_240, %eq3A_242 : vector<16xi32>
    %jit3A_244 = arith.constant 1 : i32
    %jit3A_245 = arith.constant 0 : i32
    %broadcast_in_dim3A_246 = vector.broadcast %jit3A_244 : i32 to vector<16xi32>
    %broadcast_in_dim3A_247 = vector.broadcast %jit3A_245 : i32 to vector<16xi32>
    %select_n3A_248 = arith.select %eq3A_243, %broadcast_in_dim3A_246, %broadcast_in_dim3A_247 : vector<16xi1>, vector<16xi32>
    %swap3A_249 = arith.constant 224 : index
    %swap3A_250 = tpu.vector_load %arg9[%swap3A_249] {strides = array<i32>} : memref<1024xi32, #tpu.memory_space<vmem>>, vector<16xi32>,
    tpu.vector_store %arg9[%swap3A_249], %select_n3A_248 {strides = array<i32>} : memref<1024xi32, #tpu.memory_space<vmem>>, vector<16xi32>,
    %add3A_251 = arith.addi %add3A_235, %select_n3A_248 : vector<16xi32>
    %get3A_252 = arith.constant 240 : index
    %get3A_253 = tpu.vector_load %arg6[%get3A_252] {strides = array<i32>} : memref<1024xi32, #tpu.memory_space<vmem>>, vector<16xi32>,
    %and3A_254 = arith.constant 15 : i32
    %and3A_255 = vector.broadcast %and3A_254 : i32 to vector<16xi32>
    %and3A_256 = arith.andi %get3A_253, %and3A_255 : vector<16xi32>
    %eq3A_257 = arith.constant 1 : i32
    %eq3A_258 = vector.broadcast %eq3A_257 : i32 to vector<16xi32>
    %eq3A_259 = arith.cmpi eq, %and3A_256, %eq3A_258 : vector<16xi32>
    %jit3A_260 = arith.constant 1 : i32
    %jit3A_261 = arith.constant 0 : i32
    %broadcast_in_dim3A_262 = vector.broadcast %jit3A_260 : i32 to vector<16xi32>
    %broadcast_in_dim3A_263 = vector.broadcast %jit3A_261 : i32 to vector<16xi32>
    %select_n3A_264 = arith.select %eq3A_259, %broadcast_in_dim3A_262, %broadcast_in_dim3A_263 : vector<16xi1>, vector<16xi32>
    %swap3A_265 = arith.constant 240 : index
    %swap3A_266 = tpu.vector_load %arg9[%swap3A_265] {strides = array<i32>} : memref<1024xi32, #tpu.memory_space<vmem>>, vector<16xi32>,
    tpu.vector_store %arg9[%swap3A_265], %select_n3A_264 {strides = array<i32>} : memref<1024xi32, #tpu.memory_space<vmem>>, vector<16xi32>,
    %add3A_267 = arith.addi %add3A_251, %select_n3A_264 : vector<16xi32>
    %get3A_268 = arith.constant 256 : index
    %get3A_269 = tpu.vector_load %arg6[%get3A_268] {strides = array<i32>} : memref<1024xi32, #tpu.memory_space<vmem>>, vector<16xi32>,
    %and3A_270 = arith.constant 15 : i32
    %and3A_271 = vector.broadcast %and3A_270 : i32 to vector<16xi32>
    %and3A_272 = arith.andi %get3A_269, %and3A_271 : vector<16xi32>
    %eq3A_273 = arith.constant 1 : i32
    %eq3A_274 = vector.broadcast %eq3A_273 : i32 to vector<16xi32>
    %eq3A_275 = arith.cmpi eq, %and3A_272, %eq3A_274 : vector<16xi32>
    %jit3A_276 = arith.constant 1 : i32
    %jit3A_277 = arith.constant 0 : i32
    %broadcast_in_dim3A_278 = vector.broadcast %jit3A_276 : i32 to vector<16xi32>
    %broadcast_in_dim3A_279 = vector.broadcast %jit3A_277 : i32 to vector<16xi32>
    %select_n3A_280 = arith.select %eq3A_275, %broadcast_in_dim3A_278, %broadcast_in_dim3A_279 : vector<16xi1>, vector<16xi32>
    %swap3A_281 = arith.constant 256 : index
    %swap3A_282 = tpu.vector_load %arg9[%swap3A_281] {strides = array<i32>} : memref<1024xi32, #tpu.memory_space<vmem>>, vector<16xi32>,
    tpu.vector_store %arg9[%swap3A_281], %select_n3A_280 {strides = array<i32>} : memref<1024xi32, #tpu.memory_space<vmem>>, vector<16xi32>,
    %add3A_283 = arith.addi %add3A_267, %select_n3A_280 : vector<16xi32>
    %get3A_284 = arith.constant 272 : index
    %get3A_285 = tpu.vector_load %arg6[%get3A_284] {strides = array<i32>} : memref<1024xi32, #tpu.memory_space<vmem>>, vector<16xi32>,
    %and3A_286 = arith.constant 15 : i32
    %and3A_287 = vector.broadcast %and3A_286 : i32 to vector<16xi32>
    %and3A_288 = arith.andi %get3A_285, %and3A_287 : vector<16xi32>
    %eq3A_289 = arith.constant 1 : i32
    %eq3A_290 = vector.broadcast %eq3A_289 : i32 to vector<16xi32>
    %eq3A_291 = arith.cmpi eq, %and3A_288, %eq3A_290 : vector<16xi32>
    %jit3A_292 = arith.constant 1 : i32
    %jit3A_293 = arith.constant 0 : i32
    %broadcast_in_dim3A_294 = vector.broadcast %jit3A_292 : i32 to vector<16xi32>
    %broadcast_in_dim3A_295 = vector.broadcast %jit3A_293 : i32 to vector<16xi32>
    %select_n3A_296 = arith.select %eq3A_291, %broadcast_in_dim3A_294, %broadcast_in_dim3A_295 : vector<16xi1>, vector<16xi32>
    %swap3A_297 = arith.constant 272 : index
    %swap3A_298 = tpu.vector_load %arg9[%swap3A_297] {strides = array<i32>} : memref<1024xi32, #tpu.memory_space<vmem>>, vector<16xi32>,
    tpu.vector_store %arg9[%swap3A_297], %select_n3A_296 {strides = array<i32>} : memref<1024xi32, #tpu.memory_space<vmem>>, vector<16xi32>,
    %add3A_299 = arith.addi %add3A_283, %select_n3A_296 : vector<16xi32>
    %get3A_300 = arith.constant 288 : index
    %get3A_301 = tpu.vector_load %arg6[%get3A_300] {strides = array<i32>} : memref<1024xi32, #tpu.memory_space<vmem>>, vector<16xi32>,
    %and3A_302 = arith.constant 15 : i32
    %and3A_303 = vector.broadcast %and3A_302 : i32 to vector<16xi32>
    %and3A_304 = arith.andi %get3A_301, %and3A_303 : vector<16xi32>
    %eq3A_305 = arith.constant 1 : i32
    %eq3A_306 = vector.broadcast %eq3A_305 : i32 to vector<16xi32>
    %eq3A_307 = arith.cmpi eq, %and3A_304, %eq3A_306 : vector<16xi32>
    %jit3A_308 = arith.constant 1 : i32
    %jit3A_309 = arith.constant 0 : i32
    %broadcast_in_dim3A_310 = vector.broadcast %jit3A_308 : i32 to vector<16xi32>
    %broadcast_in_dim3A_311 = vector.broadcast %jit3A_309 : i32 to vector<16xi32>
    %select_n3A_312 = arith.select %eq3A_307, %broadcast_in_dim3A_310, %broadcast_in_dim3A_311 : vector<16xi1>, vector<16xi32>
    %swap3A_313 = arith.constant 288 : index
    %swap3A_314 = tpu.vector_load %arg9[%swap3A_313] {strides = array<i32>} : memref<1024xi32, #tpu.memory_space<vmem>>, vector<16xi32>,
    tpu.vector_store %arg9[%swap3A_313], %select_n3A_312 {strides = array<i32>} : memref<1024xi32, #tpu.memory_space<vmem>>, vector<16xi32>,
    %add3A_315 = arith.addi %add3A_299, %select_n3A_312 : vector<16xi32>
    %get3A_316 = arith.constant 304 : index
    %get3A_317 = tpu.vector_load %arg6[%get3A_316] {strides = array<i32>} : memref<1024xi32, #tpu.memory_space<vmem>>, vector<16xi32>,
    %and3A_318 = arith.constant 15 : i32
    %and3A_319 = vector.broadcast %and3A_318 : i32 to vector<16xi32>
    %and3A_320 = arith.andi %get3A_317, %and3A_319 : vector<16xi32>
    %eq3A_321 = arith.constant 1 : i32
    %eq3A_322 = vector.broadcast %eq3A_321 : i32 to vector<16xi32>
    %eq3A_323 = arith.cmpi eq, %and3A_320, %eq3A_322 : vector<16xi32>
    %jit3A_324 = arith.constant 1 : i32
    %jit3A_325 = arith.constant 0 : i32
    %broadcast_in_dim3A_326 = vector.broadcast %jit3A_324 : i32 to vector<16xi32>
    %broadcast_in_dim3A_327 = vector.broadcast %jit3A_325 : i32 to vector<16xi32>
    %select_n3A_328 = arith.select %eq3A_323, %broadcast_in_dim3A_326, %broadcast_in_dim3A_327 : vector<16xi1>, vector<16xi32>
    %swap3A_329 = arith.constant 304 : index
    %swap3A_330 = tpu.vector_load %arg9[%swap3A_329] {strides = array<i32>} : memref<1024xi32, #tpu.memory_space<vmem>>, vector<16xi32>,
    tpu.vector_store %arg9[%swap3A_329], %select_n3A_328 {strides = array<i32>} : memref<1024xi32, #tpu.memory_space<vmem>>, vector<16xi32>,
    %add3A_331 = arith.addi %add3A_315, %select_n3A_328 : vector<16xi32>
    %get3A_332 = arith.constant 320 : index
    %get3A_333 = tpu.vector_load %arg6[%get3A_332] {strides = array<i32>} : memref<1024xi32, #tpu.memory_space<vmem>>, vector<16xi32>,
    %and3A_334 = arith.constant 15 : i32
    %and3A_335 = vector.broadcast %and3A_334 : i32 to vector<16xi32>
    %and3A_336 = arith.andi %get3A_333, %and3A_335 : vector<16xi32>
    %eq3A_337 = arith.constant 1 : i32
    %eq3A_338 = vector.broadcast %eq3A_337 : i32 to vector<16xi32>
    %eq3A_339 = arith.cmpi eq, %and3A_336, %eq3A_338 : vector<16xi32>
    %jit3A_340 = arith.constant 1 : i32
    %jit3A_341 = arith.constant 0 : i32
    %broadcast_in_dim3A_342 = vector.broadcast %jit3A_340 : i32 to vector<16xi32>
    %broadcast_in_dim3A_343 = vector.broadcast %jit3A_341 : i32 to vector<16xi32>
    %select_n3A_344 = arith.select %eq3A_339, %broadcast_in_dim3A_342, %broadcast_in_dim3A_343 : vector<16xi1>, vector<16xi32>
    %swap3A_345 = arith.constant 320 : index
    %swap3A_346 = tpu.vector_load %arg9[%swap3A_345] {strides = array<i32>} : memref<1024xi32, #tpu.memory_space<vmem>>, vector<16xi32>,
    tpu.vector_store %arg9[%swap3A_345], %select_n3A_344 {strides = array<i32>} : memref<1024xi32, #tpu.memory_space<vmem>>, vector<16xi32>,
    %add3A_347 = arith.addi %add3A_331, %select_n3A_344 : vector<16xi32>
    %get3A_348 = arith.constant 336 : index
    %get3A_349 = tpu.vector_load %arg6[%get3A_348] {strides = array<i32>} : memref<1024xi32, #tpu.memory_space<vmem>>, vector<16xi32>,
    %and3A_350 = arith.constant 15 : i32
    %and3A_351 = vector.broadcast %and3A_350 : i32 to vector<16xi32>
    %and3A_352 = arith.andi %get3A_349, %and3A_351 : vector<16xi32>
    %eq3A_353 = arith.constant 1 : i32
    %eq3A_354 = vector.broadcast %eq3A_353 : i32 to vector<16xi32>
    %eq3A_355 = arith.cmpi eq, %and3A_352, %eq3A_354 : vector<16xi32>
    %jit3A_356 = arith.constant 1 : i32
    %jit3A_357 = arith.constant 0 : i32
    %broadcast_in_dim3A_358 = vector.broadcast %jit3A_356 : i32 to vector<16xi32>
    %broadcast_in_dim3A_359 = vector.broadcast %jit3A_357 : i32 to vector<16xi32>
    %select_n3A_360 = arith.select %eq3A_355, %broadcast_in_dim3A_358, %broadcast_in_dim3A_359 : vector<16xi1>, vector<16xi32>
    %swap3A_361 = arith.constant 336 : index
    %swap3A_362 = tpu.vector_load %arg9[%swap3A_361] {strides = array<i32>} : memref<1024xi32, #tpu.memory_space<vmem>>, vector<16xi32>,
    tpu.vector_store %arg9[%swap3A_361], %select_n3A_360 {strides = array<i32>} : memref<1024xi32, #tpu.memory_space<vmem>>, vector<16xi32>,
    %add3A_363 = arith.addi %add3A_347, %select_n3A_360 : vector<16xi32>
    %get3A_364 = arith.constant 352 : index
    %get3A_365 = tpu.vector_load %arg6[%get3A_364] {strides = array<i32>} : memref<1024xi32, #tpu.memory_space<vmem>>, vector<16xi32>,
    %and3A_366 = arith.constant 15 : i32
    %and3A_367 = vector.broadcast %and3A_366 : i32 to vector<16xi32>
    %and3A_368 = arith.andi %get3A_365, %and3A_367 : vector<16xi32>
    %eq3A_369 = arith.constant 1 : i32
    %eq3A_370 = vector.broadcast %eq3A_369 : i32 to vector<16xi32>
    %eq3A_371 = arith.cmpi eq, %and3A_368, %eq3A_370 : vector<16xi32>
    %jit3A_372 = arith.constant 1 : i32
    %jit3A_373 = arith.constant 0 : i32
    %broadcast_in_dim3A_374 = vector.broadcast %jit3A_372 : i32 to vector<16xi32>
    %broadcast_in_dim3A_375 = vector.broadcast %jit3A_373 : i32 to vector<16xi32>
    %select_n3A_376 = arith.select %eq3A_371, %broadcast_in_dim3A_374, %broadcast_in_dim3A_375 : vector<16xi1>, vector<16xi32>
    %swap3A_377 = arith.constant 352 : index
    %swap3A_378 = tpu.vector_load %arg9[%swap3A_377] {strides = array<i32>} : memref<1024xi32, #tpu.memory_space<vmem>>, vector<16xi32>,
    tpu.vector_store %arg9[%swap3A_377], %select_n3A_376 {strides = array<i32>} : memref<1024xi32, #tpu.memory_space<vmem>>, vector<16xi32>,
    %add3A_379 = arith.addi %add3A_363, %select_n3A_376 : vector<16xi32>
    %get3A_380 = arith.constant 368 : index
    %get3A_381 = tpu.vector_load %arg6[%get3A_380] {strides = array<i32>} : memref<1024xi32, #tpu.memory_space<vmem>>, vector<16xi32>,
    %and3A_382 = arith.constant 15 : i32
    %and3A_383 = vector.broadcast %and3A_382 : i32 to vector<16xi32>
    %and3A_384 = arith.andi %get3A_381, %and3A_383 : vector<16xi32>
    %eq3A_385 = arith.constant 1 : i32
    %eq3A_386 = vector.broadcast %eq3A_385 : i32 to vector<16xi32>
    %eq3A_387 = arith.cmpi eq, %and3A_384, %eq3A_386 : vector<16xi32>
    %jit3A_388 = arith.constant 1 : i32
    %jit3A_389 = arith.constant 0 : i32
    %broadcast_in_dim3A_390 = vector.broadcast %jit3A_388 : i32 to vector<16xi32>
    %broadcast_in_dim3A_391 = vector.broadcast %jit3A_389 : i32 to vector<16xi32>
    %select_n3A_392 = arith.select %eq3A_387, %broadcast_in_dim3A_390, %broadcast_in_dim3A_391 : vector<16xi1>, vector<16xi32>
    %swap3A_393 = arith.constant 368 : index
    %swap3A_394 = tpu.vector_load %arg9[%swap3A_393] {strides = array<i32>} : memref<1024xi32, #tpu.memory_space<vmem>>, vector<16xi32>,
    tpu.vector_store %arg9[%swap3A_393], %select_n3A_392 {strides = array<i32>} : memref<1024xi32, #tpu.memory_space<vmem>>, vector<16xi32>,
    %add3A_395 = arith.addi %add3A_379, %select_n3A_392 : vector<16xi32>
    %get3A_396 = arith.constant 384 : index
    %get3A_397 = tpu.vector_load %arg6[%get3A_396] {strides = array<i32>} : memref<1024xi32, #tpu.memory_space<vmem>>, vector<16xi32>,
    %and3A_398 = arith.constant 15 : i32
    %and3A_399 = vector.broadcast %and3A_398 : i32 to vector<16xi32>
    %and3A_400 = arith.andi %get3A_397, %and3A_399 : vector<16xi32>
    %eq3A_401 = arith.constant 1 : i32
    %eq3A_402 = vector.broadcast %eq3A_401 : i32 to vector<16xi32>
    %eq3A_403 = arith.cmpi eq, %and3A_400, %eq3A_402 : vector<16xi32>
    %jit3A_404 = arith.constant 1 : i32
    %jit3A_405 = arith.constant 0 : i32
    %broadcast_in_dim3A_406 = vector.broadcast %jit3A_404 : i32 to vector<16xi32>
    %broadcast_in_dim3A_407 = vector.broadcast %jit3A_405 : i32 to vector<16xi32>
    %select_n3A_408 = arith.select %eq3A_403, %broadcast_in_dim3A_406, %broadcast_in_dim3A_407 : vector<16xi1>, vector<16xi32>
    %swap3A_409 = arith.constant 384 : index
    %swap3A_410 = tpu.vector_load %arg9[%swap3A_409] {strides = array<i32>} : memref<1024xi32, #tpu.memory_space<vmem>>, vector<16xi32>,
    tpu.vector_store %arg9[%swap3A_409], %select_n3A_408 {strides = array<i32>} : memref<1024xi32, #tpu.memory_space<vmem>>, vector<16xi32>,
    %add3A_411 = arith.addi %add3A_395, %select_n3A_408 : vector<16xi32>
    %get3A_412 = arith.constant 400 : index
    %get3A_413 = tpu.vector_load %arg6[%get3A_412] {strides = array<i32>} : memref<1024xi32, #tpu.memory_space<vmem>>, vector<16xi32>,
    %and3A_414 = arith.constant 15 : i32
    %and3A_415 = vector.broadcast %and3A_414 : i32 to vector<16xi32>
    %and3A_416 = arith.andi %get3A_413, %and3A_415 : vector<16xi32>
    %eq3A_417 = arith.constant 1 : i32
    %eq3A_418 = vector.broadcast %eq3A_417 : i32 to vector<16xi32>
    %eq3A_419 = arith.cmpi eq, %and3A_416, %eq3A_418 : vector<16xi32>
    %jit3A_420 = arith.constant 1 : i32
    %jit3A_421 = arith.constant 0 : i32
    %broadcast_in_dim3A_422 = vector.broadcast %jit3A_420 : i32 to vector<16xi32>
    %broadcast_in_dim3A_423 = vector.broadcast %jit3A_421 : i32 to vector<16xi32>
    %select_n3A_424 = arith.select %eq3A_419, %broadcast_in_dim3A_422, %broadcast_in_dim3A_423 : vector<16xi1>, vector<16xi32>
    %swap3A_425 = arith.constant 400 : index
    %swap3A_426 = tpu.vector_load %arg9[%swap3A_425] {strides = array<i32>} : memref<1024xi32, #tpu.memory_space<vmem>>, vector<16xi32>,
    tpu.vector_store %arg9[%swap3A_425], %select_n3A_424 {strides = array<i32>} : memref<1024xi32, #tpu.memory_space<vmem>>, vector<16xi32>,
    %add3A_427 = arith.addi %add3A_411, %select_n3A_424 : vector<16xi32>
    %get3A_428 = arith.constant 416 : index
    %get3A_429 = tpu.vector_load %arg6[%get3A_428] {strides = array<i32>} : memref<1024xi32, #tpu.memory_space<vmem>>, vector<16xi32>,
    %and3A_430 = arith.constant 15 : i32
    %and3A_431 = vector.broadcast %and3A_430 : i32 to vector<16xi32>
    %and3A_432 = arith.andi %get3A_429, %and3A_431 : vector<16xi32>
    %eq3A_433 = arith.constant 1 : i32
    %eq3A_434 = vector.broadcast %eq3A_433 : i32 to vector<16xi32>
    %eq3A_435 = arith.cmpi eq, %and3A_432, %eq3A_434 : vector<16xi32>
    %jit3A_436 = arith.constant 1 : i32
    %jit3A_437 = arith.constant 0 : i32
    %broadcast_in_dim3A_438 = vector.broadcast %jit3A_436 : i32 to vector<16xi32>
    %broadcast_in_dim3A_439 = vector.broadcast %jit3A_437 : i32 to vector<16xi32>
    %select_n3A_440 = arith.select %eq3A_435, %broadcast_in_dim3A_438, %broadcast_in_dim3A_439 : vector<16xi1>, vector<16xi32>
    %swap3A_441 = arith.constant 416 : index
    %swap3A_442 = tpu.vector_load %arg9[%swap3A_441] {strides = array<i32>} : memref<1024xi32, #tpu.memory_space<vmem>>, vector<16xi32>,
    tpu.vector_store %arg9[%swap3A_441], %select_n3A_440 {strides = array<i32>} : memref<1024xi32, #tpu.memory_space<vmem>>, vector<16xi32>,
    %add3A_443 = arith.addi %add3A_427, %select_n3A_440 : vector<16xi32>
    %get3A_444 = arith.constant 432 : index
    %get3A_445 = tpu.vector_load %arg6[%get3A_444] {strides = array<i32>} : memref<1024xi32, #tpu.memory_space<vmem>>, vector<16xi32>,
    %and3A_446 = arith.constant 15 : i32
    %and3A_447 = vector.broadcast %and3A_446 : i32 to vector<16xi32>
    %and3A_448 = arith.andi %get3A_445, %and3A_447 : vector<16xi32>
    %eq3A_449 = arith.constant 1 : i32
    %eq3A_450 = vector.broadcast %eq3A_449 : i32 to vector<16xi32>
    %eq3A_451 = arith.cmpi eq, %and3A_448, %eq3A_450 : vector<16xi32>
    %jit3A_452 = arith.constant 1 : i32
    %jit3A_453 = arith.constant 0 : i32
    %broadcast_in_dim3A_454 = vector.broadcast %jit3A_452 : i32 to vector<16xi32>
    %broadcast_in_dim3A_455 = vector.broadcast %jit3A_453 : i32 to vector<16xi32>
    %select_n3A_456 = arith.select %eq3A_451, %broadcast_in_dim3A_454, %broadcast_in_dim3A_455 : vector<16xi1>, vector<16xi32>
    %swap3A_457 = arith.constant 432 : index
    %swap3A_458 = tpu.vector_load %arg9[%swap3A_457] {strides = array<i32>} : memref<1024xi32, #tpu.memory_space<vmem>>, vector<16xi32>,
    tpu.vector_store %arg9[%swap3A_457], %select_n3A_456 {strides = array<i32>} : memref<1024xi32, #tpu.memory_space<vmem>>, vector<16xi32>,
    %add3A_459 = arith.addi %add3A_443, %select_n3A_456 : vector<16xi32>
    %get3A_460 = arith.constant 448 : index
    %get3A_461 = tpu.vector_load %arg6[%get3A_460] {strides = array<i32>} : memref<1024xi32, #tpu.memory_space<vmem>>, vector<16xi32>,
    %and3A_462 = arith.constant 15 : i32
    %and3A_463 = vector.broadcast %and3A_462 : i32 to vector<16xi32>
    %and3A_464 = arith.andi %get3A_461, %and3A_463 : vector<16xi32>
    %eq3A_465 = arith.constant 1 : i32
    %eq3A_466 = vector.broadcast %eq3A_465 : i32 to vector<16xi32>
    %eq3A_467 = arith.cmpi eq, %and3A_464, %eq3A_466 : vector<16xi32>
    %jit3A_468 = arith.constant 1 : i32
    %jit3A_469 = arith.constant 0 : i32
    %broadcast_in_dim3A_470 = vector.broadcast %jit3A_468 : i32 to vector<16xi32>
    %broadcast_in_dim3A_471 = vector.broadcast %jit3A_469 : i32 to vector<16xi32>
    %select_n3A_472 = arith.select %eq3A_467, %broadcast_in_dim3A_470, %broadcast_in_dim3A_471 : vector<16xi1>, vector<16xi32>
    %swap3A_473 = arith.constant 448 : index
    %swap3A_474 = tpu.vector_load %arg9[%swap3A_473] {strides = array<i32>} : memref<1024xi32, #tpu.memory_space<vmem>>, vector<16xi32>,
    tpu.vector_store %arg9[%swap3A_473], %select_n3A_472 {strides = array<i32>} : memref<1024xi32, #tpu.memory_space<vmem>>, vector<16xi32>,
    %add3A_475 = arith.addi %add3A_459, %select_n3A_472 : vector<16xi32>
    %get3A_476 = arith.constant 464 : index
    %get3A_477 = tpu.vector_load %arg6[%get3A_476] {strides = array<i32>} : memref<1024xi32, #tpu.memory_space<vmem>>, vector<16xi32>,
    %and3A_478 = arith.constant 15 : i32
    %and3A_479 = vector.broadcast %and3A_478 : i32 to vector<16xi32>
    %and3A_480 = arith.andi %get3A_477, %and3A_479 : vector<16xi32>
    %eq3A_481 = arith.constant 1 : i32
    %eq3A_482 = vector.broadcast %eq3A_481 : i32 to vector<16xi32>
    %eq3A_483 = arith.cmpi eq, %and3A_480, %eq3A_482 : vector<16xi32>
    %jit3A_484 = arith.constant 1 : i32
    %jit3A_485 = arith.constant 0 : i32
    %broadcast_in_dim3A_486 = vector.broadcast %jit3A_484 : i32 to vector<16xi32>
    %broadcast_in_dim3A_487 = vector.broadcast %jit3A_485 : i32 to vector<16xi32>
    %select_n3A_488 = arith.select %eq3A_483, %broadcast_in_dim3A_486, %broadcast_in_dim3A_487 : vector<16xi1>, vector<16xi32>
    %swap3A_489 = arith.constant 464 : index
    %swap3A_490 = tpu.vector_load %arg9[%swap3A_489] {strides = array<i32>} : memref<1024xi32, #tpu.memory_space<vmem>>, vector<16xi32>,
    tpu.vector_store %arg9[%swap3A_489], %select_n3A_488 {strides = array<i32>} : memref<1024xi32, #tpu.memory_space<vmem>>, vector<16xi32>,
    %add3A_491 = arith.addi %add3A_475, %select_n3A_488 : vector<16xi32>
    %get3A_492 = arith.constant 480 : index
    %get3A_493 = tpu.vector_load %arg6[%get3A_492] {strides = array<i32>} : memref<1024xi32, #tpu.memory_space<vmem>>, vector<16xi32>,
    %and3A_494 = arith.constant 15 : i32
    %and3A_495 = vector.broadcast %and3A_494 : i32 to vector<16xi32>
    %and3A_496 = arith.andi %get3A_493, %and3A_495 : vector<16xi32>
    %eq3A_497 = arith.constant 1 : i32
    %eq3A_498 = vector.broadcast %eq3A_497 : i32 to vector<16xi32>
    %eq3A_499 = arith.cmpi eq, %and3A_496, %eq3A_498 : vector<16xi32>
    %jit3A_500 = arith.constant 1 : i32
    %jit3A_501 = arith.constant 0 : i32
    %broadcast_in_dim3A_502 = vector.broadcast %jit3A_500 : i32 to vector<16xi32>
    %broadcast_in_dim3A_503 = vector.broadcast %jit3A_501 : i32 to vector<16xi32>
    %select_n3A_504 = arith.select %eq3A_499, %broadcast_in_dim3A_502, %broadcast_in_dim3A_503 : vector<16xi1>, vector<16xi32>
    %swap3A_505 = arith.constant 480 : index
    %swap3A_506 = tpu.vector_load %arg9[%swap3A_505] {strides = array<i32>} : memref<1024xi32, #tpu.memory_space<vmem>>, vector<16xi32>,
    tpu.vector_store %arg9[%swap3A_505], %select_n3A_504 {strides = array<i32>} : memref<1024xi32, #tpu.memory_space<vmem>>, vector<16xi32>,
    %add3A_507 = arith.addi %add3A_491, %select_n3A_504 : vector<16xi32>
    %get3A_508 = arith.constant 496 : index
    %get3A_509 = tpu.vector_load %arg6[%get3A_508] {strides = array<i32>} : memref<1024xi32, #tpu.memory_space<vmem>>, vector<16xi32>,
    %and3A_510 = arith.constant 15 : i32
    %and3A_511 = vector.broadcast %and3A_510 : i32 to vector<16xi32>
    %and3A_512 = arith.andi %get3A_509, %and3A_511 : vector<16xi32>
    %eq3A_513 = arith.constant 1 : i32
    %eq3A_514 = vector.broadcast %eq3A_513 : i32 to vector<16xi32>
    %eq3A_515 = arith.cmpi eq, %and3A_512, %eq3A_514 : vector<16xi32>
    %jit3A_516 = arith.constant 1 : i32
    %jit3A_517 = arith.constant 0 : i32
    %broadcast_in_dim3A_518 = vector.broadcast %jit3A_516 : i32 to vector<16xi32>
    %broadcast_in_dim3A_519 = vector.broadcast %jit3A_517 : i32 to vector<16xi32>
    %select_n3A_520 = arith.select %eq3A_515, %broadcast_in_dim3A_518, %broadcast_in_dim3A_519 : vector<16xi1>, vector<16xi32>
    %swap3A_521 = arith.constant 496 : index
    %swap3A_522 = tpu.vector_load %arg9[%swap3A_521] {strides = array<i32>} : memref<1024xi32, #tpu.memory_space<vmem>>, vector<16xi32>,
    tpu.vector_store %arg9[%swap3A_521], %select_n3A_520 {strides = array<i32>} : memref<1024xi32, #tpu.memory_space<vmem>>, vector<16xi32>,
    %add3A_523 = arith.addi %add3A_507, %select_n3A_520 : vector<16xi32>
    %get3A_524 = arith.constant 512 : index
    %get3A_525 = tpu.vector_load %arg6[%get3A_524] {strides = array<i32>} : memref<1024xi32, #tpu.memory_space<vmem>>, vector<16xi32>,
    %and3A_526 = arith.constant 15 : i32
    %and3A_527 = vector.broadcast %and3A_526 : i32 to vector<16xi32>
    %and3A_528 = arith.andi %get3A_525, %and3A_527 : vector<16xi32>
    %eq3A_529 = arith.constant 1 : i32
    %eq3A_530 = vector.broadcast %eq3A_529 : i32 to vector<16xi32>
    %eq3A_531 = arith.cmpi eq, %and3A_528, %eq3A_530 : vector<16xi32>
    %jit3A_532 = arith.constant 1 : i32
    %jit3A_533 = arith.constant 0 : i32
    %broadcast_in_dim3A_534 = vector.broadcast %jit3A_532 : i32 to vector<16xi32>
    %broadcast_in_dim3A_535 = vector.broadcast %jit3A_533 : i32 to vector<16xi32>
    %select_n3A_536 = arith.select %eq3A_531, %broadcast_in_dim3A_534, %broadcast_in_dim3A_535 : vector<16xi1>, vector<16xi32>
    %swap3A_537 = arith.constant 512 : index
    %swap3A_538 = tpu.vector_load %arg9[%swap3A_537] {strides = array<i32>} : memref<1024xi32, #tpu.memory_space<vmem>>, vector<16xi32>,
    tpu.vector_store %arg9[%swap3A_537], %select_n3A_536 {strides = array<i32>} : memref<1024xi32, #tpu.memory_space<vmem>>, vector<16xi32>,
    %add3A_539 = arith.addi %add3A_523, %select_n3A_536 : vector<16xi32>
    %get3A_540 = arith.constant 528 : index
    %get3A_541 = tpu.vector_load %arg6[%get3A_540] {strides = array<i32>} : memref<1024xi32, #tpu.memory_space<vmem>>, vector<16xi32>,
    %and3A_542 = arith.constant 15 : i32
    %and3A_543 = vector.broadcast %and3A_542 : i32 to vector<16xi32>
    %and3A_544 = arith.andi %get3A_541, %and3A_543 : vector<16xi32>
    %eq3A_545 = arith.constant 1 : i32
    %eq3A_546 = vector.broadcast %eq3A_545 : i32 to vector<16xi32>
    %eq3A_547 = arith.cmpi eq, %and3A_544, %eq3A_546 : vector<16xi32>
    %jit3A_548 = arith.constant 1 : i32
    %jit3A_549 = arith.constant 0 : i32
    %broadcast_in_dim3A_550 = vector.broadcast %jit3A_548 : i32 to vector<16xi32>
    %broadcast_in_dim3A_551 = vector.broadcast %jit3A_549 : i32 to vector<16xi32>
    %select_n3A_552 = arith.select %eq3A_547, %broadcast_in_dim3A_550, %broadcast_in_dim3A_551 : vector<16xi1>, vector<16xi32>
    %swap3A_553 = arith.constant 528 : index
    %swap3A_554 = tpu.vector_load %arg9[%swap3A_553] {strides = array<i32>} : memref<1024xi32, #tpu.memory_space<vmem>>, vector<16xi32>,
    tpu.vector_store %arg9[%swap3A_553], %select_n3A_552 {strides = array<i32>} : memref<1024xi32, #tpu.memory_space<vmem>>, vector<16xi32>,
    %add3A_555 = arith.addi %add3A_539, %select_n3A_552 : vector<16xi32>
    %get3A_556 = arith.constant 544 : index
    %get3A_557 = tpu.vector_load %arg6[%get3A_556] {strides = array<i32>} : memref<1024xi32, #tpu.memory_space<vmem>>, vector<16xi32>,
    %and3A_558 = arith.constant 15 : i32
    %and3A_559 = vector.broadcast %and3A_558 : i32 to vector<16xi32>
    %and3A_560 = arith.andi %get3A_557, %and3A_559 : vector<16xi32>
    %eq3A_561 = arith.constant 1 : i32
    %eq3A_562 = vector.broadcast %eq3A_561 : i32 to vector<16xi32>
    %eq3A_563 = arith.cmpi eq, %and3A_560, %eq3A_562 : vector<16xi32>
    %jit3A_564 = arith.constant 1 : i32
    %jit3A_565 = arith.constant 0 : i32
    %broadcast_in_dim3A_566 = vector.broadcast %jit3A_564 : i32 to vector<16xi32>
    %broadcast_in_dim3A_567 = vector.broadcast %jit3A_565 : i32 to vector<16xi32>
    %select_n3A_568 = arith.select %eq3A_563, %broadcast_in_dim3A_566, %broadcast_in_dim3A_567 : vector<16xi1>, vector<16xi32>
    %swap3A_569 = arith.constant 544 : index
    %swap3A_570 = tpu.vector_load %arg9[%swap3A_569] {strides = array<i32>} : memref<1024xi32, #tpu.memory_space<vmem>>, vector<16xi32>,
    tpu.vector_store %arg9[%swap3A_569], %select_n3A_568 {strides = array<i32>} : memref<1024xi32, #tpu.memory_space<vmem>>, vector<16xi32>,
    %add3A_571 = arith.addi %add3A_555, %select_n3A_568 : vector<16xi32>
    %get3A_572 = arith.constant 560 : index
    %get3A_573 = tpu.vector_load %arg6[%get3A_572] {strides = array<i32>} : memref<1024xi32, #tpu.memory_space<vmem>>, vector<16xi32>,
    %and3A_574 = arith.constant 15 : i32
    %and3A_575 = vector.broadcast %and3A_574 : i32 to vector<16xi32>
    %and3A_576 = arith.andi %get3A_573, %and3A_575 : vector<16xi32>
    %eq3A_577 = arith.constant 1 : i32
    %eq3A_578 = vector.broadcast %eq3A_577 : i32 to vector<16xi32>
    %eq3A_579 = arith.cmpi eq, %and3A_576, %eq3A_578 : vector<16xi32>
    %jit3A_580 = arith.constant 1 : i32
    %jit3A_581 = arith.constant 0 : i32
    %broadcast_in_dim3A_582 = vector.broadcast %jit3A_580 : i32 to vector<16xi32>
    %broadcast_in_dim3A_583 = vector.broadcast %jit3A_581 : i32 to vector<16xi32>
    %select_n3A_584 = arith.select %eq3A_579, %broadcast_in_dim3A_582, %broadcast_in_dim3A_583 : vector<16xi1>, vector<16xi32>
    %swap3A_585 = arith.constant 560 : index
    %swap3A_586 = tpu.vector_load %arg9[%swap3A_585] {strides = array<i32>} : memref<1024xi32, #tpu.memory_space<vmem>>, vector<16xi32>,
    tpu.vector_store %arg9[%swap3A_585], %select_n3A_584 {strides = array<i32>} : memref<1024xi32, #tpu.memory_space<vmem>>, vector<16xi32>,
    %add3A_587 = arith.addi %add3A_571, %select_n3A_584 : vector<16xi32>
    %get3A_588 = arith.constant 576 : index
    %get3A_589 = tpu.vector_load %arg6[%get3A_588] {strides = array<i32>} : memref<1024xi32, #tpu.memory_space<vmem>>, vector<16xi32>,
    %and3A_590 = arith.constant 15 : i32
    %and3A_591 = vector.broadcast %and3A_590 : i32 to vector<16xi32>
    %and3A_592 = arith.andi %get3A_589, %and3A_591 : vector<16xi32>
    %eq3A_593 = arith.constant 1 : i32
    %eq3A_594 = vector.broadcast %eq3A_593 : i32 to vector<16xi32>
    %eq3A_595 = arith.cmpi eq, %and3A_592, %eq3A_594 : vector<16xi32>
    %jit3A_596 = arith.constant 1 : i32
    %jit3A_597 = arith.constant 0 : i32
    %broadcast_in_dim3A_598 = vector.broadcast %jit3A_596 : i32 to vector<16xi32>
    %broadcast_in_dim3A_599 = vector.broadcast %jit3A_597 : i32 to vector<16xi32>
    %select_n3A_600 = arith.select %eq3A_595, %broadcast_in_dim3A_598, %broadcast_in_dim3A_599 : vector<16xi1>, vector<16xi32>
    %swap3A_601 = arith.constant 576 : index
    %swap3A_602 = tpu.vector_load %arg9[%swap3A_601] {strides = array<i32>} : memref<1024xi32, #tpu.memory_space<vmem>>, vector<16xi32>,
    tpu.vector_store %arg9[%swap3A_601], %select_n3A_600 {strides = array<i32>} : memref<1024xi32, #tpu.memory_space<vmem>>, vector<16xi32>,
    %add3A_603 = arith.addi %add3A_587, %select_n3A_600 : vector<16xi32>
    %get3A_604 = arith.constant 592 : index
    %get3A_605 = tpu.vector_load %arg6[%get3A_604] {strides = array<i32>} : memref<1024xi32, #tpu.memory_space<vmem>>, vector<16xi32>,
    %and3A_606 = arith.constant 15 : i32
    %and3A_607 = vector.broadcast %and3A_606 : i32 to vector<16xi32>
    %and3A_608 = arith.andi %get3A_605, %and3A_607 : vector<16xi32>
    %eq3A_609 = arith.constant 1 : i32
    %eq3A_610 = vector.broadcast %eq3A_609 : i32 to vector<16xi32>
    %eq3A_611 = arith.cmpi eq, %and3A_608, %eq3A_610 : vector<16xi32>
    %jit3A_612 = arith.constant 1 : i32
    %jit3A_613 = arith.constant 0 : i32
    %broadcast_in_dim3A_614 = vector.broadcast %jit3A_612 : i32 to vector<16xi32>
    %broadcast_in_dim3A_615 = vector.broadcast %jit3A_613 : i32 to vector<16xi32>
    %select_n3A_616 = arith.select %eq3A_611, %broadcast_in_dim3A_614, %broadcast_in_dim3A_615 : vector<16xi1>, vector<16xi32>
    %swap3A_617 = arith.constant 592 : index
    %swap3A_618 = tpu.vector_load %arg9[%swap3A_617] {strides = array<i32>} : memref<1024xi32, #tpu.memory_space<vmem>>, vector<16xi32>,
    tpu.vector_store %arg9[%swap3A_617], %select_n3A_616 {strides = array<i32>} : memref<1024xi32, #tpu.memory_space<vmem>>, vector<16xi32>,
    %add3A_619 = arith.addi %add3A_603, %select_n3A_616 : vector<16xi32>
    %get3A_620 = arith.constant 608 : index
    %get3A_621 = tpu.vector_load %arg6[%get3A_620] {strides = array<i32>} : memref<1024xi32, #tpu.memory_space<vmem>>, vector<16xi32>,
    %and3A_622 = arith.constant 15 : i32
    %and3A_623 = vector.broadcast %and3A_622 : i32 to vector<16xi32>
    %and3A_624 = arith.andi %get3A_621, %and3A_623 : vector<16xi32>
    %eq3A_625 = arith.constant 1 : i32
    %eq3A_626 = vector.broadcast %eq3A_625 : i32 to vector<16xi32>
    %eq3A_627 = arith.cmpi eq, %and3A_624, %eq3A_626 : vector<16xi32>
    %jit3A_628 = arith.constant 1 : i32
    %jit3A_629 = arith.constant 0 : i32
    %broadcast_in_dim3A_630 = vector.broadcast %jit3A_628 : i32 to vector<16xi32>
    %broadcast_in_dim3A_631 = vector.broadcast %jit3A_629 : i32 to vector<16xi32>
    %select_n3A_632 = arith.select %eq3A_627, %broadcast_in_dim3A_630, %broadcast_in_dim3A_631 : vector<16xi1>, vector<16xi32>
    %swap3A_633 = arith.constant 608 : index
    %swap3A_634 = tpu.vector_load %arg9[%swap3A_633] {strides = array<i32>} : memref<1024xi32, #tpu.memory_space<vmem>>, vector<16xi32>,
    tpu.vector_store %arg9[%swap3A_633], %select_n3A_632 {strides = array<i32>} : memref<1024xi32, #tpu.memory_space<vmem>>, vector<16xi32>,
    %add3A_635 = arith.addi %add3A_619, %select_n3A_632 : vector<16xi32>
    %get3A_636 = arith.constant 624 : index
    %get3A_637 = tpu.vector_load %arg6[%get3A_636] {strides = array<i32>} : memref<1024xi32, #tpu.memory_space<vmem>>, vector<16xi32>,
    %and3A_638 = arith.constant 15 : i32
    %and3A_639 = vector.broadcast %and3A_638 : i32 to vector<16xi32>
    %and3A_640 = arith.andi %get3A_637, %and3A_639 : vector<16xi32>
    %eq3A_641 = arith.constant 1 : i32
    %eq3A_642 = vector.broadcast %eq3A_641 : i32 to vector<16xi32>
    %eq3A_643 = arith.cmpi eq, %and3A_640, %eq3A_642 : vector<16xi32>
    %jit3A_644 = arith.constant 1 : i32
    %jit3A_645 = arith.constant 0 : i32
    %broadcast_in_dim3A_646 = vector.broadcast %jit3A_644 : i32 to vector<16xi32>
    %broadcast_in_dim3A_647 = vector.broadcast %jit3A_645 : i32 to vector<16xi32>
    %select_n3A_648 = arith.select %eq3A_643, %broadcast_in_dim3A_646, %broadcast_in_dim3A_647 : vector<16xi1>, vector<16xi32>
    %swap3A_649 = arith.constant 624 : index
    %swap3A_650 = tpu.vector_load %arg9[%swap3A_649] {strides = array<i32>} : memref<1024xi32, #tpu.memory_space<vmem>>, vector<16xi32>,
    tpu.vector_store %arg9[%swap3A_649], %select_n3A_648 {strides = array<i32>} : memref<1024xi32, #tpu.memory_space<vmem>>, vector<16xi32>,
    %add3A_651 = arith.addi %add3A_635, %select_n3A_648 : vector<16xi32>
    %get3A_652 = arith.constant 640 : index
    %get3A_653 = tpu.vector_load %arg6[%get3A_652] {strides = array<i32>} : memref<1024xi32, #tpu.memory_space<vmem>>, vector<16xi32>,
    %and3A_654 = arith.constant 15 : i32
    %and3A_655 = vector.broadcast %and3A_654 : i32 to vector<16xi32>
    %and3A_656 = arith.andi %get3A_653, %and3A_655 : vector<16xi32>
    %eq3A_657 = arith.constant 1 : i32
    %eq3A_658 = vector.broadcast %eq3A_657 : i32 to vector<16xi32>
    %eq3A_659 = arith.cmpi eq, %and3A_656, %eq3A_658 : vector<16xi32>
    %jit3A_660 = arith.constant 1 : i32
    %jit3A_661 = arith.constant 0 : i32
    %broadcast_in_dim3A_662 = vector.broadcast %jit3A_660 : i32 to vector<16xi32>
    %broadcast_in_dim3A_663 = vector.broadcast %jit3A_661 : i32 to vector<16xi32>
    %select_n3A_664 = arith.select %eq3A_659, %broadcast_in_dim3A_662, %broadcast_in_dim3A_663 : vector<16xi1>, vector<16xi32>
    %swap3A_665 = arith.constant 640 : index
    %swap3A_666 = tpu.vector_load %arg9[%swap3A_665] {strides = array<i32>} : memref<1024xi32, #tpu.memory_space<vmem>>, vector<16xi32>,
    tpu.vector_store %arg9[%swap3A_665], %select_n3A_664 {strides = array<i32>} : memref<1024xi32, #tpu.memory_space<vmem>>, vector<16xi32>,
    %add3A_667 = arith.addi %add3A_651, %select_n3A_664 : vector<16xi32>
    %get3A_668 = arith.constant 656 : index
    %get3A_669 = tpu.vector_load %arg6[%get3A_668] {strides = array<i32>} : memref<1024xi32, #tpu.memory_space<vmem>>, vector<16xi32>,
    %and3A_670 = arith.constant 15 : i32
    %and3A_671 = vector.broadcast %and3A_670 : i32 to vector<16xi32>
    %and3A_672 = arith.andi %get3A_669, %and3A_671 : vector<16xi32>
    %eq3A_673 = arith.constant 1 : i32
    %eq3A_674 = vector.broadcast %eq3A_673 : i32 to vector<16xi32>
    %eq3A_675 = arith.cmpi eq, %and3A_672, %eq3A_674 : vector<16xi32>
    %jit3A_676 = arith.constant 1 : i32
    %jit3A_677 = arith.constant 0 : i32
    %broadcast_in_dim3A_678 = vector.broadcast %jit3A_676 : i32 to vector<16xi32>
    %broadcast_in_dim3A_679 = vector.broadcast %jit3A_677 : i32 to vector<16xi32>
    %select_n3A_680 = arith.select %eq3A_675, %broadcast_in_dim3A_678, %broadcast_in_dim3A_679 : vector<16xi1>, vector<16xi32>
    %swap3A_681 = arith.constant 656 : index
    %swap3A_682 = tpu.vector_load %arg9[%swap3A_681] {strides = array<i32>} : memref<1024xi32, #tpu.memory_space<vmem>>, vector<16xi32>,
    tpu.vector_store %arg9[%swap3A_681], %select_n3A_680 {strides = array<i32>} : memref<1024xi32, #tpu.memory_space<vmem>>, vector<16xi32>,
    %add3A_683 = arith.addi %add3A_667, %select_n3A_680 : vector<16xi32>
    %get3A_684 = arith.constant 672 : index
    %get3A_685 = tpu.vector_load %arg6[%get3A_684] {strides = array<i32>} : memref<1024xi32, #tpu.memory_space<vmem>>, vector<16xi32>,
    %and3A_686 = arith.constant 15 : i32
    %and3A_687 = vector.broadcast %and3A_686 : i32 to vector<16xi32>
    %and3A_688 = arith.andi %get3A_685, %and3A_687 : vector<16xi32>
    %eq3A_689 = arith.constant 1 : i32
    %eq3A_690 = vector.broadcast %eq3A_689 : i32 to vector<16xi32>
    %eq3A_691 = arith.cmpi eq, %and3A_688, %eq3A_690 : vector<16xi32>
    %jit3A_692 = arith.constant 1 : i32
    %jit3A_693 = arith.constant 0 : i32
    %broadcast_in_dim3A_694 = vector.broadcast %jit3A_692 : i32 to vector<16xi32>
    %broadcast_in_dim3A_695 = vector.broadcast %jit3A_693 : i32 to vector<16xi32>
    %select_n3A_696 = arith.select %eq3A_691, %broadcast_in_dim3A_694, %broadcast_in_dim3A_695 : vector<16xi1>, vector<16xi32>
    %swap3A_697 = arith.constant 672 : index
    %swap3A_698 = tpu.vector_load %arg9[%swap3A_697] {strides = array<i32>} : memref<1024xi32, #tpu.memory_space<vmem>>, vector<16xi32>,
    tpu.vector_store %arg9[%swap3A_697], %select_n3A_696 {strides = array<i32>} : memref<1024xi32, #tpu.memory_space<vmem>>, vector<16xi32>,
    %add3A_699 = arith.addi %add3A_683, %select_n3A_696 : vector<16xi32>
    %get3A_700 = arith.constant 688 : index
    %get3A_701 = tpu.vector_load %arg6[%get3A_700] {strides = array<i32>} : memref<1024xi32, #tpu.memory_space<vmem>>, vector<16xi32>,
    %and3A_702 = arith.constant 15 : i32
    %and3A_703 = vector.broadcast %and3A_702 : i32 to vector<16xi32>
    %and3A_704 = arith.andi %get3A_701, %and3A_703 : vector<16xi32>
    %eq3A_705 = arith.constant 1 : i32
    %eq3A_706 = vector.broadcast %eq3A_705 : i32 to vector<16xi32>
    %eq3A_707 = arith.cmpi eq, %and3A_704, %eq3A_706 : vector<16xi32>
    %jit3A_708 = arith.constant 1 : i32
    %jit3A_709 = arith.constant 0 : i32
    %broadcast_in_dim3A_710 = vector.broadcast %jit3A_708 : i32 to vector<16xi32>
    %broadcast_in_dim3A_711 = vector.broadcast %jit3A_709 : i32 to vector<16xi32>
    %select_n3A_712 = arith.select %eq3A_707, %broadcast_in_dim3A_710, %broadcast_in_dim3A_711 : vector<16xi1>, vector<16xi32>
    %swap3A_713 = arith.constant 688 : index
    %swap3A_714 = tpu.vector_load %arg9[%swap3A_713] {strides = array<i32>} : memref<1024xi32, #tpu.memory_space<vmem>>, vector<16xi32>,
    tpu.vector_store %arg9[%swap3A_713], %select_n3A_712 {strides = array<i32>} : memref<1024xi32, #tpu.memory_space<vmem>>, vector<16xi32>,
    %add3A_715 = arith.addi %add3A_699, %select_n3A_712 : vector<16xi32>
    %get3A_716 = arith.constant 704 : index
    %get3A_717 = tpu.vector_load %arg6[%get3A_716] {strides = array<i32>} : memref<1024xi32, #tpu.memory_space<vmem>>, vector<16xi32>,
    %and3A_718 = arith.constant 15 : i32
    %and3A_719 = vector.broadcast %and3A_718 : i32 to vector<16xi32>
    %and3A_720 = arith.andi %get3A_717, %and3A_719 : vector<16xi32>
    %eq3A_721 = arith.constant 1 : i32
    %eq3A_722 = vector.broadcast %eq3A_721 : i32 to vector<16xi32>
    %eq3A_723 = arith.cmpi eq, %and3A_720, %eq3A_722 : vector<16xi32>
    %jit3A_724 = arith.constant 1 : i32
    %jit3A_725 = arith.constant 0 : i32
    %broadcast_in_dim3A_726 = vector.broadcast %jit3A_724 : i32 to vector<16xi32>
    %broadcast_in_dim3A_727 = vector.broadcast %jit3A_725 : i32 to vector<16xi32>
    %select_n3A_728 = arith.select %eq3A_723, %broadcast_in_dim3A_726, %broadcast_in_dim3A_727 : vector<16xi1>, vector<16xi32>
    %swap3A_729 = arith.constant 704 : index
    %swap3A_730 = tpu.vector_load %arg9[%swap3A_729] {strides = array<i32>} : memref<1024xi32, #tpu.memory_space<vmem>>, vector<16xi32>,
    tpu.vector_store %arg9[%swap3A_729], %select_n3A_728 {strides = array<i32>} : memref<1024xi32, #tpu.memory_space<vmem>>, vector<16xi32>,
    %add3A_731 = arith.addi %add3A_715, %select_n3A_728 : vector<16xi32>
    %get3A_732 = arith.constant 720 : index
    %get3A_733 = tpu.vector_load %arg6[%get3A_732] {strides = array<i32>} : memref<1024xi32, #tpu.memory_space<vmem>>, vector<16xi32>,
    %and3A_734 = arith.constant 15 : i32
    %and3A_735 = vector.broadcast %and3A_734 : i32 to vector<16xi32>
    %and3A_736 = arith.andi %get3A_733, %and3A_735 : vector<16xi32>
    %eq3A_737 = arith.constant 1 : i32
    %eq3A_738 = vector.broadcast %eq3A_737 : i32 to vector<16xi32>
    %eq3A_739 = arith.cmpi eq, %and3A_736, %eq3A_738 : vector<16xi32>
    %jit3A_740 = arith.constant 1 : i32
    %jit3A_741 = arith.constant 0 : i32
    %broadcast_in_dim3A_742 = vector.broadcast %jit3A_740 : i32 to vector<16xi32>
    %broadcast_in_dim3A_743 = vector.broadcast %jit3A_741 : i32 to vector<16xi32>
    %select_n3A_744 = arith.select %eq3A_739, %broadcast_in_dim3A_742, %broadcast_in_dim3A_743 : vector<16xi1>, vector<16xi32>
    %swap3A_745 = arith.constant 720 : index
    %swap3A_746 = tpu.vector_load %arg9[%swap3A_745] {strides = array<i32>} : memref<1024xi32, #tpu.memory_space<vmem>>, vector<16xi32>,
    tpu.vector_store %arg9[%swap3A_745], %select_n3A_744 {strides = array<i32>} : memref<1024xi32, #tpu.memory_space<vmem>>, vector<16xi32>,
    %add3A_747 = arith.addi %add3A_731, %select_n3A_744 : vector<16xi32>
    %get3A_748 = arith.constant 736 : index
    %get3A_749 = tpu.vector_load %arg6[%get3A_748] {strides = array<i32>} : memref<1024xi32, #tpu.memory_space<vmem>>, vector<16xi32>,
    %and3A_750 = arith.constant 15 : i32
    %and3A_751 = vector.broadcast %and3A_750 : i32 to vector<16xi32>
    %and3A_752 = arith.andi %get3A_749, %and3A_751 : vector<16xi32>
    %eq3A_753 = arith.constant 1 : i32
    %eq3A_754 = vector.broadcast %eq3A_753 : i32 to vector<16xi32>
    %eq3A_755 = arith.cmpi eq, %and3A_752, %eq3A_754 : vector<16xi32>
    %jit3A_756 = arith.constant 1 : i32
    %jit3A_757 = arith.constant 0 : i32
    %broadcast_in_dim3A_758 = vector.broadcast %jit3A_756 : i32 to vector<16xi32>
    %broadcast_in_dim3A_759 = vector.broadcast %jit3A_757 : i32 to vector<16xi32>
    %select_n3A_760 = arith.select %eq3A_755, %broadcast_in_dim3A_758, %broadcast_in_dim3A_759 : vector<16xi1>, vector<16xi32>
    %swap3A_761 = arith.constant 736 : index
    %swap3A_762 = tpu.vector_load %arg9[%swap3A_761] {strides = array<i32>} : memref<1024xi32, #tpu.memory_space<vmem>>, vector<16xi32>,
    tpu.vector_store %arg9[%swap3A_761], %select_n3A_760 {strides = array<i32>} : memref<1024xi32, #tpu.memory_space<vmem>>, vector<16xi32>,
    %add3A_763 = arith.addi %add3A_747, %select_n3A_760 : vector<16xi32>
    %get3A_764 = arith.constant 752 : index
    %get3A_765 = tpu.vector_load %arg6[%get3A_764] {strides = array<i32>} : memref<1024xi32, #tpu.memory_space<vmem>>, vector<16xi32>,
    %and3A_766 = arith.constant 15 : i32
    %and3A_767 = vector.broadcast %and3A_766 : i32 to vector<16xi32>
    %and3A_768 = arith.andi %get3A_765, %and3A_767 : vector<16xi32>
    %eq3A_769 = arith.constant 1 : i32
    %eq3A_770 = vector.broadcast %eq3A_769 : i32 to vector<16xi32>
    %eq3A_771 = arith.cmpi eq, %and3A_768, %eq3A_770 : vector<16xi32>
    %jit3A_772 = arith.constant 1 : i32
    %jit3A_773 = arith.constant 0 : i32
    %broadcast_in_dim3A_774 = vector.broadcast %jit3A_772 : i32 to vector<16xi32>
    %broadcast_in_dim3A_775 = vector.broadcast %jit3A_773 : i32 to vector<16xi32>
    %select_n3A_776 = arith.select %eq3A_771, %broadcast_in_dim3A_774, %broadcast_in_dim3A_775 : vector<16xi1>, vector<16xi32>
    %swap3A_777 = arith.constant 752 : index
    %swap3A_778 = tpu.vector_load %arg9[%swap3A_777] {strides = array<i32>} : memref<1024xi32, #tpu.memory_space<vmem>>, vector<16xi32>,
    tpu.vector_store %arg9[%swap3A_777], %select_n3A_776 {strides = array<i32>} : memref<1024xi32, #tpu.memory_space<vmem>>, vector<16xi32>,
    %add3A_779 = arith.addi %add3A_763, %select_n3A_776 : vector<16xi32>
    %get3A_780 = arith.constant 768 : index
    %get3A_781 = tpu.vector_load %arg6[%get3A_780] {strides = array<i32>} : memref<1024xi32, #tpu.memory_space<vmem>>, vector<16xi32>,
    %and3A_782 = arith.constant 15 : i32
    %and3A_783 = vector.broadcast %and3A_782 : i32 to vector<16xi32>
    %and3A_784 = arith.andi %get3A_781, %and3A_783 : vector<16xi32>
    %eq3A_785 = arith.constant 1 : i32
    %eq3A_786 = vector.broadcast %eq3A_785 : i32 to vector<16xi32>
    %eq3A_787 = arith.cmpi eq, %and3A_784, %eq3A_786 : vector<16xi32>
    %jit3A_788 = arith.constant 1 : i32
    %jit3A_789 = arith.constant 0 : i32
    %broadcast_in_dim3A_790 = vector.broadcast %jit3A_788 : i32 to vector<16xi32>
    %broadcast_in_dim3A_791 = vector.broadcast %jit3A_789 : i32 to vector<16xi32>
    %select_n3A_792 = arith.select %eq3A_787, %broadcast_in_dim3A_790, %broadcast_in_dim3A_791 : vector<16xi1>, vector<16xi32>
    %swap3A_793 = arith.constant 768 : index
    %swap3A_794 = tpu.vector_load %arg9[%swap3A_793] {strides = array<i32>} : memref<1024xi32, #tpu.memory_space<vmem>>, vector<16xi32>,
    tpu.vector_store %arg9[%swap3A_793], %select_n3A_792 {strides = array<i32>} : memref<1024xi32, #tpu.memory_space<vmem>>, vector<16xi32>,
    %add3A_795 = arith.addi %add3A_779, %select_n3A_792 : vector<16xi32>
    %get3A_796 = arith.constant 784 : index
    %get3A_797 = tpu.vector_load %arg6[%get3A_796] {strides = array<i32>} : memref<1024xi32, #tpu.memory_space<vmem>>, vector<16xi32>,
    %and3A_798 = arith.constant 15 : i32
    %and3A_799 = vector.broadcast %and3A_798 : i32 to vector<16xi32>
    %and3A_800 = arith.andi %get3A_797, %and3A_799 : vector<16xi32>
    %eq3A_801 = arith.constant 1 : i32
    %eq3A_802 = vector.broadcast %eq3A_801 : i32 to vector<16xi32>
    %eq3A_803 = arith.cmpi eq, %and3A_800, %eq3A_802 : vector<16xi32>
    %jit3A_804 = arith.constant 1 : i32
    %jit3A_805 = arith.constant 0 : i32
    %broadcast_in_dim3A_806 = vector.broadcast %jit3A_804 : i32 to vector<16xi32>
    %broadcast_in_dim3A_807 = vector.broadcast %jit3A_805 : i32 to vector<16xi32>
    %select_n3A_808 = arith.select %eq3A_803, %broadcast_in_dim3A_806, %broadcast_in_dim3A_807 : vector<16xi1>, vector<16xi32>
    %swap3A_809 = arith.constant 784 : index
    %swap3A_810 = tpu.vector_load %arg9[%swap3A_809] {strides = array<i32>} : memref<1024xi32, #tpu.memory_space<vmem>>, vector<16xi32>,
    tpu.vector_store %arg9[%swap3A_809], %select_n3A_808 {strides = array<i32>} : memref<1024xi32, #tpu.memory_space<vmem>>, vector<16xi32>,
    %add3A_811 = arith.addi %add3A_795, %select_n3A_808 : vector<16xi32>
    %get3A_812 = arith.constant 800 : index
    %get3A_813 = tpu.vector_load %arg6[%get3A_812] {strides = array<i32>} : memref<1024xi32, #tpu.memory_space<vmem>>, vector<16xi32>,
    %and3A_814 = arith.constant 15 : i32
    %and3A_815 = vector.broadcast %and3A_814 : i32 to vector<16xi32>
    %and3A_816 = arith.andi %get3A_813, %and3A_815 : vector<16xi32>
    %eq3A_817 = arith.constant 1 : i32
    %eq3A_818 = vector.broadcast %eq3A_817 : i32 to vector<16xi32>
    %eq3A_819 = arith.cmpi eq, %and3A_816, %eq3A_818 : vector<16xi32>
    %jit3A_820 = arith.constant 1 : i32
    %jit3A_821 = arith.constant 0 : i32
    %broadcast_in_dim3A_822 = vector.broadcast %jit3A_820 : i32 to vector<16xi32>
    %broadcast_in_dim3A_823 = vector.broadcast %jit3A_821 : i32 to vector<16xi32>
    %select_n3A_824 = arith.select %eq3A_819, %broadcast_in_dim3A_822, %broadcast_in_dim3A_823 : vector<16xi1>, vector<16xi32>
    %swap3A_825 = arith.constant 800 : index
    %swap3A_826 = tpu.vector_load %arg9[%swap3A_825] {strides = array<i32>} : memref<1024xi32, #tpu.memory_space<vmem>>, vector<16xi32>,
    tpu.vector_store %arg9[%swap3A_825], %select_n3A_824 {strides = array<i32>} : memref<1024xi32, #tpu.memory_space<vmem>>, vector<16xi32>,
    %add3A_827 = arith.addi %add3A_811, %select_n3A_824 : vector<16xi32>
    %get3A_828 = arith.constant 816 : index
    %get3A_829 = tpu.vector_load %arg6[%get3A_828] {strides = array<i32>} : memref<1024xi32, #tpu.memory_space<vmem>>, vector<16xi32>,
    %and3A_830 = arith.constant 15 : i32
    %and3A_831 = vector.broadcast %and3A_830 : i32 to vector<16xi32>
    %and3A_832 = arith.andi %get3A_829, %and3A_831 : vector<16xi32>
    %eq3A_833 = arith.constant 1 : i32
    %eq3A_834 = vector.broadcast %eq3A_833 : i32 to vector<16xi32>
    %eq3A_835 = arith.cmpi eq, %and3A_832, %eq3A_834 : vector<16xi32>
    %jit3A_836 = arith.constant 1 : i32
    %jit3A_837 = arith.constant 0 : i32
    %broadcast_in_dim3A_838 = vector.broadcast %jit3A_836 : i32 to vector<16xi32>
    %broadcast_in_dim3A_839 = vector.broadcast %jit3A_837 : i32 to vector<16xi32>
    %select_n3A_840 = arith.select %eq3A_835, %broadcast_in_dim3A_838, %broadcast_in_dim3A_839 : vector<16xi1>, vector<16xi32>
    %swap3A_841 = arith.constant 816 : index
    %swap3A_842 = tpu.vector_load %arg9[%swap3A_841] {strides = array<i32>} : memref<1024xi32, #tpu.memory_space<vmem>>, vector<16xi32>,
    tpu.vector_store %arg9[%swap3A_841], %select_n3A_840 {strides = array<i32>} : memref<1024xi32, #tpu.memory_space<vmem>>, vector<16xi32>,
    %add3A_843 = arith.addi %add3A_827, %select_n3A_840 : vector<16xi32>
    %get3A_844 = arith.constant 832 : index
    %get3A_845 = tpu.vector_load %arg6[%get3A_844] {strides = array<i32>} : memref<1024xi32, #tpu.memory_space<vmem>>, vector<16xi32>,
    %and3A_846 = arith.constant 15 : i32
    %and3A_847 = vector.broadcast %and3A_846 : i32 to vector<16xi32>
    %and3A_848 = arith.andi %get3A_845, %and3A_847 : vector<16xi32>
    %eq3A_849 = arith.constant 1 : i32
    %eq3A_850 = vector.broadcast %eq3A_849 : i32 to vector<16xi32>
    %eq3A_851 = arith.cmpi eq, %and3A_848, %eq3A_850 : vector<16xi32>
    %jit3A_852 = arith.constant 1 : i32
    %jit3A_853 = arith.constant 0 : i32
    %broadcast_in_dim3A_854 = vector.broadcast %jit3A_852 : i32 to vector<16xi32>
    %broadcast_in_dim3A_855 = vector.broadcast %jit3A_853 : i32 to vector<16xi32>
    %select_n3A_856 = arith.select %eq3A_851, %broadcast_in_dim3A_854, %broadcast_in_dim3A_855 : vector<16xi1>, vector<16xi32>
    %swap3A_857 = arith.constant 832 : index
    %swap3A_858 = tpu.vector_load %arg9[%swap3A_857] {strides = array<i32>} : memref<1024xi32, #tpu.memory_space<vmem>>, vector<16xi32>,
    tpu.vector_store %arg9[%swap3A_857], %select_n3A_856 {strides = array<i32>} : memref<1024xi32, #tpu.memory_space<vmem>>, vector<16xi32>,
    %add3A_859 = arith.addi %add3A_843, %select_n3A_856 : vector<16xi32>
    %get3A_860 = arith.constant 848 : index
    %get3A_861 = tpu.vector_load %arg6[%get3A_860] {strides = array<i32>} : memref<1024xi32, #tpu.memory_space<vmem>>, vector<16xi32>,
    %and3A_862 = arith.constant 15 : i32
    %and3A_863 = vector.broadcast %and3A_862 : i32 to vector<16xi32>
    %and3A_864 = arith.andi %get3A_861, %and3A_863 : vector<16xi32>
    %eq3A_865 = arith.constant 1 : i32
    %eq3A_866 = vector.broadcast %eq3A_865 : i32 to vector<16xi32>
    %eq3A_867 = arith.cmpi eq, %and3A_864, %eq3A_866 : vector<16xi32>
    %jit3A_868 = arith.constant 1 : i32
    %jit3A_869 = arith.constant 0 : i32
    %broadcast_in_dim3A_870 = vector.broadcast %jit3A_868 : i32 to vector<16xi32>
    %broadcast_in_dim3A_871 = vector.broadcast %jit3A_869 : i32 to vector<16xi32>
    %select_n3A_872 = arith.select %eq3A_867, %broadcast_in_dim3A_870, %broadcast_in_dim3A_871 : vector<16xi1>, vector<16xi32>
    %swap3A_873 = arith.constant 848 : index
    %swap3A_874 = tpu.vector_load %arg9[%swap3A_873] {strides = array<i32>} : memref<1024xi32, #tpu.memory_space<vmem>>, vector<16xi32>,
    tpu.vector_store %arg9[%swap3A_873], %select_n3A_872 {strides = array<i32>} : memref<1024xi32, #tpu.memory_space<vmem>>, vector<16xi32>,
    %add3A_875 = arith.addi %add3A_859, %select_n3A_872 : vector<16xi32>
    %get3A_876 = arith.constant 864 : index
    %get3A_877 = tpu.vector_load %arg6[%get3A_876] {strides = array<i32>} : memref<1024xi32, #tpu.memory_space<vmem>>, vector<16xi32>,
    %and3A_878 = arith.constant 15 : i32
    %and3A_879 = vector.broadcast %and3A_878 : i32 to vector<16xi32>
    %and3A_880 = arith.andi %get3A_877, %and3A_879 : vector<16xi32>
    %eq3A_881 = arith.constant 1 : i32
    %eq3A_882 = vector.broadcast %eq3A_881 : i32 to vector<16xi32>
    %eq3A_883 = arith.cmpi eq, %and3A_880, %eq3A_882 : vector<16xi32>
    %jit3A_884 = arith.constant 1 : i32
    %jit3A_885 = arith.constant 0 : i32
    %broadcast_in_dim3A_886 = vector.broadcast %jit3A_884 : i32 to vector<16xi32>
    %broadcast_in_dim3A_887 = vector.broadcast %jit3A_885 : i32 to vector<16xi32>
    %select_n3A_888 = arith.select %eq3A_883, %broadcast_in_dim3A_886, %broadcast_in_dim3A_887 : vector<16xi1>, vector<16xi32>
    %swap3A_889 = arith.constant 864 : index
    %swap3A_890 = tpu.vector_load %arg9[%swap3A_889] {strides = array<i32>} : memref<1024xi32, #tpu.memory_space<vmem>>, vector<16xi32>,
    tpu.vector_store %arg9[%swap3A_889], %select_n3A_888 {strides = array<i32>} : memref<1024xi32, #tpu.memory_space<vmem>>, vector<16xi32>,
    %add3A_891 = arith.addi %add3A_875, %select_n3A_888 : vector<16xi32>
    %get3A_892 = arith.constant 880 : index
    %get3A_893 = tpu.vector_load %arg6[%get3A_892] {strides = array<i32>} : memref<1024xi32, #tpu.memory_space<vmem>>, vector<16xi32>,
    %and3A_894 = arith.constant 15 : i32
    %and3A_895 = vector.broadcast %and3A_894 : i32 to vector<16xi32>
    %and3A_896 = arith.andi %get3A_893, %and3A_895 : vector<16xi32>
    %eq3A_897 = arith.constant 1 : i32
    %eq3A_898 = vector.broadcast %eq3A_897 : i32 to vector<16xi32>
    %eq3A_899 = arith.cmpi eq, %and3A_896, %eq3A_898 : vector<16xi32>
    %jit3A_900 = arith.constant 1 : i32
    %jit3A_901 = arith.constant 0 : i32
    %broadcast_in_dim3A_902 = vector.broadcast %jit3A_900 : i32 to vector<16xi32>
    %broadcast_in_dim3A_903 = vector.broadcast %jit3A_901 : i32 to vector<16xi32>
    %select_n3A_904 = arith.select %eq3A_899, %broadcast_in_dim3A_902, %broadcast_in_dim3A_903 : vector<16xi1>, vector<16xi32>
    %swap3A_905 = arith.constant 880 : index
    %swap3A_906 = tpu.vector_load %arg9[%swap3A_905] {strides = array<i32>} : memref<1024xi32, #tpu.memory_space<vmem>>, vector<16xi32>,
    tpu.vector_store %arg9[%swap3A_905], %select_n3A_904 {strides = array<i32>} : memref<1024xi32, #tpu.memory_space<vmem>>, vector<16xi32>,
    %add3A_907 = arith.addi %add3A_891, %select_n3A_904 : vector<16xi32>
    %get3A_908 = arith.constant 896 : index
    %get3A_909 = tpu.vector_load %arg6[%get3A_908] {strides = array<i32>} : memref<1024xi32, #tpu.memory_space<vmem>>, vector<16xi32>,
    %and3A_910 = arith.constant 15 : i32
    %and3A_911 = vector.broadcast %and3A_910 : i32 to vector<16xi32>
    %and3A_912 = arith.andi %get3A_909, %and3A_911 : vector<16xi32>
    %eq3A_913 = arith.constant 1 : i32
    %eq3A_914 = vector.broadcast %eq3A_913 : i32 to vector<16xi32>
    %eq3A_915 = arith.cmpi eq, %and3A_912, %eq3A_914 : vector<16xi32>
    %jit3A_916 = arith.constant 1 : i32
    %jit3A_917 = arith.constant 0 : i32
    %broadcast_in_dim3A_918 = vector.broadcast %jit3A_916 : i32 to vector<16xi32>
    %broadcast_in_dim3A_919 = vector.broadcast %jit3A_917 : i32 to vector<16xi32>
    %select_n3A_920 = arith.select %eq3A_915, %broadcast_in_dim3A_918, %broadcast_in_dim3A_919 : vector<16xi1>, vector<16xi32>
    %swap3A_921 = arith.constant 896 : index
    %swap3A_922 = tpu.vector_load %arg9[%swap3A_921] {strides = array<i32>} : memref<1024xi32, #tpu.memory_space<vmem>>, vector<16xi32>,
    tpu.vector_store %arg9[%swap3A_921], %select_n3A_920 {strides = array<i32>} : memref<1024xi32, #tpu.memory_space<vmem>>, vector<16xi32>,
    %add3A_923 = arith.addi %add3A_907, %select_n3A_920 : vector<16xi32>
    %get3A_924 = arith.constant 912 : index
    %get3A_925 = tpu.vector_load %arg6[%get3A_924] {strides = array<i32>} : memref<1024xi32, #tpu.memory_space<vmem>>, vector<16xi32>,
    %and3A_926 = arith.constant 15 : i32
    %and3A_927 = vector.broadcast %and3A_926 : i32 to vector<16xi32>
    %and3A_928 = arith.andi %get3A_925, %and3A_927 : vector<16xi32>
    %eq3A_929 = arith.constant 1 : i32
    %eq3A_930 = vector.broadcast %eq3A_929 : i32 to vector<16xi32>
    %eq3A_931 = arith.cmpi eq, %and3A_928, %eq3A_930 : vector<16xi32>
    %jit3A_932 = arith.constant 1 : i32
    %jit3A_933 = arith.constant 0 : i32
    %broadcast_in_dim3A_934 = vector.broadcast %jit3A_932 : i32 to vector<16xi32>
    %broadcast_in_dim3A_935 = vector.broadcast %jit3A_933 : i32 to vector<16xi32>
    %select_n3A_936 = arith.select %eq3A_931, %broadcast_in_dim3A_934, %broadcast_in_dim3A_935 : vector<16xi1>, vector<16xi32>
    %swap3A_937 = arith.constant 912 : index
    %swap3A_938 = tpu.vector_load %arg9[%swap3A_937] {strides = array<i32>} : memref<1024xi32, #tpu.memory_space<vmem>>, vector<16xi32>,
    tpu.vector_store %arg9[%swap3A_937], %select_n3A_936 {strides = array<i32>} : memref<1024xi32, #tpu.memory_space<vmem>>, vector<16xi32>,
    %add3A_939 = arith.addi %add3A_923, %select_n3A_936 : vector<16xi32>
    %get3A_940 = arith.constant 928 : index
    %get3A_941 = tpu.vector_load %arg6[%get3A_940] {strides = array<i32>} : memref<1024xi32, #tpu.memory_space<vmem>>, vector<16xi32>,
    %and3A_942 = arith.constant 15 : i32
    %and3A_943 = vector.broadcast %and3A_942 : i32 to vector<16xi32>
    %and3A_944 = arith.andi %get3A_941, %and3A_943 : vector<16xi32>
    %eq3A_945 = arith.constant 1 : i32
    %eq3A_946 = vector.broadcast %eq3A_945 : i32 to vector<16xi32>
    %eq3A_947 = arith.cmpi eq, %and3A_944, %eq3A_946 : vector<16xi32>
    %jit3A_948 = arith.constant 1 : i32
    %jit3A_949 = arith.constant 0 : i32
    %broadcast_in_dim3A_950 = vector.broadcast %jit3A_948 : i32 to vector<16xi32>
    %broadcast_in_dim3A_951 = vector.broadcast %jit3A_949 : i32 to vector<16xi32>
    %select_n3A_952 = arith.select %eq3A_947, %broadcast_in_dim3A_950, %broadcast_in_dim3A_951 : vector<16xi1>, vector<16xi32>
    %swap3A_953 = arith.constant 928 : index
    %swap3A_954 = tpu.vector_load %arg9[%swap3A_953] {strides = array<i32>} : memref<1024xi32, #tpu.memory_space<vmem>>, vector<16xi32>,
    tpu.vector_store %arg9[%swap3A_953], %select_n3A_952 {strides = array<i32>} : memref<1024xi32, #tpu.memory_space<vmem>>, vector<16xi32>,
    %add3A_955 = arith.addi %add3A_939, %select_n3A_952 : vector<16xi32>
    %get3A_956 = arith.constant 944 : index
    %get3A_957 = tpu.vector_load %arg6[%get3A_956] {strides = array<i32>} : memref<1024xi32, #tpu.memory_space<vmem>>, vector<16xi32>,
    %and3A_958 = arith.constant 15 : i32
    %and3A_959 = vector.broadcast %and3A_958 : i32 to vector<16xi32>
    %and3A_960 = arith.andi %get3A_957, %and3A_959 : vector<16xi32>
    %eq3A_961 = arith.constant 1 : i32
    %eq3A_962 = vector.broadcast %eq3A_961 : i32 to vector<16xi32>
    %eq3A_963 = arith.cmpi eq, %and3A_960, %eq3A_962 : vector<16xi32>
    %jit3A_964 = arith.constant 1 : i32
    %jit3A_965 = arith.constant 0 : i32
    %broadcast_in_dim3A_966 = vector.broadcast %jit3A_964 : i32 to vector<16xi32>
    %broadcast_in_dim3A_967 = vector.broadcast %jit3A_965 : i32 to vector<16xi32>
    %select_n3A_968 = arith.select %eq3A_963, %broadcast_in_dim3A_966, %broadcast_in_dim3A_967 : vector<16xi1>, vector<16xi32>
    %swap3A_969 = arith.constant 944 : index
    %swap3A_970 = tpu.vector_load %arg9[%swap3A_969] {strides = array<i32>} : memref<1024xi32, #tpu.memory_space<vmem>>, vector<16xi32>,
    tpu.vector_store %arg9[%swap3A_969], %select_n3A_968 {strides = array<i32>} : memref<1024xi32, #tpu.memory_space<vmem>>, vector<16xi32>,
    %add3A_971 = arith.addi %add3A_955, %select_n3A_968 : vector<16xi32>
    %get3A_972 = arith.constant 960 : index
    %get3A_973 = tpu.vector_load %arg6[%get3A_972] {strides = array<i32>} : memref<1024xi32, #tpu.memory_space<vmem>>, vector<16xi32>,
    %and3A_974 = arith.constant 15 : i32
    %and3A_975 = vector.broadcast %and3A_974 : i32 to vector<16xi32>
    %and3A_976 = arith.andi %get3A_973, %and3A_975 : vector<16xi32>
    %eq3A_977 = arith.constant 1 : i32
    %eq3A_978 = vector.broadcast %eq3A_977 : i32 to vector<16xi32>
    %eq3A_979 = arith.cmpi eq, %and3A_976, %eq3A_978 : vector<16xi32>
    %jit3A_980 = arith.constant 1 : i32
    %jit3A_981 = arith.constant 0 : i32
    %broadcast_in_dim3A_982 = vector.broadcast %jit3A_980 : i32 to vector<16xi32>
    %broadcast_in_dim3A_983 = vector.broadcast %jit3A_981 : i32 to vector<16xi32>
    %select_n3A_984 = arith.select %eq3A_979, %broadcast_in_dim3A_982, %broadcast_in_dim3A_983 : vector<16xi1>, vector<16xi32>
    %swap3A_985 = arith.constant 960 : index
    %swap3A_986 = tpu.vector_load %arg9[%swap3A_985] {strides = array<i32>} : memref<1024xi32, #tpu.memory_space<vmem>>, vector<16xi32>,
    tpu.vector_store %arg9[%swap3A_985], %select_n3A_984 {strides = array<i32>} : memref<1024xi32, #tpu.memory_space<vmem>>, vector<16xi32>,
    %add3A_987 = arith.addi %add3A_971, %select_n3A_984 : vector<16xi32>
    %get3A_988 = arith.constant 976 : index
    %get3A_989 = tpu.vector_load %arg6[%get3A_988] {strides = array<i32>} : memref<1024xi32, #tpu.memory_space<vmem>>, vector<16xi32>,
    %and3A_990 = arith.constant 15 : i32
    %and3A_991 = vector.broadcast %and3A_990 : i32 to vector<16xi32>
    %and3A_992 = arith.andi %get3A_989, %and3A_991 : vector<16xi32>
    %eq3A_993 = arith.constant 1 : i32
    %eq3A_994 = vector.broadcast %eq3A_993 : i32 to vector<16xi32>
    %eq3A_995 = arith.cmpi eq, %and3A_992, %eq3A_994 : vector<16xi32>
    %jit3A_996 = arith.constant 1 : i32
    %jit3A_997 = arith.constant 0 : i32
    %broadcast_in_dim3A_998 = vector.broadcast %jit3A_996 : i32 to vector<16xi32>
    %broadcast_in_dim3A_999 = vector.broadcast %jit3A_997 : i32 to vector<16xi32>
    %select_n3A_1000 = arith.select %eq3A_995, %broadcast_in_dim3A_998, %broadcast_in_dim3A_999 : vector<16xi1>, vector<16xi32>
    %swap3A_1001 = arith.constant 976 : index
    %swap3A_1002 = tpu.vector_load %arg9[%swap3A_1001] {strides = array<i32>} : memref<1024xi32, #tpu.memory_space<vmem>>, vector<16xi32>,
    tpu.vector_store %arg9[%swap3A_1001], %select_n3A_1000 {strides = array<i32>} : memref<1024xi32, #tpu.memory_space<vmem>>, vector<16xi32>,
    %add3A_1003 = arith.addi %add3A_987, %select_n3A_1000 : vector<16xi32>
    %get3A_1004 = arith.constant 992 : index
    %get3A_1005 = tpu.vector_load %arg6[%get3A_1004] {strides = array<i32>} : memref<1024xi32, #tpu.memory_space<vmem>>, vector<16xi32>,
    %and3A_1006 = arith.constant 15 : i32
    %and3A_1007 = vector.broadcast %and3A_1006 : i32 to vector<16xi32>
    %and3A_1008 = arith.andi %get3A_1005, %and3A_1007 : vector<16xi32>
    %eq3A_1009 = arith.constant 1 : i32
    %eq3A_1010 = vector.broadcast %eq3A_1009 : i32 to vector<16xi32>
    %eq3A_1011 = arith.cmpi eq, %and3A_1008, %eq3A_1010 : vector<16xi32>
    %jit3A_1012 = arith.constant 1 : i32
    %jit3A_1013 = arith.constant 0 : i32
    %broadcast_in_dim3A_1014 = vector.broadcast %jit3A_1012 : i32 to vector<16xi32>
    %broadcast_in_dim3A_1015 = vector.broadcast %jit3A_1013 : i32 to vector<16xi32>
    %select_n3A_1016 = arith.select %eq3A_1011, %broadcast_in_dim3A_1014, %broadcast_in_dim3A_1015 : vector<16xi1>, vector<16xi32>
    %swap3A_1017 = arith.constant 992 : index
    %swap3A_1018 = tpu.vector_load %arg9[%swap3A_1017] {strides = array<i32>} : memref<1024xi32, #tpu.memory_space<vmem>>, vector<16xi32>,
    tpu.vector_store %arg9[%swap3A_1017], %select_n3A_1016 {strides = array<i32>} : memref<1024xi32, #tpu.memory_space<vmem>>, vector<16xi32>,
    %add3A_1019 = arith.addi %add3A_1003, %select_n3A_1016 : vector<16xi32>
    %get3A_1020 = arith.constant 1008 : index
    %get3A_1021 = tpu.vector_load %arg6[%get3A_1020] {strides = array<i32>} : memref<1024xi32, #tpu.memory_space<vmem>>, vector<16xi32>,
    %and3A_1022 = arith.constant 15 : i32
    %and3A_1023 = vector.broadcast %and3A_1022 : i32 to vector<16xi32>
    %and3A_1024 = arith.andi %get3A_1021, %and3A_1023 : vector<16xi32>
    %eq3A_1025 = arith.constant 1 : i32
    %eq3A_1026 = vector.broadcast %eq3A_1025 : i32 to vector<16xi32>
    %eq3A_1027 = arith.cmpi eq, %and3A_1024, %eq3A_1026 : vector<16xi32>
    %jit3A_1028 = arith.constant 1 : i32
    %jit3A_1029 = arith.constant 0 : i32
    %broadcast_in_dim3A_1030 = vector.broadcast %jit3A_1028 : i32 to vector<16xi32>
    %broadcast_in_dim3A_1031 = vector.broadcast %jit3A_1029 : i32 to vector<16xi32>
    %select_n3A_1032 = arith.select %eq3A_1027, %broadcast_in_dim3A_1030, %broadcast_in_dim3A_1031 : vector<16xi1>, vector<16xi32>
    %swap3A_1033 = arith.constant 1008 : index
    %swap3A_1034 = tpu.vector_load %arg9[%swap3A_1033] {strides = array<i32>} : memref<1024xi32, #tpu.memory_space<vmem>>, vector<16xi32>,
    tpu.vector_store %arg9[%swap3A_1033], %select_n3A_1032 {strides = array<i32>} : memref<1024xi32, #tpu.memory_space<vmem>>, vector<16xi32>,
    %add3A_1035 = arith.addi %add3A_1019, %select_n3A_1032 : vector<16xi32>
    %reduce_sum3A = arith.constant true
    %reduce_sum3A_1036 = vector.broadcast %reduce_sum3A : i1 to vector<16xi1>
    %reduce_sum3A_1037 = tpu.scan <sum>, %add3A_1035 masked %reduce_sum3A_1036 : vector<16xi32>, vector<16xi1> -> vector<16xi32>
    %reduce_sum3A_1038 = vector.extract %reduce_sum3A_1037[15] : i32 from vector<16xi32>
    %barrier3A = arith.constant 0 : index
    tpu.barrier barrier_id(%barrier3A)
    %add3A_1039 = arith.constant 1 : i32
    %add3A_1040 = arith.addi %arg1, %add3A_1039 : i32
    %lt3A = arith.constant 16 : i32
    %lt3A_1041 = arith.cmpi slt, %add3A_1040, %lt3A : i32
    %jit3A_1042 = arith.constant 0 : i32
    %select_n3A_1043 = arith.select %lt3A_1041, %reduce_sum3A_1038, %jit3A_1042 : i32
    %add3A_1044 = arith.constant 1 : i32
    %add3A_1045 = arith.addi %arg1, %add3A_1044 : i32
    %and3A_1046 = arith.constant 15 : i32
    %and3A_1047 = arith.andi %add3A_1045, %and3A_1046 : i32
    %sc_fetch_and_add3A = arith.constant 0 : i32
    %sc_fetch_and_add3A_1048 = tpu.fetch_and_add_sync %arg12[%sc_fetch_and_add3A], %select_n3A_1043, %and3A_1047 : memref<4xi32, #tpu.memory_space<smem>>, i32 -> i32
    %barrier3A_1049 = arith.constant 0 : index
    tpu.barrier barrier_id(%barrier3A_1049)
    %get3A_1050 = arith.constant 0 : i32
    %get3A_1051 = arith.index_cast %get3A_1050 : i32 to index
    %get3A_1052 = memref.load %arg12[%get3A_1051] : memref<4xi32, #tpu.memory_space<smem>>
    %add3A_1053 = arith.addi %reduce_sum3A_1038, %get3A_1052 : i32
    %add3A_1054 = arith.constant 2 : i32
    %add3A_1055 = arith.addi %arg1, %add3A_1054 : i32
    %lt3A_1056 = arith.constant 16 : i32
    %lt3A_1057 = arith.cmpi slt, %add3A_1055, %lt3A_1056 : i32
    %jit3A_1058 = arith.constant 0 : i32
    %select_n3A_1059 = arith.select %lt3A_1057, %add3A_1053, %jit3A_1058 : i32
    %add3A_1060 = arith.constant 2 : i32
    %add3A_1061 = arith.addi %arg1, %add3A_1060 : i32
    %and3A_1062 = arith.constant 15 : i32
    %and3A_1063 = arith.andi %add3A_1061, %and3A_1062 : i32
    %sc_fetch_and_add3A_1064 = arith.constant 1 : i32
    %sc_fetch_and_add3A_1065 = tpu.fetch_and_add_sync %arg12[%sc_fetch_and_add3A_1064], %select_n3A_1059, %and3A_1063 : memref<4xi32, #tpu.memory_space<smem>>, i32 -> i32
    %barrier3A_1066 = arith.constant 0 : index
    tpu.barrier barrier_id(%barrier3A_1066)
    %get3A_1067 = arith.constant 1 : i32
    %get3A_1068 = arith.index_cast %get3A_1067 : i32 to index
    %get3A_1069 = memref.load %arg12[%get3A_1068] : memref<4xi32, #tpu.memory_space<smem>>
    %add3A_1070 = arith.addi %add3A_1053, %get3A_1069 : i32
    %add3A_1071 = arith.constant 4 : i32
    %add3A_1072 = arith.addi %arg1, %add3A_1071 : i32
    %lt3A_1073 = arith.constant 16 : i32
    %lt3A_1074 = arith.cmpi slt, %add3A_1072, %lt3A_1073 : i32
    %jit3A_1075 = arith.constant 0 : i32
    %select_n3A_1076 = arith.select %lt3A_1074, %add3A_1070, %jit3A_1075 : i32
    %add3A_1077 = arith.constant 4 : i32
    %add3A_1078 = arith.addi %arg1, %add3A_1077 : i32
    %and3A_1079 = arith.constant 15 : i32
    %and3A_1080 = arith.andi %add3A_1078, %and3A_1079 : i32
    %sc_fetch_and_add3A_1081 = arith.constant 2 : i32
    %sc_fetch_and_add3A_1082 = tpu.fetch_and_add_sync %arg12[%sc_fetch_and_add3A_1081], %select_n3A_1076, %and3A_1080 : memref<4xi32, #tpu.memory_space<smem>>, i32 -> i32
    %barrier3A_1083 = arith.constant 0 : index
    tpu.barrier barrier_id(%barrier3A_1083)
    %get3A_1084 = arith.constant 2 : i32
    %get3A_1085 = arith.index_cast %get3A_1084 : i32 to index
    %get3A_1086 = memref.load %arg12[%get3A_1085] : memref<4xi32, #tpu.memory_space<smem>>
    %add3A_1087 = arith.addi %add3A_1070, %get3A_1086 : i32
    %add3A_1088 = arith.constant 8 : i32
    %add3A_1089 = arith.addi %arg1, %add3A_1088 : i32
    %lt3A_1090 = arith.constant 16 : i32
    %lt3A_1091 = arith.cmpi slt, %add3A_1089, %lt3A_1090 : i32
    %jit3A_1092 = arith.constant 0 : i32
    %select_n3A_1093 = arith.select %lt3A_1091, %add3A_1087, %jit3A_1092 : i32
    %add3A_1094 = arith.constant 8 : i32
    %add3A_1095 = arith.addi %arg1, %add3A_1094 : i32
    %and3A_1096 = arith.constant 15 : i32
    %and3A_1097 = arith.andi %add3A_1095, %and3A_1096 : i32
    %sc_fetch_and_add3A_1098 = arith.constant 3 : i32
    %sc_fetch_and_add3A_1099 = tpu.fetch_and_add_sync %arg12[%sc_fetch_and_add3A_1098], %select_n3A_1093, %and3A_1097 : memref<4xi32, #tpu.memory_space<smem>>, i32 -> i32
    %barrier3A_1100 = arith.constant 0 : index
    tpu.barrier barrier_id(%barrier3A_1100)
    %get3A_1101 = arith.constant 3 : i32
    %get3A_1102 = arith.index_cast %get3A_1101 : i32 to index
    %get3A_1103 = memref.load %arg12[%get3A_1102] : memref<4xi32, #tpu.memory_space<smem>>
    %add3A_1104 = arith.addi %add3A_1087, %get3A_1103 : i32
    %sub3A = arith.subi %add3A_1104, %reduce_sum3A_1038 : i32
    %min3A = arith.constant 15352 : i32
    %min3A_1105 = arith.minsi %sub3A, %min3A : i32
    %jit3A_1106 = arith.constant 8 : i32
    %div3A = arith.divsi %min3A_1105, %jit3A_1106 : i32
    %sign3A = arith.constant 0 : i32
    %sign3A_1107 = arith.cmpi sgt, %min3A_1105, %sign3A : i32
    %sign3A_1108 = arith.extui %sign3A_1107 : i1 to i32
    %sign3A_1109 = arith.constant 0 : i32
    %sign3A_1110 = arith.cmpi slt, %min3A_1105, %sign3A_1109 : i32
    %sign3A_1111 = arith.extui %sign3A_1110 : i1 to i32
    %sign3A_1112 = arith.subi %sign3A_1108, %sign3A_1111 : i32
    %sign3A_1113 = arith.constant 0 : i32
    %sign3A_1114 = arith.cmpi sgt, %jit3A_1106, %sign3A_1113 : i32
    %sign3A_1115 = arith.extui %sign3A_1114 : i1 to i32
    %sign3A_1116 = arith.constant 0 : i32
    %sign3A_1117 = arith.cmpi slt, %jit3A_1106, %sign3A_1116 : i32
    %sign3A_1118 = arith.extui %sign3A_1117 : i1 to i32
    %sign3A_1119 = arith.subi %sign3A_1115, %sign3A_1118 : i32
    %ne3A = arith.cmpi ne, %sign3A_1112, %sign3A_1119 : i32
    %rem3A = arith.remsi %min3A_1105, %jit3A_1106 : i32
    %ne3A_1120 = arith.constant 0 : i32
    %ne3A_1121 = arith.cmpi ne, %rem3A, %ne3A_1120 : i32
    %and3A_1122 = arith.andi %ne3A, %ne3A_1121 : i1
    %sub3A_1123 = arith.constant 1 : i32
    %sub3A_1124 = arith.subi %div3A, %sub3A_1123 : i32
    %select_n3A_1125 = arith.select %and3A_1122, %sub3A_1124, %div3A : i32
    %mul3A_1126 = arith.constant 8 : i32
    %mul3A_1127 = arith.muli %select_n3A_1125, %mul3A_1126 : i32
    %multiple_of3A = tpu.assume_multiple %mul3A_1127, 8 : i32
    %dma_start3A_1128 = tpu.memref_slice %arg4[%multiple_of3A] : memref<16384xi32, #tpu.memory_space<hbm>> -> memref<1032xi32, #tpu.memory_space<hbm>>
    %dma_start3A_1129 = tpu.memref_slice %arg4[%multiple_of3A] : memref<16384xi32, #tpu.memory_space<hbm>> -> memref<1032xi32, #tpu.memory_space<hbm>>
    tpu.enqueue_dma source(%dma_start3A_1129 : memref<1032xi32, #tpu.memory_space<hbm>>) target(%arg8 : memref<1032xi32, #tpu.memory_space<vmem>>) target_semaphore(%arg13 : memref<!tpu.dma_semaphore, #tpu.memory_space<semaphore_mem>>)
    %sub3A_1130 = arith.subi %sub3A, %multiple_of3A : i32
    %get3A_1131 = arith.constant 0 : index
    %get3A_1132 = tpu.vector_load %arg9[%get3A_1131] {strides = array<i32>} : memref<1024xi32, #tpu.memory_space<vmem>>, vector<16xi32>,
    %broadcast_in_dim3A_1133 = arith.constant true
    %broadcast_in_dim3A_1134 = vector.broadcast %broadcast_in_dim3A_1133 : i1 to vector<16xi1>
    %masked_cumsum3A = tpu.scan <sum>, %get3A_1132 masked %broadcast_in_dim3A_1134 : vector<16xi32>, vector<16xi1> -> vector<16xi32>
    %sub3A_1135 = arith.subi %masked_cumsum3A, %get3A_1132 : vector<16xi32>
    %add3A_1136 = vector.broadcast %sub3A_1130 : i32 to vector<16xi32>
    %add3A_1137 = arith.addi %sub3A_1135, %add3A_1136 : vector<16xi32>
    %swap3A_1138 = arith.constant 0 : index
    %swap3A_1139 = tpu.vector_load %arg10[%swap3A_1138] {strides = array<i32>} : memref<1024xi32, #tpu.memory_space<vmem>>, vector<16xi32>,
    tpu.vector_store %arg10[%swap3A_1138], %add3A_1137 {strides = array<i32>} : memref<1024xi32, #tpu.memory_space<vmem>>, vector<16xi32>,
    %reduce_sum3A_1140 = arith.constant true
    %reduce_sum3A_1141 = vector.broadcast %reduce_sum3A_1140 : i1 to vector<16xi1>
    %reduce_sum3A_1142 = tpu.scan <sum>, %get3A_1132 masked %reduce_sum3A_1141 : vector<16xi32>, vector<16xi1> -> vector<16xi32>
    %reduce_sum3A_1143 = vector.extract %reduce_sum3A_1142[15] : i32 from vector<16xi32>
    %add3A_1144 = arith.addi %sub3A_1130, %reduce_sum3A_1143 : i32
    %get3A_1145 = arith.constant 16 : index
    %get3A_1146 = tpu.vector_load %arg9[%get3A_1145] {strides = array<i32>} : memref<1024xi32, #tpu.memory_space<vmem>>, vector<16xi32>,
    %broadcast_in_dim3A_1147 = arith.constant true
    %broadcast_in_dim3A_1148 = vector.broadcast %broadcast_in_dim3A_1147 : i1 to vector<16xi1>
    %masked_cumsum3A_1149 = tpu.scan <sum>, %get3A_1146 masked %broadcast_in_dim3A_1148 : vector<16xi32>, vector<16xi1> -> vector<16xi32>
    %sub3A_1150 = arith.subi %masked_cumsum3A_1149, %get3A_1146 : vector<16xi32>
    %add3A_1151 = vector.broadcast %add3A_1144 : i32 to vector<16xi32>
    %add3A_1152 = arith.addi %sub3A_1150, %add3A_1151 : vector<16xi32>
    %swap3A_1153 = arith.constant 16 : index
    %swap3A_1154 = tpu.vector_load %arg10[%swap3A_1153] {strides = array<i32>} : memref<1024xi32, #tpu.memory_space<vmem>>, vector<16xi32>,
    tpu.vector_store %arg10[%swap3A_1153], %add3A_1152 {strides = array<i32>} : memref<1024xi32, #tpu.memory_space<vmem>>, vector<16xi32>,
    %reduce_sum3A_1155 = arith.constant true
    %reduce_sum3A_1156 = vector.broadcast %reduce_sum3A_1155 : i1 to vector<16xi1>
    %reduce_sum3A_1157 = tpu.scan <sum>, %get3A_1146 masked %reduce_sum3A_1156 : vector<16xi32>, vector<16xi1> -> vector<16xi32>
    %reduce_sum3A_1158 = vector.extract %reduce_sum3A_1157[15] : i32 from vector<16xi32>
    %add3A_1159 = arith.addi %add3A_1144, %reduce_sum3A_1158 : i32
    %get3A_1160 = arith.constant 32 : index
    %get3A_1161 = tpu.vector_load %arg9[%get3A_1160] {strides = array<i32>} : memref<1024xi32, #tpu.memory_space<vmem>>, vector<16xi32>,
    %broadcast_in_dim3A_1162 = arith.constant true
    %broadcast_in_dim3A_1163 = vector.broadcast %broadcast_in_dim3A_1162 : i1 to vector<16xi1>
    %masked_cumsum3A_1164 = tpu.scan <sum>, %get3A_1161 masked %broadcast_in_dim3A_1163 : vector<16xi32>, vector<16xi1> -> vector<16xi32>
    %sub3A_1165 = arith.subi %masked_cumsum3A_1164, %get3A_1161 : vector<16xi32>
    %add3A_1166 = vector.broadcast %add3A_1159 : i32 to vector<16xi32>
    %add3A_1167 = arith.addi %sub3A_1165, %add3A_1166 : vector<16xi32>
    %swap3A_1168 = arith.constant 32 : index
    %swap3A_1169 = tpu.vector_load %arg10[%swap3A_1168] {strides = array<i32>} : memref<1024xi32, #tpu.memory_space<vmem>>, vector<16xi32>,
    tpu.vector_store %arg10[%swap3A_1168], %add3A_1167 {strides = array<i32>} : memref<1024xi32, #tpu.memory_space<vmem>>, vector<16xi32>,
    %reduce_sum3A_1170 = arith.constant true
    %reduce_sum3A_1171 = vector.broadcast %reduce_sum3A_1170 : i1 to vector<16xi1>
    %reduce_sum3A_1172 = tpu.scan <sum>, %get3A_1161 masked %reduce_sum3A_1171 : vector<16xi32>, vector<16xi1> -> vector<16xi32>
    %reduce_sum3A_1173 = vector.extract %reduce_sum3A_1172[15] : i32 from vector<16xi32>
    %add3A_1174 = arith.addi %add3A_1159, %reduce_sum3A_1173 : i32
    %get3A_1175 = arith.constant 48 : index
    %get3A_1176 = tpu.vector_load %arg9[%get3A_1175] {strides = array<i32>} : memref<1024xi32, #tpu.memory_space<vmem>>, vector<16xi32>,
    %broadcast_in_dim3A_1177 = arith.constant true
    %broadcast_in_dim3A_1178 = vector.broadcast %broadcast_in_dim3A_1177 : i1 to vector<16xi1>
    %masked_cumsum3A_1179 = tpu.scan <sum>, %get3A_1176 masked %broadcast_in_dim3A_1178 : vector<16xi32>, vector<16xi1> -> vector<16xi32>
    %sub3A_1180 = arith.subi %masked_cumsum3A_1179, %get3A_1176 : vector<16xi32>
    %add3A_1181 = vector.broadcast %add3A_1174 : i32 to vector<16xi32>
    %add3A_1182 = arith.addi %sub3A_1180, %add3A_1181 : vector<16xi32>
    %swap3A_1183 = arith.constant 48 : index
    %swap3A_1184 = tpu.vector_load %arg10[%swap3A_1183] {strides = array<i32>} : memref<1024xi32, #tpu.memory_space<vmem>>, vector<16xi32>,
    tpu.vector_store %arg10[%swap3A_1183], %add3A_1182 {strides = array<i32>} : memref<1024xi32, #tpu.memory_space<vmem>>, vector<16xi32>,
    %reduce_sum3A_1185 = arith.constant true
    %reduce_sum3A_1186 = vector.broadcast %reduce_sum3A_1185 : i1 to vector<16xi1>
    %reduce_sum3A_1187 = tpu.scan <sum>, %get3A_1176 masked %reduce_sum3A_1186 : vector<16xi32>, vector<16xi1> -> vector<16xi32>
    %reduce_sum3A_1188 = vector.extract %reduce_sum3A_1187[15] : i32 from vector<16xi32>
    %add3A_1189 = arith.addi %add3A_1174, %reduce_sum3A_1188 : i32
    %get3A_1190 = arith.constant 64 : index
    %get3A_1191 = tpu.vector_load %arg9[%get3A_1190] {strides = array<i32>} : memref<1024xi32, #tpu.memory_space<vmem>>, vector<16xi32>,
    %broadcast_in_dim3A_1192 = arith.constant true
    %broadcast_in_dim3A_1193 = vector.broadcast %broadcast_in_dim3A_1192 : i1 to vector<16xi1>
    %masked_cumsum3A_1194 = tpu.scan <sum>, %get3A_1191 masked %broadcast_in_dim3A_1193 : vector<16xi32>, vector<16xi1> -> vector<16xi32>
    %sub3A_1195 = arith.subi %masked_cumsum3A_1194, %get3A_1191 : vector<16xi32>
    %add3A_1196 = vector.broadcast %add3A_1189 : i32 to vector<16xi32>
    %add3A_1197 = arith.addi %sub3A_1195, %add3A_1196 : vector<16xi32>
    %swap3A_1198 = arith.constant 64 : index
    %swap3A_1199 = tpu.vector_load %arg10[%swap3A_1198] {strides = array<i32>} : memref<1024xi32, #tpu.memory_space<vmem>>, vector<16xi32>,
    tpu.vector_store %arg10[%swap3A_1198], %add3A_1197 {strides = array<i32>} : memref<1024xi32, #tpu.memory_space<vmem>>, vector<16xi32>,
    %reduce_sum3A_1200 = arith.constant true
    %reduce_sum3A_1201 = vector.broadcast %reduce_sum3A_1200 : i1 to vector<16xi1>
    %reduce_sum3A_1202 = tpu.scan <sum>, %get3A_1191 masked %reduce_sum3A_1201 : vector<16xi32>, vector<16xi1> -> vector<16xi32>
    %reduce_sum3A_1203 = vector.extract %reduce_sum3A_1202[15] : i32 from vector<16xi32>
    %add3A_1204 = arith.addi %add3A_1189, %reduce_sum3A_1203 : i32
    %get3A_1205 = arith.constant 80 : index
    %get3A_1206 = tpu.vector_load %arg9[%get3A_1205] {strides = array<i32>} : memref<1024xi32, #tpu.memory_space<vmem>>, vector<16xi32>,
    %broadcast_in_dim3A_1207 = arith.constant true
    %broadcast_in_dim3A_1208 = vector.broadcast %broadcast_in_dim3A_1207 : i1 to vector<16xi1>
    %masked_cumsum3A_1209 = tpu.scan <sum>, %get3A_1206 masked %broadcast_in_dim3A_1208 : vector<16xi32>, vector<16xi1> -> vector<16xi32>
    %sub3A_1210 = arith.subi %masked_cumsum3A_1209, %get3A_1206 : vector<16xi32>
    %add3A_1211 = vector.broadcast %add3A_1204 : i32 to vector<16xi32>
    %add3A_1212 = arith.addi %sub3A_1210, %add3A_1211 : vector<16xi32>
    %swap3A_1213 = arith.constant 80 : index
    %swap3A_1214 = tpu.vector_load %arg10[%swap3A_1213] {strides = array<i32>} : memref<1024xi32, #tpu.memory_space<vmem>>, vector<16xi32>,
    tpu.vector_store %arg10[%swap3A_1213], %add3A_1212 {strides = array<i32>} : memref<1024xi32, #tpu.memory_space<vmem>>, vector<16xi32>,
    %reduce_sum3A_1215 = arith.constant true
    %reduce_sum3A_1216 = vector.broadcast %reduce_sum3A_1215 : i1 to vector<16xi1>
    %reduce_sum3A_1217 = tpu.scan <sum>, %get3A_1206 masked %reduce_sum3A_1216 : vector<16xi32>, vector<16xi1> -> vector<16xi32>
    %reduce_sum3A_1218 = vector.extract %reduce_sum3A_1217[15] : i32 from vector<16xi32>
    %add3A_1219 = arith.addi %add3A_1204, %reduce_sum3A_1218 : i32
    %get3A_1220 = arith.constant 96 : index
    %get3A_1221 = tpu.vector_load %arg9[%get3A_1220] {strides = array<i32>} : memref<1024xi32, #tpu.memory_space<vmem>>, vector<16xi32>,
    %broadcast_in_dim3A_1222 = arith.constant true
    %broadcast_in_dim3A_1223 = vector.broadcast %broadcast_in_dim3A_1222 : i1 to vector<16xi1>
    %masked_cumsum3A_1224 = tpu.scan <sum>, %get3A_1221 masked %broadcast_in_dim3A_1223 : vector<16xi32>, vector<16xi1> -> vector<16xi32>
    %sub3A_1225 = arith.subi %masked_cumsum3A_1224, %get3A_1221 : vector<16xi32>
    %add3A_1226 = vector.broadcast %add3A_1219 : i32 to vector<16xi32>
    %add3A_1227 = arith.addi %sub3A_1225, %add3A_1226 : vector<16xi32>
    %swap3A_1228 = arith.constant 96 : index
    %swap3A_1229 = tpu.vector_load %arg10[%swap3A_1228] {strides = array<i32>} : memref<1024xi32, #tpu.memory_space<vmem>>, vector<16xi32>,
    tpu.vector_store %arg10[%swap3A_1228], %add3A_1227 {strides = array<i32>} : memref<1024xi32, #tpu.memory_space<vmem>>, vector<16xi32>,
    %reduce_sum3A_1230 = arith.constant true
    %reduce_sum3A_1231 = vector.broadcast %reduce_sum3A_1230 : i1 to vector<16xi1>
    %reduce_sum3A_1232 = tpu.scan <sum>, %get3A_1221 masked %reduce_sum3A_1231 : vector<16xi32>, vector<16xi1> -> vector<16xi32>
    %reduce_sum3A_1233 = vector.extract %reduce_sum3A_1232[15] : i32 from vector<16xi32>
    %add3A_1234 = arith.addi %add3A_1219, %reduce_sum3A_1233 : i32
    %get3A_1235 = arith.constant 112 : index
    %get3A_1236 = tpu.vector_load %arg9[%get3A_1235] {strides = array<i32>} : memref<1024xi32, #tpu.memory_space<vmem>>, vector<16xi32>,
    %broadcast_in_dim3A_1237 = arith.constant true
    %broadcast_in_dim3A_1238 = vector.broadcast %broadcast_in_dim3A_1237 : i1 to vector<16xi1>
    %masked_cumsum3A_1239 = tpu.scan <sum>, %get3A_1236 masked %broadcast_in_dim3A_1238 : vector<16xi32>, vector<16xi1> -> vector<16xi32>
    %sub3A_1240 = arith.subi %masked_cumsum3A_1239, %get3A_1236 : vector<16xi32>
    %add3A_1241 = vector.broadcast %add3A_1234 : i32 to vector<16xi32>
    %add3A_1242 = arith.addi %sub3A_1240, %add3A_1241 : vector<16xi32>
    %swap3A_1243 = arith.constant 112 : index
    %swap3A_1244 = tpu.vector_load %arg10[%swap3A_1243] {strides = array<i32>} : memref<1024xi32, #tpu.memory_space<vmem>>, vector<16xi32>,
    tpu.vector_store %arg10[%swap3A_1243], %add3A_1242 {strides = array<i32>} : memref<1024xi32, #tpu.memory_space<vmem>>, vector<16xi32>,
    %reduce_sum3A_1245 = arith.constant true
    %reduce_sum3A_1246 = vector.broadcast %reduce_sum3A_1245 : i1 to vector<16xi1>
    %reduce_sum3A_1247 = tpu.scan <sum>, %get3A_1236 masked %reduce_sum3A_1246 : vector<16xi32>, vector<16xi1> -> vector<16xi32>
    %reduce_sum3A_1248 = vector.extract %reduce_sum3A_1247[15] : i32 from vector<16xi32>
    %add3A_1249 = arith.addi %add3A_1234, %reduce_sum3A_1248 : i32
    %get3A_1250 = arith.constant 128 : index
    %get3A_1251 = tpu.vector_load %arg9[%get3A_1250] {strides = array<i32>} : memref<1024xi32, #tpu.memory_space<vmem>>, vector<16xi32>,
    %broadcast_in_dim3A_1252 = arith.constant true
    %broadcast_in_dim3A_1253 = vector.broadcast %broadcast_in_dim3A_1252 : i1 to vector<16xi1>
    %masked_cumsum3A_1254 = tpu.scan <sum>, %get3A_1251 masked %broadcast_in_dim3A_1253 : vector<16xi32>, vector<16xi1> -> vector<16xi32>
    %sub3A_1255 = arith.subi %masked_cumsum3A_1254, %get3A_1251 : vector<16xi32>
    %add3A_1256 = vector.broadcast %add3A_1249 : i32 to vector<16xi32>
    %add3A_1257 = arith.addi %sub3A_1255, %add3A_1256 : vector<16xi32>
    %swap3A_1258 = arith.constant 128 : index
    %swap3A_1259 = tpu.vector_load %arg10[%swap3A_1258] {strides = array<i32>} : memref<1024xi32, #tpu.memory_space<vmem>>, vector<16xi32>,
    tpu.vector_store %arg10[%swap3A_1258], %add3A_1257 {strides = array<i32>} : memref<1024xi32, #tpu.memory_space<vmem>>, vector<16xi32>,
    %reduce_sum3A_1260 = arith.constant true
    %reduce_sum3A_1261 = vector.broadcast %reduce_sum3A_1260 : i1 to vector<16xi1>
    %reduce_sum3A_1262 = tpu.scan <sum>, %get3A_1251 masked %reduce_sum3A_1261 : vector<16xi32>, vector<16xi1> -> vector<16xi32>
    %reduce_sum3A_1263 = vector.extract %reduce_sum3A_1262[15] : i32 from vector<16xi32>
    %add3A_1264 = arith.addi %add3A_1249, %reduce_sum3A_1263 : i32
    %get3A_1265 = arith.constant 144 : index
    %get3A_1266 = tpu.vector_load %arg9[%get3A_1265] {strides = array<i32>} : memref<1024xi32, #tpu.memory_space<vmem>>, vector<16xi32>,
    %broadcast_in_dim3A_1267 = arith.constant true
    %broadcast_in_dim3A_1268 = vector.broadcast %broadcast_in_dim3A_1267 : i1 to vector<16xi1>
    %masked_cumsum3A_1269 = tpu.scan <sum>, %get3A_1266 masked %broadcast_in_dim3A_1268 : vector<16xi32>, vector<16xi1> -> vector<16xi32>
    %sub3A_1270 = arith.subi %masked_cumsum3A_1269, %get3A_1266 : vector<16xi32>
    %add3A_1271 = vector.broadcast %add3A_1264 : i32 to vector<16xi32>
    %add3A_1272 = arith.addi %sub3A_1270, %add3A_1271 : vector<16xi32>
    %swap3A_1273 = arith.constant 144 : index
    %swap3A_1274 = tpu.vector_load %arg10[%swap3A_1273] {strides = array<i32>} : memref<1024xi32, #tpu.memory_space<vmem>>, vector<16xi32>,
    tpu.vector_store %arg10[%swap3A_1273], %add3A_1272 {strides = array<i32>} : memref<1024xi32, #tpu.memory_space<vmem>>, vector<16xi32>,
    %reduce_sum3A_1275 = arith.constant true
    %reduce_sum3A_1276 = vector.broadcast %reduce_sum3A_1275 : i1 to vector<16xi1>
    %reduce_sum3A_1277 = tpu.scan <sum>, %get3A_1266 masked %reduce_sum3A_1276 : vector<16xi32>, vector<16xi1> -> vector<16xi32>
    %reduce_sum3A_1278 = vector.extract %reduce_sum3A_1277[15] : i32 from vector<16xi32>
    %add3A_1279 = arith.addi %add3A_1264, %reduce_sum3A_1278 : i32
    %get3A_1280 = arith.constant 160 : index
    %get3A_1281 = tpu.vector_load %arg9[%get3A_1280] {strides = array<i32>} : memref<1024xi32, #tpu.memory_space<vmem>>, vector<16xi32>,
    %broadcast_in_dim3A_1282 = arith.constant true
    %broadcast_in_dim3A_1283 = vector.broadcast %broadcast_in_dim3A_1282 : i1 to vector<16xi1>
    %masked_cumsum3A_1284 = tpu.scan <sum>, %get3A_1281 masked %broadcast_in_dim3A_1283 : vector<16xi32>, vector<16xi1> -> vector<16xi32>
    %sub3A_1285 = arith.subi %masked_cumsum3A_1284, %get3A_1281 : vector<16xi32>
    %add3A_1286 = vector.broadcast %add3A_1279 : i32 to vector<16xi32>
    %add3A_1287 = arith.addi %sub3A_1285, %add3A_1286 : vector<16xi32>
    %swap3A_1288 = arith.constant 160 : index
    %swap3A_1289 = tpu.vector_load %arg10[%swap3A_1288] {strides = array<i32>} : memref<1024xi32, #tpu.memory_space<vmem>>, vector<16xi32>,
    tpu.vector_store %arg10[%swap3A_1288], %add3A_1287 {strides = array<i32>} : memref<1024xi32, #tpu.memory_space<vmem>>, vector<16xi32>,
    %reduce_sum3A_1290 = arith.constant true
    %reduce_sum3A_1291 = vector.broadcast %reduce_sum3A_1290 : i1 to vector<16xi1>
    %reduce_sum3A_1292 = tpu.scan <sum>, %get3A_1281 masked %reduce_sum3A_1291 : vector<16xi32>, vector<16xi1> -> vector<16xi32>
    %reduce_sum3A_1293 = vector.extract %reduce_sum3A_1292[15] : i32 from vector<16xi32>
    %add3A_1294 = arith.addi %add3A_1279, %reduce_sum3A_1293 : i32
    %get3A_1295 = arith.constant 176 : index
    %get3A_1296 = tpu.vector_load %arg9[%get3A_1295] {strides = array<i32>} : memref<1024xi32, #tpu.memory_space<vmem>>, vector<16xi32>,
    %broadcast_in_dim3A_1297 = arith.constant true
    %broadcast_in_dim3A_1298 = vector.broadcast %broadcast_in_dim3A_1297 : i1 to vector<16xi1>
    %masked_cumsum3A_1299 = tpu.scan <sum>, %get3A_1296 masked %broadcast_in_dim3A_1298 : vector<16xi32>, vector<16xi1> -> vector<16xi32>
    %sub3A_1300 = arith.subi %masked_cumsum3A_1299, %get3A_1296 : vector<16xi32>
    %add3A_1301 = vector.broadcast %add3A_1294 : i32 to vector<16xi32>
    %add3A_1302 = arith.addi %sub3A_1300, %add3A_1301 : vector<16xi32>
    %swap3A_1303 = arith.constant 176 : index
    %swap3A_1304 = tpu.vector_load %arg10[%swap3A_1303] {strides = array<i32>} : memref<1024xi32, #tpu.memory_space<vmem>>, vector<16xi32>,
    tpu.vector_store %arg10[%swap3A_1303], %add3A_1302 {strides = array<i32>} : memref<1024xi32, #tpu.memory_space<vmem>>, vector<16xi32>,
    %reduce_sum3A_1305 = arith.constant true
    %reduce_sum3A_1306 = vector.broadcast %reduce_sum3A_1305 : i1 to vector<16xi1>
    %reduce_sum3A_1307 = tpu.scan <sum>, %get3A_1296 masked %reduce_sum3A_1306 : vector<16xi32>, vector<16xi1> -> vector<16xi32>
    %reduce_sum3A_1308 = vector.extract %reduce_sum3A_1307[15] : i32 from vector<16xi32>
    %add3A_1309 = arith.addi %add3A_1294, %reduce_sum3A_1308 : i32
    %get3A_1310 = arith.constant 192 : index
    %get3A_1311 = tpu.vector_load %arg9[%get3A_1310] {strides = array<i32>} : memref<1024xi32, #tpu.memory_space<vmem>>, vector<16xi32>,
    %broadcast_in_dim3A_1312 = arith.constant true
    %broadcast_in_dim3A_1313 = vector.broadcast %broadcast_in_dim3A_1312 : i1 to vector<16xi1>
    %masked_cumsum3A_1314 = tpu.scan <sum>, %get3A_1311 masked %broadcast_in_dim3A_1313 : vector<16xi32>, vector<16xi1> -> vector<16xi32>
    %sub3A_1315 = arith.subi %masked_cumsum3A_1314, %get3A_1311 : vector<16xi32>
    %add3A_1316 = vector.broadcast %add3A_1309 : i32 to vector<16xi32>
    %add3A_1317 = arith.addi %sub3A_1315, %add3A_1316 : vector<16xi32>
    %swap3A_1318 = arith.constant 192 : index
    %swap3A_1319 = tpu.vector_load %arg10[%swap3A_1318] {strides = array<i32>} : memref<1024xi32, #tpu.memory_space<vmem>>, vector<16xi32>,
    tpu.vector_store %arg10[%swap3A_1318], %add3A_1317 {strides = array<i32>} : memref<1024xi32, #tpu.memory_space<vmem>>, vector<16xi32>,
    %reduce_sum3A_1320 = arith.constant true
    %reduce_sum3A_1321 = vector.broadcast %reduce_sum3A_1320 : i1 to vector<16xi1>
    %reduce_sum3A_1322 = tpu.scan <sum>, %get3A_1311 masked %reduce_sum3A_1321 : vector<16xi32>, vector<16xi1> -> vector<16xi32>
    %reduce_sum3A_1323 = vector.extract %reduce_sum3A_1322[15] : i32 from vector<16xi32>
    %add3A_1324 = arith.addi %add3A_1309, %reduce_sum3A_1323 : i32
    %get3A_1325 = arith.constant 208 : index
    %get3A_1326 = tpu.vector_load %arg9[%get3A_1325] {strides = array<i32>} : memref<1024xi32, #tpu.memory_space<vmem>>, vector<16xi32>,
    %broadcast_in_dim3A_1327 = arith.constant true
    %broadcast_in_dim3A_1328 = vector.broadcast %broadcast_in_dim3A_1327 : i1 to vector<16xi1>
    %masked_cumsum3A_1329 = tpu.scan <sum>, %get3A_1326 masked %broadcast_in_dim3A_1328 : vector<16xi32>, vector<16xi1> -> vector<16xi32>
    %sub3A_1330 = arith.subi %masked_cumsum3A_1329, %get3A_1326 : vector<16xi32>
    %add3A_1331 = vector.broadcast %add3A_1324 : i32 to vector<16xi32>
    %add3A_1332 = arith.addi %sub3A_1330, %add3A_1331 : vector<16xi32>
    %swap3A_1333 = arith.constant 208 : index
    %swap3A_1334 = tpu.vector_load %arg10[%swap3A_1333] {strides = array<i32>} : memref<1024xi32, #tpu.memory_space<vmem>>, vector<16xi32>,
    tpu.vector_store %arg10[%swap3A_1333], %add3A_1332 {strides = array<i32>} : memref<1024xi32, #tpu.memory_space<vmem>>, vector<16xi32>,
    %reduce_sum3A_1335 = arith.constant true
    %reduce_sum3A_1336 = vector.broadcast %reduce_sum3A_1335 : i1 to vector<16xi1>
    %reduce_sum3A_1337 = tpu.scan <sum>, %get3A_1326 masked %reduce_sum3A_1336 : vector<16xi32>, vector<16xi1> -> vector<16xi32>
    %reduce_sum3A_1338 = vector.extract %reduce_sum3A_1337[15] : i32 from vector<16xi32>
    %add3A_1339 = arith.addi %add3A_1324, %reduce_sum3A_1338 : i32
    %get3A_1340 = arith.constant 224 : index
    %get3A_1341 = tpu.vector_load %arg9[%get3A_1340] {strides = array<i32>} : memref<1024xi32, #tpu.memory_space<vmem>>, vector<16xi32>,
    %broadcast_in_dim3A_1342 = arith.constant true
    %broadcast_in_dim3A_1343 = vector.broadcast %broadcast_in_dim3A_1342 : i1 to vector<16xi1>
    %masked_cumsum3A_1344 = tpu.scan <sum>, %get3A_1341 masked %broadcast_in_dim3A_1343 : vector<16xi32>, vector<16xi1> -> vector<16xi32>
    %sub3A_1345 = arith.subi %masked_cumsum3A_1344, %get3A_1341 : vector<16xi32>
    %add3A_1346 = vector.broadcast %add3A_1339 : i32 to vector<16xi32>
    %add3A_1347 = arith.addi %sub3A_1345, %add3A_1346 : vector<16xi32>
    %swap3A_1348 = arith.constant 224 : index
    %swap3A_1349 = tpu.vector_load %arg10[%swap3A_1348] {strides = array<i32>} : memref<1024xi32, #tpu.memory_space<vmem>>, vector<16xi32>,
    tpu.vector_store %arg10[%swap3A_1348], %add3A_1347 {strides = array<i32>} : memref<1024xi32, #tpu.memory_space<vmem>>, vector<16xi32>,
    %reduce_sum3A_1350 = arith.constant true
    %reduce_sum3A_1351 = vector.broadcast %reduce_sum3A_1350 : i1 to vector<16xi1>
    %reduce_sum3A_1352 = tpu.scan <sum>, %get3A_1341 masked %reduce_sum3A_1351 : vector<16xi32>, vector<16xi1> -> vector<16xi32>
    %reduce_sum3A_1353 = vector.extract %reduce_sum3A_1352[15] : i32 from vector<16xi32>
    %add3A_1354 = arith.addi %add3A_1339, %reduce_sum3A_1353 : i32
    %get3A_1355 = arith.constant 240 : index
    %get3A_1356 = tpu.vector_load %arg9[%get3A_1355] {strides = array<i32>} : memref<1024xi32, #tpu.memory_space<vmem>>, vector<16xi32>,
    %broadcast_in_dim3A_1357 = arith.constant true
    %broadcast_in_dim3A_1358 = vector.broadcast %broadcast_in_dim3A_1357 : i1 to vector<16xi1>
    %masked_cumsum3A_1359 = tpu.scan <sum>, %get3A_1356 masked %broadcast_in_dim3A_1358 : vector<16xi32>, vector<16xi1> -> vector<16xi32>
    %sub3A_1360 = arith.subi %masked_cumsum3A_1359, %get3A_1356 : vector<16xi32>
    %add3A_1361 = vector.broadcast %add3A_1354 : i32 to vector<16xi32>
    %add3A_1362 = arith.addi %sub3A_1360, %add3A_1361 : vector<16xi32>
    %swap3A_1363 = arith.constant 240 : index
    %swap3A_1364 = tpu.vector_load %arg10[%swap3A_1363] {strides = array<i32>} : memref<1024xi32, #tpu.memory_space<vmem>>, vector<16xi32>,
    tpu.vector_store %arg10[%swap3A_1363], %add3A_1362 {strides = array<i32>} : memref<1024xi32, #tpu.memory_space<vmem>>, vector<16xi32>,
    %reduce_sum3A_1365 = arith.constant true
    %reduce_sum3A_1366 = vector.broadcast %reduce_sum3A_1365 : i1 to vector<16xi1>
    %reduce_sum3A_1367 = tpu.scan <sum>, %get3A_1356 masked %reduce_sum3A_1366 : vector<16xi32>, vector<16xi1> -> vector<16xi32>
    %reduce_sum3A_1368 = vector.extract %reduce_sum3A_1367[15] : i32 from vector<16xi32>
    %add3A_1369 = arith.addi %add3A_1354, %reduce_sum3A_1368 : i32
    %get3A_1370 = arith.constant 256 : index
    %get3A_1371 = tpu.vector_load %arg9[%get3A_1370] {strides = array<i32>} : memref<1024xi32, #tpu.memory_space<vmem>>, vector<16xi32>,
    %broadcast_in_dim3A_1372 = arith.constant true
    %broadcast_in_dim3A_1373 = vector.broadcast %broadcast_in_dim3A_1372 : i1 to vector<16xi1>
    %masked_cumsum3A_1374 = tpu.scan <sum>, %get3A_1371 masked %broadcast_in_dim3A_1373 : vector<16xi32>, vector<16xi1> -> vector<16xi32>
    %sub3A_1375 = arith.subi %masked_cumsum3A_1374, %get3A_1371 : vector<16xi32>
    %add3A_1376 = vector.broadcast %add3A_1369 : i32 to vector<16xi32>
    %add3A_1377 = arith.addi %sub3A_1375, %add3A_1376 : vector<16xi32>
    %swap3A_1378 = arith.constant 256 : index
    %swap3A_1379 = tpu.vector_load %arg10[%swap3A_1378] {strides = array<i32>} : memref<1024xi32, #tpu.memory_space<vmem>>, vector<16xi32>,
    tpu.vector_store %arg10[%swap3A_1378], %add3A_1377 {strides = array<i32>} : memref<1024xi32, #tpu.memory_space<vmem>>, vector<16xi32>,
    %reduce_sum3A_1380 = arith.constant true
    %reduce_sum3A_1381 = vector.broadcast %reduce_sum3A_1380 : i1 to vector<16xi1>
    %reduce_sum3A_1382 = tpu.scan <sum>, %get3A_1371 masked %reduce_sum3A_1381 : vector<16xi32>, vector<16xi1> -> vector<16xi32>
    %reduce_sum3A_1383 = vector.extract %reduce_sum3A_1382[15] : i32 from vector<16xi32>
    %add3A_1384 = arith.addi %add3A_1369, %reduce_sum3A_1383 : i32
    %get3A_1385 = arith.constant 272 : index
    %get3A_1386 = tpu.vector_load %arg9[%get3A_1385] {strides = array<i32>} : memref<1024xi32, #tpu.memory_space<vmem>>, vector<16xi32>,
    %broadcast_in_dim3A_1387 = arith.constant true
    %broadcast_in_dim3A_1388 = vector.broadcast %broadcast_in_dim3A_1387 : i1 to vector<16xi1>
    %masked_cumsum3A_1389 = tpu.scan <sum>, %get3A_1386 masked %broadcast_in_dim3A_1388 : vector<16xi32>, vector<16xi1> -> vector<16xi32>
    %sub3A_1390 = arith.subi %masked_cumsum3A_1389, %get3A_1386 : vector<16xi32>
    %add3A_1391 = vector.broadcast %add3A_1384 : i32 to vector<16xi32>
    %add3A_1392 = arith.addi %sub3A_1390, %add3A_1391 : vector<16xi32>
    %swap3A_1393 = arith.constant 272 : index
    %swap3A_1394 = tpu.vector_load %arg10[%swap3A_1393] {strides = array<i32>} : memref<1024xi32, #tpu.memory_space<vmem>>, vector<16xi32>,
    tpu.vector_store %arg10[%swap3A_1393], %add3A_1392 {strides = array<i32>} : memref<1024xi32, #tpu.memory_space<vmem>>, vector<16xi32>,
    %reduce_sum3A_1395 = arith.constant true
    %reduce_sum3A_1396 = vector.broadcast %reduce_sum3A_1395 : i1 to vector<16xi1>
    %reduce_sum3A_1397 = tpu.scan <sum>, %get3A_1386 masked %reduce_sum3A_1396 : vector<16xi32>, vector<16xi1> -> vector<16xi32>
    %reduce_sum3A_1398 = vector.extract %reduce_sum3A_1397[15] : i32 from vector<16xi32>
    %add3A_1399 = arith.addi %add3A_1384, %reduce_sum3A_1398 : i32
    %get3A_1400 = arith.constant 288 : index
    %get3A_1401 = tpu.vector_load %arg9[%get3A_1400] {strides = array<i32>} : memref<1024xi32, #tpu.memory_space<vmem>>, vector<16xi32>,
    %broadcast_in_dim3A_1402 = arith.constant true
    %broadcast_in_dim3A_1403 = vector.broadcast %broadcast_in_dim3A_1402 : i1 to vector<16xi1>
    %masked_cumsum3A_1404 = tpu.scan <sum>, %get3A_1401 masked %broadcast_in_dim3A_1403 : vector<16xi32>, vector<16xi1> -> vector<16xi32>
    %sub3A_1405 = arith.subi %masked_cumsum3A_1404, %get3A_1401 : vector<16xi32>
    %add3A_1406 = vector.broadcast %add3A_1399 : i32 to vector<16xi32>
    %add3A_1407 = arith.addi %sub3A_1405, %add3A_1406 : vector<16xi32>
    %swap3A_1408 = arith.constant 288 : index
    %swap3A_1409 = tpu.vector_load %arg10[%swap3A_1408] {strides = array<i32>} : memref<1024xi32, #tpu.memory_space<vmem>>, vector<16xi32>,
    tpu.vector_store %arg10[%swap3A_1408], %add3A_1407 {strides = array<i32>} : memref<1024xi32, #tpu.memory_space<vmem>>, vector<16xi32>,
    %reduce_sum3A_1410 = arith.constant true
    %reduce_sum3A_1411 = vector.broadcast %reduce_sum3A_1410 : i1 to vector<16xi1>
    %reduce_sum3A_1412 = tpu.scan <sum>, %get3A_1401 masked %reduce_sum3A_1411 : vector<16xi32>, vector<16xi1> -> vector<16xi32>
    %reduce_sum3A_1413 = vector.extract %reduce_sum3A_1412[15] : i32 from vector<16xi32>
    %add3A_1414 = arith.addi %add3A_1399, %reduce_sum3A_1413 : i32
    %get3A_1415 = arith.constant 304 : index
    %get3A_1416 = tpu.vector_load %arg9[%get3A_1415] {strides = array<i32>} : memref<1024xi32, #tpu.memory_space<vmem>>, vector<16xi32>,
    %broadcast_in_dim3A_1417 = arith.constant true
    %broadcast_in_dim3A_1418 = vector.broadcast %broadcast_in_dim3A_1417 : i1 to vector<16xi1>
    %masked_cumsum3A_1419 = tpu.scan <sum>, %get3A_1416 masked %broadcast_in_dim3A_1418 : vector<16xi32>, vector<16xi1> -> vector<16xi32>
    %sub3A_1420 = arith.subi %masked_cumsum3A_1419, %get3A_1416 : vector<16xi32>
    %add3A_1421 = vector.broadcast %add3A_1414 : i32 to vector<16xi32>
    %add3A_1422 = arith.addi %sub3A_1420, %add3A_1421 : vector<16xi32>
    %swap3A_1423 = arith.constant 304 : index
    %swap3A_1424 = tpu.vector_load %arg10[%swap3A_1423] {strides = array<i32>} : memref<1024xi32, #tpu.memory_space<vmem>>, vector<16xi32>,
    tpu.vector_store %arg10[%swap3A_1423], %add3A_1422 {strides = array<i32>} : memref<1024xi32, #tpu.memory_space<vmem>>, vector<16xi32>,
    %reduce_sum3A_1425 = arith.constant true
    %reduce_sum3A_1426 = vector.broadcast %reduce_sum3A_1425 : i1 to vector<16xi1>
    %reduce_sum3A_1427 = tpu.scan <sum>, %get3A_1416 masked %reduce_sum3A_1426 : vector<16xi32>, vector<16xi1> -> vector<16xi32>
    %reduce_sum3A_1428 = vector.extract %reduce_sum3A_1427[15] : i32 from vector<16xi32>
    %add3A_1429 = arith.addi %add3A_1414, %reduce_sum3A_1428 : i32
    %get3A_1430 = arith.constant 320 : index
    %get3A_1431 = tpu.vector_load %arg9[%get3A_1430] {strides = array<i32>} : memref<1024xi32, #tpu.memory_space<vmem>>, vector<16xi32>,
    %broadcast_in_dim3A_1432 = arith.constant true
    %broadcast_in_dim3A_1433 = vector.broadcast %broadcast_in_dim3A_1432 : i1 to vector<16xi1>
    %masked_cumsum3A_1434 = tpu.scan <sum>, %get3A_1431 masked %broadcast_in_dim3A_1433 : vector<16xi32>, vector<16xi1> -> vector<16xi32>
    %sub3A_1435 = arith.subi %masked_cumsum3A_1434, %get3A_1431 : vector<16xi32>
    %add3A_1436 = vector.broadcast %add3A_1429 : i32 to vector<16xi32>
    %add3A_1437 = arith.addi %sub3A_1435, %add3A_1436 : vector<16xi32>
    %swap3A_1438 = arith.constant 320 : index
    %swap3A_1439 = tpu.vector_load %arg10[%swap3A_1438] {strides = array<i32>} : memref<1024xi32, #tpu.memory_space<vmem>>, vector<16xi32>,
    tpu.vector_store %arg10[%swap3A_1438], %add3A_1437 {strides = array<i32>} : memref<1024xi32, #tpu.memory_space<vmem>>, vector<16xi32>,
    %reduce_sum3A_1440 = arith.constant true
    %reduce_sum3A_1441 = vector.broadcast %reduce_sum3A_1440 : i1 to vector<16xi1>
    %reduce_sum3A_1442 = tpu.scan <sum>, %get3A_1431 masked %reduce_sum3A_1441 : vector<16xi32>, vector<16xi1> -> vector<16xi32>
    %reduce_sum3A_1443 = vector.extract %reduce_sum3A_1442[15] : i32 from vector<16xi32>
    %add3A_1444 = arith.addi %add3A_1429, %reduce_sum3A_1443 : i32
    %get3A_1445 = arith.constant 336 : index
    %get3A_1446 = tpu.vector_load %arg9[%get3A_1445] {strides = array<i32>} : memref<1024xi32, #tpu.memory_space<vmem>>, vector<16xi32>,
    %broadcast_in_dim3A_1447 = arith.constant true
    %broadcast_in_dim3A_1448 = vector.broadcast %broadcast_in_dim3A_1447 : i1 to vector<16xi1>
    %masked_cumsum3A_1449 = tpu.scan <sum>, %get3A_1446 masked %broadcast_in_dim3A_1448 : vector<16xi32>, vector<16xi1> -> vector<16xi32>
    %sub3A_1450 = arith.subi %masked_cumsum3A_1449, %get3A_1446 : vector<16xi32>
    %add3A_1451 = vector.broadcast %add3A_1444 : i32 to vector<16xi32>
    %add3A_1452 = arith.addi %sub3A_1450, %add3A_1451 : vector<16xi32>
    %swap3A_1453 = arith.constant 336 : index
    %swap3A_1454 = tpu.vector_load %arg10[%swap3A_1453] {strides = array<i32>} : memref<1024xi32, #tpu.memory_space<vmem>>, vector<16xi32>,
    tpu.vector_store %arg10[%swap3A_1453], %add3A_1452 {strides = array<i32>} : memref<1024xi32, #tpu.memory_space<vmem>>, vector<16xi32>,
    %reduce_sum3A_1455 = arith.constant true
    %reduce_sum3A_1456 = vector.broadcast %reduce_sum3A_1455 : i1 to vector<16xi1>
    %reduce_sum3A_1457 = tpu.scan <sum>, %get3A_1446 masked %reduce_sum3A_1456 : vector<16xi32>, vector<16xi1> -> vector<16xi32>
    %reduce_sum3A_1458 = vector.extract %reduce_sum3A_1457[15] : i32 from vector<16xi32>
    %add3A_1459 = arith.addi %add3A_1444, %reduce_sum3A_1458 : i32
    %get3A_1460 = arith.constant 352 : index
    %get3A_1461 = tpu.vector_load %arg9[%get3A_1460] {strides = array<i32>} : memref<1024xi32, #tpu.memory_space<vmem>>, vector<16xi32>,
    %broadcast_in_dim3A_1462 = arith.constant true
    %broadcast_in_dim3A_1463 = vector.broadcast %broadcast_in_dim3A_1462 : i1 to vector<16xi1>
    %masked_cumsum3A_1464 = tpu.scan <sum>, %get3A_1461 masked %broadcast_in_dim3A_1463 : vector<16xi32>, vector<16xi1> -> vector<16xi32>
    %sub3A_1465 = arith.subi %masked_cumsum3A_1464, %get3A_1461 : vector<16xi32>
    %add3A_1466 = vector.broadcast %add3A_1459 : i32 to vector<16xi32>
    %add3A_1467 = arith.addi %sub3A_1465, %add3A_1466 : vector<16xi32>
    %swap3A_1468 = arith.constant 352 : index
    %swap3A_1469 = tpu.vector_load %arg10[%swap3A_1468] {strides = array<i32>} : memref<1024xi32, #tpu.memory_space<vmem>>, vector<16xi32>,
    tpu.vector_store %arg10[%swap3A_1468], %add3A_1467 {strides = array<i32>} : memref<1024xi32, #tpu.memory_space<vmem>>, vector<16xi32>,
    %reduce_sum3A_1470 = arith.constant true
    %reduce_sum3A_1471 = vector.broadcast %reduce_sum3A_1470 : i1 to vector<16xi1>
    %reduce_sum3A_1472 = tpu.scan <sum>, %get3A_1461 masked %reduce_sum3A_1471 : vector<16xi32>, vector<16xi1> -> vector<16xi32>
    %reduce_sum3A_1473 = vector.extract %reduce_sum3A_1472[15] : i32 from vector<16xi32>
    %add3A_1474 = arith.addi %add3A_1459, %reduce_sum3A_1473 : i32
    %get3A_1475 = arith.constant 368 : index
    %get3A_1476 = tpu.vector_load %arg9[%get3A_1475] {strides = array<i32>} : memref<1024xi32, #tpu.memory_space<vmem>>, vector<16xi32>,
    %broadcast_in_dim3A_1477 = arith.constant true
    %broadcast_in_dim3A_1478 = vector.broadcast %broadcast_in_dim3A_1477 : i1 to vector<16xi1>
    %masked_cumsum3A_1479 = tpu.scan <sum>, %get3A_1476 masked %broadcast_in_dim3A_1478 : vector<16xi32>, vector<16xi1> -> vector<16xi32>
    %sub3A_1480 = arith.subi %masked_cumsum3A_1479, %get3A_1476 : vector<16xi32>
    %add3A_1481 = vector.broadcast %add3A_1474 : i32 to vector<16xi32>
    %add3A_1482 = arith.addi %sub3A_1480, %add3A_1481 : vector<16xi32>
    %swap3A_1483 = arith.constant 368 : index
    %swap3A_1484 = tpu.vector_load %arg10[%swap3A_1483] {strides = array<i32>} : memref<1024xi32, #tpu.memory_space<vmem>>, vector<16xi32>,
    tpu.vector_store %arg10[%swap3A_1483], %add3A_1482 {strides = array<i32>} : memref<1024xi32, #tpu.memory_space<vmem>>, vector<16xi32>,
    %reduce_sum3A_1485 = arith.constant true
    %reduce_sum3A_1486 = vector.broadcast %reduce_sum3A_1485 : i1 to vector<16xi1>
    %reduce_sum3A_1487 = tpu.scan <sum>, %get3A_1476 masked %reduce_sum3A_1486 : vector<16xi32>, vector<16xi1> -> vector<16xi32>
    %reduce_sum3A_1488 = vector.extract %reduce_sum3A_1487[15] : i32 from vector<16xi32>
    %add3A_1489 = arith.addi %add3A_1474, %reduce_sum3A_1488 : i32
    %get3A_1490 = arith.constant 384 : index
    %get3A_1491 = tpu.vector_load %arg9[%get3A_1490] {strides = array<i32>} : memref<1024xi32, #tpu.memory_space<vmem>>, vector<16xi32>,
    %broadcast_in_dim3A_1492 = arith.constant true
    %broadcast_in_dim3A_1493 = vector.broadcast %broadcast_in_dim3A_1492 : i1 to vector<16xi1>
    %masked_cumsum3A_1494 = tpu.scan <sum>, %get3A_1491 masked %broadcast_in_dim3A_1493 : vector<16xi32>, vector<16xi1> -> vector<16xi32>
    %sub3A_1495 = arith.subi %masked_cumsum3A_1494, %get3A_1491 : vector<16xi32>
    %add3A_1496 = vector.broadcast %add3A_1489 : i32 to vector<16xi32>
    %add3A_1497 = arith.addi %sub3A_1495, %add3A_1496 : vector<16xi32>
    %swap3A_1498 = arith.constant 384 : index
    %swap3A_1499 = tpu.vector_load %arg10[%swap3A_1498] {strides = array<i32>} : memref<1024xi32, #tpu.memory_space<vmem>>, vector<16xi32>,
    tpu.vector_store %arg10[%swap3A_1498], %add3A_1497 {strides = array<i32>} : memref<1024xi32, #tpu.memory_space<vmem>>, vector<16xi32>,
    %reduce_sum3A_1500 = arith.constant true
    %reduce_sum3A_1501 = vector.broadcast %reduce_sum3A_1500 : i1 to vector<16xi1>
    %reduce_sum3A_1502 = tpu.scan <sum>, %get3A_1491 masked %reduce_sum3A_1501 : vector<16xi32>, vector<16xi1> -> vector<16xi32>
    %reduce_sum3A_1503 = vector.extract %reduce_sum3A_1502[15] : i32 from vector<16xi32>
    %add3A_1504 = arith.addi %add3A_1489, %reduce_sum3A_1503 : i32
    %get3A_1505 = arith.constant 400 : index
    %get3A_1506 = tpu.vector_load %arg9[%get3A_1505] {strides = array<i32>} : memref<1024xi32, #tpu.memory_space<vmem>>, vector<16xi32>,
    %broadcast_in_dim3A_1507 = arith.constant true
    %broadcast_in_dim3A_1508 = vector.broadcast %broadcast_in_dim3A_1507 : i1 to vector<16xi1>
    %masked_cumsum3A_1509 = tpu.scan <sum>, %get3A_1506 masked %broadcast_in_dim3A_1508 : vector<16xi32>, vector<16xi1> -> vector<16xi32>
    %sub3A_1510 = arith.subi %masked_cumsum3A_1509, %get3A_1506 : vector<16xi32>
    %add3A_1511 = vector.broadcast %add3A_1504 : i32 to vector<16xi32>
    %add3A_1512 = arith.addi %sub3A_1510, %add3A_1511 : vector<16xi32>
    %swap3A_1513 = arith.constant 400 : index
    %swap3A_1514 = tpu.vector_load %arg10[%swap3A_1513] {strides = array<i32>} : memref<1024xi32, #tpu.memory_space<vmem>>, vector<16xi32>,
    tpu.vector_store %arg10[%swap3A_1513], %add3A_1512 {strides = array<i32>} : memref<1024xi32, #tpu.memory_space<vmem>>, vector<16xi32>,
    %reduce_sum3A_1515 = arith.constant true
    %reduce_sum3A_1516 = vector.broadcast %reduce_sum3A_1515 : i1 to vector<16xi1>
    %reduce_sum3A_1517 = tpu.scan <sum>, %get3A_1506 masked %reduce_sum3A_1516 : vector<16xi32>, vector<16xi1> -> vector<16xi32>
    %reduce_sum3A_1518 = vector.extract %reduce_sum3A_1517[15] : i32 from vector<16xi32>
    %add3A_1519 = arith.addi %add3A_1504, %reduce_sum3A_1518 : i32
    %get3A_1520 = arith.constant 416 : index
    %get3A_1521 = tpu.vector_load %arg9[%get3A_1520] {strides = array<i32>} : memref<1024xi32, #tpu.memory_space<vmem>>, vector<16xi32>,
    %broadcast_in_dim3A_1522 = arith.constant true
    %broadcast_in_dim3A_1523 = vector.broadcast %broadcast_in_dim3A_1522 : i1 to vector<16xi1>
    %masked_cumsum3A_1524 = tpu.scan <sum>, %get3A_1521 masked %broadcast_in_dim3A_1523 : vector<16xi32>, vector<16xi1> -> vector<16xi32>
    %sub3A_1525 = arith.subi %masked_cumsum3A_1524, %get3A_1521 : vector<16xi32>
    %add3A_1526 = vector.broadcast %add3A_1519 : i32 to vector<16xi32>
    %add3A_1527 = arith.addi %sub3A_1525, %add3A_1526 : vector<16xi32>
    %swap3A_1528 = arith.constant 416 : index
    %swap3A_1529 = tpu.vector_load %arg10[%swap3A_1528] {strides = array<i32>} : memref<1024xi32, #tpu.memory_space<vmem>>, vector<16xi32>,
    tpu.vector_store %arg10[%swap3A_1528], %add3A_1527 {strides = array<i32>} : memref<1024xi32, #tpu.memory_space<vmem>>, vector<16xi32>,
    %reduce_sum3A_1530 = arith.constant true
    %reduce_sum3A_1531 = vector.broadcast %reduce_sum3A_1530 : i1 to vector<16xi1>
    %reduce_sum3A_1532 = tpu.scan <sum>, %get3A_1521 masked %reduce_sum3A_1531 : vector<16xi32>, vector<16xi1> -> vector<16xi32>
    %reduce_sum3A_1533 = vector.extract %reduce_sum3A_1532[15] : i32 from vector<16xi32>
    %add3A_1534 = arith.addi %add3A_1519, %reduce_sum3A_1533 : i32
    %get3A_1535 = arith.constant 432 : index
    %get3A_1536 = tpu.vector_load %arg9[%get3A_1535] {strides = array<i32>} : memref<1024xi32, #tpu.memory_space<vmem>>, vector<16xi32>,
    %broadcast_in_dim3A_1537 = arith.constant true
    %broadcast_in_dim3A_1538 = vector.broadcast %broadcast_in_dim3A_1537 : i1 to vector<16xi1>
    %masked_cumsum3A_1539 = tpu.scan <sum>, %get3A_1536 masked %broadcast_in_dim3A_1538 : vector<16xi32>, vector<16xi1> -> vector<16xi32>
    %sub3A_1540 = arith.subi %masked_cumsum3A_1539, %get3A_1536 : vector<16xi32>
    %add3A_1541 = vector.broadcast %add3A_1534 : i32 to vector<16xi32>
    %add3A_1542 = arith.addi %sub3A_1540, %add3A_1541 : vector<16xi32>
    %swap3A_1543 = arith.constant 432 : index
    %swap3A_1544 = tpu.vector_load %arg10[%swap3A_1543] {strides = array<i32>} : memref<1024xi32, #tpu.memory_space<vmem>>, vector<16xi32>,
    tpu.vector_store %arg10[%swap3A_1543], %add3A_1542 {strides = array<i32>} : memref<1024xi32, #tpu.memory_space<vmem>>, vector<16xi32>,
    %reduce_sum3A_1545 = arith.constant true
    %reduce_sum3A_1546 = vector.broadcast %reduce_sum3A_1545 : i1 to vector<16xi1>
    %reduce_sum3A_1547 = tpu.scan <sum>, %get3A_1536 masked %reduce_sum3A_1546 : vector<16xi32>, vector<16xi1> -> vector<16xi32>
    %reduce_sum3A_1548 = vector.extract %reduce_sum3A_1547[15] : i32 from vector<16xi32>
    %add3A_1549 = arith.addi %add3A_1534, %reduce_sum3A_1548 : i32
    %get3A_1550 = arith.constant 448 : index
    %get3A_1551 = tpu.vector_load %arg9[%get3A_1550] {strides = array<i32>} : memref<1024xi32, #tpu.memory_space<vmem>>, vector<16xi32>,
    %broadcast_in_dim3A_1552 = arith.constant true
    %broadcast_in_dim3A_1553 = vector.broadcast %broadcast_in_dim3A_1552 : i1 to vector<16xi1>
    %masked_cumsum3A_1554 = tpu.scan <sum>, %get3A_1551 masked %broadcast_in_dim3A_1553 : vector<16xi32>, vector<16xi1> -> vector<16xi32>
    %sub3A_1555 = arith.subi %masked_cumsum3A_1554, %get3A_1551 : vector<16xi32>
    %add3A_1556 = vector.broadcast %add3A_1549 : i32 to vector<16xi32>
    %add3A_1557 = arith.addi %sub3A_1555, %add3A_1556 : vector<16xi32>
    %swap3A_1558 = arith.constant 448 : index
    %swap3A_1559 = tpu.vector_load %arg10[%swap3A_1558] {strides = array<i32>} : memref<1024xi32, #tpu.memory_space<vmem>>, vector<16xi32>,
    tpu.vector_store %arg10[%swap3A_1558], %add3A_1557 {strides = array<i32>} : memref<1024xi32, #tpu.memory_space<vmem>>, vector<16xi32>,
    %reduce_sum3A_1560 = arith.constant true
    %reduce_sum3A_1561 = vector.broadcast %reduce_sum3A_1560 : i1 to vector<16xi1>
    %reduce_sum3A_1562 = tpu.scan <sum>, %get3A_1551 masked %reduce_sum3A_1561 : vector<16xi32>, vector<16xi1> -> vector<16xi32>
    %reduce_sum3A_1563 = vector.extract %reduce_sum3A_1562[15] : i32 from vector<16xi32>
    %add3A_1564 = arith.addi %add3A_1549, %reduce_sum3A_1563 : i32
    %get3A_1565 = arith.constant 464 : index
    %get3A_1566 = tpu.vector_load %arg9[%get3A_1565] {strides = array<i32>} : memref<1024xi32, #tpu.memory_space<vmem>>, vector<16xi32>,
    %broadcast_in_dim3A_1567 = arith.constant true
    %broadcast_in_dim3A_1568 = vector.broadcast %broadcast_in_dim3A_1567 : i1 to vector<16xi1>
    %masked_cumsum3A_1569 = tpu.scan <sum>, %get3A_1566 masked %broadcast_in_dim3A_1568 : vector<16xi32>, vector<16xi1> -> vector<16xi32>
    %sub3A_1570 = arith.subi %masked_cumsum3A_1569, %get3A_1566 : vector<16xi32>
    %add3A_1571 = vector.broadcast %add3A_1564 : i32 to vector<16xi32>
    %add3A_1572 = arith.addi %sub3A_1570, %add3A_1571 : vector<16xi32>
    %swap3A_1573 = arith.constant 464 : index
    %swap3A_1574 = tpu.vector_load %arg10[%swap3A_1573] {strides = array<i32>} : memref<1024xi32, #tpu.memory_space<vmem>>, vector<16xi32>,
    tpu.vector_store %arg10[%swap3A_1573], %add3A_1572 {strides = array<i32>} : memref<1024xi32, #tpu.memory_space<vmem>>, vector<16xi32>,
    %reduce_sum3A_1575 = arith.constant true
    %reduce_sum3A_1576 = vector.broadcast %reduce_sum3A_1575 : i1 to vector<16xi1>
    %reduce_sum3A_1577 = tpu.scan <sum>, %get3A_1566 masked %reduce_sum3A_1576 : vector<16xi32>, vector<16xi1> -> vector<16xi32>
    %reduce_sum3A_1578 = vector.extract %reduce_sum3A_1577[15] : i32 from vector<16xi32>
    %add3A_1579 = arith.addi %add3A_1564, %reduce_sum3A_1578 : i32
    %get3A_1580 = arith.constant 480 : index
    %get3A_1581 = tpu.vector_load %arg9[%get3A_1580] {strides = array<i32>} : memref<1024xi32, #tpu.memory_space<vmem>>, vector<16xi32>,
    %broadcast_in_dim3A_1582 = arith.constant true
    %broadcast_in_dim3A_1583 = vector.broadcast %broadcast_in_dim3A_1582 : i1 to vector<16xi1>
    %masked_cumsum3A_1584 = tpu.scan <sum>, %get3A_1581 masked %broadcast_in_dim3A_1583 : vector<16xi32>, vector<16xi1> -> vector<16xi32>
    %sub3A_1585 = arith.subi %masked_cumsum3A_1584, %get3A_1581 : vector<16xi32>
    %add3A_1586 = vector.broadcast %add3A_1579 : i32 to vector<16xi32>
    %add3A_1587 = arith.addi %sub3A_1585, %add3A_1586 : vector<16xi32>
    %swap3A_1588 = arith.constant 480 : index
    %swap3A_1589 = tpu.vector_load %arg10[%swap3A_1588] {strides = array<i32>} : memref<1024xi32, #tpu.memory_space<vmem>>, vector<16xi32>,
    tpu.vector_store %arg10[%swap3A_1588], %add3A_1587 {strides = array<i32>} : memref<1024xi32, #tpu.memory_space<vmem>>, vector<16xi32>,
    %reduce_sum3A_1590 = arith.constant true
    %reduce_sum3A_1591 = vector.broadcast %reduce_sum3A_1590 : i1 to vector<16xi1>
    %reduce_sum3A_1592 = tpu.scan <sum>, %get3A_1581 masked %reduce_sum3A_1591 : vector<16xi32>, vector<16xi1> -> vector<16xi32>
    %reduce_sum3A_1593 = vector.extract %reduce_sum3A_1592[15] : i32 from vector<16xi32>
    %add3A_1594 = arith.addi %add3A_1579, %reduce_sum3A_1593 : i32
    %get3A_1595 = arith.constant 496 : index
    %get3A_1596 = tpu.vector_load %arg9[%get3A_1595] {strides = array<i32>} : memref<1024xi32, #tpu.memory_space<vmem>>, vector<16xi32>,
    %broadcast_in_dim3A_1597 = arith.constant true
    %broadcast_in_dim3A_1598 = vector.broadcast %broadcast_in_dim3A_1597 : i1 to vector<16xi1>
    %masked_cumsum3A_1599 = tpu.scan <sum>, %get3A_1596 masked %broadcast_in_dim3A_1598 : vector<16xi32>, vector<16xi1> -> vector<16xi32>
    %sub3A_1600 = arith.subi %masked_cumsum3A_1599, %get3A_1596 : vector<16xi32>
    %add3A_1601 = vector.broadcast %add3A_1594 : i32 to vector<16xi32>
    %add3A_1602 = arith.addi %sub3A_1600, %add3A_1601 : vector<16xi32>
    %swap3A_1603 = arith.constant 496 : index
    %swap3A_1604 = tpu.vector_load %arg10[%swap3A_1603] {strides = array<i32>} : memref<1024xi32, #tpu.memory_space<vmem>>, vector<16xi32>,
    tpu.vector_store %arg10[%swap3A_1603], %add3A_1602 {strides = array<i32>} : memref<1024xi32, #tpu.memory_space<vmem>>, vector<16xi32>,
    %reduce_sum3A_1605 = arith.constant true
    %reduce_sum3A_1606 = vector.broadcast %reduce_sum3A_1605 : i1 to vector<16xi1>
    %reduce_sum3A_1607 = tpu.scan <sum>, %get3A_1596 masked %reduce_sum3A_1606 : vector<16xi32>, vector<16xi1> -> vector<16xi32>
    %reduce_sum3A_1608 = vector.extract %reduce_sum3A_1607[15] : i32 from vector<16xi32>
    %add3A_1609 = arith.addi %add3A_1594, %reduce_sum3A_1608 : i32
    %get3A_1610 = arith.constant 512 : index
    %get3A_1611 = tpu.vector_load %arg9[%get3A_1610] {strides = array<i32>} : memref<1024xi32, #tpu.memory_space<vmem>>, vector<16xi32>,
    %broadcast_in_dim3A_1612 = arith.constant true
    %broadcast_in_dim3A_1613 = vector.broadcast %broadcast_in_dim3A_1612 : i1 to vector<16xi1>
    %masked_cumsum3A_1614 = tpu.scan <sum>, %get3A_1611 masked %broadcast_in_dim3A_1613 : vector<16xi32>, vector<16xi1> -> vector<16xi32>
    %sub3A_1615 = arith.subi %masked_cumsum3A_1614, %get3A_1611 : vector<16xi32>
    %add3A_1616 = vector.broadcast %add3A_1609 : i32 to vector<16xi32>
    %add3A_1617 = arith.addi %sub3A_1615, %add3A_1616 : vector<16xi32>
    %swap3A_1618 = arith.constant 512 : index
    %swap3A_1619 = tpu.vector_load %arg10[%swap3A_1618] {strides = array<i32>} : memref<1024xi32, #tpu.memory_space<vmem>>, vector<16xi32>,
    tpu.vector_store %arg10[%swap3A_1618], %add3A_1617 {strides = array<i32>} : memref<1024xi32, #tpu.memory_space<vmem>>, vector<16xi32>,
    %reduce_sum3A_1620 = arith.constant true
    %reduce_sum3A_1621 = vector.broadcast %reduce_sum3A_1620 : i1 to vector<16xi1>
    %reduce_sum3A_1622 = tpu.scan <sum>, %get3A_1611 masked %reduce_sum3A_1621 : vector<16xi32>, vector<16xi1> -> vector<16xi32>
    %reduce_sum3A_1623 = vector.extract %reduce_sum3A_1622[15] : i32 from vector<16xi32>
    %add3A_1624 = arith.addi %add3A_1609, %reduce_sum3A_1623 : i32
    %get3A_1625 = arith.constant 528 : index
    %get3A_1626 = tpu.vector_load %arg9[%get3A_1625] {strides = array<i32>} : memref<1024xi32, #tpu.memory_space<vmem>>, vector<16xi32>,
    %broadcast_in_dim3A_1627 = arith.constant true
    %broadcast_in_dim3A_1628 = vector.broadcast %broadcast_in_dim3A_1627 : i1 to vector<16xi1>
    %masked_cumsum3A_1629 = tpu.scan <sum>, %get3A_1626 masked %broadcast_in_dim3A_1628 : vector<16xi32>, vector<16xi1> -> vector<16xi32>
    %sub3A_1630 = arith.subi %masked_cumsum3A_1629, %get3A_1626 : vector<16xi32>
    %add3A_1631 = vector.broadcast %add3A_1624 : i32 to vector<16xi32>
    %add3A_1632 = arith.addi %sub3A_1630, %add3A_1631 : vector<16xi32>
    %swap3A_1633 = arith.constant 528 : index
    %swap3A_1634 = tpu.vector_load %arg10[%swap3A_1633] {strides = array<i32>} : memref<1024xi32, #tpu.memory_space<vmem>>, vector<16xi32>,
    tpu.vector_store %arg10[%swap3A_1633], %add3A_1632 {strides = array<i32>} : memref<1024xi32, #tpu.memory_space<vmem>>, vector<16xi32>,
    %reduce_sum3A_1635 = arith.constant true
    %reduce_sum3A_1636 = vector.broadcast %reduce_sum3A_1635 : i1 to vector<16xi1>
    %reduce_sum3A_1637 = tpu.scan <sum>, %get3A_1626 masked %reduce_sum3A_1636 : vector<16xi32>, vector<16xi1> -> vector<16xi32>
    %reduce_sum3A_1638 = vector.extract %reduce_sum3A_1637[15] : i32 from vector<16xi32>
    %add3A_1639 = arith.addi %add3A_1624, %reduce_sum3A_1638 : i32
    %get3A_1640 = arith.constant 544 : index
    %get3A_1641 = tpu.vector_load %arg9[%get3A_1640] {strides = array<i32>} : memref<1024xi32, #tpu.memory_space<vmem>>, vector<16xi32>,
    %broadcast_in_dim3A_1642 = arith.constant true
    %broadcast_in_dim3A_1643 = vector.broadcast %broadcast_in_dim3A_1642 : i1 to vector<16xi1>
    %masked_cumsum3A_1644 = tpu.scan <sum>, %get3A_1641 masked %broadcast_in_dim3A_1643 : vector<16xi32>, vector<16xi1> -> vector<16xi32>
    %sub3A_1645 = arith.subi %masked_cumsum3A_1644, %get3A_1641 : vector<16xi32>
    %add3A_1646 = vector.broadcast %add3A_1639 : i32 to vector<16xi32>
    %add3A_1647 = arith.addi %sub3A_1645, %add3A_1646 : vector<16xi32>
    %swap3A_1648 = arith.constant 544 : index
    %swap3A_1649 = tpu.vector_load %arg10[%swap3A_1648] {strides = array<i32>} : memref<1024xi32, #tpu.memory_space<vmem>>, vector<16xi32>,
    tpu.vector_store %arg10[%swap3A_1648], %add3A_1647 {strides = array<i32>} : memref<1024xi32, #tpu.memory_space<vmem>>, vector<16xi32>,
    %reduce_sum3A_1650 = arith.constant true
    %reduce_sum3A_1651 = vector.broadcast %reduce_sum3A_1650 : i1 to vector<16xi1>
    %reduce_sum3A_1652 = tpu.scan <sum>, %get3A_1641 masked %reduce_sum3A_1651 : vector<16xi32>, vector<16xi1> -> vector<16xi32>
    %reduce_sum3A_1653 = vector.extract %reduce_sum3A_1652[15] : i32 from vector<16xi32>
    %add3A_1654 = arith.addi %add3A_1639, %reduce_sum3A_1653 : i32
    %get3A_1655 = arith.constant 560 : index
    %get3A_1656 = tpu.vector_load %arg9[%get3A_1655] {strides = array<i32>} : memref<1024xi32, #tpu.memory_space<vmem>>, vector<16xi32>,
    %broadcast_in_dim3A_1657 = arith.constant true
    %broadcast_in_dim3A_1658 = vector.broadcast %broadcast_in_dim3A_1657 : i1 to vector<16xi1>
    %masked_cumsum3A_1659 = tpu.scan <sum>, %get3A_1656 masked %broadcast_in_dim3A_1658 : vector<16xi32>, vector<16xi1> -> vector<16xi32>
    %sub3A_1660 = arith.subi %masked_cumsum3A_1659, %get3A_1656 : vector<16xi32>
    %add3A_1661 = vector.broadcast %add3A_1654 : i32 to vector<16xi32>
    %add3A_1662 = arith.addi %sub3A_1660, %add3A_1661 : vector<16xi32>
    %swap3A_1663 = arith.constant 560 : index
    %swap3A_1664 = tpu.vector_load %arg10[%swap3A_1663] {strides = array<i32>} : memref<1024xi32, #tpu.memory_space<vmem>>, vector<16xi32>,
    tpu.vector_store %arg10[%swap3A_1663], %add3A_1662 {strides = array<i32>} : memref<1024xi32, #tpu.memory_space<vmem>>, vector<16xi32>,
    %reduce_sum3A_1665 = arith.constant true
    %reduce_sum3A_1666 = vector.broadcast %reduce_sum3A_1665 : i1 to vector<16xi1>
    %reduce_sum3A_1667 = tpu.scan <sum>, %get3A_1656 masked %reduce_sum3A_1666 : vector<16xi32>, vector<16xi1> -> vector<16xi32>
    %reduce_sum3A_1668 = vector.extract %reduce_sum3A_1667[15] : i32 from vector<16xi32>
    %add3A_1669 = arith.addi %add3A_1654, %reduce_sum3A_1668 : i32
    %get3A_1670 = arith.constant 576 : index
    %get3A_1671 = tpu.vector_load %arg9[%get3A_1670] {strides = array<i32>} : memref<1024xi32, #tpu.memory_space<vmem>>, vector<16xi32>,
    %broadcast_in_dim3A_1672 = arith.constant true
    %broadcast_in_dim3A_1673 = vector.broadcast %broadcast_in_dim3A_1672 : i1 to vector<16xi1>
    %masked_cumsum3A_1674 = tpu.scan <sum>, %get3A_1671 masked %broadcast_in_dim3A_1673 : vector<16xi32>, vector<16xi1> -> vector<16xi32>
    %sub3A_1675 = arith.subi %masked_cumsum3A_1674, %get3A_1671 : vector<16xi32>
    %add3A_1676 = vector.broadcast %add3A_1669 : i32 to vector<16xi32>
    %add3A_1677 = arith.addi %sub3A_1675, %add3A_1676 : vector<16xi32>
    %swap3A_1678 = arith.constant 576 : index
    %swap3A_1679 = tpu.vector_load %arg10[%swap3A_1678] {strides = array<i32>} : memref<1024xi32, #tpu.memory_space<vmem>>, vector<16xi32>,
    tpu.vector_store %arg10[%swap3A_1678], %add3A_1677 {strides = array<i32>} : memref<1024xi32, #tpu.memory_space<vmem>>, vector<16xi32>,
    %reduce_sum3A_1680 = arith.constant true
    %reduce_sum3A_1681 = vector.broadcast %reduce_sum3A_1680 : i1 to vector<16xi1>
    %reduce_sum3A_1682 = tpu.scan <sum>, %get3A_1671 masked %reduce_sum3A_1681 : vector<16xi32>, vector<16xi1> -> vector<16xi32>
    %reduce_sum3A_1683 = vector.extract %reduce_sum3A_1682[15] : i32 from vector<16xi32>
    %add3A_1684 = arith.addi %add3A_1669, %reduce_sum3A_1683 : i32
    %get3A_1685 = arith.constant 592 : index
    %get3A_1686 = tpu.vector_load %arg9[%get3A_1685] {strides = array<i32>} : memref<1024xi32, #tpu.memory_space<vmem>>, vector<16xi32>,
    %broadcast_in_dim3A_1687 = arith.constant true
    %broadcast_in_dim3A_1688 = vector.broadcast %broadcast_in_dim3A_1687 : i1 to vector<16xi1>
    %masked_cumsum3A_1689 = tpu.scan <sum>, %get3A_1686 masked %broadcast_in_dim3A_1688 : vector<16xi32>, vector<16xi1> -> vector<16xi32>
    %sub3A_1690 = arith.subi %masked_cumsum3A_1689, %get3A_1686 : vector<16xi32>
    %add3A_1691 = vector.broadcast %add3A_1684 : i32 to vector<16xi32>
    %add3A_1692 = arith.addi %sub3A_1690, %add3A_1691 : vector<16xi32>
    %swap3A_1693 = arith.constant 592 : index
    %swap3A_1694 = tpu.vector_load %arg10[%swap3A_1693] {strides = array<i32>} : memref<1024xi32, #tpu.memory_space<vmem>>, vector<16xi32>,
    tpu.vector_store %arg10[%swap3A_1693], %add3A_1692 {strides = array<i32>} : memref<1024xi32, #tpu.memory_space<vmem>>, vector<16xi32>,
    %reduce_sum3A_1695 = arith.constant true
    %reduce_sum3A_1696 = vector.broadcast %reduce_sum3A_1695 : i1 to vector<16xi1>
    %reduce_sum3A_1697 = tpu.scan <sum>, %get3A_1686 masked %reduce_sum3A_1696 : vector<16xi32>, vector<16xi1> -> vector<16xi32>
    %reduce_sum3A_1698 = vector.extract %reduce_sum3A_1697[15] : i32 from vector<16xi32>
    %add3A_1699 = arith.addi %add3A_1684, %reduce_sum3A_1698 : i32
    %get3A_1700 = arith.constant 608 : index
    %get3A_1701 = tpu.vector_load %arg9[%get3A_1700] {strides = array<i32>} : memref<1024xi32, #tpu.memory_space<vmem>>, vector<16xi32>,
    %broadcast_in_dim3A_1702 = arith.constant true
    %broadcast_in_dim3A_1703 = vector.broadcast %broadcast_in_dim3A_1702 : i1 to vector<16xi1>
    %masked_cumsum3A_1704 = tpu.scan <sum>, %get3A_1701 masked %broadcast_in_dim3A_1703 : vector<16xi32>, vector<16xi1> -> vector<16xi32>
    %sub3A_1705 = arith.subi %masked_cumsum3A_1704, %get3A_1701 : vector<16xi32>
    %add3A_1706 = vector.broadcast %add3A_1699 : i32 to vector<16xi32>
    %add3A_1707 = arith.addi %sub3A_1705, %add3A_1706 : vector<16xi32>
    %swap3A_1708 = arith.constant 608 : index
    %swap3A_1709 = tpu.vector_load %arg10[%swap3A_1708] {strides = array<i32>} : memref<1024xi32, #tpu.memory_space<vmem>>, vector<16xi32>,
    tpu.vector_store %arg10[%swap3A_1708], %add3A_1707 {strides = array<i32>} : memref<1024xi32, #tpu.memory_space<vmem>>, vector<16xi32>,
    %reduce_sum3A_1710 = arith.constant true
    %reduce_sum3A_1711 = vector.broadcast %reduce_sum3A_1710 : i1 to vector<16xi1>
    %reduce_sum3A_1712 = tpu.scan <sum>, %get3A_1701 masked %reduce_sum3A_1711 : vector<16xi32>, vector<16xi1> -> vector<16xi32>
    %reduce_sum3A_1713 = vector.extract %reduce_sum3A_1712[15] : i32 from vector<16xi32>
    %add3A_1714 = arith.addi %add3A_1699, %reduce_sum3A_1713 : i32
    %get3A_1715 = arith.constant 624 : index
    %get3A_1716 = tpu.vector_load %arg9[%get3A_1715] {strides = array<i32>} : memref<1024xi32, #tpu.memory_space<vmem>>, vector<16xi32>,
    %broadcast_in_dim3A_1717 = arith.constant true
    %broadcast_in_dim3A_1718 = vector.broadcast %broadcast_in_dim3A_1717 : i1 to vector<16xi1>
    %masked_cumsum3A_1719 = tpu.scan <sum>, %get3A_1716 masked %broadcast_in_dim3A_1718 : vector<16xi32>, vector<16xi1> -> vector<16xi32>
    %sub3A_1720 = arith.subi %masked_cumsum3A_1719, %get3A_1716 : vector<16xi32>
    %add3A_1721 = vector.broadcast %add3A_1714 : i32 to vector<16xi32>
    %add3A_1722 = arith.addi %sub3A_1720, %add3A_1721 : vector<16xi32>
    %swap3A_1723 = arith.constant 624 : index
    %swap3A_1724 = tpu.vector_load %arg10[%swap3A_1723] {strides = array<i32>} : memref<1024xi32, #tpu.memory_space<vmem>>, vector<16xi32>,
    tpu.vector_store %arg10[%swap3A_1723], %add3A_1722 {strides = array<i32>} : memref<1024xi32, #tpu.memory_space<vmem>>, vector<16xi32>,
    %reduce_sum3A_1725 = arith.constant true
    %reduce_sum3A_1726 = vector.broadcast %reduce_sum3A_1725 : i1 to vector<16xi1>
    %reduce_sum3A_1727 = tpu.scan <sum>, %get3A_1716 masked %reduce_sum3A_1726 : vector<16xi32>, vector<16xi1> -> vector<16xi32>
    %reduce_sum3A_1728 = vector.extract %reduce_sum3A_1727[15] : i32 from vector<16xi32>
    %add3A_1729 = arith.addi %add3A_1714, %reduce_sum3A_1728 : i32
    %get3A_1730 = arith.constant 640 : index
    %get3A_1731 = tpu.vector_load %arg9[%get3A_1730] {strides = array<i32>} : memref<1024xi32, #tpu.memory_space<vmem>>, vector<16xi32>,
    %broadcast_in_dim3A_1732 = arith.constant true
    %broadcast_in_dim3A_1733 = vector.broadcast %broadcast_in_dim3A_1732 : i1 to vector<16xi1>
    %masked_cumsum3A_1734 = tpu.scan <sum>, %get3A_1731 masked %broadcast_in_dim3A_1733 : vector<16xi32>, vector<16xi1> -> vector<16xi32>
    %sub3A_1735 = arith.subi %masked_cumsum3A_1734, %get3A_1731 : vector<16xi32>
    %add3A_1736 = vector.broadcast %add3A_1729 : i32 to vector<16xi32>
    %add3A_1737 = arith.addi %sub3A_1735, %add3A_1736 : vector<16xi32>
    %swap3A_1738 = arith.constant 640 : index
    %swap3A_1739 = tpu.vector_load %arg10[%swap3A_1738] {strides = array<i32>} : memref<1024xi32, #tpu.memory_space<vmem>>, vector<16xi32>,
    tpu.vector_store %arg10[%swap3A_1738], %add3A_1737 {strides = array<i32>} : memref<1024xi32, #tpu.memory_space<vmem>>, vector<16xi32>,
    %reduce_sum3A_1740 = arith.constant true
    %reduce_sum3A_1741 = vector.broadcast %reduce_sum3A_1740 : i1 to vector<16xi1>
    %reduce_sum3A_1742 = tpu.scan <sum>, %get3A_1731 masked %reduce_sum3A_1741 : vector<16xi32>, vector<16xi1> -> vector<16xi32>
    %reduce_sum3A_1743 = vector.extract %reduce_sum3A_1742[15] : i32 from vector<16xi32>
    %add3A_1744 = arith.addi %add3A_1729, %reduce_sum3A_1743 : i32
    %get3A_1745 = arith.constant 656 : index
    %get3A_1746 = tpu.vector_load %arg9[%get3A_1745] {strides = array<i32>} : memref<1024xi32, #tpu.memory_space<vmem>>, vector<16xi32>,
    %broadcast_in_dim3A_1747 = arith.constant true
    %broadcast_in_dim3A_1748 = vector.broadcast %broadcast_in_dim3A_1747 : i1 to vector<16xi1>
    %masked_cumsum3A_1749 = tpu.scan <sum>, %get3A_1746 masked %broadcast_in_dim3A_1748 : vector<16xi32>, vector<16xi1> -> vector<16xi32>
    %sub3A_1750 = arith.subi %masked_cumsum3A_1749, %get3A_1746 : vector<16xi32>
    %add3A_1751 = vector.broadcast %add3A_1744 : i32 to vector<16xi32>
    %add3A_1752 = arith.addi %sub3A_1750, %add3A_1751 : vector<16xi32>
    %swap3A_1753 = arith.constant 656 : index
    %swap3A_1754 = tpu.vector_load %arg10[%swap3A_1753] {strides = array<i32>} : memref<1024xi32, #tpu.memory_space<vmem>>, vector<16xi32>,
    tpu.vector_store %arg10[%swap3A_1753], %add3A_1752 {strides = array<i32>} : memref<1024xi32, #tpu.memory_space<vmem>>, vector<16xi32>,
    %reduce_sum3A_1755 = arith.constant true
    %reduce_sum3A_1756 = vector.broadcast %reduce_sum3A_1755 : i1 to vector<16xi1>
    %reduce_sum3A_1757 = tpu.scan <sum>, %get3A_1746 masked %reduce_sum3A_1756 : vector<16xi32>, vector<16xi1> -> vector<16xi32>
    %reduce_sum3A_1758 = vector.extract %reduce_sum3A_1757[15] : i32 from vector<16xi32>
    %add3A_1759 = arith.addi %add3A_1744, %reduce_sum3A_1758 : i32
    %get3A_1760 = arith.constant 672 : index
    %get3A_1761 = tpu.vector_load %arg9[%get3A_1760] {strides = array<i32>} : memref<1024xi32, #tpu.memory_space<vmem>>, vector<16xi32>,
    %broadcast_in_dim3A_1762 = arith.constant true
    %broadcast_in_dim3A_1763 = vector.broadcast %broadcast_in_dim3A_1762 : i1 to vector<16xi1>
    %masked_cumsum3A_1764 = tpu.scan <sum>, %get3A_1761 masked %broadcast_in_dim3A_1763 : vector<16xi32>, vector<16xi1> -> vector<16xi32>
    %sub3A_1765 = arith.subi %masked_cumsum3A_1764, %get3A_1761 : vector<16xi32>
    %add3A_1766 = vector.broadcast %add3A_1759 : i32 to vector<16xi32>
    %add3A_1767 = arith.addi %sub3A_1765, %add3A_1766 : vector<16xi32>
    %swap3A_1768 = arith.constant 672 : index
    %swap3A_1769 = tpu.vector_load %arg10[%swap3A_1768] {strides = array<i32>} : memref<1024xi32, #tpu.memory_space<vmem>>, vector<16xi32>,
    tpu.vector_store %arg10[%swap3A_1768], %add3A_1767 {strides = array<i32>} : memref<1024xi32, #tpu.memory_space<vmem>>, vector<16xi32>,
    %reduce_sum3A_1770 = arith.constant true
    %reduce_sum3A_1771 = vector.broadcast %reduce_sum3A_1770 : i1 to vector<16xi1>
    %reduce_sum3A_1772 = tpu.scan <sum>, %get3A_1761 masked %reduce_sum3A_1771 : vector<16xi32>, vector<16xi1> -> vector<16xi32>
    %reduce_sum3A_1773 = vector.extract %reduce_sum3A_1772[15] : i32 from vector<16xi32>
    %add3A_1774 = arith.addi %add3A_1759, %reduce_sum3A_1773 : i32
    %get3A_1775 = arith.constant 688 : index
    %get3A_1776 = tpu.vector_load %arg9[%get3A_1775] {strides = array<i32>} : memref<1024xi32, #tpu.memory_space<vmem>>, vector<16xi32>,
    %broadcast_in_dim3A_1777 = arith.constant true
    %broadcast_in_dim3A_1778 = vector.broadcast %broadcast_in_dim3A_1777 : i1 to vector<16xi1>
    %masked_cumsum3A_1779 = tpu.scan <sum>, %get3A_1776 masked %broadcast_in_dim3A_1778 : vector<16xi32>, vector<16xi1> -> vector<16xi32>
    %sub3A_1780 = arith.subi %masked_cumsum3A_1779, %get3A_1776 : vector<16xi32>
    %add3A_1781 = vector.broadcast %add3A_1774 : i32 to vector<16xi32>
    %add3A_1782 = arith.addi %sub3A_1780, %add3A_1781 : vector<16xi32>
    %swap3A_1783 = arith.constant 688 : index
    %swap3A_1784 = tpu.vector_load %arg10[%swap3A_1783] {strides = array<i32>} : memref<1024xi32, #tpu.memory_space<vmem>>, vector<16xi32>,
    tpu.vector_store %arg10[%swap3A_1783], %add3A_1782 {strides = array<i32>} : memref<1024xi32, #tpu.memory_space<vmem>>, vector<16xi32>,
    %reduce_sum3A_1785 = arith.constant true
    %reduce_sum3A_1786 = vector.broadcast %reduce_sum3A_1785 : i1 to vector<16xi1>
    %reduce_sum3A_1787 = tpu.scan <sum>, %get3A_1776 masked %reduce_sum3A_1786 : vector<16xi32>, vector<16xi1> -> vector<16xi32>
    %reduce_sum3A_1788 = vector.extract %reduce_sum3A_1787[15] : i32 from vector<16xi32>
    %add3A_1789 = arith.addi %add3A_1774, %reduce_sum3A_1788 : i32
    %get3A_1790 = arith.constant 704 : index
    %get3A_1791 = tpu.vector_load %arg9[%get3A_1790] {strides = array<i32>} : memref<1024xi32, #tpu.memory_space<vmem>>, vector<16xi32>,
    %broadcast_in_dim3A_1792 = arith.constant true
    %broadcast_in_dim3A_1793 = vector.broadcast %broadcast_in_dim3A_1792 : i1 to vector<16xi1>
    %masked_cumsum3A_1794 = tpu.scan <sum>, %get3A_1791 masked %broadcast_in_dim3A_1793 : vector<16xi32>, vector<16xi1> -> vector<16xi32>
    %sub3A_1795 = arith.subi %masked_cumsum3A_1794, %get3A_1791 : vector<16xi32>
    %add3A_1796 = vector.broadcast %add3A_1789 : i32 to vector<16xi32>
    %add3A_1797 = arith.addi %sub3A_1795, %add3A_1796 : vector<16xi32>
    %swap3A_1798 = arith.constant 704 : index
    %swap3A_1799 = tpu.vector_load %arg10[%swap3A_1798] {strides = array<i32>} : memref<1024xi32, #tpu.memory_space<vmem>>, vector<16xi32>,
    tpu.vector_store %arg10[%swap3A_1798], %add3A_1797 {strides = array<i32>} : memref<1024xi32, #tpu.memory_space<vmem>>, vector<16xi32>,
    %reduce_sum3A_1800 = arith.constant true
    %reduce_sum3A_1801 = vector.broadcast %reduce_sum3A_1800 : i1 to vector<16xi1>
    %reduce_sum3A_1802 = tpu.scan <sum>, %get3A_1791 masked %reduce_sum3A_1801 : vector<16xi32>, vector<16xi1> -> vector<16xi32>
    %reduce_sum3A_1803 = vector.extract %reduce_sum3A_1802[15] : i32 from vector<16xi32>
    %add3A_1804 = arith.addi %add3A_1789, %reduce_sum3A_1803 : i32
    %get3A_1805 = arith.constant 720 : index
    %get3A_1806 = tpu.vector_load %arg9[%get3A_1805] {strides = array<i32>} : memref<1024xi32, #tpu.memory_space<vmem>>, vector<16xi32>,
    %broadcast_in_dim3A_1807 = arith.constant true
    %broadcast_in_dim3A_1808 = vector.broadcast %broadcast_in_dim3A_1807 : i1 to vector<16xi1>
    %masked_cumsum3A_1809 = tpu.scan <sum>, %get3A_1806 masked %broadcast_in_dim3A_1808 : vector<16xi32>, vector<16xi1> -> vector<16xi32>
    %sub3A_1810 = arith.subi %masked_cumsum3A_1809, %get3A_1806 : vector<16xi32>
    %add3A_1811 = vector.broadcast %add3A_1804 : i32 to vector<16xi32>
    %add3A_1812 = arith.addi %sub3A_1810, %add3A_1811 : vector<16xi32>
    %swap3A_1813 = arith.constant 720 : index
    %swap3A_1814 = tpu.vector_load %arg10[%swap3A_1813] {strides = array<i32>} : memref<1024xi32, #tpu.memory_space<vmem>>, vector<16xi32>,
    tpu.vector_store %arg10[%swap3A_1813], %add3A_1812 {strides = array<i32>} : memref<1024xi32, #tpu.memory_space<vmem>>, vector<16xi32>,
    %reduce_sum3A_1815 = arith.constant true
    %reduce_sum3A_1816 = vector.broadcast %reduce_sum3A_1815 : i1 to vector<16xi1>
    %reduce_sum3A_1817 = tpu.scan <sum>, %get3A_1806 masked %reduce_sum3A_1816 : vector<16xi32>, vector<16xi1> -> vector<16xi32>
    %reduce_sum3A_1818 = vector.extract %reduce_sum3A_1817[15] : i32 from vector<16xi32>
    %add3A_1819 = arith.addi %add3A_1804, %reduce_sum3A_1818 : i32
    %get3A_1820 = arith.constant 736 : index
    %get3A_1821 = tpu.vector_load %arg9[%get3A_1820] {strides = array<i32>} : memref<1024xi32, #tpu.memory_space<vmem>>, vector<16xi32>,
    %broadcast_in_dim3A_1822 = arith.constant true
    %broadcast_in_dim3A_1823 = vector.broadcast %broadcast_in_dim3A_1822 : i1 to vector<16xi1>
    %masked_cumsum3A_1824 = tpu.scan <sum>, %get3A_1821 masked %broadcast_in_dim3A_1823 : vector<16xi32>, vector<16xi1> -> vector<16xi32>
    %sub3A_1825 = arith.subi %masked_cumsum3A_1824, %get3A_1821 : vector<16xi32>
    %add3A_1826 = vector.broadcast %add3A_1819 : i32 to vector<16xi32>
    %add3A_1827 = arith.addi %sub3A_1825, %add3A_1826 : vector<16xi32>
    %swap3A_1828 = arith.constant 736 : index
    %swap3A_1829 = tpu.vector_load %arg10[%swap3A_1828] {strides = array<i32>} : memref<1024xi32, #tpu.memory_space<vmem>>, vector<16xi32>,
    tpu.vector_store %arg10[%swap3A_1828], %add3A_1827 {strides = array<i32>} : memref<1024xi32, #tpu.memory_space<vmem>>, vector<16xi32>,
    %reduce_sum3A_1830 = arith.constant true
    %reduce_sum3A_1831 = vector.broadcast %reduce_sum3A_1830 : i1 to vector<16xi1>
    %reduce_sum3A_1832 = tpu.scan <sum>, %get3A_1821 masked %reduce_sum3A_1831 : vector<16xi32>, vector<16xi1> -> vector<16xi32>
    %reduce_sum3A_1833 = vector.extract %reduce_sum3A_1832[15] : i32 from vector<16xi32>
    %add3A_1834 = arith.addi %add3A_1819, %reduce_sum3A_1833 : i32
    %get3A_1835 = arith.constant 752 : index
    %get3A_1836 = tpu.vector_load %arg9[%get3A_1835] {strides = array<i32>} : memref<1024xi32, #tpu.memory_space<vmem>>, vector<16xi32>,
    %broadcast_in_dim3A_1837 = arith.constant true
    %broadcast_in_dim3A_1838 = vector.broadcast %broadcast_in_dim3A_1837 : i1 to vector<16xi1>
    %masked_cumsum3A_1839 = tpu.scan <sum>, %get3A_1836 masked %broadcast_in_dim3A_1838 : vector<16xi32>, vector<16xi1> -> vector<16xi32>
    %sub3A_1840 = arith.subi %masked_cumsum3A_1839, %get3A_1836 : vector<16xi32>
    %add3A_1841 = vector.broadcast %add3A_1834 : i32 to vector<16xi32>
    %add3A_1842 = arith.addi %sub3A_1840, %add3A_1841 : vector<16xi32>
    %swap3A_1843 = arith.constant 752 : index
    %swap3A_1844 = tpu.vector_load %arg10[%swap3A_1843] {strides = array<i32>} : memref<1024xi32, #tpu.memory_space<vmem>>, vector<16xi32>,
    tpu.vector_store %arg10[%swap3A_1843], %add3A_1842 {strides = array<i32>} : memref<1024xi32, #tpu.memory_space<vmem>>, vector<16xi32>,
    %reduce_sum3A_1845 = arith.constant true
    %reduce_sum3A_1846 = vector.broadcast %reduce_sum3A_1845 : i1 to vector<16xi1>
    %reduce_sum3A_1847 = tpu.scan <sum>, %get3A_1836 masked %reduce_sum3A_1846 : vector<16xi32>, vector<16xi1> -> vector<16xi32>
    %reduce_sum3A_1848 = vector.extract %reduce_sum3A_1847[15] : i32 from vector<16xi32>
    %add3A_1849 = arith.addi %add3A_1834, %reduce_sum3A_1848 : i32
    %get3A_1850 = arith.constant 768 : index
    %get3A_1851 = tpu.vector_load %arg9[%get3A_1850] {strides = array<i32>} : memref<1024xi32, #tpu.memory_space<vmem>>, vector<16xi32>,
    %broadcast_in_dim3A_1852 = arith.constant true
    %broadcast_in_dim3A_1853 = vector.broadcast %broadcast_in_dim3A_1852 : i1 to vector<16xi1>
    %masked_cumsum3A_1854 = tpu.scan <sum>, %get3A_1851 masked %broadcast_in_dim3A_1853 : vector<16xi32>, vector<16xi1> -> vector<16xi32>
    %sub3A_1855 = arith.subi %masked_cumsum3A_1854, %get3A_1851 : vector<16xi32>
    %add3A_1856 = vector.broadcast %add3A_1849 : i32 to vector<16xi32>
    %add3A_1857 = arith.addi %sub3A_1855, %add3A_1856 : vector<16xi32>
    %swap3A_1858 = arith.constant 768 : index
    %swap3A_1859 = tpu.vector_load %arg10[%swap3A_1858] {strides = array<i32>} : memref<1024xi32, #tpu.memory_space<vmem>>, vector<16xi32>,
    tpu.vector_store %arg10[%swap3A_1858], %add3A_1857 {strides = array<i32>} : memref<1024xi32, #tpu.memory_space<vmem>>, vector<16xi32>,
    %reduce_sum3A_1860 = arith.constant true
    %reduce_sum3A_1861 = vector.broadcast %reduce_sum3A_1860 : i1 to vector<16xi1>
    %reduce_sum3A_1862 = tpu.scan <sum>, %get3A_1851 masked %reduce_sum3A_1861 : vector<16xi32>, vector<16xi1> -> vector<16xi32>
    %reduce_sum3A_1863 = vector.extract %reduce_sum3A_1862[15] : i32 from vector<16xi32>
    %add3A_1864 = arith.addi %add3A_1849, %reduce_sum3A_1863 : i32
    %get3A_1865 = arith.constant 784 : index
    %get3A_1866 = tpu.vector_load %arg9[%get3A_1865] {strides = array<i32>} : memref<1024xi32, #tpu.memory_space<vmem>>, vector<16xi32>,
    %broadcast_in_dim3A_1867 = arith.constant true
    %broadcast_in_dim3A_1868 = vector.broadcast %broadcast_in_dim3A_1867 : i1 to vector<16xi1>
    %masked_cumsum3A_1869 = tpu.scan <sum>, %get3A_1866 masked %broadcast_in_dim3A_1868 : vector<16xi32>, vector<16xi1> -> vector<16xi32>
    %sub3A_1870 = arith.subi %masked_cumsum3A_1869, %get3A_1866 : vector<16xi32>
    %add3A_1871 = vector.broadcast %add3A_1864 : i32 to vector<16xi32>
    %add3A_1872 = arith.addi %sub3A_1870, %add3A_1871 : vector<16xi32>
    %swap3A_1873 = arith.constant 784 : index
    %swap3A_1874 = tpu.vector_load %arg10[%swap3A_1873] {strides = array<i32>} : memref<1024xi32, #tpu.memory_space<vmem>>, vector<16xi32>,
    tpu.vector_store %arg10[%swap3A_1873], %add3A_1872 {strides = array<i32>} : memref<1024xi32, #tpu.memory_space<vmem>>, vector<16xi32>,
    %reduce_sum3A_1875 = arith.constant true
    %reduce_sum3A_1876 = vector.broadcast %reduce_sum3A_1875 : i1 to vector<16xi1>
    %reduce_sum3A_1877 = tpu.scan <sum>, %get3A_1866 masked %reduce_sum3A_1876 : vector<16xi32>, vector<16xi1> -> vector<16xi32>
    %reduce_sum3A_1878 = vector.extract %reduce_sum3A_1877[15] : i32 from vector<16xi32>
    %add3A_1879 = arith.addi %add3A_1864, %reduce_sum3A_1878 : i32
    %get3A_1880 = arith.constant 800 : index
    %get3A_1881 = tpu.vector_load %arg9[%get3A_1880] {strides = array<i32>} : memref<1024xi32, #tpu.memory_space<vmem>>, vector<16xi32>,
    %broadcast_in_dim3A_1882 = arith.constant true
    %broadcast_in_dim3A_1883 = vector.broadcast %broadcast_in_dim3A_1882 : i1 to vector<16xi1>
    %masked_cumsum3A_1884 = tpu.scan <sum>, %get3A_1881 masked %broadcast_in_dim3A_1883 : vector<16xi32>, vector<16xi1> -> vector<16xi32>
    %sub3A_1885 = arith.subi %masked_cumsum3A_1884, %get3A_1881 : vector<16xi32>
    %add3A_1886 = vector.broadcast %add3A_1879 : i32 to vector<16xi32>
    %add3A_1887 = arith.addi %sub3A_1885, %add3A_1886 : vector<16xi32>
    %swap3A_1888 = arith.constant 800 : index
    %swap3A_1889 = tpu.vector_load %arg10[%swap3A_1888] {strides = array<i32>} : memref<1024xi32, #tpu.memory_space<vmem>>, vector<16xi32>,
    tpu.vector_store %arg10[%swap3A_1888], %add3A_1887 {strides = array<i32>} : memref<1024xi32, #tpu.memory_space<vmem>>, vector<16xi32>,
    %reduce_sum3A_1890 = arith.constant true
    %reduce_sum3A_1891 = vector.broadcast %reduce_sum3A_1890 : i1 to vector<16xi1>
    %reduce_sum3A_1892 = tpu.scan <sum>, %get3A_1881 masked %reduce_sum3A_1891 : vector<16xi32>, vector<16xi1> -> vector<16xi32>
    %reduce_sum3A_1893 = vector.extract %reduce_sum3A_1892[15] : i32 from vector<16xi32>
    %add3A_1894 = arith.addi %add3A_1879, %reduce_sum3A_1893 : i32
    %get3A_1895 = arith.constant 816 : index
    %get3A_1896 = tpu.vector_load %arg9[%get3A_1895] {strides = array<i32>} : memref<1024xi32, #tpu.memory_space<vmem>>, vector<16xi32>,
    %broadcast_in_dim3A_1897 = arith.constant true
    %broadcast_in_dim3A_1898 = vector.broadcast %broadcast_in_dim3A_1897 : i1 to vector<16xi1>
    %masked_cumsum3A_1899 = tpu.scan <sum>, %get3A_1896 masked %broadcast_in_dim3A_1898 : vector<16xi32>, vector<16xi1> -> vector<16xi32>
    %sub3A_1900 = arith.subi %masked_cumsum3A_1899, %get3A_1896 : vector<16xi32>
    %add3A_1901 = vector.broadcast %add3A_1894 : i32 to vector<16xi32>
    %add3A_1902 = arith.addi %sub3A_1900, %add3A_1901 : vector<16xi32>
    %swap3A_1903 = arith.constant 816 : index
    %swap3A_1904 = tpu.vector_load %arg10[%swap3A_1903] {strides = array<i32>} : memref<1024xi32, #tpu.memory_space<vmem>>, vector<16xi32>,
    tpu.vector_store %arg10[%swap3A_1903], %add3A_1902 {strides = array<i32>} : memref<1024xi32, #tpu.memory_space<vmem>>, vector<16xi32>,
    %reduce_sum3A_1905 = arith.constant true
    %reduce_sum3A_1906 = vector.broadcast %reduce_sum3A_1905 : i1 to vector<16xi1>
    %reduce_sum3A_1907 = tpu.scan <sum>, %get3A_1896 masked %reduce_sum3A_1906 : vector<16xi32>, vector<16xi1> -> vector<16xi32>
    %reduce_sum3A_1908 = vector.extract %reduce_sum3A_1907[15] : i32 from vector<16xi32>
    %add3A_1909 = arith.addi %add3A_1894, %reduce_sum3A_1908 : i32
    %get3A_1910 = arith.constant 832 : index
    %get3A_1911 = tpu.vector_load %arg9[%get3A_1910] {strides = array<i32>} : memref<1024xi32, #tpu.memory_space<vmem>>, vector<16xi32>,
    %broadcast_in_dim3A_1912 = arith.constant true
    %broadcast_in_dim3A_1913 = vector.broadcast %broadcast_in_dim3A_1912 : i1 to vector<16xi1>
    %masked_cumsum3A_1914 = tpu.scan <sum>, %get3A_1911 masked %broadcast_in_dim3A_1913 : vector<16xi32>, vector<16xi1> -> vector<16xi32>
    %sub3A_1915 = arith.subi %masked_cumsum3A_1914, %get3A_1911 : vector<16xi32>
    %add3A_1916 = vector.broadcast %add3A_1909 : i32 to vector<16xi32>
    %add3A_1917 = arith.addi %sub3A_1915, %add3A_1916 : vector<16xi32>
    %swap3A_1918 = arith.constant 832 : index
    %swap3A_1919 = tpu.vector_load %arg10[%swap3A_1918] {strides = array<i32>} : memref<1024xi32, #tpu.memory_space<vmem>>, vector<16xi32>,
    tpu.vector_store %arg10[%swap3A_1918], %add3A_1917 {strides = array<i32>} : memref<1024xi32, #tpu.memory_space<vmem>>, vector<16xi32>,
    %reduce_sum3A_1920 = arith.constant true
    %reduce_sum3A_1921 = vector.broadcast %reduce_sum3A_1920 : i1 to vector<16xi1>
    %reduce_sum3A_1922 = tpu.scan <sum>, %get3A_1911 masked %reduce_sum3A_1921 : vector<16xi32>, vector<16xi1> -> vector<16xi32>
    %reduce_sum3A_1923 = vector.extract %reduce_sum3A_1922[15] : i32 from vector<16xi32>
    %add3A_1924 = arith.addi %add3A_1909, %reduce_sum3A_1923 : i32
    %get3A_1925 = arith.constant 848 : index
    %get3A_1926 = tpu.vector_load %arg9[%get3A_1925] {strides = array<i32>} : memref<1024xi32, #tpu.memory_space<vmem>>, vector<16xi32>,
    %broadcast_in_dim3A_1927 = arith.constant true
    %broadcast_in_dim3A_1928 = vector.broadcast %broadcast_in_dim3A_1927 : i1 to vector<16xi1>
    %masked_cumsum3A_1929 = tpu.scan <sum>, %get3A_1926 masked %broadcast_in_dim3A_1928 : vector<16xi32>, vector<16xi1> -> vector<16xi32>
    %sub3A_1930 = arith.subi %masked_cumsum3A_1929, %get3A_1926 : vector<16xi32>
    %add3A_1931 = vector.broadcast %add3A_1924 : i32 to vector<16xi32>
    %add3A_1932 = arith.addi %sub3A_1930, %add3A_1931 : vector<16xi32>
    %swap3A_1933 = arith.constant 848 : index
    %swap3A_1934 = tpu.vector_load %arg10[%swap3A_1933] {strides = array<i32>} : memref<1024xi32, #tpu.memory_space<vmem>>, vector<16xi32>,
    tpu.vector_store %arg10[%swap3A_1933], %add3A_1932 {strides = array<i32>} : memref<1024xi32, #tpu.memory_space<vmem>>, vector<16xi32>,
    %reduce_sum3A_1935 = arith.constant true
    %reduce_sum3A_1936 = vector.broadcast %reduce_sum3A_1935 : i1 to vector<16xi1>
    %reduce_sum3A_1937 = tpu.scan <sum>, %get3A_1926 masked %reduce_sum3A_1936 : vector<16xi32>, vector<16xi1> -> vector<16xi32>
    %reduce_sum3A_1938 = vector.extract %reduce_sum3A_1937[15] : i32 from vector<16xi32>
    %add3A_1939 = arith.addi %add3A_1924, %reduce_sum3A_1938 : i32
    %get3A_1940 = arith.constant 864 : index
    %get3A_1941 = tpu.vector_load %arg9[%get3A_1940] {strides = array<i32>} : memref<1024xi32, #tpu.memory_space<vmem>>, vector<16xi32>,
    %broadcast_in_dim3A_1942 = arith.constant true
    %broadcast_in_dim3A_1943 = vector.broadcast %broadcast_in_dim3A_1942 : i1 to vector<16xi1>
    %masked_cumsum3A_1944 = tpu.scan <sum>, %get3A_1941 masked %broadcast_in_dim3A_1943 : vector<16xi32>, vector<16xi1> -> vector<16xi32>
    %sub3A_1945 = arith.subi %masked_cumsum3A_1944, %get3A_1941 : vector<16xi32>
    %add3A_1946 = vector.broadcast %add3A_1939 : i32 to vector<16xi32>
    %add3A_1947 = arith.addi %sub3A_1945, %add3A_1946 : vector<16xi32>
    %swap3A_1948 = arith.constant 864 : index
    %swap3A_1949 = tpu.vector_load %arg10[%swap3A_1948] {strides = array<i32>} : memref<1024xi32, #tpu.memory_space<vmem>>, vector<16xi32>,
    tpu.vector_store %arg10[%swap3A_1948], %add3A_1947 {strides = array<i32>} : memref<1024xi32, #tpu.memory_space<vmem>>, vector<16xi32>,
    %reduce_sum3A_1950 = arith.constant true
    %reduce_sum3A_1951 = vector.broadcast %reduce_sum3A_1950 : i1 to vector<16xi1>
    %reduce_sum3A_1952 = tpu.scan <sum>, %get3A_1941 masked %reduce_sum3A_1951 : vector<16xi32>, vector<16xi1> -> vector<16xi32>
    %reduce_sum3A_1953 = vector.extract %reduce_sum3A_1952[15] : i32 from vector<16xi32>
    %add3A_1954 = arith.addi %add3A_1939, %reduce_sum3A_1953 : i32
    %get3A_1955 = arith.constant 880 : index
    %get3A_1956 = tpu.vector_load %arg9[%get3A_1955] {strides = array<i32>} : memref<1024xi32, #tpu.memory_space<vmem>>, vector<16xi32>,
    %broadcast_in_dim3A_1957 = arith.constant true
    %broadcast_in_dim3A_1958 = vector.broadcast %broadcast_in_dim3A_1957 : i1 to vector<16xi1>
    %masked_cumsum3A_1959 = tpu.scan <sum>, %get3A_1956 masked %broadcast_in_dim3A_1958 : vector<16xi32>, vector<16xi1> -> vector<16xi32>
    %sub3A_1960 = arith.subi %masked_cumsum3A_1959, %get3A_1956 : vector<16xi32>
    %add3A_1961 = vector.broadcast %add3A_1954 : i32 to vector<16xi32>
    %add3A_1962 = arith.addi %sub3A_1960, %add3A_1961 : vector<16xi32>
    %swap3A_1963 = arith.constant 880 : index
    %swap3A_1964 = tpu.vector_load %arg10[%swap3A_1963] {strides = array<i32>} : memref<1024xi32, #tpu.memory_space<vmem>>, vector<16xi32>,
    tpu.vector_store %arg10[%swap3A_1963], %add3A_1962 {strides = array<i32>} : memref<1024xi32, #tpu.memory_space<vmem>>, vector<16xi32>,
    %reduce_sum3A_1965 = arith.constant true
    %reduce_sum3A_1966 = vector.broadcast %reduce_sum3A_1965 : i1 to vector<16xi1>
    %reduce_sum3A_1967 = tpu.scan <sum>, %get3A_1956 masked %reduce_sum3A_1966 : vector<16xi32>, vector<16xi1> -> vector<16xi32>
    %reduce_sum3A_1968 = vector.extract %reduce_sum3A_1967[15] : i32 from vector<16xi32>
    %add3A_1969 = arith.addi %add3A_1954, %reduce_sum3A_1968 : i32
    %get3A_1970 = arith.constant 896 : index
    %get3A_1971 = tpu.vector_load %arg9[%get3A_1970] {strides = array<i32>} : memref<1024xi32, #tpu.memory_space<vmem>>, vector<16xi32>,
    %broadcast_in_dim3A_1972 = arith.constant true
    %broadcast_in_dim3A_1973 = vector.broadcast %broadcast_in_dim3A_1972 : i1 to vector<16xi1>
    %masked_cumsum3A_1974 = tpu.scan <sum>, %get3A_1971 masked %broadcast_in_dim3A_1973 : vector<16xi32>, vector<16xi1> -> vector<16xi32>
    %sub3A_1975 = arith.subi %masked_cumsum3A_1974, %get3A_1971 : vector<16xi32>
    %add3A_1976 = vector.broadcast %add3A_1969 : i32 to vector<16xi32>
    %add3A_1977 = arith.addi %sub3A_1975, %add3A_1976 : vector<16xi32>
    %swap3A_1978 = arith.constant 896 : index
    %swap3A_1979 = tpu.vector_load %arg10[%swap3A_1978] {strides = array<i32>} : memref<1024xi32, #tpu.memory_space<vmem>>, vector<16xi32>,
    tpu.vector_store %arg10[%swap3A_1978], %add3A_1977 {strides = array<i32>} : memref<1024xi32, #tpu.memory_space<vmem>>, vector<16xi32>,
    %reduce_sum3A_1980 = arith.constant true
    %reduce_sum3A_1981 = vector.broadcast %reduce_sum3A_1980 : i1 to vector<16xi1>
    %reduce_sum3A_1982 = tpu.scan <sum>, %get3A_1971 masked %reduce_sum3A_1981 : vector<16xi32>, vector<16xi1> -> vector<16xi32>
    %reduce_sum3A_1983 = vector.extract %reduce_sum3A_1982[15] : i32 from vector<16xi32>
    %add3A_1984 = arith.addi %add3A_1969, %reduce_sum3A_1983 : i32
    %get3A_1985 = arith.constant 912 : index
    %get3A_1986 = tpu.vector_load %arg9[%get3A_1985] {strides = array<i32>} : memref<1024xi32, #tpu.memory_space<vmem>>, vector<16xi32>,
    %broadcast_in_dim3A_1987 = arith.constant true
    %broadcast_in_dim3A_1988 = vector.broadcast %broadcast_in_dim3A_1987 : i1 to vector<16xi1>
    %masked_cumsum3A_1989 = tpu.scan <sum>, %get3A_1986 masked %broadcast_in_dim3A_1988 : vector<16xi32>, vector<16xi1> -> vector<16xi32>
    %sub3A_1990 = arith.subi %masked_cumsum3A_1989, %get3A_1986 : vector<16xi32>
    %add3A_1991 = vector.broadcast %add3A_1984 : i32 to vector<16xi32>
    %add3A_1992 = arith.addi %sub3A_1990, %add3A_1991 : vector<16xi32>
    %swap3A_1993 = arith.constant 912 : index
    %swap3A_1994 = tpu.vector_load %arg10[%swap3A_1993] {strides = array<i32>} : memref<1024xi32, #tpu.memory_space<vmem>>, vector<16xi32>,
    tpu.vector_store %arg10[%swap3A_1993], %add3A_1992 {strides = array<i32>} : memref<1024xi32, #tpu.memory_space<vmem>>, vector<16xi32>,
    %reduce_sum3A_1995 = arith.constant true
    %reduce_sum3A_1996 = vector.broadcast %reduce_sum3A_1995 : i1 to vector<16xi1>
    %reduce_sum3A_1997 = tpu.scan <sum>, %get3A_1986 masked %reduce_sum3A_1996 : vector<16xi32>, vector<16xi1> -> vector<16xi32>
    %reduce_sum3A_1998 = vector.extract %reduce_sum3A_1997[15] : i32 from vector<16xi32>
    %add3A_1999 = arith.addi %add3A_1984, %reduce_sum3A_1998 : i32
    %get3A_2000 = arith.constant 928 : index
    %get3A_2001 = tpu.vector_load %arg9[%get3A_2000] {strides = array<i32>} : memref<1024xi32, #tpu.memory_space<vmem>>, vector<16xi32>,
    %broadcast_in_dim3A_2002 = arith.constant true
    %broadcast_in_dim3A_2003 = vector.broadcast %broadcast_in_dim3A_2002 : i1 to vector<16xi1>
    %masked_cumsum3A_2004 = tpu.scan <sum>, %get3A_2001 masked %broadcast_in_dim3A_2003 : vector<16xi32>, vector<16xi1> -> vector<16xi32>
    %sub3A_2005 = arith.subi %masked_cumsum3A_2004, %get3A_2001 : vector<16xi32>
    %add3A_2006 = vector.broadcast %add3A_1999 : i32 to vector<16xi32>
    %add3A_2007 = arith.addi %sub3A_2005, %add3A_2006 : vector<16xi32>
    %swap3A_2008 = arith.constant 928 : index
    %swap3A_2009 = tpu.vector_load %arg10[%swap3A_2008] {strides = array<i32>} : memref<1024xi32, #tpu.memory_space<vmem>>, vector<16xi32>,
    tpu.vector_store %arg10[%swap3A_2008], %add3A_2007 {strides = array<i32>} : memref<1024xi32, #tpu.memory_space<vmem>>, vector<16xi32>,
    %reduce_sum3A_2010 = arith.constant true
    %reduce_sum3A_2011 = vector.broadcast %reduce_sum3A_2010 : i1 to vector<16xi1>
    %reduce_sum3A_2012 = tpu.scan <sum>, %get3A_2001 masked %reduce_sum3A_2011 : vector<16xi32>, vector<16xi1> -> vector<16xi32>
    %reduce_sum3A_2013 = vector.extract %reduce_sum3A_2012[15] : i32 from vector<16xi32>
    %add3A_2014 = arith.addi %add3A_1999, %reduce_sum3A_2013 : i32
    %get3A_2015 = arith.constant 944 : index
    %get3A_2016 = tpu.vector_load %arg9[%get3A_2015] {strides = array<i32>} : memref<1024xi32, #tpu.memory_space<vmem>>, vector<16xi32>,
    %broadcast_in_dim3A_2017 = arith.constant true
    %broadcast_in_dim3A_2018 = vector.broadcast %broadcast_in_dim3A_2017 : i1 to vector<16xi1>
    %masked_cumsum3A_2019 = tpu.scan <sum>, %get3A_2016 masked %broadcast_in_dim3A_2018 : vector<16xi32>, vector<16xi1> -> vector<16xi32>
    %sub3A_2020 = arith.subi %masked_cumsum3A_2019, %get3A_2016 : vector<16xi32>
    %add3A_2021 = vector.broadcast %add3A_2014 : i32 to vector<16xi32>
    %add3A_2022 = arith.addi %sub3A_2020, %add3A_2021 : vector<16xi32>
    %swap3A_2023 = arith.constant 944 : index
    %swap3A_2024 = tpu.vector_load %arg10[%swap3A_2023] {strides = array<i32>} : memref<1024xi32, #tpu.memory_space<vmem>>, vector<16xi32>,
    tpu.vector_store %arg10[%swap3A_2023], %add3A_2022 {strides = array<i32>} : memref<1024xi32, #tpu.memory_space<vmem>>, vector<16xi32>,
    %reduce_sum3A_2025 = arith.constant true
    %reduce_sum3A_2026 = vector.broadcast %reduce_sum3A_2025 : i1 to vector<16xi1>
    %reduce_sum3A_2027 = tpu.scan <sum>, %get3A_2016 masked %reduce_sum3A_2026 : vector<16xi32>, vector<16xi1> -> vector<16xi32>
    %reduce_sum3A_2028 = vector.extract %reduce_sum3A_2027[15] : i32 from vector<16xi32>
    %add3A_2029 = arith.addi %add3A_2014, %reduce_sum3A_2028 : i32
    %get3A_2030 = arith.constant 960 : index
    %get3A_2031 = tpu.vector_load %arg9[%get3A_2030] {strides = array<i32>} : memref<1024xi32, #tpu.memory_space<vmem>>, vector<16xi32>,
    %broadcast_in_dim3A_2032 = arith.constant true
    %broadcast_in_dim3A_2033 = vector.broadcast %broadcast_in_dim3A_2032 : i1 to vector<16xi1>
    %masked_cumsum3A_2034 = tpu.scan <sum>, %get3A_2031 masked %broadcast_in_dim3A_2033 : vector<16xi32>, vector<16xi1> -> vector<16xi32>
    %sub3A_2035 = arith.subi %masked_cumsum3A_2034, %get3A_2031 : vector<16xi32>
    %add3A_2036 = vector.broadcast %add3A_2029 : i32 to vector<16xi32>
    %add3A_2037 = arith.addi %sub3A_2035, %add3A_2036 : vector<16xi32>
    %swap3A_2038 = arith.constant 960 : index
    %swap3A_2039 = tpu.vector_load %arg10[%swap3A_2038] {strides = array<i32>} : memref<1024xi32, #tpu.memory_space<vmem>>, vector<16xi32>,
    tpu.vector_store %arg10[%swap3A_2038], %add3A_2037 {strides = array<i32>} : memref<1024xi32, #tpu.memory_space<vmem>>, vector<16xi32>,
    %reduce_sum3A_2040 = arith.constant true
    %reduce_sum3A_2041 = vector.broadcast %reduce_sum3A_2040 : i1 to vector<16xi1>
    %reduce_sum3A_2042 = tpu.scan <sum>, %get3A_2031 masked %reduce_sum3A_2041 : vector<16xi32>, vector<16xi1> -> vector<16xi32>
    %reduce_sum3A_2043 = vector.extract %reduce_sum3A_2042[15] : i32 from vector<16xi32>
    %add3A_2044 = arith.addi %add3A_2029, %reduce_sum3A_2043 : i32
    %get3A_2045 = arith.constant 976 : index
    %get3A_2046 = tpu.vector_load %arg9[%get3A_2045] {strides = array<i32>} : memref<1024xi32, #tpu.memory_space<vmem>>, vector<16xi32>,
    %broadcast_in_dim3A_2047 = arith.constant true
    %broadcast_in_dim3A_2048 = vector.broadcast %broadcast_in_dim3A_2047 : i1 to vector<16xi1>
    %masked_cumsum3A_2049 = tpu.scan <sum>, %get3A_2046 masked %broadcast_in_dim3A_2048 : vector<16xi32>, vector<16xi1> -> vector<16xi32>
    %sub3A_2050 = arith.subi %masked_cumsum3A_2049, %get3A_2046 : vector<16xi32>
    %add3A_2051 = vector.broadcast %add3A_2044 : i32 to vector<16xi32>
    %add3A_2052 = arith.addi %sub3A_2050, %add3A_2051 : vector<16xi32>
    %swap3A_2053 = arith.constant 976 : index
    %swap3A_2054 = tpu.vector_load %arg10[%swap3A_2053] {strides = array<i32>} : memref<1024xi32, #tpu.memory_space<vmem>>, vector<16xi32>,
    tpu.vector_store %arg10[%swap3A_2053], %add3A_2052 {strides = array<i32>} : memref<1024xi32, #tpu.memory_space<vmem>>, vector<16xi32>,
    %reduce_sum3A_2055 = arith.constant true
    %reduce_sum3A_2056 = vector.broadcast %reduce_sum3A_2055 : i1 to vector<16xi1>
    %reduce_sum3A_2057 = tpu.scan <sum>, %get3A_2046 masked %reduce_sum3A_2056 : vector<16xi32>, vector<16xi1> -> vector<16xi32>
    %reduce_sum3A_2058 = vector.extract %reduce_sum3A_2057[15] : i32 from vector<16xi32>
    %add3A_2059 = arith.addi %add3A_2044, %reduce_sum3A_2058 : i32
    %get3A_2060 = arith.constant 992 : index
    %get3A_2061 = tpu.vector_load %arg9[%get3A_2060] {strides = array<i32>} : memref<1024xi32, #tpu.memory_space<vmem>>, vector<16xi32>,
    %broadcast_in_dim3A_2062 = arith.constant true
    %broadcast_in_dim3A_2063 = vector.broadcast %broadcast_in_dim3A_2062 : i1 to vector<16xi1>
    %masked_cumsum3A_2064 = tpu.scan <sum>, %get3A_2061 masked %broadcast_in_dim3A_2063 : vector<16xi32>, vector<16xi1> -> vector<16xi32>
    %sub3A_2065 = arith.subi %masked_cumsum3A_2064, %get3A_2061 : vector<16xi32>
    %add3A_2066 = vector.broadcast %add3A_2059 : i32 to vector<16xi32>
    %add3A_2067 = arith.addi %sub3A_2065, %add3A_2066 : vector<16xi32>
    %swap3A_2068 = arith.constant 992 : index
    %swap3A_2069 = tpu.vector_load %arg10[%swap3A_2068] {strides = array<i32>} : memref<1024xi32, #tpu.memory_space<vmem>>, vector<16xi32>,
    tpu.vector_store %arg10[%swap3A_2068], %add3A_2067 {strides = array<i32>} : memref<1024xi32, #tpu.memory_space<vmem>>, vector<16xi32>,
    %reduce_sum3A_2070 = arith.constant true
    %reduce_sum3A_2071 = vector.broadcast %reduce_sum3A_2070 : i1 to vector<16xi1>
    %reduce_sum3A_2072 = tpu.scan <sum>, %get3A_2061 masked %reduce_sum3A_2071 : vector<16xi32>, vector<16xi1> -> vector<16xi32>
    %reduce_sum3A_2073 = vector.extract %reduce_sum3A_2072[15] : i32 from vector<16xi32>
    %add3A_2074 = arith.addi %add3A_2059, %reduce_sum3A_2073 : i32
    %get3A_2075 = arith.constant 1008 : index
    %get3A_2076 = tpu.vector_load %arg9[%get3A_2075] {strides = array<i32>} : memref<1024xi32, #tpu.memory_space<vmem>>, vector<16xi32>,
    %broadcast_in_dim3A_2077 = arith.constant true
    %broadcast_in_dim3A_2078 = vector.broadcast %broadcast_in_dim3A_2077 : i1 to vector<16xi1>
    %masked_cumsum3A_2079 = tpu.scan <sum>, %get3A_2076 masked %broadcast_in_dim3A_2078 : vector<16xi32>, vector<16xi1> -> vector<16xi32>
    %sub3A_2080 = arith.subi %masked_cumsum3A_2079, %get3A_2076 : vector<16xi32>
    %add3A_2081 = vector.broadcast %add3A_2074 : i32 to vector<16xi32>
    %add3A_2082 = arith.addi %sub3A_2080, %add3A_2081 : vector<16xi32>
    %swap3A_2083 = arith.constant 1008 : index
    %swap3A_2084 = tpu.vector_load %arg10[%swap3A_2083] {strides = array<i32>} : memref<1024xi32, #tpu.memory_space<vmem>>, vector<16xi32>,
    tpu.vector_store %arg10[%swap3A_2083], %add3A_2082 {strides = array<i32>} : memref<1024xi32, #tpu.memory_space<vmem>>, vector<16xi32>,
    %reduce_sum3A_2085 = arith.constant true
    %reduce_sum3A_2086 = vector.broadcast %reduce_sum3A_2085 : i1 to vector<16xi1>
    %reduce_sum3A_2087 = tpu.scan <sum>, %get3A_2076 masked %reduce_sum3A_2086 : vector<16xi32>, vector<16xi1> -> vector<16xi32>
    %reduce_sum3A_2088 = vector.extract %reduce_sum3A_2087[15] : i32 from vector<16xi32>
    %add3A_2089 = arith.addi %add3A_2074, %reduce_sum3A_2088 : i32
    %dma_wait3A = tpu.memref_slice %arg3[%mul3A_0] : memref<16384xi32, #tpu.memory_space<hbm>> -> memref<1024xi32, #tpu.memory_space<hbm>>
    %dma_wait3A_2090 = tpu.memref_slice %arg3[%mul3A_0] : memref<16384xi32, #tpu.memory_space<hbm>> -> memref<1024xi32, #tpu.memory_space<hbm>>
    tpu.wait_dma2 semaphore(%arg14 : memref<!tpu.dma_semaphore, #tpu.memory_space<semaphore_mem>>) src(%dma_wait3A_2090 : memref<1024xi32, #tpu.memory_space<hbm>>) dst(%arg7 : memref<1024xi32, #tpu.memory_space<vmem>>)
    %dma_wait3A_2091 = tpu.memref_slice %arg4[%multiple_of3A] : memref<16384xi32, #tpu.memory_space<hbm>> -> memref<1032xi32, #tpu.memory_space<hbm>>
    %dma_wait3A_2092 = tpu.memref_slice %arg4[%multiple_of3A] : memref<16384xi32, #tpu.memory_space<hbm>> -> memref<1032xi32, #tpu.memory_space<hbm>>
    tpu.wait_dma2 semaphore(%arg13 : memref<!tpu.dma_semaphore, #tpu.memory_space<semaphore_mem>>) src(%dma_wait3A_2092 : memref<1032xi32, #tpu.memory_space<hbm>>) dst(%arg8 : memref<1032xi32, #tpu.memory_space<vmem>>)
    %get3A_2093 = arith.constant 0 : index
    %get3A_2094 = tpu.vector_load %arg9[%get3A_2093] {strides = array<i32>} : memref<1024xi32, #tpu.memory_space<vmem>>, vector<16xi32>,
    %get3A_2095 = arith.constant 0 : index
    %get3A_2096 = tpu.vector_load %arg10[%get3A_2095] {strides = array<i32>} : memref<1024xi32, #tpu.memory_space<vmem>>, vector<16xi32>,
    %gather3A = tpu.vector_load_idx %arg8[%get3A_2096] : memref<1032xi32, #tpu.memory_space<vmem>>[vector<16xi32>], vector<16xi32>,
    %get3A_2097 = arith.constant 0 : index
    %get3A_2098 = tpu.vector_load %arg7[%get3A_2097] {strides = array<i32>} : memref<1024xi32, #tpu.memory_space<vmem>>, vector<16xi32>,
    %eq3A_2099 = arith.constant 1 : i32
    %eq3A_2100 = vector.broadcast %eq3A_2099 : i32 to vector<16xi32>
    %eq3A_2101 = arith.cmpi eq, %get3A_2094, %eq3A_2100 : vector<16xi32>
    %mul3A_2102 = arith.constant 16 : i32
    %mul3A_2103 = vector.broadcast %mul3A_2102 : i32 to vector<16xi32>
    %mul3A_2104 = arith.muli %gather3A, %mul3A_2103 : vector<16xi32>
    %add3A_2105 = arith.constant 1 : i32
    %add3A_2106 = vector.broadcast %add3A_2105 : i32 to vector<16xi32>
    %add3A_2107 = arith.addi %get3A_2098, %add3A_2106 : vector<16xi32>
    %select_n3A_2108 = arith.select %eq3A_2101, %mul3A_2104, %add3A_2107 : vector<16xi1>, vector<16xi32>
    %swap3A_2109 = arith.constant 0 : index
    %swap3A_2110 = tpu.vector_load %arg11[%swap3A_2109] {strides = array<i32>} : memref<1024xi32, #tpu.memory_space<vmem>>, vector<16xi32>,
    tpu.vector_store %arg11[%swap3A_2109], %select_n3A_2108 {strides = array<i32>} : memref<1024xi32, #tpu.memory_space<vmem>>, vector<16xi32>,
    %get3A_2111 = arith.constant 16 : index
    %get3A_2112 = tpu.vector_load %arg9[%get3A_2111] {strides = array<i32>} : memref<1024xi32, #tpu.memory_space<vmem>>, vector<16xi32>,
    %get3A_2113 = arith.constant 16 : index
    %get3A_2114 = tpu.vector_load %arg10[%get3A_2113] {strides = array<i32>} : memref<1024xi32, #tpu.memory_space<vmem>>, vector<16xi32>,
    %gather3A_2115 = tpu.vector_load_idx %arg8[%get3A_2114] : memref<1032xi32, #tpu.memory_space<vmem>>[vector<16xi32>], vector<16xi32>,
    %get3A_2116 = arith.constant 16 : index
    %get3A_2117 = tpu.vector_load %arg7[%get3A_2116] {strides = array<i32>} : memref<1024xi32, #tpu.memory_space<vmem>>, vector<16xi32>,
    %eq3A_2118 = arith.constant 1 : i32
    %eq3A_2119 = vector.broadcast %eq3A_2118 : i32 to vector<16xi32>
    %eq3A_2120 = arith.cmpi eq, %get3A_2112, %eq3A_2119 : vector<16xi32>
    %mul3A_2121 = arith.constant 16 : i32
    %mul3A_2122 = vector.broadcast %mul3A_2121 : i32 to vector<16xi32>
    %mul3A_2123 = arith.muli %gather3A_2115, %mul3A_2122 : vector<16xi32>
    %add3A_2124 = arith.constant 1 : i32
    %add3A_2125 = vector.broadcast %add3A_2124 : i32 to vector<16xi32>
    %add3A_2126 = arith.addi %get3A_2117, %add3A_2125 : vector<16xi32>
    %select_n3A_2127 = arith.select %eq3A_2120, %mul3A_2123, %add3A_2126 : vector<16xi1>, vector<16xi32>
    %swap3A_2128 = arith.constant 16 : index
    %swap3A_2129 = tpu.vector_load %arg11[%swap3A_2128] {strides = array<i32>} : memref<1024xi32, #tpu.memory_space<vmem>>, vector<16xi32>,
    tpu.vector_store %arg11[%swap3A_2128], %select_n3A_2127 {strides = array<i32>} : memref<1024xi32, #tpu.memory_space<vmem>>, vector<16xi32>,
    %get3A_2130 = arith.constant 32 : index
    %get3A_2131 = tpu.vector_load %arg9[%get3A_2130] {strides = array<i32>} : memref<1024xi32, #tpu.memory_space<vmem>>, vector<16xi32>,
    %get3A_2132 = arith.constant 32 : index
    %get3A_2133 = tpu.vector_load %arg10[%get3A_2132] {strides = array<i32>} : memref<1024xi32, #tpu.memory_space<vmem>>, vector<16xi32>,
    %gather3A_2134 = tpu.vector_load_idx %arg8[%get3A_2133] : memref<1032xi32, #tpu.memory_space<vmem>>[vector<16xi32>], vector<16xi32>,
    %get3A_2135 = arith.constant 32 : index
    %get3A_2136 = tpu.vector_load %arg7[%get3A_2135] {strides = array<i32>} : memref<1024xi32, #tpu.memory_space<vmem>>, vector<16xi32>,
    %eq3A_2137 = arith.constant 1 : i32
    %eq3A_2138 = vector.broadcast %eq3A_2137 : i32 to vector<16xi32>
    %eq3A_2139 = arith.cmpi eq, %get3A_2131, %eq3A_2138 : vector<16xi32>
    %mul3A_2140 = arith.constant 16 : i32
    %mul3A_2141 = vector.broadcast %mul3A_2140 : i32 to vector<16xi32>
    %mul3A_2142 = arith.muli %gather3A_2134, %mul3A_2141 : vector<16xi32>
    %add3A_2143 = arith.constant 1 : i32
    %add3A_2144 = vector.broadcast %add3A_2143 : i32 to vector<16xi32>
    %add3A_2145 = arith.addi %get3A_2136, %add3A_2144 : vector<16xi32>
    %select_n3A_2146 = arith.select %eq3A_2139, %mul3A_2142, %add3A_2145 : vector<16xi1>, vector<16xi32>
    %swap3A_2147 = arith.constant 32 : index
    %swap3A_2148 = tpu.vector_load %arg11[%swap3A_2147] {strides = array<i32>} : memref<1024xi32, #tpu.memory_space<vmem>>, vector<16xi32>,
    tpu.vector_store %arg11[%swap3A_2147], %select_n3A_2146 {strides = array<i32>} : memref<1024xi32, #tpu.memory_space<vmem>>, vector<16xi32>,
    %get3A_2149 = arith.constant 48 : index
    %get3A_2150 = tpu.vector_load %arg9[%get3A_2149] {strides = array<i32>} : memref<1024xi32, #tpu.memory_space<vmem>>, vector<16xi32>,
    %get3A_2151 = arith.constant 48 : index
    %get3A_2152 = tpu.vector_load %arg10[%get3A_2151] {strides = array<i32>} : memref<1024xi32, #tpu.memory_space<vmem>>, vector<16xi32>,
    %gather3A_2153 = tpu.vector_load_idx %arg8[%get3A_2152] : memref<1032xi32, #tpu.memory_space<vmem>>[vector<16xi32>], vector<16xi32>,
    %get3A_2154 = arith.constant 48 : index
    %get3A_2155 = tpu.vector_load %arg7[%get3A_2154] {strides = array<i32>} : memref<1024xi32, #tpu.memory_space<vmem>>, vector<16xi32>,
    %eq3A_2156 = arith.constant 1 : i32
    %eq3A_2157 = vector.broadcast %eq3A_2156 : i32 to vector<16xi32>
    %eq3A_2158 = arith.cmpi eq, %get3A_2150, %eq3A_2157 : vector<16xi32>
    %mul3A_2159 = arith.constant 16 : i32
    %mul3A_2160 = vector.broadcast %mul3A_2159 : i32 to vector<16xi32>
    %mul3A_2161 = arith.muli %gather3A_2153, %mul3A_2160 : vector<16xi32>
    %add3A_2162 = arith.constant 1 : i32
    %add3A_2163 = vector.broadcast %add3A_2162 : i32 to vector<16xi32>
    %add3A_2164 = arith.addi %get3A_2155, %add3A_2163 : vector<16xi32>
    %select_n3A_2165 = arith.select %eq3A_2158, %mul3A_2161, %add3A_2164 : vector<16xi1>, vector<16xi32>
    %swap3A_2166 = arith.constant 48 : index
    %swap3A_2167 = tpu.vector_load %arg11[%swap3A_2166] {strides = array<i32>} : memref<1024xi32, #tpu.memory_space<vmem>>, vector<16xi32>,
    tpu.vector_store %arg11[%swap3A_2166], %select_n3A_2165 {strides = array<i32>} : memref<1024xi32, #tpu.memory_space<vmem>>, vector<16xi32>,
    %get3A_2168 = arith.constant 64 : index
    %get3A_2169 = tpu.vector_load %arg9[%get3A_2168] {strides = array<i32>} : memref<1024xi32, #tpu.memory_space<vmem>>, vector<16xi32>,
    %get3A_2170 = arith.constant 64 : index
    %get3A_2171 = tpu.vector_load %arg10[%get3A_2170] {strides = array<i32>} : memref<1024xi32, #tpu.memory_space<vmem>>, vector<16xi32>,
    %gather3A_2172 = tpu.vector_load_idx %arg8[%get3A_2171] : memref<1032xi32, #tpu.memory_space<vmem>>[vector<16xi32>], vector<16xi32>,
    %get3A_2173 = arith.constant 64 : index
    %get3A_2174 = tpu.vector_load %arg7[%get3A_2173] {strides = array<i32>} : memref<1024xi32, #tpu.memory_space<vmem>>, vector<16xi32>,
    %eq3A_2175 = arith.constant 1 : i32
    %eq3A_2176 = vector.broadcast %eq3A_2175 : i32 to vector<16xi32>
    %eq3A_2177 = arith.cmpi eq, %get3A_2169, %eq3A_2176 : vector<16xi32>
    %mul3A_2178 = arith.constant 16 : i32
    %mul3A_2179 = vector.broadcast %mul3A_2178 : i32 to vector<16xi32>
    %mul3A_2180 = arith.muli %gather3A_2172, %mul3A_2179 : vector<16xi32>
    %add3A_2181 = arith.constant 1 : i32
    %add3A_2182 = vector.broadcast %add3A_2181 : i32 to vector<16xi32>
    %add3A_2183 = arith.addi %get3A_2174, %add3A_2182 : vector<16xi32>
    %select_n3A_2184 = arith.select %eq3A_2177, %mul3A_2180, %add3A_2183 : vector<16xi1>, vector<16xi32>
    %swap3A_2185 = arith.constant 64 : index
    %swap3A_2186 = tpu.vector_load %arg11[%swap3A_2185] {strides = array<i32>} : memref<1024xi32, #tpu.memory_space<vmem>>, vector<16xi32>,
    tpu.vector_store %arg11[%swap3A_2185], %select_n3A_2184 {strides = array<i32>} : memref<1024xi32, #tpu.memory_space<vmem>>, vector<16xi32>,
    %get3A_2187 = arith.constant 80 : index
    %get3A_2188 = tpu.vector_load %arg9[%get3A_2187] {strides = array<i32>} : memref<1024xi32, #tpu.memory_space<vmem>>, vector<16xi32>,
    %get3A_2189 = arith.constant 80 : index
    %get3A_2190 = tpu.vector_load %arg10[%get3A_2189] {strides = array<i32>} : memref<1024xi32, #tpu.memory_space<vmem>>, vector<16xi32>,
    %gather3A_2191 = tpu.vector_load_idx %arg8[%get3A_2190] : memref<1032xi32, #tpu.memory_space<vmem>>[vector<16xi32>], vector<16xi32>,
    %get3A_2192 = arith.constant 80 : index
    %get3A_2193 = tpu.vector_load %arg7[%get3A_2192] {strides = array<i32>} : memref<1024xi32, #tpu.memory_space<vmem>>, vector<16xi32>,
    %eq3A_2194 = arith.constant 1 : i32
    %eq3A_2195 = vector.broadcast %eq3A_2194 : i32 to vector<16xi32>
    %eq3A_2196 = arith.cmpi eq, %get3A_2188, %eq3A_2195 : vector<16xi32>
    %mul3A_2197 = arith.constant 16 : i32
    %mul3A_2198 = vector.broadcast %mul3A_2197 : i32 to vector<16xi32>
    %mul3A_2199 = arith.muli %gather3A_2191, %mul3A_2198 : vector<16xi32>
    %add3A_2200 = arith.constant 1 : i32
    %add3A_2201 = vector.broadcast %add3A_2200 : i32 to vector<16xi32>
    %add3A_2202 = arith.addi %get3A_2193, %add3A_2201 : vector<16xi32>
    %select_n3A_2203 = arith.select %eq3A_2196, %mul3A_2199, %add3A_2202 : vector<16xi1>, vector<16xi32>
    %swap3A_2204 = arith.constant 80 : index
    %swap3A_2205 = tpu.vector_load %arg11[%swap3A_2204] {strides = array<i32>} : memref<1024xi32, #tpu.memory_space<vmem>>, vector<16xi32>,
    tpu.vector_store %arg11[%swap3A_2204], %select_n3A_2203 {strides = array<i32>} : memref<1024xi32, #tpu.memory_space<vmem>>, vector<16xi32>,
    %get3A_2206 = arith.constant 96 : index
    %get3A_2207 = tpu.vector_load %arg9[%get3A_2206] {strides = array<i32>} : memref<1024xi32, #tpu.memory_space<vmem>>, vector<16xi32>,
    %get3A_2208 = arith.constant 96 : index
    %get3A_2209 = tpu.vector_load %arg10[%get3A_2208] {strides = array<i32>} : memref<1024xi32, #tpu.memory_space<vmem>>, vector<16xi32>,
    %gather3A_2210 = tpu.vector_load_idx %arg8[%get3A_2209] : memref<1032xi32, #tpu.memory_space<vmem>>[vector<16xi32>], vector<16xi32>,
    %get3A_2211 = arith.constant 96 : index
    %get3A_2212 = tpu.vector_load %arg7[%get3A_2211] {strides = array<i32>} : memref<1024xi32, #tpu.memory_space<vmem>>, vector<16xi32>,
    %eq3A_2213 = arith.constant 1 : i32
    %eq3A_2214 = vector.broadcast %eq3A_2213 : i32 to vector<16xi32>
    %eq3A_2215 = arith.cmpi eq, %get3A_2207, %eq3A_2214 : vector<16xi32>
    %mul3A_2216 = arith.constant 16 : i32
    %mul3A_2217 = vector.broadcast %mul3A_2216 : i32 to vector<16xi32>
    %mul3A_2218 = arith.muli %gather3A_2210, %mul3A_2217 : vector<16xi32>
    %add3A_2219 = arith.constant 1 : i32
    %add3A_2220 = vector.broadcast %add3A_2219 : i32 to vector<16xi32>
    %add3A_2221 = arith.addi %get3A_2212, %add3A_2220 : vector<16xi32>
    %select_n3A_2222 = arith.select %eq3A_2215, %mul3A_2218, %add3A_2221 : vector<16xi1>, vector<16xi32>
    %swap3A_2223 = arith.constant 96 : index
    %swap3A_2224 = tpu.vector_load %arg11[%swap3A_2223] {strides = array<i32>} : memref<1024xi32, #tpu.memory_space<vmem>>, vector<16xi32>,
    tpu.vector_store %arg11[%swap3A_2223], %select_n3A_2222 {strides = array<i32>} : memref<1024xi32, #tpu.memory_space<vmem>>, vector<16xi32>,
    %get3A_2225 = arith.constant 112 : index
    %get3A_2226 = tpu.vector_load %arg9[%get3A_2225] {strides = array<i32>} : memref<1024xi32, #tpu.memory_space<vmem>>, vector<16xi32>,
    %get3A_2227 = arith.constant 112 : index
    %get3A_2228 = tpu.vector_load %arg10[%get3A_2227] {strides = array<i32>} : memref<1024xi32, #tpu.memory_space<vmem>>, vector<16xi32>,
    %gather3A_2229 = tpu.vector_load_idx %arg8[%get3A_2228] : memref<1032xi32, #tpu.memory_space<vmem>>[vector<16xi32>], vector<16xi32>,
    %get3A_2230 = arith.constant 112 : index
    %get3A_2231 = tpu.vector_load %arg7[%get3A_2230] {strides = array<i32>} : memref<1024xi32, #tpu.memory_space<vmem>>, vector<16xi32>,
    %eq3A_2232 = arith.constant 1 : i32
    %eq3A_2233 = vector.broadcast %eq3A_2232 : i32 to vector<16xi32>
    %eq3A_2234 = arith.cmpi eq, %get3A_2226, %eq3A_2233 : vector<16xi32>
    %mul3A_2235 = arith.constant 16 : i32
    %mul3A_2236 = vector.broadcast %mul3A_2235 : i32 to vector<16xi32>
    %mul3A_2237 = arith.muli %gather3A_2229, %mul3A_2236 : vector<16xi32>
    %add3A_2238 = arith.constant 1 : i32
    %add3A_2239 = vector.broadcast %add3A_2238 : i32 to vector<16xi32>
    %add3A_2240 = arith.addi %get3A_2231, %add3A_2239 : vector<16xi32>
    %select_n3A_2241 = arith.select %eq3A_2234, %mul3A_2237, %add3A_2240 : vector<16xi1>, vector<16xi32>
    %swap3A_2242 = arith.constant 112 : index
    %swap3A_2243 = tpu.vector_load %arg11[%swap3A_2242] {strides = array<i32>} : memref<1024xi32, #tpu.memory_space<vmem>>, vector<16xi32>,
    tpu.vector_store %arg11[%swap3A_2242], %select_n3A_2241 {strides = array<i32>} : memref<1024xi32, #tpu.memory_space<vmem>>, vector<16xi32>,
    %get3A_2244 = arith.constant 128 : index
    %get3A_2245 = tpu.vector_load %arg9[%get3A_2244] {strides = array<i32>} : memref<1024xi32, #tpu.memory_space<vmem>>, vector<16xi32>,
    %get3A_2246 = arith.constant 128 : index
    %get3A_2247 = tpu.vector_load %arg10[%get3A_2246] {strides = array<i32>} : memref<1024xi32, #tpu.memory_space<vmem>>, vector<16xi32>,
    %gather3A_2248 = tpu.vector_load_idx %arg8[%get3A_2247] : memref<1032xi32, #tpu.memory_space<vmem>>[vector<16xi32>], vector<16xi32>,
    %get3A_2249 = arith.constant 128 : index
    %get3A_2250 = tpu.vector_load %arg7[%get3A_2249] {strides = array<i32>} : memref<1024xi32, #tpu.memory_space<vmem>>, vector<16xi32>,
    %eq3A_2251 = arith.constant 1 : i32
    %eq3A_2252 = vector.broadcast %eq3A_2251 : i32 to vector<16xi32>
    %eq3A_2253 = arith.cmpi eq, %get3A_2245, %eq3A_2252 : vector<16xi32>
    %mul3A_2254 = arith.constant 16 : i32
    %mul3A_2255 = vector.broadcast %mul3A_2254 : i32 to vector<16xi32>
    %mul3A_2256 = arith.muli %gather3A_2248, %mul3A_2255 : vector<16xi32>
    %add3A_2257 = arith.constant 1 : i32
    %add3A_2258 = vector.broadcast %add3A_2257 : i32 to vector<16xi32>
    %add3A_2259 = arith.addi %get3A_2250, %add3A_2258 : vector<16xi32>
    %select_n3A_2260 = arith.select %eq3A_2253, %mul3A_2256, %add3A_2259 : vector<16xi1>, vector<16xi32>
    %swap3A_2261 = arith.constant 128 : index
    %swap3A_2262 = tpu.vector_load %arg11[%swap3A_2261] {strides = array<i32>} : memref<1024xi32, #tpu.memory_space<vmem>>, vector<16xi32>,
    tpu.vector_store %arg11[%swap3A_2261], %select_n3A_2260 {strides = array<i32>} : memref<1024xi32, #tpu.memory_space<vmem>>, vector<16xi32>,
    %get3A_2263 = arith.constant 144 : index
    %get3A_2264 = tpu.vector_load %arg9[%get3A_2263] {strides = array<i32>} : memref<1024xi32, #tpu.memory_space<vmem>>, vector<16xi32>,
    %get3A_2265 = arith.constant 144 : index
    %get3A_2266 = tpu.vector_load %arg10[%get3A_2265] {strides = array<i32>} : memref<1024xi32, #tpu.memory_space<vmem>>, vector<16xi32>,
    %gather3A_2267 = tpu.vector_load_idx %arg8[%get3A_2266] : memref<1032xi32, #tpu.memory_space<vmem>>[vector<16xi32>], vector<16xi32>,
    %get3A_2268 = arith.constant 144 : index
    %get3A_2269 = tpu.vector_load %arg7[%get3A_2268] {strides = array<i32>} : memref<1024xi32, #tpu.memory_space<vmem>>, vector<16xi32>,
    %eq3A_2270 = arith.constant 1 : i32
    %eq3A_2271 = vector.broadcast %eq3A_2270 : i32 to vector<16xi32>
    %eq3A_2272 = arith.cmpi eq, %get3A_2264, %eq3A_2271 : vector<16xi32>
    %mul3A_2273 = arith.constant 16 : i32
    %mul3A_2274 = vector.broadcast %mul3A_2273 : i32 to vector<16xi32>
    %mul3A_2275 = arith.muli %gather3A_2267, %mul3A_2274 : vector<16xi32>
    %add3A_2276 = arith.constant 1 : i32
    %add3A_2277 = vector.broadcast %add3A_2276 : i32 to vector<16xi32>
    %add3A_2278 = arith.addi %get3A_2269, %add3A_2277 : vector<16xi32>
    %select_n3A_2279 = arith.select %eq3A_2272, %mul3A_2275, %add3A_2278 : vector<16xi1>, vector<16xi32>
    %swap3A_2280 = arith.constant 144 : index
    %swap3A_2281 = tpu.vector_load %arg11[%swap3A_2280] {strides = array<i32>} : memref<1024xi32, #tpu.memory_space<vmem>>, vector<16xi32>,
    tpu.vector_store %arg11[%swap3A_2280], %select_n3A_2279 {strides = array<i32>} : memref<1024xi32, #tpu.memory_space<vmem>>, vector<16xi32>,
    %get3A_2282 = arith.constant 160 : index
    %get3A_2283 = tpu.vector_load %arg9[%get3A_2282] {strides = array<i32>} : memref<1024xi32, #tpu.memory_space<vmem>>, vector<16xi32>,
    %get3A_2284 = arith.constant 160 : index
    %get3A_2285 = tpu.vector_load %arg10[%get3A_2284] {strides = array<i32>} : memref<1024xi32, #tpu.memory_space<vmem>>, vector<16xi32>,
    %gather3A_2286 = tpu.vector_load_idx %arg8[%get3A_2285] : memref<1032xi32, #tpu.memory_space<vmem>>[vector<16xi32>], vector<16xi32>,
    %get3A_2287 = arith.constant 160 : index
    %get3A_2288 = tpu.vector_load %arg7[%get3A_2287] {strides = array<i32>} : memref<1024xi32, #tpu.memory_space<vmem>>, vector<16xi32>,
    %eq3A_2289 = arith.constant 1 : i32
    %eq3A_2290 = vector.broadcast %eq3A_2289 : i32 to vector<16xi32>
    %eq3A_2291 = arith.cmpi eq, %get3A_2283, %eq3A_2290 : vector<16xi32>
    %mul3A_2292 = arith.constant 16 : i32
    %mul3A_2293 = vector.broadcast %mul3A_2292 : i32 to vector<16xi32>
    %mul3A_2294 = arith.muli %gather3A_2286, %mul3A_2293 : vector<16xi32>
    %add3A_2295 = arith.constant 1 : i32
    %add3A_2296 = vector.broadcast %add3A_2295 : i32 to vector<16xi32>
    %add3A_2297 = arith.addi %get3A_2288, %add3A_2296 : vector<16xi32>
    %select_n3A_2298 = arith.select %eq3A_2291, %mul3A_2294, %add3A_2297 : vector<16xi1>, vector<16xi32>
    %swap3A_2299 = arith.constant 160 : index
    %swap3A_2300 = tpu.vector_load %arg11[%swap3A_2299] {strides = array<i32>} : memref<1024xi32, #tpu.memory_space<vmem>>, vector<16xi32>,
    tpu.vector_store %arg11[%swap3A_2299], %select_n3A_2298 {strides = array<i32>} : memref<1024xi32, #tpu.memory_space<vmem>>, vector<16xi32>,
    %get3A_2301 = arith.constant 176 : index
    %get3A_2302 = tpu.vector_load %arg9[%get3A_2301] {strides = array<i32>} : memref<1024xi32, #tpu.memory_space<vmem>>, vector<16xi32>,
    %get3A_2303 = arith.constant 176 : index
    %get3A_2304 = tpu.vector_load %arg10[%get3A_2303] {strides = array<i32>} : memref<1024xi32, #tpu.memory_space<vmem>>, vector<16xi32>,
    %gather3A_2305 = tpu.vector_load_idx %arg8[%get3A_2304] : memref<1032xi32, #tpu.memory_space<vmem>>[vector<16xi32>], vector<16xi32>,
    %get3A_2306 = arith.constant 176 : index
    %get3A_2307 = tpu.vector_load %arg7[%get3A_2306] {strides = array<i32>} : memref<1024xi32, #tpu.memory_space<vmem>>, vector<16xi32>,
    %eq3A_2308 = arith.constant 1 : i32
    %eq3A_2309 = vector.broadcast %eq3A_2308 : i32 to vector<16xi32>
    %eq3A_2310 = arith.cmpi eq, %get3A_2302, %eq3A_2309 : vector<16xi32>
    %mul3A_2311 = arith.constant 16 : i32
    %mul3A_2312 = vector.broadcast %mul3A_2311 : i32 to vector<16xi32>
    %mul3A_2313 = arith.muli %gather3A_2305, %mul3A_2312 : vector<16xi32>
    %add3A_2314 = arith.constant 1 : i32
    %add3A_2315 = vector.broadcast %add3A_2314 : i32 to vector<16xi32>
    %add3A_2316 = arith.addi %get3A_2307, %add3A_2315 : vector<16xi32>
    %select_n3A_2317 = arith.select %eq3A_2310, %mul3A_2313, %add3A_2316 : vector<16xi1>, vector<16xi32>
    %swap3A_2318 = arith.constant 176 : index
    %swap3A_2319 = tpu.vector_load %arg11[%swap3A_2318] {strides = array<i32>} : memref<1024xi32, #tpu.memory_space<vmem>>, vector<16xi32>,
    tpu.vector_store %arg11[%swap3A_2318], %select_n3A_2317 {strides = array<i32>} : memref<1024xi32, #tpu.memory_space<vmem>>, vector<16xi32>,
    %get3A_2320 = arith.constant 192 : index
    %get3A_2321 = tpu.vector_load %arg9[%get3A_2320] {strides = array<i32>} : memref<1024xi32, #tpu.memory_space<vmem>>, vector<16xi32>,
    %get3A_2322 = arith.constant 192 : index
    %get3A_2323 = tpu.vector_load %arg10[%get3A_2322] {strides = array<i32>} : memref<1024xi32, #tpu.memory_space<vmem>>, vector<16xi32>,
    %gather3A_2324 = tpu.vector_load_idx %arg8[%get3A_2323] : memref<1032xi32, #tpu.memory_space<vmem>>[vector<16xi32>], vector<16xi32>,
    %get3A_2325 = arith.constant 192 : index
    %get3A_2326 = tpu.vector_load %arg7[%get3A_2325] {strides = array<i32>} : memref<1024xi32, #tpu.memory_space<vmem>>, vector<16xi32>,
    %eq3A_2327 = arith.constant 1 : i32
    %eq3A_2328 = vector.broadcast %eq3A_2327 : i32 to vector<16xi32>
    %eq3A_2329 = arith.cmpi eq, %get3A_2321, %eq3A_2328 : vector<16xi32>
    %mul3A_2330 = arith.constant 16 : i32
    %mul3A_2331 = vector.broadcast %mul3A_2330 : i32 to vector<16xi32>
    %mul3A_2332 = arith.muli %gather3A_2324, %mul3A_2331 : vector<16xi32>
    %add3A_2333 = arith.constant 1 : i32
    %add3A_2334 = vector.broadcast %add3A_2333 : i32 to vector<16xi32>
    %add3A_2335 = arith.addi %get3A_2326, %add3A_2334 : vector<16xi32>
    %select_n3A_2336 = arith.select %eq3A_2329, %mul3A_2332, %add3A_2335 : vector<16xi1>, vector<16xi32>
    %swap3A_2337 = arith.constant 192 : index
    %swap3A_2338 = tpu.vector_load %arg11[%swap3A_2337] {strides = array<i32>} : memref<1024xi32, #tpu.memory_space<vmem>>, vector<16xi32>,
    tpu.vector_store %arg11[%swap3A_2337], %select_n3A_2336 {strides = array<i32>} : memref<1024xi32, #tpu.memory_space<vmem>>, vector<16xi32>,
    %get3A_2339 = arith.constant 208 : index
    %get3A_2340 = tpu.vector_load %arg9[%get3A_2339] {strides = array<i32>} : memref<1024xi32, #tpu.memory_space<vmem>>, vector<16xi32>,
    %get3A_2341 = arith.constant 208 : index
    %get3A_2342 = tpu.vector_load %arg10[%get3A_2341] {strides = array<i32>} : memref<1024xi32, #tpu.memory_space<vmem>>, vector<16xi32>,
    %gather3A_2343 = tpu.vector_load_idx %arg8[%get3A_2342] : memref<1032xi32, #tpu.memory_space<vmem>>[vector<16xi32>], vector<16xi32>,
    %get3A_2344 = arith.constant 208 : index
    %get3A_2345 = tpu.vector_load %arg7[%get3A_2344] {strides = array<i32>} : memref<1024xi32, #tpu.memory_space<vmem>>, vector<16xi32>,
    %eq3A_2346 = arith.constant 1 : i32
    %eq3A_2347 = vector.broadcast %eq3A_2346 : i32 to vector<16xi32>
    %eq3A_2348 = arith.cmpi eq, %get3A_2340, %eq3A_2347 : vector<16xi32>
    %mul3A_2349 = arith.constant 16 : i32
    %mul3A_2350 = vector.broadcast %mul3A_2349 : i32 to vector<16xi32>
    %mul3A_2351 = arith.muli %gather3A_2343, %mul3A_2350 : vector<16xi32>
    %add3A_2352 = arith.constant 1 : i32
    %add3A_2353 = vector.broadcast %add3A_2352 : i32 to vector<16xi32>
    %add3A_2354 = arith.addi %get3A_2345, %add3A_2353 : vector<16xi32>
    %select_n3A_2355 = arith.select %eq3A_2348, %mul3A_2351, %add3A_2354 : vector<16xi1>, vector<16xi32>
    %swap3A_2356 = arith.constant 208 : index
    %swap3A_2357 = tpu.vector_load %arg11[%swap3A_2356] {strides = array<i32>} : memref<1024xi32, #tpu.memory_space<vmem>>, vector<16xi32>,
    tpu.vector_store %arg11[%swap3A_2356], %select_n3A_2355 {strides = array<i32>} : memref<1024xi32, #tpu.memory_space<vmem>>, vector<16xi32>,
    %get3A_2358 = arith.constant 224 : index
    %get3A_2359 = tpu.vector_load %arg9[%get3A_2358] {strides = array<i32>} : memref<1024xi32, #tpu.memory_space<vmem>>, vector<16xi32>,
    %get3A_2360 = arith.constant 224 : index
    %get3A_2361 = tpu.vector_load %arg10[%get3A_2360] {strides = array<i32>} : memref<1024xi32, #tpu.memory_space<vmem>>, vector<16xi32>,
    %gather3A_2362 = tpu.vector_load_idx %arg8[%get3A_2361] : memref<1032xi32, #tpu.memory_space<vmem>>[vector<16xi32>], vector<16xi32>,
    %get3A_2363 = arith.constant 224 : index
    %get3A_2364 = tpu.vector_load %arg7[%get3A_2363] {strides = array<i32>} : memref<1024xi32, #tpu.memory_space<vmem>>, vector<16xi32>,
    %eq3A_2365 = arith.constant 1 : i32
    %eq3A_2366 = vector.broadcast %eq3A_2365 : i32 to vector<16xi32>
    %eq3A_2367 = arith.cmpi eq, %get3A_2359, %eq3A_2366 : vector<16xi32>
    %mul3A_2368 = arith.constant 16 : i32
    %mul3A_2369 = vector.broadcast %mul3A_2368 : i32 to vector<16xi32>
    %mul3A_2370 = arith.muli %gather3A_2362, %mul3A_2369 : vector<16xi32>
    %add3A_2371 = arith.constant 1 : i32
    %add3A_2372 = vector.broadcast %add3A_2371 : i32 to vector<16xi32>
    %add3A_2373 = arith.addi %get3A_2364, %add3A_2372 : vector<16xi32>
    %select_n3A_2374 = arith.select %eq3A_2367, %mul3A_2370, %add3A_2373 : vector<16xi1>, vector<16xi32>
    %swap3A_2375 = arith.constant 224 : index
    %swap3A_2376 = tpu.vector_load %arg11[%swap3A_2375] {strides = array<i32>} : memref<1024xi32, #tpu.memory_space<vmem>>, vector<16xi32>,
    tpu.vector_store %arg11[%swap3A_2375], %select_n3A_2374 {strides = array<i32>} : memref<1024xi32, #tpu.memory_space<vmem>>, vector<16xi32>,
    %get3A_2377 = arith.constant 240 : index
    %get3A_2378 = tpu.vector_load %arg9[%get3A_2377] {strides = array<i32>} : memref<1024xi32, #tpu.memory_space<vmem>>, vector<16xi32>,
    %get3A_2379 = arith.constant 240 : index
    %get3A_2380 = tpu.vector_load %arg10[%get3A_2379] {strides = array<i32>} : memref<1024xi32, #tpu.memory_space<vmem>>, vector<16xi32>,
    %gather3A_2381 = tpu.vector_load_idx %arg8[%get3A_2380] : memref<1032xi32, #tpu.memory_space<vmem>>[vector<16xi32>], vector<16xi32>,
    %get3A_2382 = arith.constant 240 : index
    %get3A_2383 = tpu.vector_load %arg7[%get3A_2382] {strides = array<i32>} : memref<1024xi32, #tpu.memory_space<vmem>>, vector<16xi32>,
    %eq3A_2384 = arith.constant 1 : i32
    %eq3A_2385 = vector.broadcast %eq3A_2384 : i32 to vector<16xi32>
    %eq3A_2386 = arith.cmpi eq, %get3A_2378, %eq3A_2385 : vector<16xi32>
    %mul3A_2387 = arith.constant 16 : i32
    %mul3A_2388 = vector.broadcast %mul3A_2387 : i32 to vector<16xi32>
    %mul3A_2389 = arith.muli %gather3A_2381, %mul3A_2388 : vector<16xi32>
    %add3A_2390 = arith.constant 1 : i32
    %add3A_2391 = vector.broadcast %add3A_2390 : i32 to vector<16xi32>
    %add3A_2392 = arith.addi %get3A_2383, %add3A_2391 : vector<16xi32>
    %select_n3A_2393 = arith.select %eq3A_2386, %mul3A_2389, %add3A_2392 : vector<16xi1>, vector<16xi32>
    %swap3A_2394 = arith.constant 240 : index
    %swap3A_2395 = tpu.vector_load %arg11[%swap3A_2394] {strides = array<i32>} : memref<1024xi32, #tpu.memory_space<vmem>>, vector<16xi32>,
    tpu.vector_store %arg11[%swap3A_2394], %select_n3A_2393 {strides = array<i32>} : memref<1024xi32, #tpu.memory_space<vmem>>, vector<16xi32>,
    %get3A_2396 = arith.constant 256 : index
    %get3A_2397 = tpu.vector_load %arg9[%get3A_2396] {strides = array<i32>} : memref<1024xi32, #tpu.memory_space<vmem>>, vector<16xi32>,
    %get3A_2398 = arith.constant 256 : index
    %get3A_2399 = tpu.vector_load %arg10[%get3A_2398] {strides = array<i32>} : memref<1024xi32, #tpu.memory_space<vmem>>, vector<16xi32>,
    %gather3A_2400 = tpu.vector_load_idx %arg8[%get3A_2399] : memref<1032xi32, #tpu.memory_space<vmem>>[vector<16xi32>], vector<16xi32>,
    %get3A_2401 = arith.constant 256 : index
    %get3A_2402 = tpu.vector_load %arg7[%get3A_2401] {strides = array<i32>} : memref<1024xi32, #tpu.memory_space<vmem>>, vector<16xi32>,
    %eq3A_2403 = arith.constant 1 : i32
    %eq3A_2404 = vector.broadcast %eq3A_2403 : i32 to vector<16xi32>
    %eq3A_2405 = arith.cmpi eq, %get3A_2397, %eq3A_2404 : vector<16xi32>
    %mul3A_2406 = arith.constant 16 : i32
    %mul3A_2407 = vector.broadcast %mul3A_2406 : i32 to vector<16xi32>
    %mul3A_2408 = arith.muli %gather3A_2400, %mul3A_2407 : vector<16xi32>
    %add3A_2409 = arith.constant 1 : i32
    %add3A_2410 = vector.broadcast %add3A_2409 : i32 to vector<16xi32>
    %add3A_2411 = arith.addi %get3A_2402, %add3A_2410 : vector<16xi32>
    %select_n3A_2412 = arith.select %eq3A_2405, %mul3A_2408, %add3A_2411 : vector<16xi1>, vector<16xi32>
    %swap3A_2413 = arith.constant 256 : index
    %swap3A_2414 = tpu.vector_load %arg11[%swap3A_2413] {strides = array<i32>} : memref<1024xi32, #tpu.memory_space<vmem>>, vector<16xi32>,
    tpu.vector_store %arg11[%swap3A_2413], %select_n3A_2412 {strides = array<i32>} : memref<1024xi32, #tpu.memory_space<vmem>>, vector<16xi32>,
    %get3A_2415 = arith.constant 272 : index
    %get3A_2416 = tpu.vector_load %arg9[%get3A_2415] {strides = array<i32>} : memref<1024xi32, #tpu.memory_space<vmem>>, vector<16xi32>,
    %get3A_2417 = arith.constant 272 : index
    %get3A_2418 = tpu.vector_load %arg10[%get3A_2417] {strides = array<i32>} : memref<1024xi32, #tpu.memory_space<vmem>>, vector<16xi32>,
    %gather3A_2419 = tpu.vector_load_idx %arg8[%get3A_2418] : memref<1032xi32, #tpu.memory_space<vmem>>[vector<16xi32>], vector<16xi32>,
    %get3A_2420 = arith.constant 272 : index
    %get3A_2421 = tpu.vector_load %arg7[%get3A_2420] {strides = array<i32>} : memref<1024xi32, #tpu.memory_space<vmem>>, vector<16xi32>,
    %eq3A_2422 = arith.constant 1 : i32
    %eq3A_2423 = vector.broadcast %eq3A_2422 : i32 to vector<16xi32>
    %eq3A_2424 = arith.cmpi eq, %get3A_2416, %eq3A_2423 : vector<16xi32>
    %mul3A_2425 = arith.constant 16 : i32
    %mul3A_2426 = vector.broadcast %mul3A_2425 : i32 to vector<16xi32>
    %mul3A_2427 = arith.muli %gather3A_2419, %mul3A_2426 : vector<16xi32>
    %add3A_2428 = arith.constant 1 : i32
    %add3A_2429 = vector.broadcast %add3A_2428 : i32 to vector<16xi32>
    %add3A_2430 = arith.addi %get3A_2421, %add3A_2429 : vector<16xi32>
    %select_n3A_2431 = arith.select %eq3A_2424, %mul3A_2427, %add3A_2430 : vector<16xi1>, vector<16xi32>
    %swap3A_2432 = arith.constant 272 : index
    %swap3A_2433 = tpu.vector_load %arg11[%swap3A_2432] {strides = array<i32>} : memref<1024xi32, #tpu.memory_space<vmem>>, vector<16xi32>,
    tpu.vector_store %arg11[%swap3A_2432], %select_n3A_2431 {strides = array<i32>} : memref<1024xi32, #tpu.memory_space<vmem>>, vector<16xi32>,
    %get3A_2434 = arith.constant 288 : index
    %get3A_2435 = tpu.vector_load %arg9[%get3A_2434] {strides = array<i32>} : memref<1024xi32, #tpu.memory_space<vmem>>, vector<16xi32>,
    %get3A_2436 = arith.constant 288 : index
    %get3A_2437 = tpu.vector_load %arg10[%get3A_2436] {strides = array<i32>} : memref<1024xi32, #tpu.memory_space<vmem>>, vector<16xi32>,
    %gather3A_2438 = tpu.vector_load_idx %arg8[%get3A_2437] : memref<1032xi32, #tpu.memory_space<vmem>>[vector<16xi32>], vector<16xi32>,
    %get3A_2439 = arith.constant 288 : index
    %get3A_2440 = tpu.vector_load %arg7[%get3A_2439] {strides = array<i32>} : memref<1024xi32, #tpu.memory_space<vmem>>, vector<16xi32>,
    %eq3A_2441 = arith.constant 1 : i32
    %eq3A_2442 = vector.broadcast %eq3A_2441 : i32 to vector<16xi32>
    %eq3A_2443 = arith.cmpi eq, %get3A_2435, %eq3A_2442 : vector<16xi32>
    %mul3A_2444 = arith.constant 16 : i32
    %mul3A_2445 = vector.broadcast %mul3A_2444 : i32 to vector<16xi32>
    %mul3A_2446 = arith.muli %gather3A_2438, %mul3A_2445 : vector<16xi32>
    %add3A_2447 = arith.constant 1 : i32
    %add3A_2448 = vector.broadcast %add3A_2447 : i32 to vector<16xi32>
    %add3A_2449 = arith.addi %get3A_2440, %add3A_2448 : vector<16xi32>
    %select_n3A_2450 = arith.select %eq3A_2443, %mul3A_2446, %add3A_2449 : vector<16xi1>, vector<16xi32>
    %swap3A_2451 = arith.constant 288 : index
    %swap3A_2452 = tpu.vector_load %arg11[%swap3A_2451] {strides = array<i32>} : memref<1024xi32, #tpu.memory_space<vmem>>, vector<16xi32>,
    tpu.vector_store %arg11[%swap3A_2451], %select_n3A_2450 {strides = array<i32>} : memref<1024xi32, #tpu.memory_space<vmem>>, vector<16xi32>,
    %get3A_2453 = arith.constant 304 : index
    %get3A_2454 = tpu.vector_load %arg9[%get3A_2453] {strides = array<i32>} : memref<1024xi32, #tpu.memory_space<vmem>>, vector<16xi32>,
    %get3A_2455 = arith.constant 304 : index
    %get3A_2456 = tpu.vector_load %arg10[%get3A_2455] {strides = array<i32>} : memref<1024xi32, #tpu.memory_space<vmem>>, vector<16xi32>,
    %gather3A_2457 = tpu.vector_load_idx %arg8[%get3A_2456] : memref<1032xi32, #tpu.memory_space<vmem>>[vector<16xi32>], vector<16xi32>,
    %get3A_2458 = arith.constant 304 : index
    %get3A_2459 = tpu.vector_load %arg7[%get3A_2458] {strides = array<i32>} : memref<1024xi32, #tpu.memory_space<vmem>>, vector<16xi32>,
    %eq3A_2460 = arith.constant 1 : i32
    %eq3A_2461 = vector.broadcast %eq3A_2460 : i32 to vector<16xi32>
    %eq3A_2462 = arith.cmpi eq, %get3A_2454, %eq3A_2461 : vector<16xi32>
    %mul3A_2463 = arith.constant 16 : i32
    %mul3A_2464 = vector.broadcast %mul3A_2463 : i32 to vector<16xi32>
    %mul3A_2465 = arith.muli %gather3A_2457, %mul3A_2464 : vector<16xi32>
    %add3A_2466 = arith.constant 1 : i32
    %add3A_2467 = vector.broadcast %add3A_2466 : i32 to vector<16xi32>
    %add3A_2468 = arith.addi %get3A_2459, %add3A_2467 : vector<16xi32>
    %select_n3A_2469 = arith.select %eq3A_2462, %mul3A_2465, %add3A_2468 : vector<16xi1>, vector<16xi32>
    %swap3A_2470 = arith.constant 304 : index
    %swap3A_2471 = tpu.vector_load %arg11[%swap3A_2470] {strides = array<i32>} : memref<1024xi32, #tpu.memory_space<vmem>>, vector<16xi32>,
    tpu.vector_store %arg11[%swap3A_2470], %select_n3A_2469 {strides = array<i32>} : memref<1024xi32, #tpu.memory_space<vmem>>, vector<16xi32>,
    %get3A_2472 = arith.constant 320 : index
    %get3A_2473 = tpu.vector_load %arg9[%get3A_2472] {strides = array<i32>} : memref<1024xi32, #tpu.memory_space<vmem>>, vector<16xi32>,
    %get3A_2474 = arith.constant 320 : index
    %get3A_2475 = tpu.vector_load %arg10[%get3A_2474] {strides = array<i32>} : memref<1024xi32, #tpu.memory_space<vmem>>, vector<16xi32>,
    %gather3A_2476 = tpu.vector_load_idx %arg8[%get3A_2475] : memref<1032xi32, #tpu.memory_space<vmem>>[vector<16xi32>], vector<16xi32>,
    %get3A_2477 = arith.constant 320 : index
    %get3A_2478 = tpu.vector_load %arg7[%get3A_2477] {strides = array<i32>} : memref<1024xi32, #tpu.memory_space<vmem>>, vector<16xi32>,
    %eq3A_2479 = arith.constant 1 : i32
    %eq3A_2480 = vector.broadcast %eq3A_2479 : i32 to vector<16xi32>
    %eq3A_2481 = arith.cmpi eq, %get3A_2473, %eq3A_2480 : vector<16xi32>
    %mul3A_2482 = arith.constant 16 : i32
    %mul3A_2483 = vector.broadcast %mul3A_2482 : i32 to vector<16xi32>
    %mul3A_2484 = arith.muli %gather3A_2476, %mul3A_2483 : vector<16xi32>
    %add3A_2485 = arith.constant 1 : i32
    %add3A_2486 = vector.broadcast %add3A_2485 : i32 to vector<16xi32>
    %add3A_2487 = arith.addi %get3A_2478, %add3A_2486 : vector<16xi32>
    %select_n3A_2488 = arith.select %eq3A_2481, %mul3A_2484, %add3A_2487 : vector<16xi1>, vector<16xi32>
    %swap3A_2489 = arith.constant 320 : index
    %swap3A_2490 = tpu.vector_load %arg11[%swap3A_2489] {strides = array<i32>} : memref<1024xi32, #tpu.memory_space<vmem>>, vector<16xi32>,
    tpu.vector_store %arg11[%swap3A_2489], %select_n3A_2488 {strides = array<i32>} : memref<1024xi32, #tpu.memory_space<vmem>>, vector<16xi32>,
    %get3A_2491 = arith.constant 336 : index
    %get3A_2492 = tpu.vector_load %arg9[%get3A_2491] {strides = array<i32>} : memref<1024xi32, #tpu.memory_space<vmem>>, vector<16xi32>,
    %get3A_2493 = arith.constant 336 : index
    %get3A_2494 = tpu.vector_load %arg10[%get3A_2493] {strides = array<i32>} : memref<1024xi32, #tpu.memory_space<vmem>>, vector<16xi32>,
    %gather3A_2495 = tpu.vector_load_idx %arg8[%get3A_2494] : memref<1032xi32, #tpu.memory_space<vmem>>[vector<16xi32>], vector<16xi32>,
    %get3A_2496 = arith.constant 336 : index
    %get3A_2497 = tpu.vector_load %arg7[%get3A_2496] {strides = array<i32>} : memref<1024xi32, #tpu.memory_space<vmem>>, vector<16xi32>,
    %eq3A_2498 = arith.constant 1 : i32
    %eq3A_2499 = vector.broadcast %eq3A_2498 : i32 to vector<16xi32>
    %eq3A_2500 = arith.cmpi eq, %get3A_2492, %eq3A_2499 : vector<16xi32>
    %mul3A_2501 = arith.constant 16 : i32
    %mul3A_2502 = vector.broadcast %mul3A_2501 : i32 to vector<16xi32>
    %mul3A_2503 = arith.muli %gather3A_2495, %mul3A_2502 : vector<16xi32>
    %add3A_2504 = arith.constant 1 : i32
    %add3A_2505 = vector.broadcast %add3A_2504 : i32 to vector<16xi32>
    %add3A_2506 = arith.addi %get3A_2497, %add3A_2505 : vector<16xi32>
    %select_n3A_2507 = arith.select %eq3A_2500, %mul3A_2503, %add3A_2506 : vector<16xi1>, vector<16xi32>
    %swap3A_2508 = arith.constant 336 : index
    %swap3A_2509 = tpu.vector_load %arg11[%swap3A_2508] {strides = array<i32>} : memref<1024xi32, #tpu.memory_space<vmem>>, vector<16xi32>,
    tpu.vector_store %arg11[%swap3A_2508], %select_n3A_2507 {strides = array<i32>} : memref<1024xi32, #tpu.memory_space<vmem>>, vector<16xi32>,
    %get3A_2510 = arith.constant 352 : index
    %get3A_2511 = tpu.vector_load %arg9[%get3A_2510] {strides = array<i32>} : memref<1024xi32, #tpu.memory_space<vmem>>, vector<16xi32>,
    %get3A_2512 = arith.constant 352 : index
    %get3A_2513 = tpu.vector_load %arg10[%get3A_2512] {strides = array<i32>} : memref<1024xi32, #tpu.memory_space<vmem>>, vector<16xi32>,
    %gather3A_2514 = tpu.vector_load_idx %arg8[%get3A_2513] : memref<1032xi32, #tpu.memory_space<vmem>>[vector<16xi32>], vector<16xi32>,
    %get3A_2515 = arith.constant 352 : index
    %get3A_2516 = tpu.vector_load %arg7[%get3A_2515] {strides = array<i32>} : memref<1024xi32, #tpu.memory_space<vmem>>, vector<16xi32>,
    %eq3A_2517 = arith.constant 1 : i32
    %eq3A_2518 = vector.broadcast %eq3A_2517 : i32 to vector<16xi32>
    %eq3A_2519 = arith.cmpi eq, %get3A_2511, %eq3A_2518 : vector<16xi32>
    %mul3A_2520 = arith.constant 16 : i32
    %mul3A_2521 = vector.broadcast %mul3A_2520 : i32 to vector<16xi32>
    %mul3A_2522 = arith.muli %gather3A_2514, %mul3A_2521 : vector<16xi32>
    %add3A_2523 = arith.constant 1 : i32
    %add3A_2524 = vector.broadcast %add3A_2523 : i32 to vector<16xi32>
    %add3A_2525 = arith.addi %get3A_2516, %add3A_2524 : vector<16xi32>
    %select_n3A_2526 = arith.select %eq3A_2519, %mul3A_2522, %add3A_2525 : vector<16xi1>, vector<16xi32>
    %swap3A_2527 = arith.constant 352 : index
    %swap3A_2528 = tpu.vector_load %arg11[%swap3A_2527] {strides = array<i32>} : memref<1024xi32, #tpu.memory_space<vmem>>, vector<16xi32>,
    tpu.vector_store %arg11[%swap3A_2527], %select_n3A_2526 {strides = array<i32>} : memref<1024xi32, #tpu.memory_space<vmem>>, vector<16xi32>,
    %get3A_2529 = arith.constant 368 : index
    %get3A_2530 = tpu.vector_load %arg9[%get3A_2529] {strides = array<i32>} : memref<1024xi32, #tpu.memory_space<vmem>>, vector<16xi32>,
    %get3A_2531 = arith.constant 368 : index
    %get3A_2532 = tpu.vector_load %arg10[%get3A_2531] {strides = array<i32>} : memref<1024xi32, #tpu.memory_space<vmem>>, vector<16xi32>,
    %gather3A_2533 = tpu.vector_load_idx %arg8[%get3A_2532] : memref<1032xi32, #tpu.memory_space<vmem>>[vector<16xi32>], vector<16xi32>,
    %get3A_2534 = arith.constant 368 : index
    %get3A_2535 = tpu.vector_load %arg7[%get3A_2534] {strides = array<i32>} : memref<1024xi32, #tpu.memory_space<vmem>>, vector<16xi32>,
    %eq3A_2536 = arith.constant 1 : i32
    %eq3A_2537 = vector.broadcast %eq3A_2536 : i32 to vector<16xi32>
    %eq3A_2538 = arith.cmpi eq, %get3A_2530, %eq3A_2537 : vector<16xi32>
    %mul3A_2539 = arith.constant 16 : i32
    %mul3A_2540 = vector.broadcast %mul3A_2539 : i32 to vector<16xi32>
    %mul3A_2541 = arith.muli %gather3A_2533, %mul3A_2540 : vector<16xi32>
    %add3A_2542 = arith.constant 1 : i32
    %add3A_2543 = vector.broadcast %add3A_2542 : i32 to vector<16xi32>
    %add3A_2544 = arith.addi %get3A_2535, %add3A_2543 : vector<16xi32>
    %select_n3A_2545 = arith.select %eq3A_2538, %mul3A_2541, %add3A_2544 : vector<16xi1>, vector<16xi32>
    %swap3A_2546 = arith.constant 368 : index
    %swap3A_2547 = tpu.vector_load %arg11[%swap3A_2546] {strides = array<i32>} : memref<1024xi32, #tpu.memory_space<vmem>>, vector<16xi32>,
    tpu.vector_store %arg11[%swap3A_2546], %select_n3A_2545 {strides = array<i32>} : memref<1024xi32, #tpu.memory_space<vmem>>, vector<16xi32>,
    %get3A_2548 = arith.constant 384 : index
    %get3A_2549 = tpu.vector_load %arg9[%get3A_2548] {strides = array<i32>} : memref<1024xi32, #tpu.memory_space<vmem>>, vector<16xi32>,
    %get3A_2550 = arith.constant 384 : index
    %get3A_2551 = tpu.vector_load %arg10[%get3A_2550] {strides = array<i32>} : memref<1024xi32, #tpu.memory_space<vmem>>, vector<16xi32>,
    %gather3A_2552 = tpu.vector_load_idx %arg8[%get3A_2551] : memref<1032xi32, #tpu.memory_space<vmem>>[vector<16xi32>], vector<16xi32>,
    %get3A_2553 = arith.constant 384 : index
    %get3A_2554 = tpu.vector_load %arg7[%get3A_2553] {strides = array<i32>} : memref<1024xi32, #tpu.memory_space<vmem>>, vector<16xi32>,
    %eq3A_2555 = arith.constant 1 : i32
    %eq3A_2556 = vector.broadcast %eq3A_2555 : i32 to vector<16xi32>
    %eq3A_2557 = arith.cmpi eq, %get3A_2549, %eq3A_2556 : vector<16xi32>
    %mul3A_2558 = arith.constant 16 : i32
    %mul3A_2559 = vector.broadcast %mul3A_2558 : i32 to vector<16xi32>
    %mul3A_2560 = arith.muli %gather3A_2552, %mul3A_2559 : vector<16xi32>
    %add3A_2561 = arith.constant 1 : i32
    %add3A_2562 = vector.broadcast %add3A_2561 : i32 to vector<16xi32>
    %add3A_2563 = arith.addi %get3A_2554, %add3A_2562 : vector<16xi32>
    %select_n3A_2564 = arith.select %eq3A_2557, %mul3A_2560, %add3A_2563 : vector<16xi1>, vector<16xi32>
    %swap3A_2565 = arith.constant 384 : index
    %swap3A_2566 = tpu.vector_load %arg11[%swap3A_2565] {strides = array<i32>} : memref<1024xi32, #tpu.memory_space<vmem>>, vector<16xi32>,
    tpu.vector_store %arg11[%swap3A_2565], %select_n3A_2564 {strides = array<i32>} : memref<1024xi32, #tpu.memory_space<vmem>>, vector<16xi32>,
    %get3A_2567 = arith.constant 400 : index
    %get3A_2568 = tpu.vector_load %arg9[%get3A_2567] {strides = array<i32>} : memref<1024xi32, #tpu.memory_space<vmem>>, vector<16xi32>,
    %get3A_2569 = arith.constant 400 : index
    %get3A_2570 = tpu.vector_load %arg10[%get3A_2569] {strides = array<i32>} : memref<1024xi32, #tpu.memory_space<vmem>>, vector<16xi32>,
    %gather3A_2571 = tpu.vector_load_idx %arg8[%get3A_2570] : memref<1032xi32, #tpu.memory_space<vmem>>[vector<16xi32>], vector<16xi32>,
    %get3A_2572 = arith.constant 400 : index
    %get3A_2573 = tpu.vector_load %arg7[%get3A_2572] {strides = array<i32>} : memref<1024xi32, #tpu.memory_space<vmem>>, vector<16xi32>,
    %eq3A_2574 = arith.constant 1 : i32
    %eq3A_2575 = vector.broadcast %eq3A_2574 : i32 to vector<16xi32>
    %eq3A_2576 = arith.cmpi eq, %get3A_2568, %eq3A_2575 : vector<16xi32>
    %mul3A_2577 = arith.constant 16 : i32
    %mul3A_2578 = vector.broadcast %mul3A_2577 : i32 to vector<16xi32>
    %mul3A_2579 = arith.muli %gather3A_2571, %mul3A_2578 : vector<16xi32>
    %add3A_2580 = arith.constant 1 : i32
    %add3A_2581 = vector.broadcast %add3A_2580 : i32 to vector<16xi32>
    %add3A_2582 = arith.addi %get3A_2573, %add3A_2581 : vector<16xi32>
    %select_n3A_2583 = arith.select %eq3A_2576, %mul3A_2579, %add3A_2582 : vector<16xi1>, vector<16xi32>
    %swap3A_2584 = arith.constant 400 : index
    %swap3A_2585 = tpu.vector_load %arg11[%swap3A_2584] {strides = array<i32>} : memref<1024xi32, #tpu.memory_space<vmem>>, vector<16xi32>,
    tpu.vector_store %arg11[%swap3A_2584], %select_n3A_2583 {strides = array<i32>} : memref<1024xi32, #tpu.memory_space<vmem>>, vector<16xi32>,
    %get3A_2586 = arith.constant 416 : index
    %get3A_2587 = tpu.vector_load %arg9[%get3A_2586] {strides = array<i32>} : memref<1024xi32, #tpu.memory_space<vmem>>, vector<16xi32>,
    %get3A_2588 = arith.constant 416 : index
    %get3A_2589 = tpu.vector_load %arg10[%get3A_2588] {strides = array<i32>} : memref<1024xi32, #tpu.memory_space<vmem>>, vector<16xi32>,
    %gather3A_2590 = tpu.vector_load_idx %arg8[%get3A_2589] : memref<1032xi32, #tpu.memory_space<vmem>>[vector<16xi32>], vector<16xi32>,
    %get3A_2591 = arith.constant 416 : index
    %get3A_2592 = tpu.vector_load %arg7[%get3A_2591] {strides = array<i32>} : memref<1024xi32, #tpu.memory_space<vmem>>, vector<16xi32>,
    %eq3A_2593 = arith.constant 1 : i32
    %eq3A_2594 = vector.broadcast %eq3A_2593 : i32 to vector<16xi32>
    %eq3A_2595 = arith.cmpi eq, %get3A_2587, %eq3A_2594 : vector<16xi32>
    %mul3A_2596 = arith.constant 16 : i32
    %mul3A_2597 = vector.broadcast %mul3A_2596 : i32 to vector<16xi32>
    %mul3A_2598 = arith.muli %gather3A_2590, %mul3A_2597 : vector<16xi32>
    %add3A_2599 = arith.constant 1 : i32
    %add3A_2600 = vector.broadcast %add3A_2599 : i32 to vector<16xi32>
    %add3A_2601 = arith.addi %get3A_2592, %add3A_2600 : vector<16xi32>
    %select_n3A_2602 = arith.select %eq3A_2595, %mul3A_2598, %add3A_2601 : vector<16xi1>, vector<16xi32>
    %swap3A_2603 = arith.constant 416 : index
    %swap3A_2604 = tpu.vector_load %arg11[%swap3A_2603] {strides = array<i32>} : memref<1024xi32, #tpu.memory_space<vmem>>, vector<16xi32>,
    tpu.vector_store %arg11[%swap3A_2603], %select_n3A_2602 {strides = array<i32>} : memref<1024xi32, #tpu.memory_space<vmem>>, vector<16xi32>,
    %get3A_2605 = arith.constant 432 : index
    %get3A_2606 = tpu.vector_load %arg9[%get3A_2605] {strides = array<i32>} : memref<1024xi32, #tpu.memory_space<vmem>>, vector<16xi32>,
    %get3A_2607 = arith.constant 432 : index
    %get3A_2608 = tpu.vector_load %arg10[%get3A_2607] {strides = array<i32>} : memref<1024xi32, #tpu.memory_space<vmem>>, vector<16xi32>,
    %gather3A_2609 = tpu.vector_load_idx %arg8[%get3A_2608] : memref<1032xi32, #tpu.memory_space<vmem>>[vector<16xi32>], vector<16xi32>,
    %get3A_2610 = arith.constant 432 : index
    %get3A_2611 = tpu.vector_load %arg7[%get3A_2610] {strides = array<i32>} : memref<1024xi32, #tpu.memory_space<vmem>>, vector<16xi32>,
    %eq3A_2612 = arith.constant 1 : i32
    %eq3A_2613 = vector.broadcast %eq3A_2612 : i32 to vector<16xi32>
    %eq3A_2614 = arith.cmpi eq, %get3A_2606, %eq3A_2613 : vector<16xi32>
    %mul3A_2615 = arith.constant 16 : i32
    %mul3A_2616 = vector.broadcast %mul3A_2615 : i32 to vector<16xi32>
    %mul3A_2617 = arith.muli %gather3A_2609, %mul3A_2616 : vector<16xi32>
    %add3A_2618 = arith.constant 1 : i32
    %add3A_2619 = vector.broadcast %add3A_2618 : i32 to vector<16xi32>
    %add3A_2620 = arith.addi %get3A_2611, %add3A_2619 : vector<16xi32>
    %select_n3A_2621 = arith.select %eq3A_2614, %mul3A_2617, %add3A_2620 : vector<16xi1>, vector<16xi32>
    %swap3A_2622 = arith.constant 432 : index
    %swap3A_2623 = tpu.vector_load %arg11[%swap3A_2622] {strides = array<i32>} : memref<1024xi32, #tpu.memory_space<vmem>>, vector<16xi32>,
    tpu.vector_store %arg11[%swap3A_2622], %select_n3A_2621 {strides = array<i32>} : memref<1024xi32, #tpu.memory_space<vmem>>, vector<16xi32>,
    %get3A_2624 = arith.constant 448 : index
    %get3A_2625 = tpu.vector_load %arg9[%get3A_2624] {strides = array<i32>} : memref<1024xi32, #tpu.memory_space<vmem>>, vector<16xi32>,
    %get3A_2626 = arith.constant 448 : index
    %get3A_2627 = tpu.vector_load %arg10[%get3A_2626] {strides = array<i32>} : memref<1024xi32, #tpu.memory_space<vmem>>, vector<16xi32>,
    %gather3A_2628 = tpu.vector_load_idx %arg8[%get3A_2627] : memref<1032xi32, #tpu.memory_space<vmem>>[vector<16xi32>], vector<16xi32>,
    %get3A_2629 = arith.constant 448 : index
    %get3A_2630 = tpu.vector_load %arg7[%get3A_2629] {strides = array<i32>} : memref<1024xi32, #tpu.memory_space<vmem>>, vector<16xi32>,
    %eq3A_2631 = arith.constant 1 : i32
    %eq3A_2632 = vector.broadcast %eq3A_2631 : i32 to vector<16xi32>
    %eq3A_2633 = arith.cmpi eq, %get3A_2625, %eq3A_2632 : vector<16xi32>
    %mul3A_2634 = arith.constant 16 : i32
    %mul3A_2635 = vector.broadcast %mul3A_2634 : i32 to vector<16xi32>
    %mul3A_2636 = arith.muli %gather3A_2628, %mul3A_2635 : vector<16xi32>
    %add3A_2637 = arith.constant 1 : i32
    %add3A_2638 = vector.broadcast %add3A_2637 : i32 to vector<16xi32>
    %add3A_2639 = arith.addi %get3A_2630, %add3A_2638 : vector<16xi32>
    %select_n3A_2640 = arith.select %eq3A_2633, %mul3A_2636, %add3A_2639 : vector<16xi1>, vector<16xi32>
    %swap3A_2641 = arith.constant 448 : index
    %swap3A_2642 = tpu.vector_load %arg11[%swap3A_2641] {strides = array<i32>} : memref<1024xi32, #tpu.memory_space<vmem>>, vector<16xi32>,
    tpu.vector_store %arg11[%swap3A_2641], %select_n3A_2640 {strides = array<i32>} : memref<1024xi32, #tpu.memory_space<vmem>>, vector<16xi32>,
    %get3A_2643 = arith.constant 464 : index
    %get3A_2644 = tpu.vector_load %arg9[%get3A_2643] {strides = array<i32>} : memref<1024xi32, #tpu.memory_space<vmem>>, vector<16xi32>,
    %get3A_2645 = arith.constant 464 : index
    %get3A_2646 = tpu.vector_load %arg10[%get3A_2645] {strides = array<i32>} : memref<1024xi32, #tpu.memory_space<vmem>>, vector<16xi32>,
    %gather3A_2647 = tpu.vector_load_idx %arg8[%get3A_2646] : memref<1032xi32, #tpu.memory_space<vmem>>[vector<16xi32>], vector<16xi32>,
    %get3A_2648 = arith.constant 464 : index
    %get3A_2649 = tpu.vector_load %arg7[%get3A_2648] {strides = array<i32>} : memref<1024xi32, #tpu.memory_space<vmem>>, vector<16xi32>,
    %eq3A_2650 = arith.constant 1 : i32
    %eq3A_2651 = vector.broadcast %eq3A_2650 : i32 to vector<16xi32>
    %eq3A_2652 = arith.cmpi eq, %get3A_2644, %eq3A_2651 : vector<16xi32>
    %mul3A_2653 = arith.constant 16 : i32
    %mul3A_2654 = vector.broadcast %mul3A_2653 : i32 to vector<16xi32>
    %mul3A_2655 = arith.muli %gather3A_2647, %mul3A_2654 : vector<16xi32>
    %add3A_2656 = arith.constant 1 : i32
    %add3A_2657 = vector.broadcast %add3A_2656 : i32 to vector<16xi32>
    %add3A_2658 = arith.addi %get3A_2649, %add3A_2657 : vector<16xi32>
    %select_n3A_2659 = arith.select %eq3A_2652, %mul3A_2655, %add3A_2658 : vector<16xi1>, vector<16xi32>
    %swap3A_2660 = arith.constant 464 : index
    %swap3A_2661 = tpu.vector_load %arg11[%swap3A_2660] {strides = array<i32>} : memref<1024xi32, #tpu.memory_space<vmem>>, vector<16xi32>,
    tpu.vector_store %arg11[%swap3A_2660], %select_n3A_2659 {strides = array<i32>} : memref<1024xi32, #tpu.memory_space<vmem>>, vector<16xi32>,
    %get3A_2662 = arith.constant 480 : index
    %get3A_2663 = tpu.vector_load %arg9[%get3A_2662] {strides = array<i32>} : memref<1024xi32, #tpu.memory_space<vmem>>, vector<16xi32>,
    %get3A_2664 = arith.constant 480 : index
    %get3A_2665 = tpu.vector_load %arg10[%get3A_2664] {strides = array<i32>} : memref<1024xi32, #tpu.memory_space<vmem>>, vector<16xi32>,
    %gather3A_2666 = tpu.vector_load_idx %arg8[%get3A_2665] : memref<1032xi32, #tpu.memory_space<vmem>>[vector<16xi32>], vector<16xi32>,
    %get3A_2667 = arith.constant 480 : index
    %get3A_2668 = tpu.vector_load %arg7[%get3A_2667] {strides = array<i32>} : memref<1024xi32, #tpu.memory_space<vmem>>, vector<16xi32>,
    %eq3A_2669 = arith.constant 1 : i32
    %eq3A_2670 = vector.broadcast %eq3A_2669 : i32 to vector<16xi32>
    %eq3A_2671 = arith.cmpi eq, %get3A_2663, %eq3A_2670 : vector<16xi32>
    %mul3A_2672 = arith.constant 16 : i32
    %mul3A_2673 = vector.broadcast %mul3A_2672 : i32 to vector<16xi32>
    %mul3A_2674 = arith.muli %gather3A_2666, %mul3A_2673 : vector<16xi32>
    %add3A_2675 = arith.constant 1 : i32
    %add3A_2676 = vector.broadcast %add3A_2675 : i32 to vector<16xi32>
    %add3A_2677 = arith.addi %get3A_2668, %add3A_2676 : vector<16xi32>
    %select_n3A_2678 = arith.select %eq3A_2671, %mul3A_2674, %add3A_2677 : vector<16xi1>, vector<16xi32>
    %swap3A_2679 = arith.constant 480 : index
    %swap3A_2680 = tpu.vector_load %arg11[%swap3A_2679] {strides = array<i32>} : memref<1024xi32, #tpu.memory_space<vmem>>, vector<16xi32>,
    tpu.vector_store %arg11[%swap3A_2679], %select_n3A_2678 {strides = array<i32>} : memref<1024xi32, #tpu.memory_space<vmem>>, vector<16xi32>,
    %get3A_2681 = arith.constant 496 : index
    %get3A_2682 = tpu.vector_load %arg9[%get3A_2681] {strides = array<i32>} : memref<1024xi32, #tpu.memory_space<vmem>>, vector<16xi32>,
    %get3A_2683 = arith.constant 496 : index
    %get3A_2684 = tpu.vector_load %arg10[%get3A_2683] {strides = array<i32>} : memref<1024xi32, #tpu.memory_space<vmem>>, vector<16xi32>,
    %gather3A_2685 = tpu.vector_load_idx %arg8[%get3A_2684] : memref<1032xi32, #tpu.memory_space<vmem>>[vector<16xi32>], vector<16xi32>,
    %get3A_2686 = arith.constant 496 : index
    %get3A_2687 = tpu.vector_load %arg7[%get3A_2686] {strides = array<i32>} : memref<1024xi32, #tpu.memory_space<vmem>>, vector<16xi32>,
    %eq3A_2688 = arith.constant 1 : i32
    %eq3A_2689 = vector.broadcast %eq3A_2688 : i32 to vector<16xi32>
    %eq3A_2690 = arith.cmpi eq, %get3A_2682, %eq3A_2689 : vector<16xi32>
    %mul3A_2691 = arith.constant 16 : i32
    %mul3A_2692 = vector.broadcast %mul3A_2691 : i32 to vector<16xi32>
    %mul3A_2693 = arith.muli %gather3A_2685, %mul3A_2692 : vector<16xi32>
    %add3A_2694 = arith.constant 1 : i32
    %add3A_2695 = vector.broadcast %add3A_2694 : i32 to vector<16xi32>
    %add3A_2696 = arith.addi %get3A_2687, %add3A_2695 : vector<16xi32>
    %select_n3A_2697 = arith.select %eq3A_2690, %mul3A_2693, %add3A_2696 : vector<16xi1>, vector<16xi32>
    %swap3A_2698 = arith.constant 496 : index
    %swap3A_2699 = tpu.vector_load %arg11[%swap3A_2698] {strides = array<i32>} : memref<1024xi32, #tpu.memory_space<vmem>>, vector<16xi32>,
    tpu.vector_store %arg11[%swap3A_2698], %select_n3A_2697 {strides = array<i32>} : memref<1024xi32, #tpu.memory_space<vmem>>, vector<16xi32>,
    %get3A_2700 = arith.constant 512 : index
    %get3A_2701 = tpu.vector_load %arg9[%get3A_2700] {strides = array<i32>} : memref<1024xi32, #tpu.memory_space<vmem>>, vector<16xi32>,
    %get3A_2702 = arith.constant 512 : index
    %get3A_2703 = tpu.vector_load %arg10[%get3A_2702] {strides = array<i32>} : memref<1024xi32, #tpu.memory_space<vmem>>, vector<16xi32>,
    %gather3A_2704 = tpu.vector_load_idx %arg8[%get3A_2703] : memref<1032xi32, #tpu.memory_space<vmem>>[vector<16xi32>], vector<16xi32>,
    %get3A_2705 = arith.constant 512 : index
    %get3A_2706 = tpu.vector_load %arg7[%get3A_2705] {strides = array<i32>} : memref<1024xi32, #tpu.memory_space<vmem>>, vector<16xi32>,
    %eq3A_2707 = arith.constant 1 : i32
    %eq3A_2708 = vector.broadcast %eq3A_2707 : i32 to vector<16xi32>
    %eq3A_2709 = arith.cmpi eq, %get3A_2701, %eq3A_2708 : vector<16xi32>
    %mul3A_2710 = arith.constant 16 : i32
    %mul3A_2711 = vector.broadcast %mul3A_2710 : i32 to vector<16xi32>
    %mul3A_2712 = arith.muli %gather3A_2704, %mul3A_2711 : vector<16xi32>
    %add3A_2713 = arith.constant 1 : i32
    %add3A_2714 = vector.broadcast %add3A_2713 : i32 to vector<16xi32>
    %add3A_2715 = arith.addi %get3A_2706, %add3A_2714 : vector<16xi32>
    %select_n3A_2716 = arith.select %eq3A_2709, %mul3A_2712, %add3A_2715 : vector<16xi1>, vector<16xi32>
    %swap3A_2717 = arith.constant 512 : index
    %swap3A_2718 = tpu.vector_load %arg11[%swap3A_2717] {strides = array<i32>} : memref<1024xi32, #tpu.memory_space<vmem>>, vector<16xi32>,
    tpu.vector_store %arg11[%swap3A_2717], %select_n3A_2716 {strides = array<i32>} : memref<1024xi32, #tpu.memory_space<vmem>>, vector<16xi32>,
    %get3A_2719 = arith.constant 528 : index
    %get3A_2720 = tpu.vector_load %arg9[%get3A_2719] {strides = array<i32>} : memref<1024xi32, #tpu.memory_space<vmem>>, vector<16xi32>,
    %get3A_2721 = arith.constant 528 : index
    %get3A_2722 = tpu.vector_load %arg10[%get3A_2721] {strides = array<i32>} : memref<1024xi32, #tpu.memory_space<vmem>>, vector<16xi32>,
    %gather3A_2723 = tpu.vector_load_idx %arg8[%get3A_2722] : memref<1032xi32, #tpu.memory_space<vmem>>[vector<16xi32>], vector<16xi32>,
    %get3A_2724 = arith.constant 528 : index
    %get3A_2725 = tpu.vector_load %arg7[%get3A_2724] {strides = array<i32>} : memref<1024xi32, #tpu.memory_space<vmem>>, vector<16xi32>,
    %eq3A_2726 = arith.constant 1 : i32
    %eq3A_2727 = vector.broadcast %eq3A_2726 : i32 to vector<16xi32>
    %eq3A_2728 = arith.cmpi eq, %get3A_2720, %eq3A_2727 : vector<16xi32>
    %mul3A_2729 = arith.constant 16 : i32
    %mul3A_2730 = vector.broadcast %mul3A_2729 : i32 to vector<16xi32>
    %mul3A_2731 = arith.muli %gather3A_2723, %mul3A_2730 : vector<16xi32>
    %add3A_2732 = arith.constant 1 : i32
    %add3A_2733 = vector.broadcast %add3A_2732 : i32 to vector<16xi32>
    %add3A_2734 = arith.addi %get3A_2725, %add3A_2733 : vector<16xi32>
    %select_n3A_2735 = arith.select %eq3A_2728, %mul3A_2731, %add3A_2734 : vector<16xi1>, vector<16xi32>
    %swap3A_2736 = arith.constant 528 : index
    %swap3A_2737 = tpu.vector_load %arg11[%swap3A_2736] {strides = array<i32>} : memref<1024xi32, #tpu.memory_space<vmem>>, vector<16xi32>,
    tpu.vector_store %arg11[%swap3A_2736], %select_n3A_2735 {strides = array<i32>} : memref<1024xi32, #tpu.memory_space<vmem>>, vector<16xi32>,
    %get3A_2738 = arith.constant 544 : index
    %get3A_2739 = tpu.vector_load %arg9[%get3A_2738] {strides = array<i32>} : memref<1024xi32, #tpu.memory_space<vmem>>, vector<16xi32>,
    %get3A_2740 = arith.constant 544 : index
    %get3A_2741 = tpu.vector_load %arg10[%get3A_2740] {strides = array<i32>} : memref<1024xi32, #tpu.memory_space<vmem>>, vector<16xi32>,
    %gather3A_2742 = tpu.vector_load_idx %arg8[%get3A_2741] : memref<1032xi32, #tpu.memory_space<vmem>>[vector<16xi32>], vector<16xi32>,
    %get3A_2743 = arith.constant 544 : index
    %get3A_2744 = tpu.vector_load %arg7[%get3A_2743] {strides = array<i32>} : memref<1024xi32, #tpu.memory_space<vmem>>, vector<16xi32>,
    %eq3A_2745 = arith.constant 1 : i32
    %eq3A_2746 = vector.broadcast %eq3A_2745 : i32 to vector<16xi32>
    %eq3A_2747 = arith.cmpi eq, %get3A_2739, %eq3A_2746 : vector<16xi32>
    %mul3A_2748 = arith.constant 16 : i32
    %mul3A_2749 = vector.broadcast %mul3A_2748 : i32 to vector<16xi32>
    %mul3A_2750 = arith.muli %gather3A_2742, %mul3A_2749 : vector<16xi32>
    %add3A_2751 = arith.constant 1 : i32
    %add3A_2752 = vector.broadcast %add3A_2751 : i32 to vector<16xi32>
    %add3A_2753 = arith.addi %get3A_2744, %add3A_2752 : vector<16xi32>
    %select_n3A_2754 = arith.select %eq3A_2747, %mul3A_2750, %add3A_2753 : vector<16xi1>, vector<16xi32>
    %swap3A_2755 = arith.constant 544 : index
    %swap3A_2756 = tpu.vector_load %arg11[%swap3A_2755] {strides = array<i32>} : memref<1024xi32, #tpu.memory_space<vmem>>, vector<16xi32>,
    tpu.vector_store %arg11[%swap3A_2755], %select_n3A_2754 {strides = array<i32>} : memref<1024xi32, #tpu.memory_space<vmem>>, vector<16xi32>,
    %get3A_2757 = arith.constant 560 : index
    %get3A_2758 = tpu.vector_load %arg9[%get3A_2757] {strides = array<i32>} : memref<1024xi32, #tpu.memory_space<vmem>>, vector<16xi32>,
    %get3A_2759 = arith.constant 560 : index
    %get3A_2760 = tpu.vector_load %arg10[%get3A_2759] {strides = array<i32>} : memref<1024xi32, #tpu.memory_space<vmem>>, vector<16xi32>,
    %gather3A_2761 = tpu.vector_load_idx %arg8[%get3A_2760] : memref<1032xi32, #tpu.memory_space<vmem>>[vector<16xi32>], vector<16xi32>,
    %get3A_2762 = arith.constant 560 : index
    %get3A_2763 = tpu.vector_load %arg7[%get3A_2762] {strides = array<i32>} : memref<1024xi32, #tpu.memory_space<vmem>>, vector<16xi32>,
    %eq3A_2764 = arith.constant 1 : i32
    %eq3A_2765 = vector.broadcast %eq3A_2764 : i32 to vector<16xi32>
    %eq3A_2766 = arith.cmpi eq, %get3A_2758, %eq3A_2765 : vector<16xi32>
    %mul3A_2767 = arith.constant 16 : i32
    %mul3A_2768 = vector.broadcast %mul3A_2767 : i32 to vector<16xi32>
    %mul3A_2769 = arith.muli %gather3A_2761, %mul3A_2768 : vector<16xi32>
    %add3A_2770 = arith.constant 1 : i32
    %add3A_2771 = vector.broadcast %add3A_2770 : i32 to vector<16xi32>
    %add3A_2772 = arith.addi %get3A_2763, %add3A_2771 : vector<16xi32>
    %select_n3A_2773 = arith.select %eq3A_2766, %mul3A_2769, %add3A_2772 : vector<16xi1>, vector<16xi32>
    %swap3A_2774 = arith.constant 560 : index
    %swap3A_2775 = tpu.vector_load %arg11[%swap3A_2774] {strides = array<i32>} : memref<1024xi32, #tpu.memory_space<vmem>>, vector<16xi32>,
    tpu.vector_store %arg11[%swap3A_2774], %select_n3A_2773 {strides = array<i32>} : memref<1024xi32, #tpu.memory_space<vmem>>, vector<16xi32>,
    %get3A_2776 = arith.constant 576 : index
    %get3A_2777 = tpu.vector_load %arg9[%get3A_2776] {strides = array<i32>} : memref<1024xi32, #tpu.memory_space<vmem>>, vector<16xi32>,
    %get3A_2778 = arith.constant 576 : index
    %get3A_2779 = tpu.vector_load %arg10[%get3A_2778] {strides = array<i32>} : memref<1024xi32, #tpu.memory_space<vmem>>, vector<16xi32>,
    %gather3A_2780 = tpu.vector_load_idx %arg8[%get3A_2779] : memref<1032xi32, #tpu.memory_space<vmem>>[vector<16xi32>], vector<16xi32>,
    %get3A_2781 = arith.constant 576 : index
    %get3A_2782 = tpu.vector_load %arg7[%get3A_2781] {strides = array<i32>} : memref<1024xi32, #tpu.memory_space<vmem>>, vector<16xi32>,
    %eq3A_2783 = arith.constant 1 : i32
    %eq3A_2784 = vector.broadcast %eq3A_2783 : i32 to vector<16xi32>
    %eq3A_2785 = arith.cmpi eq, %get3A_2777, %eq3A_2784 : vector<16xi32>
    %mul3A_2786 = arith.constant 16 : i32
    %mul3A_2787 = vector.broadcast %mul3A_2786 : i32 to vector<16xi32>
    %mul3A_2788 = arith.muli %gather3A_2780, %mul3A_2787 : vector<16xi32>
    %add3A_2789 = arith.constant 1 : i32
    %add3A_2790 = vector.broadcast %add3A_2789 : i32 to vector<16xi32>
    %add3A_2791 = arith.addi %get3A_2782, %add3A_2790 : vector<16xi32>
    %select_n3A_2792 = arith.select %eq3A_2785, %mul3A_2788, %add3A_2791 : vector<16xi1>, vector<16xi32>
    %swap3A_2793 = arith.constant 576 : index
    %swap3A_2794 = tpu.vector_load %arg11[%swap3A_2793] {strides = array<i32>} : memref<1024xi32, #tpu.memory_space<vmem>>, vector<16xi32>,
    tpu.vector_store %arg11[%swap3A_2793], %select_n3A_2792 {strides = array<i32>} : memref<1024xi32, #tpu.memory_space<vmem>>, vector<16xi32>,
    %get3A_2795 = arith.constant 592 : index
    %get3A_2796 = tpu.vector_load %arg9[%get3A_2795] {strides = array<i32>} : memref<1024xi32, #tpu.memory_space<vmem>>, vector<16xi32>,
    %get3A_2797 = arith.constant 592 : index
    %get3A_2798 = tpu.vector_load %arg10[%get3A_2797] {strides = array<i32>} : memref<1024xi32, #tpu.memory_space<vmem>>, vector<16xi32>,
    %gather3A_2799 = tpu.vector_load_idx %arg8[%get3A_2798] : memref<1032xi32, #tpu.memory_space<vmem>>[vector<16xi32>], vector<16xi32>,
    %get3A_2800 = arith.constant 592 : index
    %get3A_2801 = tpu.vector_load %arg7[%get3A_2800] {strides = array<i32>} : memref<1024xi32, #tpu.memory_space<vmem>>, vector<16xi32>,
    %eq3A_2802 = arith.constant 1 : i32
    %eq3A_2803 = vector.broadcast %eq3A_2802 : i32 to vector<16xi32>
    %eq3A_2804 = arith.cmpi eq, %get3A_2796, %eq3A_2803 : vector<16xi32>
    %mul3A_2805 = arith.constant 16 : i32
    %mul3A_2806 = vector.broadcast %mul3A_2805 : i32 to vector<16xi32>
    %mul3A_2807 = arith.muli %gather3A_2799, %mul3A_2806 : vector<16xi32>
    %add3A_2808 = arith.constant 1 : i32
    %add3A_2809 = vector.broadcast %add3A_2808 : i32 to vector<16xi32>
    %add3A_2810 = arith.addi %get3A_2801, %add3A_2809 : vector<16xi32>
    %select_n3A_2811 = arith.select %eq3A_2804, %mul3A_2807, %add3A_2810 : vector<16xi1>, vector<16xi32>
    %swap3A_2812 = arith.constant 592 : index
    %swap3A_2813 = tpu.vector_load %arg11[%swap3A_2812] {strides = array<i32>} : memref<1024xi32, #tpu.memory_space<vmem>>, vector<16xi32>,
    tpu.vector_store %arg11[%swap3A_2812], %select_n3A_2811 {strides = array<i32>} : memref<1024xi32, #tpu.memory_space<vmem>>, vector<16xi32>,
    %get3A_2814 = arith.constant 608 : index
    %get3A_2815 = tpu.vector_load %arg9[%get3A_2814] {strides = array<i32>} : memref<1024xi32, #tpu.memory_space<vmem>>, vector<16xi32>,
    %get3A_2816 = arith.constant 608 : index
    %get3A_2817 = tpu.vector_load %arg10[%get3A_2816] {strides = array<i32>} : memref<1024xi32, #tpu.memory_space<vmem>>, vector<16xi32>,
    %gather3A_2818 = tpu.vector_load_idx %arg8[%get3A_2817] : memref<1032xi32, #tpu.memory_space<vmem>>[vector<16xi32>], vector<16xi32>,
    %get3A_2819 = arith.constant 608 : index
    %get3A_2820 = tpu.vector_load %arg7[%get3A_2819] {strides = array<i32>} : memref<1024xi32, #tpu.memory_space<vmem>>, vector<16xi32>,
    %eq3A_2821 = arith.constant 1 : i32
    %eq3A_2822 = vector.broadcast %eq3A_2821 : i32 to vector<16xi32>
    %eq3A_2823 = arith.cmpi eq, %get3A_2815, %eq3A_2822 : vector<16xi32>
    %mul3A_2824 = arith.constant 16 : i32
    %mul3A_2825 = vector.broadcast %mul3A_2824 : i32 to vector<16xi32>
    %mul3A_2826 = arith.muli %gather3A_2818, %mul3A_2825 : vector<16xi32>
    %add3A_2827 = arith.constant 1 : i32
    %add3A_2828 = vector.broadcast %add3A_2827 : i32 to vector<16xi32>
    %add3A_2829 = arith.addi %get3A_2820, %add3A_2828 : vector<16xi32>
    %select_n3A_2830 = arith.select %eq3A_2823, %mul3A_2826, %add3A_2829 : vector<16xi1>, vector<16xi32>
    %swap3A_2831 = arith.constant 608 : index
    %swap3A_2832 = tpu.vector_load %arg11[%swap3A_2831] {strides = array<i32>} : memref<1024xi32, #tpu.memory_space<vmem>>, vector<16xi32>,
    tpu.vector_store %arg11[%swap3A_2831], %select_n3A_2830 {strides = array<i32>} : memref<1024xi32, #tpu.memory_space<vmem>>, vector<16xi32>,
    %get3A_2833 = arith.constant 624 : index
    %get3A_2834 = tpu.vector_load %arg9[%get3A_2833] {strides = array<i32>} : memref<1024xi32, #tpu.memory_space<vmem>>, vector<16xi32>,
    %get3A_2835 = arith.constant 624 : index
    %get3A_2836 = tpu.vector_load %arg10[%get3A_2835] {strides = array<i32>} : memref<1024xi32, #tpu.memory_space<vmem>>, vector<16xi32>,
    %gather3A_2837 = tpu.vector_load_idx %arg8[%get3A_2836] : memref<1032xi32, #tpu.memory_space<vmem>>[vector<16xi32>], vector<16xi32>,
    %get3A_2838 = arith.constant 624 : index
    %get3A_2839 = tpu.vector_load %arg7[%get3A_2838] {strides = array<i32>} : memref<1024xi32, #tpu.memory_space<vmem>>, vector<16xi32>,
    %eq3A_2840 = arith.constant 1 : i32
    %eq3A_2841 = vector.broadcast %eq3A_2840 : i32 to vector<16xi32>
    %eq3A_2842 = arith.cmpi eq, %get3A_2834, %eq3A_2841 : vector<16xi32>
    %mul3A_2843 = arith.constant 16 : i32
    %mul3A_2844 = vector.broadcast %mul3A_2843 : i32 to vector<16xi32>
    %mul3A_2845 = arith.muli %gather3A_2837, %mul3A_2844 : vector<16xi32>
    %add3A_2846 = arith.constant 1 : i32
    %add3A_2847 = vector.broadcast %add3A_2846 : i32 to vector<16xi32>
    %add3A_2848 = arith.addi %get3A_2839, %add3A_2847 : vector<16xi32>
    %select_n3A_2849 = arith.select %eq3A_2842, %mul3A_2845, %add3A_2848 : vector<16xi1>, vector<16xi32>
    %swap3A_2850 = arith.constant 624 : index
    %swap3A_2851 = tpu.vector_load %arg11[%swap3A_2850] {strides = array<i32>} : memref<1024xi32, #tpu.memory_space<vmem>>, vector<16xi32>,
    tpu.vector_store %arg11[%swap3A_2850], %select_n3A_2849 {strides = array<i32>} : memref<1024xi32, #tpu.memory_space<vmem>>, vector<16xi32>,
    %get3A_2852 = arith.constant 640 : index
    %get3A_2853 = tpu.vector_load %arg9[%get3A_2852] {strides = array<i32>} : memref<1024xi32, #tpu.memory_space<vmem>>, vector<16xi32>,
    %get3A_2854 = arith.constant 640 : index
    %get3A_2855 = tpu.vector_load %arg10[%get3A_2854] {strides = array<i32>} : memref<1024xi32, #tpu.memory_space<vmem>>, vector<16xi32>,
    %gather3A_2856 = tpu.vector_load_idx %arg8[%get3A_2855] : memref<1032xi32, #tpu.memory_space<vmem>>[vector<16xi32>], vector<16xi32>,
    %get3A_2857 = arith.constant 640 : index
    %get3A_2858 = tpu.vector_load %arg7[%get3A_2857] {strides = array<i32>} : memref<1024xi32, #tpu.memory_space<vmem>>, vector<16xi32>,
    %eq3A_2859 = arith.constant 1 : i32
    %eq3A_2860 = vector.broadcast %eq3A_2859 : i32 to vector<16xi32>
    %eq3A_2861 = arith.cmpi eq, %get3A_2853, %eq3A_2860 : vector<16xi32>
    %mul3A_2862 = arith.constant 16 : i32
    %mul3A_2863 = vector.broadcast %mul3A_2862 : i32 to vector<16xi32>
    %mul3A_2864 = arith.muli %gather3A_2856, %mul3A_2863 : vector<16xi32>
    %add3A_2865 = arith.constant 1 : i32
    %add3A_2866 = vector.broadcast %add3A_2865 : i32 to vector<16xi32>
    %add3A_2867 = arith.addi %get3A_2858, %add3A_2866 : vector<16xi32>
    %select_n3A_2868 = arith.select %eq3A_2861, %mul3A_2864, %add3A_2867 : vector<16xi1>, vector<16xi32>
    %swap3A_2869 = arith.constant 640 : index
    %swap3A_2870 = tpu.vector_load %arg11[%swap3A_2869] {strides = array<i32>} : memref<1024xi32, #tpu.memory_space<vmem>>, vector<16xi32>,
    tpu.vector_store %arg11[%swap3A_2869], %select_n3A_2868 {strides = array<i32>} : memref<1024xi32, #tpu.memory_space<vmem>>, vector<16xi32>,
    %get3A_2871 = arith.constant 656 : index
    %get3A_2872 = tpu.vector_load %arg9[%get3A_2871] {strides = array<i32>} : memref<1024xi32, #tpu.memory_space<vmem>>, vector<16xi32>,
    %get3A_2873 = arith.constant 656 : index
    %get3A_2874 = tpu.vector_load %arg10[%get3A_2873] {strides = array<i32>} : memref<1024xi32, #tpu.memory_space<vmem>>, vector<16xi32>,
    %gather3A_2875 = tpu.vector_load_idx %arg8[%get3A_2874] : memref<1032xi32, #tpu.memory_space<vmem>>[vector<16xi32>], vector<16xi32>,
    %get3A_2876 = arith.constant 656 : index
    %get3A_2877 = tpu.vector_load %arg7[%get3A_2876] {strides = array<i32>} : memref<1024xi32, #tpu.memory_space<vmem>>, vector<16xi32>,
    %eq3A_2878 = arith.constant 1 : i32
    %eq3A_2879 = vector.broadcast %eq3A_2878 : i32 to vector<16xi32>
    %eq3A_2880 = arith.cmpi eq, %get3A_2872, %eq3A_2879 : vector<16xi32>
    %mul3A_2881 = arith.constant 16 : i32
    %mul3A_2882 = vector.broadcast %mul3A_2881 : i32 to vector<16xi32>
    %mul3A_2883 = arith.muli %gather3A_2875, %mul3A_2882 : vector<16xi32>
    %add3A_2884 = arith.constant 1 : i32
    %add3A_2885 = vector.broadcast %add3A_2884 : i32 to vector<16xi32>
    %add3A_2886 = arith.addi %get3A_2877, %add3A_2885 : vector<16xi32>
    %select_n3A_2887 = arith.select %eq3A_2880, %mul3A_2883, %add3A_2886 : vector<16xi1>, vector<16xi32>
    %swap3A_2888 = arith.constant 656 : index
    %swap3A_2889 = tpu.vector_load %arg11[%swap3A_2888] {strides = array<i32>} : memref<1024xi32, #tpu.memory_space<vmem>>, vector<16xi32>,
    tpu.vector_store %arg11[%swap3A_2888], %select_n3A_2887 {strides = array<i32>} : memref<1024xi32, #tpu.memory_space<vmem>>, vector<16xi32>,
    %get3A_2890 = arith.constant 672 : index
    %get3A_2891 = tpu.vector_load %arg9[%get3A_2890] {strides = array<i32>} : memref<1024xi32, #tpu.memory_space<vmem>>, vector<16xi32>,
    %get3A_2892 = arith.constant 672 : index
    %get3A_2893 = tpu.vector_load %arg10[%get3A_2892] {strides = array<i32>} : memref<1024xi32, #tpu.memory_space<vmem>>, vector<16xi32>,
    %gather3A_2894 = tpu.vector_load_idx %arg8[%get3A_2893] : memref<1032xi32, #tpu.memory_space<vmem>>[vector<16xi32>], vector<16xi32>,
    %get3A_2895 = arith.constant 672 : index
    %get3A_2896 = tpu.vector_load %arg7[%get3A_2895] {strides = array<i32>} : memref<1024xi32, #tpu.memory_space<vmem>>, vector<16xi32>,
    %eq3A_2897 = arith.constant 1 : i32
    %eq3A_2898 = vector.broadcast %eq3A_2897 : i32 to vector<16xi32>
    %eq3A_2899 = arith.cmpi eq, %get3A_2891, %eq3A_2898 : vector<16xi32>
    %mul3A_2900 = arith.constant 16 : i32
    %mul3A_2901 = vector.broadcast %mul3A_2900 : i32 to vector<16xi32>
    %mul3A_2902 = arith.muli %gather3A_2894, %mul3A_2901 : vector<16xi32>
    %add3A_2903 = arith.constant 1 : i32
    %add3A_2904 = vector.broadcast %add3A_2903 : i32 to vector<16xi32>
    %add3A_2905 = arith.addi %get3A_2896, %add3A_2904 : vector<16xi32>
    %select_n3A_2906 = arith.select %eq3A_2899, %mul3A_2902, %add3A_2905 : vector<16xi1>, vector<16xi32>
    %swap3A_2907 = arith.constant 672 : index
    %swap3A_2908 = tpu.vector_load %arg11[%swap3A_2907] {strides = array<i32>} : memref<1024xi32, #tpu.memory_space<vmem>>, vector<16xi32>,
    tpu.vector_store %arg11[%swap3A_2907], %select_n3A_2906 {strides = array<i32>} : memref<1024xi32, #tpu.memory_space<vmem>>, vector<16xi32>,
    %get3A_2909 = arith.constant 688 : index
    %get3A_2910 = tpu.vector_load %arg9[%get3A_2909] {strides = array<i32>} : memref<1024xi32, #tpu.memory_space<vmem>>, vector<16xi32>,
    %get3A_2911 = arith.constant 688 : index
    %get3A_2912 = tpu.vector_load %arg10[%get3A_2911] {strides = array<i32>} : memref<1024xi32, #tpu.memory_space<vmem>>, vector<16xi32>,
    %gather3A_2913 = tpu.vector_load_idx %arg8[%get3A_2912] : memref<1032xi32, #tpu.memory_space<vmem>>[vector<16xi32>], vector<16xi32>,
    %get3A_2914 = arith.constant 688 : index
    %get3A_2915 = tpu.vector_load %arg7[%get3A_2914] {strides = array<i32>} : memref<1024xi32, #tpu.memory_space<vmem>>, vector<16xi32>,
    %eq3A_2916 = arith.constant 1 : i32
    %eq3A_2917 = vector.broadcast %eq3A_2916 : i32 to vector<16xi32>
    %eq3A_2918 = arith.cmpi eq, %get3A_2910, %eq3A_2917 : vector<16xi32>
    %mul3A_2919 = arith.constant 16 : i32
    %mul3A_2920 = vector.broadcast %mul3A_2919 : i32 to vector<16xi32>
    %mul3A_2921 = arith.muli %gather3A_2913, %mul3A_2920 : vector<16xi32>
    %add3A_2922 = arith.constant 1 : i32
    %add3A_2923 = vector.broadcast %add3A_2922 : i32 to vector<16xi32>
    %add3A_2924 = arith.addi %get3A_2915, %add3A_2923 : vector<16xi32>
    %select_n3A_2925 = arith.select %eq3A_2918, %mul3A_2921, %add3A_2924 : vector<16xi1>, vector<16xi32>
    %swap3A_2926 = arith.constant 688 : index
    %swap3A_2927 = tpu.vector_load %arg11[%swap3A_2926] {strides = array<i32>} : memref<1024xi32, #tpu.memory_space<vmem>>, vector<16xi32>,
    tpu.vector_store %arg11[%swap3A_2926], %select_n3A_2925 {strides = array<i32>} : memref<1024xi32, #tpu.memory_space<vmem>>, vector<16xi32>,
    %get3A_2928 = arith.constant 704 : index
    %get3A_2929 = tpu.vector_load %arg9[%get3A_2928] {strides = array<i32>} : memref<1024xi32, #tpu.memory_space<vmem>>, vector<16xi32>,
    %get3A_2930 = arith.constant 704 : index
    %get3A_2931 = tpu.vector_load %arg10[%get3A_2930] {strides = array<i32>} : memref<1024xi32, #tpu.memory_space<vmem>>, vector<16xi32>,
    %gather3A_2932 = tpu.vector_load_idx %arg8[%get3A_2931] : memref<1032xi32, #tpu.memory_space<vmem>>[vector<16xi32>], vector<16xi32>,
    %get3A_2933 = arith.constant 704 : index
    %get3A_2934 = tpu.vector_load %arg7[%get3A_2933] {strides = array<i32>} : memref<1024xi32, #tpu.memory_space<vmem>>, vector<16xi32>,
    %eq3A_2935 = arith.constant 1 : i32
    %eq3A_2936 = vector.broadcast %eq3A_2935 : i32 to vector<16xi32>
    %eq3A_2937 = arith.cmpi eq, %get3A_2929, %eq3A_2936 : vector<16xi32>
    %mul3A_2938 = arith.constant 16 : i32
    %mul3A_2939 = vector.broadcast %mul3A_2938 : i32 to vector<16xi32>
    %mul3A_2940 = arith.muli %gather3A_2932, %mul3A_2939 : vector<16xi32>
    %add3A_2941 = arith.constant 1 : i32
    %add3A_2942 = vector.broadcast %add3A_2941 : i32 to vector<16xi32>
    %add3A_2943 = arith.addi %get3A_2934, %add3A_2942 : vector<16xi32>
    %select_n3A_2944 = arith.select %eq3A_2937, %mul3A_2940, %add3A_2943 : vector<16xi1>, vector<16xi32>
    %swap3A_2945 = arith.constant 704 : index
    %swap3A_2946 = tpu.vector_load %arg11[%swap3A_2945] {strides = array<i32>} : memref<1024xi32, #tpu.memory_space<vmem>>, vector<16xi32>,
    tpu.vector_store %arg11[%swap3A_2945], %select_n3A_2944 {strides = array<i32>} : memref<1024xi32, #tpu.memory_space<vmem>>, vector<16xi32>,
    %get3A_2947 = arith.constant 720 : index
    %get3A_2948 = tpu.vector_load %arg9[%get3A_2947] {strides = array<i32>} : memref<1024xi32, #tpu.memory_space<vmem>>, vector<16xi32>,
    %get3A_2949 = arith.constant 720 : index
    %get3A_2950 = tpu.vector_load %arg10[%get3A_2949] {strides = array<i32>} : memref<1024xi32, #tpu.memory_space<vmem>>, vector<16xi32>,
    %gather3A_2951 = tpu.vector_load_idx %arg8[%get3A_2950] : memref<1032xi32, #tpu.memory_space<vmem>>[vector<16xi32>], vector<16xi32>,
    %get3A_2952 = arith.constant 720 : index
    %get3A_2953 = tpu.vector_load %arg7[%get3A_2952] {strides = array<i32>} : memref<1024xi32, #tpu.memory_space<vmem>>, vector<16xi32>,
    %eq3A_2954 = arith.constant 1 : i32
    %eq3A_2955 = vector.broadcast %eq3A_2954 : i32 to vector<16xi32>
    %eq3A_2956 = arith.cmpi eq, %get3A_2948, %eq3A_2955 : vector<16xi32>
    %mul3A_2957 = arith.constant 16 : i32
    %mul3A_2958 = vector.broadcast %mul3A_2957 : i32 to vector<16xi32>
    %mul3A_2959 = arith.muli %gather3A_2951, %mul3A_2958 : vector<16xi32>
    %add3A_2960 = arith.constant 1 : i32
    %add3A_2961 = vector.broadcast %add3A_2960 : i32 to vector<16xi32>
    %add3A_2962 = arith.addi %get3A_2953, %add3A_2961 : vector<16xi32>
    %select_n3A_2963 = arith.select %eq3A_2956, %mul3A_2959, %add3A_2962 : vector<16xi1>, vector<16xi32>
    %swap3A_2964 = arith.constant 720 : index
    %swap3A_2965 = tpu.vector_load %arg11[%swap3A_2964] {strides = array<i32>} : memref<1024xi32, #tpu.memory_space<vmem>>, vector<16xi32>,
    tpu.vector_store %arg11[%swap3A_2964], %select_n3A_2963 {strides = array<i32>} : memref<1024xi32, #tpu.memory_space<vmem>>, vector<16xi32>,
    %get3A_2966 = arith.constant 736 : index
    %get3A_2967 = tpu.vector_load %arg9[%get3A_2966] {strides = array<i32>} : memref<1024xi32, #tpu.memory_space<vmem>>, vector<16xi32>,
    %get3A_2968 = arith.constant 736 : index
    %get3A_2969 = tpu.vector_load %arg10[%get3A_2968] {strides = array<i32>} : memref<1024xi32, #tpu.memory_space<vmem>>, vector<16xi32>,
    %gather3A_2970 = tpu.vector_load_idx %arg8[%get3A_2969] : memref<1032xi32, #tpu.memory_space<vmem>>[vector<16xi32>], vector<16xi32>,
    %get3A_2971 = arith.constant 736 : index
    %get3A_2972 = tpu.vector_load %arg7[%get3A_2971] {strides = array<i32>} : memref<1024xi32, #tpu.memory_space<vmem>>, vector<16xi32>,
    %eq3A_2973 = arith.constant 1 : i32
    %eq3A_2974 = vector.broadcast %eq3A_2973 : i32 to vector<16xi32>
    %eq3A_2975 = arith.cmpi eq, %get3A_2967, %eq3A_2974 : vector<16xi32>
    %mul3A_2976 = arith.constant 16 : i32
    %mul3A_2977 = vector.broadcast %mul3A_2976 : i32 to vector<16xi32>
    %mul3A_2978 = arith.muli %gather3A_2970, %mul3A_2977 : vector<16xi32>
    %add3A_2979 = arith.constant 1 : i32
    %add3A_2980 = vector.broadcast %add3A_2979 : i32 to vector<16xi32>
    %add3A_2981 = arith.addi %get3A_2972, %add3A_2980 : vector<16xi32>
    %select_n3A_2982 = arith.select %eq3A_2975, %mul3A_2978, %add3A_2981 : vector<16xi1>, vector<16xi32>
    %swap3A_2983 = arith.constant 736 : index
    %swap3A_2984 = tpu.vector_load %arg11[%swap3A_2983] {strides = array<i32>} : memref<1024xi32, #tpu.memory_space<vmem>>, vector<16xi32>,
    tpu.vector_store %arg11[%swap3A_2983], %select_n3A_2982 {strides = array<i32>} : memref<1024xi32, #tpu.memory_space<vmem>>, vector<16xi32>,
    %get3A_2985 = arith.constant 752 : index
    %get3A_2986 = tpu.vector_load %arg9[%get3A_2985] {strides = array<i32>} : memref<1024xi32, #tpu.memory_space<vmem>>, vector<16xi32>,
    %get3A_2987 = arith.constant 752 : index
    %get3A_2988 = tpu.vector_load %arg10[%get3A_2987] {strides = array<i32>} : memref<1024xi32, #tpu.memory_space<vmem>>, vector<16xi32>,
    %gather3A_2989 = tpu.vector_load_idx %arg8[%get3A_2988] : memref<1032xi32, #tpu.memory_space<vmem>>[vector<16xi32>], vector<16xi32>,
    %get3A_2990 = arith.constant 752 : index
    %get3A_2991 = tpu.vector_load %arg7[%get3A_2990] {strides = array<i32>} : memref<1024xi32, #tpu.memory_space<vmem>>, vector<16xi32>,
    %eq3A_2992 = arith.constant 1 : i32
    %eq3A_2993 = vector.broadcast %eq3A_2992 : i32 to vector<16xi32>
    %eq3A_2994 = arith.cmpi eq, %get3A_2986, %eq3A_2993 : vector<16xi32>
    %mul3A_2995 = arith.constant 16 : i32
    %mul3A_2996 = vector.broadcast %mul3A_2995 : i32 to vector<16xi32>
    %mul3A_2997 = arith.muli %gather3A_2989, %mul3A_2996 : vector<16xi32>
    %add3A_2998 = arith.constant 1 : i32
    %add3A_2999 = vector.broadcast %add3A_2998 : i32 to vector<16xi32>
    %add3A_3000 = arith.addi %get3A_2991, %add3A_2999 : vector<16xi32>
    %select_n3A_3001 = arith.select %eq3A_2994, %mul3A_2997, %add3A_3000 : vector<16xi1>, vector<16xi32>
    %swap3A_3002 = arith.constant 752 : index
    %swap3A_3003 = tpu.vector_load %arg11[%swap3A_3002] {strides = array<i32>} : memref<1024xi32, #tpu.memory_space<vmem>>, vector<16xi32>,
    tpu.vector_store %arg11[%swap3A_3002], %select_n3A_3001 {strides = array<i32>} : memref<1024xi32, #tpu.memory_space<vmem>>, vector<16xi32>,
    %get3A_3004 = arith.constant 768 : index
    %get3A_3005 = tpu.vector_load %arg9[%get3A_3004] {strides = array<i32>} : memref<1024xi32, #tpu.memory_space<vmem>>, vector<16xi32>,
    %get3A_3006 = arith.constant 768 : index
    %get3A_3007 = tpu.vector_load %arg10[%get3A_3006] {strides = array<i32>} : memref<1024xi32, #tpu.memory_space<vmem>>, vector<16xi32>,
    %gather3A_3008 = tpu.vector_load_idx %arg8[%get3A_3007] : memref<1032xi32, #tpu.memory_space<vmem>>[vector<16xi32>], vector<16xi32>,
    %get3A_3009 = arith.constant 768 : index
    %get3A_3010 = tpu.vector_load %arg7[%get3A_3009] {strides = array<i32>} : memref<1024xi32, #tpu.memory_space<vmem>>, vector<16xi32>,
    %eq3A_3011 = arith.constant 1 : i32
    %eq3A_3012 = vector.broadcast %eq3A_3011 : i32 to vector<16xi32>
    %eq3A_3013 = arith.cmpi eq, %get3A_3005, %eq3A_3012 : vector<16xi32>
    %mul3A_3014 = arith.constant 16 : i32
    %mul3A_3015 = vector.broadcast %mul3A_3014 : i32 to vector<16xi32>
    %mul3A_3016 = arith.muli %gather3A_3008, %mul3A_3015 : vector<16xi32>
    %add3A_3017 = arith.constant 1 : i32
    %add3A_3018 = vector.broadcast %add3A_3017 : i32 to vector<16xi32>
    %add3A_3019 = arith.addi %get3A_3010, %add3A_3018 : vector<16xi32>
    %select_n3A_3020 = arith.select %eq3A_3013, %mul3A_3016, %add3A_3019 : vector<16xi1>, vector<16xi32>
    %swap3A_3021 = arith.constant 768 : index
    %swap3A_3022 = tpu.vector_load %arg11[%swap3A_3021] {strides = array<i32>} : memref<1024xi32, #tpu.memory_space<vmem>>, vector<16xi32>,
    tpu.vector_store %arg11[%swap3A_3021], %select_n3A_3020 {strides = array<i32>} : memref<1024xi32, #tpu.memory_space<vmem>>, vector<16xi32>,
    %get3A_3023 = arith.constant 784 : index
    %get3A_3024 = tpu.vector_load %arg9[%get3A_3023] {strides = array<i32>} : memref<1024xi32, #tpu.memory_space<vmem>>, vector<16xi32>,
    %get3A_3025 = arith.constant 784 : index
    %get3A_3026 = tpu.vector_load %arg10[%get3A_3025] {strides = array<i32>} : memref<1024xi32, #tpu.memory_space<vmem>>, vector<16xi32>,
    %gather3A_3027 = tpu.vector_load_idx %arg8[%get3A_3026] : memref<1032xi32, #tpu.memory_space<vmem>>[vector<16xi32>], vector<16xi32>,
    %get3A_3028 = arith.constant 784 : index
    %get3A_3029 = tpu.vector_load %arg7[%get3A_3028] {strides = array<i32>} : memref<1024xi32, #tpu.memory_space<vmem>>, vector<16xi32>,
    %eq3A_3030 = arith.constant 1 : i32
    %eq3A_3031 = vector.broadcast %eq3A_3030 : i32 to vector<16xi32>
    %eq3A_3032 = arith.cmpi eq, %get3A_3024, %eq3A_3031 : vector<16xi32>
    %mul3A_3033 = arith.constant 16 : i32
    %mul3A_3034 = vector.broadcast %mul3A_3033 : i32 to vector<16xi32>
    %mul3A_3035 = arith.muli %gather3A_3027, %mul3A_3034 : vector<16xi32>
    %add3A_3036 = arith.constant 1 : i32
    %add3A_3037 = vector.broadcast %add3A_3036 : i32 to vector<16xi32>
    %add3A_3038 = arith.addi %get3A_3029, %add3A_3037 : vector<16xi32>
    %select_n3A_3039 = arith.select %eq3A_3032, %mul3A_3035, %add3A_3038 : vector<16xi1>, vector<16xi32>
    %swap3A_3040 = arith.constant 784 : index
    %swap3A_3041 = tpu.vector_load %arg11[%swap3A_3040] {strides = array<i32>} : memref<1024xi32, #tpu.memory_space<vmem>>, vector<16xi32>,
    tpu.vector_store %arg11[%swap3A_3040], %select_n3A_3039 {strides = array<i32>} : memref<1024xi32, #tpu.memory_space<vmem>>, vector<16xi32>,
    %get3A_3042 = arith.constant 800 : index
    %get3A_3043 = tpu.vector_load %arg9[%get3A_3042] {strides = array<i32>} : memref<1024xi32, #tpu.memory_space<vmem>>, vector<16xi32>,
    %get3A_3044 = arith.constant 800 : index
    %get3A_3045 = tpu.vector_load %arg10[%get3A_3044] {strides = array<i32>} : memref<1024xi32, #tpu.memory_space<vmem>>, vector<16xi32>,
    %gather3A_3046 = tpu.vector_load_idx %arg8[%get3A_3045] : memref<1032xi32, #tpu.memory_space<vmem>>[vector<16xi32>], vector<16xi32>,
    %get3A_3047 = arith.constant 800 : index
    %get3A_3048 = tpu.vector_load %arg7[%get3A_3047] {strides = array<i32>} : memref<1024xi32, #tpu.memory_space<vmem>>, vector<16xi32>,
    %eq3A_3049 = arith.constant 1 : i32
    %eq3A_3050 = vector.broadcast %eq3A_3049 : i32 to vector<16xi32>
    %eq3A_3051 = arith.cmpi eq, %get3A_3043, %eq3A_3050 : vector<16xi32>
    %mul3A_3052 = arith.constant 16 : i32
    %mul3A_3053 = vector.broadcast %mul3A_3052 : i32 to vector<16xi32>
    %mul3A_3054 = arith.muli %gather3A_3046, %mul3A_3053 : vector<16xi32>
    %add3A_3055 = arith.constant 1 : i32
    %add3A_3056 = vector.broadcast %add3A_3055 : i32 to vector<16xi32>
    %add3A_3057 = arith.addi %get3A_3048, %add3A_3056 : vector<16xi32>
    %select_n3A_3058 = arith.select %eq3A_3051, %mul3A_3054, %add3A_3057 : vector<16xi1>, vector<16xi32>
    %swap3A_3059 = arith.constant 800 : index
    %swap3A_3060 = tpu.vector_load %arg11[%swap3A_3059] {strides = array<i32>} : memref<1024xi32, #tpu.memory_space<vmem>>, vector<16xi32>,
    tpu.vector_store %arg11[%swap3A_3059], %select_n3A_3058 {strides = array<i32>} : memref<1024xi32, #tpu.memory_space<vmem>>, vector<16xi32>,
    %get3A_3061 = arith.constant 816 : index
    %get3A_3062 = tpu.vector_load %arg9[%get3A_3061] {strides = array<i32>} : memref<1024xi32, #tpu.memory_space<vmem>>, vector<16xi32>,
    %get3A_3063 = arith.constant 816 : index
    %get3A_3064 = tpu.vector_load %arg10[%get3A_3063] {strides = array<i32>} : memref<1024xi32, #tpu.memory_space<vmem>>, vector<16xi32>,
    %gather3A_3065 = tpu.vector_load_idx %arg8[%get3A_3064] : memref<1032xi32, #tpu.memory_space<vmem>>[vector<16xi32>], vector<16xi32>,
    %get3A_3066 = arith.constant 816 : index
    %get3A_3067 = tpu.vector_load %arg7[%get3A_3066] {strides = array<i32>} : memref<1024xi32, #tpu.memory_space<vmem>>, vector<16xi32>,
    %eq3A_3068 = arith.constant 1 : i32
    %eq3A_3069 = vector.broadcast %eq3A_3068 : i32 to vector<16xi32>
    %eq3A_3070 = arith.cmpi eq, %get3A_3062, %eq3A_3069 : vector<16xi32>
    %mul3A_3071 = arith.constant 16 : i32
    %mul3A_3072 = vector.broadcast %mul3A_3071 : i32 to vector<16xi32>
    %mul3A_3073 = arith.muli %gather3A_3065, %mul3A_3072 : vector<16xi32>
    %add3A_3074 = arith.constant 1 : i32
    %add3A_3075 = vector.broadcast %add3A_3074 : i32 to vector<16xi32>
    %add3A_3076 = arith.addi %get3A_3067, %add3A_3075 : vector<16xi32>
    %select_n3A_3077 = arith.select %eq3A_3070, %mul3A_3073, %add3A_3076 : vector<16xi1>, vector<16xi32>
    %swap3A_3078 = arith.constant 816 : index
    %swap3A_3079 = tpu.vector_load %arg11[%swap3A_3078] {strides = array<i32>} : memref<1024xi32, #tpu.memory_space<vmem>>, vector<16xi32>,
    tpu.vector_store %arg11[%swap3A_3078], %select_n3A_3077 {strides = array<i32>} : memref<1024xi32, #tpu.memory_space<vmem>>, vector<16xi32>,
    %get3A_3080 = arith.constant 832 : index
    %get3A_3081 = tpu.vector_load %arg9[%get3A_3080] {strides = array<i32>} : memref<1024xi32, #tpu.memory_space<vmem>>, vector<16xi32>,
    %get3A_3082 = arith.constant 832 : index
    %get3A_3083 = tpu.vector_load %arg10[%get3A_3082] {strides = array<i32>} : memref<1024xi32, #tpu.memory_space<vmem>>, vector<16xi32>,
    %gather3A_3084 = tpu.vector_load_idx %arg8[%get3A_3083] : memref<1032xi32, #tpu.memory_space<vmem>>[vector<16xi32>], vector<16xi32>,
    %get3A_3085 = arith.constant 832 : index
    %get3A_3086 = tpu.vector_load %arg7[%get3A_3085] {strides = array<i32>} : memref<1024xi32, #tpu.memory_space<vmem>>, vector<16xi32>,
    %eq3A_3087 = arith.constant 1 : i32
    %eq3A_3088 = vector.broadcast %eq3A_3087 : i32 to vector<16xi32>
    %eq3A_3089 = arith.cmpi eq, %get3A_3081, %eq3A_3088 : vector<16xi32>
    %mul3A_3090 = arith.constant 16 : i32
    %mul3A_3091 = vector.broadcast %mul3A_3090 : i32 to vector<16xi32>
    %mul3A_3092 = arith.muli %gather3A_3084, %mul3A_3091 : vector<16xi32>
    %add3A_3093 = arith.constant 1 : i32
    %add3A_3094 = vector.broadcast %add3A_3093 : i32 to vector<16xi32>
    %add3A_3095 = arith.addi %get3A_3086, %add3A_3094 : vector<16xi32>
    %select_n3A_3096 = arith.select %eq3A_3089, %mul3A_3092, %add3A_3095 : vector<16xi1>, vector<16xi32>
    %swap3A_3097 = arith.constant 832 : index
    %swap3A_3098 = tpu.vector_load %arg11[%swap3A_3097] {strides = array<i32>} : memref<1024xi32, #tpu.memory_space<vmem>>, vector<16xi32>,
    tpu.vector_store %arg11[%swap3A_3097], %select_n3A_3096 {strides = array<i32>} : memref<1024xi32, #tpu.memory_space<vmem>>, vector<16xi32>,
    %get3A_3099 = arith.constant 848 : index
    %get3A_3100 = tpu.vector_load %arg9[%get3A_3099] {strides = array<i32>} : memref<1024xi32, #tpu.memory_space<vmem>>, vector<16xi32>,
    %get3A_3101 = arith.constant 848 : index
    %get3A_3102 = tpu.vector_load %arg10[%get3A_3101] {strides = array<i32>} : memref<1024xi32, #tpu.memory_space<vmem>>, vector<16xi32>,
    %gather3A_3103 = tpu.vector_load_idx %arg8[%get3A_3102] : memref<1032xi32, #tpu.memory_space<vmem>>[vector<16xi32>], vector<16xi32>,
    %get3A_3104 = arith.constant 848 : index
    %get3A_3105 = tpu.vector_load %arg7[%get3A_3104] {strides = array<i32>} : memref<1024xi32, #tpu.memory_space<vmem>>, vector<16xi32>,
    %eq3A_3106 = arith.constant 1 : i32
    %eq3A_3107 = vector.broadcast %eq3A_3106 : i32 to vector<16xi32>
    %eq3A_3108 = arith.cmpi eq, %get3A_3100, %eq3A_3107 : vector<16xi32>
    %mul3A_3109 = arith.constant 16 : i32
    %mul3A_3110 = vector.broadcast %mul3A_3109 : i32 to vector<16xi32>
    %mul3A_3111 = arith.muli %gather3A_3103, %mul3A_3110 : vector<16xi32>
    %add3A_3112 = arith.constant 1 : i32
    %add3A_3113 = vector.broadcast %add3A_3112 : i32 to vector<16xi32>
    %add3A_3114 = arith.addi %get3A_3105, %add3A_3113 : vector<16xi32>
    %select_n3A_3115 = arith.select %eq3A_3108, %mul3A_3111, %add3A_3114 : vector<16xi1>, vector<16xi32>
    %swap3A_3116 = arith.constant 848 : index
    %swap3A_3117 = tpu.vector_load %arg11[%swap3A_3116] {strides = array<i32>} : memref<1024xi32, #tpu.memory_space<vmem>>, vector<16xi32>,
    tpu.vector_store %arg11[%swap3A_3116], %select_n3A_3115 {strides = array<i32>} : memref<1024xi32, #tpu.memory_space<vmem>>, vector<16xi32>,
    %get3A_3118 = arith.constant 864 : index
    %get3A_3119 = tpu.vector_load %arg9[%get3A_3118] {strides = array<i32>} : memref<1024xi32, #tpu.memory_space<vmem>>, vector<16xi32>,
    %get3A_3120 = arith.constant 864 : index
    %get3A_3121 = tpu.vector_load %arg10[%get3A_3120] {strides = array<i32>} : memref<1024xi32, #tpu.memory_space<vmem>>, vector<16xi32>,
    %gather3A_3122 = tpu.vector_load_idx %arg8[%get3A_3121] : memref<1032xi32, #tpu.memory_space<vmem>>[vector<16xi32>], vector<16xi32>,
    %get3A_3123 = arith.constant 864 : index
    %get3A_3124 = tpu.vector_load %arg7[%get3A_3123] {strides = array<i32>} : memref<1024xi32, #tpu.memory_space<vmem>>, vector<16xi32>,
    %eq3A_3125 = arith.constant 1 : i32
    %eq3A_3126 = vector.broadcast %eq3A_3125 : i32 to vector<16xi32>
    %eq3A_3127 = arith.cmpi eq, %get3A_3119, %eq3A_3126 : vector<16xi32>
    %mul3A_3128 = arith.constant 16 : i32
    %mul3A_3129 = vector.broadcast %mul3A_3128 : i32 to vector<16xi32>
    %mul3A_3130 = arith.muli %gather3A_3122, %mul3A_3129 : vector<16xi32>
    %add3A_3131 = arith.constant 1 : i32
    %add3A_3132 = vector.broadcast %add3A_3131 : i32 to vector<16xi32>
    %add3A_3133 = arith.addi %get3A_3124, %add3A_3132 : vector<16xi32>
    %select_n3A_3134 = arith.select %eq3A_3127, %mul3A_3130, %add3A_3133 : vector<16xi1>, vector<16xi32>
    %swap3A_3135 = arith.constant 864 : index
    %swap3A_3136 = tpu.vector_load %arg11[%swap3A_3135] {strides = array<i32>} : memref<1024xi32, #tpu.memory_space<vmem>>, vector<16xi32>,
    tpu.vector_store %arg11[%swap3A_3135], %select_n3A_3134 {strides = array<i32>} : memref<1024xi32, #tpu.memory_space<vmem>>, vector<16xi32>,
    %get3A_3137 = arith.constant 880 : index
    %get3A_3138 = tpu.vector_load %arg9[%get3A_3137] {strides = array<i32>} : memref<1024xi32, #tpu.memory_space<vmem>>, vector<16xi32>,
    %get3A_3139 = arith.constant 880 : index
    %get3A_3140 = tpu.vector_load %arg10[%get3A_3139] {strides = array<i32>} : memref<1024xi32, #tpu.memory_space<vmem>>, vector<16xi32>,
    %gather3A_3141 = tpu.vector_load_idx %arg8[%get3A_3140] : memref<1032xi32, #tpu.memory_space<vmem>>[vector<16xi32>], vector<16xi32>,
    %get3A_3142 = arith.constant 880 : index
    %get3A_3143 = tpu.vector_load %arg7[%get3A_3142] {strides = array<i32>} : memref<1024xi32, #tpu.memory_space<vmem>>, vector<16xi32>,
    %eq3A_3144 = arith.constant 1 : i32
    %eq3A_3145 = vector.broadcast %eq3A_3144 : i32 to vector<16xi32>
    %eq3A_3146 = arith.cmpi eq, %get3A_3138, %eq3A_3145 : vector<16xi32>
    %mul3A_3147 = arith.constant 16 : i32
    %mul3A_3148 = vector.broadcast %mul3A_3147 : i32 to vector<16xi32>
    %mul3A_3149 = arith.muli %gather3A_3141, %mul3A_3148 : vector<16xi32>
    %add3A_3150 = arith.constant 1 : i32
    %add3A_3151 = vector.broadcast %add3A_3150 : i32 to vector<16xi32>
    %add3A_3152 = arith.addi %get3A_3143, %add3A_3151 : vector<16xi32>
    %select_n3A_3153 = arith.select %eq3A_3146, %mul3A_3149, %add3A_3152 : vector<16xi1>, vector<16xi32>
    %swap3A_3154 = arith.constant 880 : index
    %swap3A_3155 = tpu.vector_load %arg11[%swap3A_3154] {strides = array<i32>} : memref<1024xi32, #tpu.memory_space<vmem>>, vector<16xi32>,
    tpu.vector_store %arg11[%swap3A_3154], %select_n3A_3153 {strides = array<i32>} : memref<1024xi32, #tpu.memory_space<vmem>>, vector<16xi32>,
    %get3A_3156 = arith.constant 896 : index
    %get3A_3157 = tpu.vector_load %arg9[%get3A_3156] {strides = array<i32>} : memref<1024xi32, #tpu.memory_space<vmem>>, vector<16xi32>,
    %get3A_3158 = arith.constant 896 : index
    %get3A_3159 = tpu.vector_load %arg10[%get3A_3158] {strides = array<i32>} : memref<1024xi32, #tpu.memory_space<vmem>>, vector<16xi32>,
    %gather3A_3160 = tpu.vector_load_idx %arg8[%get3A_3159] : memref<1032xi32, #tpu.memory_space<vmem>>[vector<16xi32>], vector<16xi32>,
    %get3A_3161 = arith.constant 896 : index
    %get3A_3162 = tpu.vector_load %arg7[%get3A_3161] {strides = array<i32>} : memref<1024xi32, #tpu.memory_space<vmem>>, vector<16xi32>,
    %eq3A_3163 = arith.constant 1 : i32
    %eq3A_3164 = vector.broadcast %eq3A_3163 : i32 to vector<16xi32>
    %eq3A_3165 = arith.cmpi eq, %get3A_3157, %eq3A_3164 : vector<16xi32>
    %mul3A_3166 = arith.constant 16 : i32
    %mul3A_3167 = vector.broadcast %mul3A_3166 : i32 to vector<16xi32>
    %mul3A_3168 = arith.muli %gather3A_3160, %mul3A_3167 : vector<16xi32>
    %add3A_3169 = arith.constant 1 : i32
    %add3A_3170 = vector.broadcast %add3A_3169 : i32 to vector<16xi32>
    %add3A_3171 = arith.addi %get3A_3162, %add3A_3170 : vector<16xi32>
    %select_n3A_3172 = arith.select %eq3A_3165, %mul3A_3168, %add3A_3171 : vector<16xi1>, vector<16xi32>
    %swap3A_3173 = arith.constant 896 : index
    %swap3A_3174 = tpu.vector_load %arg11[%swap3A_3173] {strides = array<i32>} : memref<1024xi32, #tpu.memory_space<vmem>>, vector<16xi32>,
    tpu.vector_store %arg11[%swap3A_3173], %select_n3A_3172 {strides = array<i32>} : memref<1024xi32, #tpu.memory_space<vmem>>, vector<16xi32>,
    %get3A_3175 = arith.constant 912 : index
    %get3A_3176 = tpu.vector_load %arg9[%get3A_3175] {strides = array<i32>} : memref<1024xi32, #tpu.memory_space<vmem>>, vector<16xi32>,
    %get3A_3177 = arith.constant 912 : index
    %get3A_3178 = tpu.vector_load %arg10[%get3A_3177] {strides = array<i32>} : memref<1024xi32, #tpu.memory_space<vmem>>, vector<16xi32>,
    %gather3A_3179 = tpu.vector_load_idx %arg8[%get3A_3178] : memref<1032xi32, #tpu.memory_space<vmem>>[vector<16xi32>], vector<16xi32>,
    %get3A_3180 = arith.constant 912 : index
    %get3A_3181 = tpu.vector_load %arg7[%get3A_3180] {strides = array<i32>} : memref<1024xi32, #tpu.memory_space<vmem>>, vector<16xi32>,
    %eq3A_3182 = arith.constant 1 : i32
    %eq3A_3183 = vector.broadcast %eq3A_3182 : i32 to vector<16xi32>
    %eq3A_3184 = arith.cmpi eq, %get3A_3176, %eq3A_3183 : vector<16xi32>
    %mul3A_3185 = arith.constant 16 : i32
    %mul3A_3186 = vector.broadcast %mul3A_3185 : i32 to vector<16xi32>
    %mul3A_3187 = arith.muli %gather3A_3179, %mul3A_3186 : vector<16xi32>
    %add3A_3188 = arith.constant 1 : i32
    %add3A_3189 = vector.broadcast %add3A_3188 : i32 to vector<16xi32>
    %add3A_3190 = arith.addi %get3A_3181, %add3A_3189 : vector<16xi32>
    %select_n3A_3191 = arith.select %eq3A_3184, %mul3A_3187, %add3A_3190 : vector<16xi1>, vector<16xi32>
    %swap3A_3192 = arith.constant 912 : index
    %swap3A_3193 = tpu.vector_load %arg11[%swap3A_3192] {strides = array<i32>} : memref<1024xi32, #tpu.memory_space<vmem>>, vector<16xi32>,
    tpu.vector_store %arg11[%swap3A_3192], %select_n3A_3191 {strides = array<i32>} : memref<1024xi32, #tpu.memory_space<vmem>>, vector<16xi32>,
    %get3A_3194 = arith.constant 928 : index
    %get3A_3195 = tpu.vector_load %arg9[%get3A_3194] {strides = array<i32>} : memref<1024xi32, #tpu.memory_space<vmem>>, vector<16xi32>,
    %get3A_3196 = arith.constant 928 : index
    %get3A_3197 = tpu.vector_load %arg10[%get3A_3196] {strides = array<i32>} : memref<1024xi32, #tpu.memory_space<vmem>>, vector<16xi32>,
    %gather3A_3198 = tpu.vector_load_idx %arg8[%get3A_3197] : memref<1032xi32, #tpu.memory_space<vmem>>[vector<16xi32>], vector<16xi32>,
    %get3A_3199 = arith.constant 928 : index
    %get3A_3200 = tpu.vector_load %arg7[%get3A_3199] {strides = array<i32>} : memref<1024xi32, #tpu.memory_space<vmem>>, vector<16xi32>,
    %eq3A_3201 = arith.constant 1 : i32
    %eq3A_3202 = vector.broadcast %eq3A_3201 : i32 to vector<16xi32>
    %eq3A_3203 = arith.cmpi eq, %get3A_3195, %eq3A_3202 : vector<16xi32>
    %mul3A_3204 = arith.constant 16 : i32
    %mul3A_3205 = vector.broadcast %mul3A_3204 : i32 to vector<16xi32>
    %mul3A_3206 = arith.muli %gather3A_3198, %mul3A_3205 : vector<16xi32>
    %add3A_3207 = arith.constant 1 : i32
    %add3A_3208 = vector.broadcast %add3A_3207 : i32 to vector<16xi32>
    %add3A_3209 = arith.addi %get3A_3200, %add3A_3208 : vector<16xi32>
    %select_n3A_3210 = arith.select %eq3A_3203, %mul3A_3206, %add3A_3209 : vector<16xi1>, vector<16xi32>
    %swap3A_3211 = arith.constant 928 : index
    %swap3A_3212 = tpu.vector_load %arg11[%swap3A_3211] {strides = array<i32>} : memref<1024xi32, #tpu.memory_space<vmem>>, vector<16xi32>,
    tpu.vector_store %arg11[%swap3A_3211], %select_n3A_3210 {strides = array<i32>} : memref<1024xi32, #tpu.memory_space<vmem>>, vector<16xi32>,
    %get3A_3213 = arith.constant 944 : index
    %get3A_3214 = tpu.vector_load %arg9[%get3A_3213] {strides = array<i32>} : memref<1024xi32, #tpu.memory_space<vmem>>, vector<16xi32>,
    %get3A_3215 = arith.constant 944 : index
    %get3A_3216 = tpu.vector_load %arg10[%get3A_3215] {strides = array<i32>} : memref<1024xi32, #tpu.memory_space<vmem>>, vector<16xi32>,
    %gather3A_3217 = tpu.vector_load_idx %arg8[%get3A_3216] : memref<1032xi32, #tpu.memory_space<vmem>>[vector<16xi32>], vector<16xi32>,
    %get3A_3218 = arith.constant 944 : index
    %get3A_3219 = tpu.vector_load %arg7[%get3A_3218] {strides = array<i32>} : memref<1024xi32, #tpu.memory_space<vmem>>, vector<16xi32>,
    %eq3A_3220 = arith.constant 1 : i32
    %eq3A_3221 = vector.broadcast %eq3A_3220 : i32 to vector<16xi32>
    %eq3A_3222 = arith.cmpi eq, %get3A_3214, %eq3A_3221 : vector<16xi32>
    %mul3A_3223 = arith.constant 16 : i32
    %mul3A_3224 = vector.broadcast %mul3A_3223 : i32 to vector<16xi32>
    %mul3A_3225 = arith.muli %gather3A_3217, %mul3A_3224 : vector<16xi32>
    %add3A_3226 = arith.constant 1 : i32
    %add3A_3227 = vector.broadcast %add3A_3226 : i32 to vector<16xi32>
    %add3A_3228 = arith.addi %get3A_3219, %add3A_3227 : vector<16xi32>
    %select_n3A_3229 = arith.select %eq3A_3222, %mul3A_3225, %add3A_3228 : vector<16xi1>, vector<16xi32>
    %swap3A_3230 = arith.constant 944 : index
    %swap3A_3231 = tpu.vector_load %arg11[%swap3A_3230] {strides = array<i32>} : memref<1024xi32, #tpu.memory_space<vmem>>, vector<16xi32>,
    tpu.vector_store %arg11[%swap3A_3230], %select_n3A_3229 {strides = array<i32>} : memref<1024xi32, #tpu.memory_space<vmem>>, vector<16xi32>,
    %get3A_3232 = arith.constant 960 : index
    %get3A_3233 = tpu.vector_load %arg9[%get3A_3232] {strides = array<i32>} : memref<1024xi32, #tpu.memory_space<vmem>>, vector<16xi32>,
    %get3A_3234 = arith.constant 960 : index
    %get3A_3235 = tpu.vector_load %arg10[%get3A_3234] {strides = array<i32>} : memref<1024xi32, #tpu.memory_space<vmem>>, vector<16xi32>,
    %gather3A_3236 = tpu.vector_load_idx %arg8[%get3A_3235] : memref<1032xi32, #tpu.memory_space<vmem>>[vector<16xi32>], vector<16xi32>,
    %get3A_3237 = arith.constant 960 : index
    %get3A_3238 = tpu.vector_load %arg7[%get3A_3237] {strides = array<i32>} : memref<1024xi32, #tpu.memory_space<vmem>>, vector<16xi32>,
    %eq3A_3239 = arith.constant 1 : i32
    %eq3A_3240 = vector.broadcast %eq3A_3239 : i32 to vector<16xi32>
    %eq3A_3241 = arith.cmpi eq, %get3A_3233, %eq3A_3240 : vector<16xi32>
    %mul3A_3242 = arith.constant 16 : i32
    %mul3A_3243 = vector.broadcast %mul3A_3242 : i32 to vector<16xi32>
    %mul3A_3244 = arith.muli %gather3A_3236, %mul3A_3243 : vector<16xi32>
    %add3A_3245 = arith.constant 1 : i32
    %add3A_3246 = vector.broadcast %add3A_3245 : i32 to vector<16xi32>
    %add3A_3247 = arith.addi %get3A_3238, %add3A_3246 : vector<16xi32>
    %select_n3A_3248 = arith.select %eq3A_3241, %mul3A_3244, %add3A_3247 : vector<16xi1>, vector<16xi32>
    %swap3A_3249 = arith.constant 960 : index
    %swap3A_3250 = tpu.vector_load %arg11[%swap3A_3249] {strides = array<i32>} : memref<1024xi32, #tpu.memory_space<vmem>>, vector<16xi32>,
    tpu.vector_store %arg11[%swap3A_3249], %select_n3A_3248 {strides = array<i32>} : memref<1024xi32, #tpu.memory_space<vmem>>, vector<16xi32>,
    %get3A_3251 = arith.constant 976 : index
    %get3A_3252 = tpu.vector_load %arg9[%get3A_3251] {strides = array<i32>} : memref<1024xi32, #tpu.memory_space<vmem>>, vector<16xi32>,
    %get3A_3253 = arith.constant 976 : index
    %get3A_3254 = tpu.vector_load %arg10[%get3A_3253] {strides = array<i32>} : memref<1024xi32, #tpu.memory_space<vmem>>, vector<16xi32>,
    %gather3A_3255 = tpu.vector_load_idx %arg8[%get3A_3254] : memref<1032xi32, #tpu.memory_space<vmem>>[vector<16xi32>], vector<16xi32>,
    %get3A_3256 = arith.constant 976 : index
    %get3A_3257 = tpu.vector_load %arg7[%get3A_3256] {strides = array<i32>} : memref<1024xi32, #tpu.memory_space<vmem>>, vector<16xi32>,
    %eq3A_3258 = arith.constant 1 : i32
    %eq3A_3259 = vector.broadcast %eq3A_3258 : i32 to vector<16xi32>
    %eq3A_3260 = arith.cmpi eq, %get3A_3252, %eq3A_3259 : vector<16xi32>
    %mul3A_3261 = arith.constant 16 : i32
    %mul3A_3262 = vector.broadcast %mul3A_3261 : i32 to vector<16xi32>
    %mul3A_3263 = arith.muli %gather3A_3255, %mul3A_3262 : vector<16xi32>
    %add3A_3264 = arith.constant 1 : i32
    %add3A_3265 = vector.broadcast %add3A_3264 : i32 to vector<16xi32>
    %add3A_3266 = arith.addi %get3A_3257, %add3A_3265 : vector<16xi32>
    %select_n3A_3267 = arith.select %eq3A_3260, %mul3A_3263, %add3A_3266 : vector<16xi1>, vector<16xi32>
    %swap3A_3268 = arith.constant 976 : index
    %swap3A_3269 = tpu.vector_load %arg11[%swap3A_3268] {strides = array<i32>} : memref<1024xi32, #tpu.memory_space<vmem>>, vector<16xi32>,
    tpu.vector_store %arg11[%swap3A_3268], %select_n3A_3267 {strides = array<i32>} : memref<1024xi32, #tpu.memory_space<vmem>>, vector<16xi32>,
    %get3A_3270 = arith.constant 992 : index
    %get3A_3271 = tpu.vector_load %arg9[%get3A_3270] {strides = array<i32>} : memref<1024xi32, #tpu.memory_space<vmem>>, vector<16xi32>,
    %get3A_3272 = arith.constant 992 : index
    %get3A_3273 = tpu.vector_load %arg10[%get3A_3272] {strides = array<i32>} : memref<1024xi32, #tpu.memory_space<vmem>>, vector<16xi32>,
    %gather3A_3274 = tpu.vector_load_idx %arg8[%get3A_3273] : memref<1032xi32, #tpu.memory_space<vmem>>[vector<16xi32>], vector<16xi32>,
    %get3A_3275 = arith.constant 992 : index
    %get3A_3276 = tpu.vector_load %arg7[%get3A_3275] {strides = array<i32>} : memref<1024xi32, #tpu.memory_space<vmem>>, vector<16xi32>,
    %eq3A_3277 = arith.constant 1 : i32
    %eq3A_3278 = vector.broadcast %eq3A_3277 : i32 to vector<16xi32>
    %eq3A_3279 = arith.cmpi eq, %get3A_3271, %eq3A_3278 : vector<16xi32>
    %mul3A_3280 = arith.constant 16 : i32
    %mul3A_3281 = vector.broadcast %mul3A_3280 : i32 to vector<16xi32>
    %mul3A_3282 = arith.muli %gather3A_3274, %mul3A_3281 : vector<16xi32>
    %add3A_3283 = arith.constant 1 : i32
    %add3A_3284 = vector.broadcast %add3A_3283 : i32 to vector<16xi32>
    %add3A_3285 = arith.addi %get3A_3276, %add3A_3284 : vector<16xi32>
    %select_n3A_3286 = arith.select %eq3A_3279, %mul3A_3282, %add3A_3285 : vector<16xi1>, vector<16xi32>
    %swap3A_3287 = arith.constant 992 : index
    %swap3A_3288 = tpu.vector_load %arg11[%swap3A_3287] {strides = array<i32>} : memref<1024xi32, #tpu.memory_space<vmem>>, vector<16xi32>,
    tpu.vector_store %arg11[%swap3A_3287], %select_n3A_3286 {strides = array<i32>} : memref<1024xi32, #tpu.memory_space<vmem>>, vector<16xi32>,
    %get3A_3289 = arith.constant 1008 : index
    %get3A_3290 = tpu.vector_load %arg9[%get3A_3289] {strides = array<i32>} : memref<1024xi32, #tpu.memory_space<vmem>>, vector<16xi32>,
    %get3A_3291 = arith.constant 1008 : index
    %get3A_3292 = tpu.vector_load %arg10[%get3A_3291] {strides = array<i32>} : memref<1024xi32, #tpu.memory_space<vmem>>, vector<16xi32>,
    %gather3A_3293 = tpu.vector_load_idx %arg8[%get3A_3292] : memref<1032xi32, #tpu.memory_space<vmem>>[vector<16xi32>], vector<16xi32>,
    %get3A_3294 = arith.constant 1008 : index
    %get3A_3295 = tpu.vector_load %arg7[%get3A_3294] {strides = array<i32>} : memref<1024xi32, #tpu.memory_space<vmem>>, vector<16xi32>,
    %eq3A_3296 = arith.constant 1 : i32
    %eq3A_3297 = vector.broadcast %eq3A_3296 : i32 to vector<16xi32>
    %eq3A_3298 = arith.cmpi eq, %get3A_3290, %eq3A_3297 : vector<16xi32>
    %mul3A_3299 = arith.constant 16 : i32
    %mul3A_3300 = vector.broadcast %mul3A_3299 : i32 to vector<16xi32>
    %mul3A_3301 = arith.muli %gather3A_3293, %mul3A_3300 : vector<16xi32>
    %add3A_3302 = arith.constant 1 : i32
    %add3A_3303 = vector.broadcast %add3A_3302 : i32 to vector<16xi32>
    %add3A_3304 = arith.addi %get3A_3295, %add3A_3303 : vector<16xi32>
    %select_n3A_3305 = arith.select %eq3A_3298, %mul3A_3301, %add3A_3304 : vector<16xi1>, vector<16xi32>
    %swap3A_3306 = arith.constant 1008 : index
    %swap3A_3307 = tpu.vector_load %arg11[%swap3A_3306] {strides = array<i32>} : memref<1024xi32, #tpu.memory_space<vmem>>, vector<16xi32>,
    tpu.vector_store %arg11[%swap3A_3306], %select_n3A_3305 {strides = array<i32>} : memref<1024xi32, #tpu.memory_space<vmem>>, vector<16xi32>,
    "tpu.region"() ({
      %run_scoped3A = tpu.sem_alloc : memref<!tpu.dma_semaphore, #tpu.memory_space<semaphore_mem>>
      %dma_start3A_3308 = tpu.memref_slice %arg5[%mul3A_0] : memref<16384xi32, #tpu.memory_space<hbm>> -> memref<1024xi32, #tpu.memory_space<hbm>>
      %dma_start3A_3309 = tpu.memref_slice %arg5[%mul3A_0] : memref<16384xi32, #tpu.memory_space<hbm>> -> memref<1024xi32, #tpu.memory_space<hbm>>
      tpu.enqueue_dma source(%arg11 : memref<1024xi32, #tpu.memory_space<vmem>>) target(%dma_start3A_3309 : memref<1024xi32, #tpu.memory_space<hbm>>) target_semaphore(%run_scoped3A : memref<!tpu.dma_semaphore, #tpu.memory_space<semaphore_mem>>)
      %dma_wait3A_3310 = tpu.memref_slice %arg5[%mul3A_0] : memref<16384xi32, #tpu.memory_space<hbm>> -> memref<1024xi32, #tpu.memory_space<hbm>>
      %dma_wait3A_3311 = tpu.memref_slice %arg5[%mul3A_0] : memref<16384xi32, #tpu.memory_space<hbm>> -> memref<1024xi32, #tpu.memory_space<hbm>>
      tpu.wait_dma2 semaphore(%run_scoped3A : memref<!tpu.dma_semaphore, #tpu.memory_space<semaphore_mem>>) src(%arg11 : memref<1024xi32, #tpu.memory_space<vmem>>) dst(%dma_wait3A_3311 : memref<1024xi32, #tpu.memory_space<hbm>>)
      tpu.yield
    }) : () -> ()
    return
  }
}

</mosaic_0001>

<sc_bundles>
// kernel: _run.3.cloned.1.call-start
scs
__scs_entry_jumppad:
0x0: {  	(pc) =	sbr.rel $0x88, $3  }
0x1: {  	(tag) =	ssettag $0x0;
	lr =	simm.s32 $0x1  }
0x2: {  	[smem:$0x3F9E] =	sst lr;
	_ =	strace $0xD0000000  }
0x3: {  	_ = 	snop  }
0x4: {  	_ = 	snop  }
0x5: {  	_ = 	snop  }
0x6: {  	_ = 	snop  }
0x7: {  	_ = 	snop  }
__scs_overlays_trampoline_lowered:
0x8: {  	[smem:$0x3FAD] =	sst s0  }
0x9: {  	[smem:$0x3FAE] =	sst s1  }
0xa: {  	[smem:$0x3FAF] =	sst s2  }
0xb: {  	[smem:$0x3FB0] =	sst s3  }
0xc: {  	[smem:$0x3FB1] =	sst s4  }
0xd: {  	[smem:$0x3FB2] =	sst s5  }
0xe: {  	[smem:$0x3FB3] =	sst s6  }
0xf: {  	[smem:$0x3FB4] =	sst s7  }
0x10: {  	[smem:$0x3FB5] =	sst s8  }
0x11: {  	[smem:$0x3FB6] =	sst s9;
	s0 =	simm.s32 @!p0 $0x0  }
0x12: {  	s1 =	sld [smem:$0x3F9C];
	s0 =	simm.s32 @p0 $0x1  }
0x13: {  	[smem:$0x3FB7] =	sst s0;
	s0 =	simm.s32 @!p1 $0x0  }
0x14: {  	s2 =	sld [smem:$0x3F9B];
	s0 =	simm.s32 @p1 $0x1  }
0x15: {  	[smem:$0x3FB8] =	sst s0;
	s0 =	simm.s32 @!p2 $0x0  }
0x16: {  	s3 =	sld [smem:$0x3FDB];
	s0 =	simm.s32 @p2 $0x1  }
0x17: {  	s4 =	simm.s32 $0x1BF5;
	[smem:$0x3FBA] =	sst s0  }
0x18: {  	s0 =	sld [smem:$0x3F9D];
	_ =	swait.ge [sflag:s4], $0x0  }
0x19: {  	s7 =	sld [smem:$0x3F9E]  }
0x1a: {  	s8 =	sadd.s32 $0xFFFFE003, lr  }
0x1b: {  	s9 =	sadd.s32 $0xFFFFFEF7, lr;
	s5 =	simm.s32 $0xFFFFFFFF;
	p2 =	slt.u32 s8, $0xFFFFF086  }
0x1c: {  	p1 =	slt.u32 s9, $0xF7A;
	s5 =	simm.s32 @!p2 $0x0  }
0x1d: {  	s5 =	simm.s32 @p1 $0x1;
	p0 =	seq.s32 s7, s2  }
0x1e: {  	s7 =	smul.u32 @!p0 $0xF7A, s2;
	p2 =	seq.s32 @!p0 s5, $0x0  }
0x1f: {  	s9 =	smul.u32 $0xF7A, s1;
	s8 =	simm.s32 @!p0 $0x1BF5;
	p2 =	por !p2, p0  }
0x20: {  	[sflag:s8] =	ssyncset.s32 @!p0 $0xFFFFF086;
	s6 =	sadd.s32 @!p0 s3, s7;
	s7 =	simm.s32 @!p0 $0x108  }
0x21: {  	s3 =	sadd.s32 s3, s9;
	s6 =	sadd.s32 @!p0 $0x88, s6;
	s7 =	simm.s32 @p2 $0x1082  }
0x22: {  	[simem:s7], [sflag:s8] =	dma.local @!p0 [hbm:s6], $0xF7A  }
0x23: {  	s9 =	sor.u32 $0xD0000000, s2;
	s6 =	simm.s32 $0x108;
	_ =	swait.ge @!p0 [sflag:s8], $0x0  }
0x24: {  	s3 =	sadd.s32 $0x88, s3;
	s6 =	simm.s32 @!p1 $0x1082;
	[sflag:s4] =	ssyncset.s32 $0xFFFFF086  }
0x25: {  	[simem:s6], [sflag:s4] =	dma.local [hbm:s3], $0xF7A  }
0x26: {  	[smem:$0x3F9E] =	sst s1;
	(tag) =	ssettag s2;
	_ =	strace s9  }
0x27: {  	s1 =	sld [smem:$0x3FAE]  }
0x28: {  	s2 =	sld [smem:$0x3FAF]  }
0x29: {  	s4 =	sld [smem:$0x3FB1]  }
0x2a: {  	p0 =	seq.s32 s5, $0x0;
	s5 =	sld [smem:$0x3FB2]  }
0x2b: {  	s6 =	sld [smem:$0x3FB3]  }
0x2c: {  	s7 =	sld [smem:$0x3FB4]  }
0x2d: {  	s3 =	simm.s32 $0x108;
	s8 =	sld [smem:$0x3FB5]  }
0x2e: {  	s3 =	simm.s32 @!p0 $0x1082;
	s9 =	sld [smem:$0x3FB6]  }
0x2f: {  	lr =	sadd.s32 s0, s3;
	s0 =	sld [smem:$0x3FAD]  }
0x30: {  	s3 =	sld [smem:$0x3FB0]  }
0x31: {  	[smem:$0x3FB9] =	sst s10  }
0x32: {  	s10 =	sld [smem:$0x3FB7];
	_ =	sdelay $0x3  }
0x33: {  	p0 =	seq.s32 s10, $0x1;
	s10 =	sld [smem:$0x3FB9];
	_ =	sdelay $0x3  }
0x34: {  	[smem:$0x3FB9] =	sst s10  }
0x35: {  	s10 =	sld [smem:$0x3FB8];
	_ =	sdelay $0x3  }
0x36: {  	p1 =	seq.s32 s10, $0x1;
	s10 =	sld [smem:$0x3FB9];
	_ =	sdelay $0x3  }
0x37: {  	[smem:$0x3FB9] =	sst s10  }
0x38: {  	s10 =	sld [smem:$0x3FBA]  }
0x39: {  	_ = 	snop;
	(pc) =	sbr.ind lr, $3  }
0x3a: {  	_ = 	snop  }
0x3b: {  	_ = 	snop  }
0x3c: {  	p2 =	seq.s32 s10, $0x1;
	s10 =	sld [smem:$0x3FB9]  }
0x3d: {  	_ =	shalt  }
0x3e: {  	_ =	shalt  }
0x3f: {  	_ =	shalt  }
0x40: {  	_ =	shalt  }
0x41: {  	_ =	shalt  }
0x42: {  	_ =	shalt  }
0x43: {  	_ =	shalt  }
0x44: {  	_ =	shalt  }
0x45: {  	_ =	shalt  }
0x46: {  	_ =	shalt  }
0x47: {  	_ =	shalt  }
0x48: {  	_ =	shalt  }
0x49: {  	_ =	shalt  }
0x4a: {  	_ =	shalt  }
0x4b: {  	_ =	shalt  }
0x4c: {  	_ =	shalt  }
0x4d: {  	_ =	shalt  }
0x4e: {  	_ =	shalt  }
0x4f: {  	_ =	shalt  }
0x50: {  	_ =	shalt  }
0x51: {  	_ =	shalt  }
0x52: {  	_ =	shalt  }
0x53: {  	_ =	shalt  }
0x54: {  	_ =	shalt  }
0x55: {  	_ =	shalt  }
0x56: {  	_ =	shalt  }
0x57: {  	_ =	shalt  }
0x58: {  	_ =	shalt  }
0x59: {  	_ =	shalt  }
0x5a: {  	_ =	shalt  }
0x5b: {  	_ =	shalt  }
0x5c: {  	_ =	shalt  }
0x5d: {  	_ =	shalt  }
0x5e: {  	_ =	shalt  }
0x5f: {  	_ =	shalt  }
0x60: {  	_ =	shalt  }
0x61: {  	_ =	shalt  }
0x62: {  	_ =	shalt  }
0x63: {  	_ =	shalt  }
0x64: {  	_ =	shalt  }
0x65: {  	_ =	shalt  }
0x66: {  	_ =	shalt  }
0x67: {  	_ =	shalt  }
0x68: {  	_ =	shalt  }
0x69: {  	_ =	shalt  }
0x6a: {  	_ =	shalt  }
0x6b: {  	_ =	shalt  }
0x6c: {  	_ =	shalt  }
0x6d: {  	_ =	shalt  }
0x6e: {  	_ =	shalt  }
0x6f: {  	_ =	shalt  }
0x70: {  	_ =	shalt  }
0x71: {  	_ =	shalt  }
0x72: {  	_ =	shalt  }
0x73: {  	_ =	shalt  }
0x74: {  	_ =	shalt  }
0x75: {  	_ =	shalt  }
0x76: {  	_ =	shalt  }
0x77: {  	_ =	shalt  }
0x78: {  	_ =	shalt  }
0x79: {  	_ =	shalt  }
0x7a: {  	_ =	shalt  }
0x7b: {  	_ =	shalt  }
0x7c: {  	_ =	shalt  }
0x7d: {  	_ =	shalt  }
0x7e: {  	_ =	shalt  }
0x7f: {  	_ =	shalt  }
0x80: {  	_ =	shalt  }
0x81: {  	_ =	shalt  }
0x82: {  	_ =	shalt  }
0x83: {  	_ =	shalt  }
0x84: {  	_ =	shalt  }
0x85: {  	_ =	shalt  }
0x86: {  	_ =	shalt  }
0x87: {  	_ =	shalt  }
.Lfunc_end0:
.L_simem_size_0:
called_computation_lowered:
.L_overlay_start_0:
0x88: {  	s0 =	sld [smem:$0x3FD9]  }
0x89: {  	s1 =	sld [smem:$0x3FFE];
	_ =	sdelay $0x3  }
0x8a: {  	s0 =	sadd.s32 s1, s0  }
0x8b: {  	[smem:$0x3FC5] =	sst s0  }
0x8c: {  	_ = 	snop  }
0x8d: {  	s0 =	sld [smem:$0x3FC9]  }
0x8e: {  	s17 =	sld [smem:$0x3FC8]  }
0x8f: {  	s2 =	sld [smem:$0x3FC7]  }
0x90: {  	s3 =	sld [smem:$0x3FD0];
	(tm) =	ssettm $0x1  }
0x91: {  	s4 =	sld [smem:$0x3FFB];
	_ =	sdelay $0x3  }
0x92: {  	_ =	strace s4  }
0x93: {  	s4 =	sld [smem:$0x3FFC];
	_ =	sdelay $0x3  }
0x94: {  	_ =	strace s4  }
0x95: {  	s4 =	sld [smem:$0x3FFD];
	_ =	sdelay $0x3  }
0x96: {  	_ =	strace s4  }
0x97: {  	_ =	strace $0x8FFFFFFF  }
0x98: {  	s18 =	sld [smem:$0x3FDB];
	_ =	sdelay $0x1  }
0x99: {  	s5 =	simm.s32 $_scs_section_size  }
0x9a: {  	s6 =	simm.s32 $_size__tile_overlayer_lowered;
	s7 =	simm.s32 $_tile_overlayer_lowered  }
0x9b: {  	s21 =	simm.s32 $0x1BFF;
	s20 =	sshll.u32 s7, $0x1;
	s4 =	sadd.s32 s5, s18  }
0x9c: {  	s8 =	simm.s32 $0x0;
	s19 =	sshll.u32 s6, $0x1;
	s6 =	sadd.s32 s20, s4  }
0x9d: {  	[timem:s8], [sflag:s21] =	dma.local [hbm:s6], s19  }
0x9e: {  	_ =	swait.ge [sflag:s21], s19  }
0x9f: {  	s5 =	ssub.s32 $0x0, s19;
	[sflag:s21] =	ssyncset.done $0x0  }
0xa0: {  	[sflag:s21] =	ssyncadd.s32 s5;
	_ =	sdelay $0x1  }
0xa1: {  	s22 =	simm.s32 $0x1B8B  }
0xa2: {  	_ =	swait.ge [sflag:s22], $0x1  }
0xa3: {  	[sflag:s22] =	ssyncset.done $0x0  }
0xa4: {  	s23 =	simm.s32 $0x1B8E;
	[sflag:s22] =	ssyncadd.s32 $0xFFFFFFFF  }
0xa5: {  	s24 =	simm.s32 $execute0_lowered;
	[smem:$0x3FD2] =	sst s23  }
0xa6: {  	s5 =	sshll.u32 s24, $0x1;
	_ =	strace $0x80000046;
	[dreg:$0x1] =	wrdreg $0xFFFFFFFF  }
0xa7: {  	s25 =	simm.s32 $_size_execute0_lowered;
	s4 =	sadd.s32 s4, s5;
	[dreg:$0x0] =	wrdreg $0x0  }
0xa8: {  	s5 =	sshll.u32 s25, $0x1;
	[dreg:$0x2] =	wrdreg s4  }
0xa9: {  	[dreg:$0x3] =	wrdreg s5  }
0xaa: {  	[dreg:$0x4] =	wrdreg $0xC0  }
0xab: {  	_ =	task [dreg:s8], $0x5FFFF  }
0xac: {  	[dreg:$0x1] =	wrdreg $0xFFFFFFFF  }
0xad: {  	[dreg:$0x0] =	wrdreg $0x60  }
0xae: {  	[dreg:$0x2] =	wrdreg s0  }
0xaf: {  	[dreg:$0x3] =	wrdreg s17  }
0xb0: {  	[dreg:$0x4] =	wrdreg s2  }
0xb1: {  	[dreg:$0x5] =	wrdreg s3  }
0xb2: {  	[dreg:$0x6] =	wrdreg $0x9  }
0xb3: {  	_ =	task.clear_ibuf [dreg:s8], $0x7FFFF;
	_ =	strace $0x90000046  }
0xb4: {  	s26 =	simm.s32 $0x9;
	_ =	strace $0x80000048  }
0xb5: {  	_ =	swait.ge [sflag:s26], $0x1  }
0xb6: {  	[sflag:s26] =	ssyncadd.s32 $0xFFFFFFFF  }
0xb7: {  	_ =	strace $0x90000048  }
0xb8: {  	_ =	sfence  }
0xb9: {  	s28 =	sld [smem:$0x0];
	_ =	sdelay $0x1  }
0xba: {  	s29 =	srdreg.scid  }
0xbb: {  	s30 =	sshll.u32 s29, $0xD;
	s31 =	sshrl.u32 s29, $0x2  }
0xbc: {  	s1 =	sand.u32 $0x1, s29;
	s2 =	sand.u32 $0x4000, s30;
	s0 =	sadd.s32 s31, s28  }
0xbd: {  	s1 =	sor.u32 s2, s1;
	s0 =	sshll.u32 s0, $0x11  }
0xbe: {  	s0 =	sor.u32 s0, s1  }
0xbf: {  	s0 =	sadd.s32 $0x8F2B, s0  }
0xc0: {  	[sflag:s0] =	ssyncadd.remote.s32 $0x1  }
0xc1: {  	_ =	sfence.sel $0xFFFF  }
0xc2: {  	[dreg:$0x0] =	wrdreg $0xFFFFFFFF;
	(pc) =	sbr.abs _section_cstart, $3  }
0xc3: {  	[dreg:$0x1] =	wrdreg $0xFFFFFFFF  }
0xc4: {  	_ =	task.clear_ibuf [dreg:s8], $0x2FFFF;
	_ =	strace $0x9FFFFFFF  }
0xc5: {  	(tm) =	ssettm $0x7FFFFFFF  }
tec
execute0_lowered:
.L_overlay_start_1:
0x0: {  	(tag) =	ssettag $0x1  }
0x1: {  	s5 =	rddreg [dreg:$0x0]  }
0x2: {  	s7 =	rddreg [dreg:$0x1]  }
0x3: {  	s6 =	rddreg [dreg:$0x2]  }
0x4: {  	s3 =	rddreg [dreg:$0x3]  }
0x5: {  	s0 =	rddreg [dreg:$0x4];
	s2 =	simm.s32 $0x0  }
0x6: {  	s1 =	stileid.u32;
	[smem:$0x7FF] =	sst s2  }
0x7: {  	s4 =	sshll.u32 s1, $0x7;
	_ =	strace $0x80000047;
	[smem:$0x0] =	sst s2  }
0x8: {  	s8 =	simm.s32 $0x400;
	s7 =	sadd.s32 s7, s4;
	[smem:$0x1] =	sst s2  }
0x9: {  	[tilespmem:s8], [sflag:$0x2] =	stream.linear.gather [hbm4b:s7+s2], $0x400, $0x38;
	[tilespmem:$0x1880] =	vst v63  }
0xa: {  	s5 =	sadd.s32 s5, s4;
	[smem:$0x2] =	sst s2  }
0xb: {  	[tilespmem:s2], [sflag:$0x7] =	stream.linear.gather [hbm4b:s5+s2], $0x400, $0x38;
	[tilespmem:$0x1880] =	vst v63  }
0xc: {  	[smem:$0x3] =	sst s2;
	s5 =	simm.s32 $0x7  }
0xd: {  	_ =	swait.ge [sflag:s5], $0x400  }
0xe: {  	[sflag:s5] =	ssyncset.done $0x0  }
0xf: {  	[sflag:s5] =	ssyncadd.s32 $0xFFFFFC00  }
0x10: {  	v0 =	vld [tilespmem:$0x0]  }
0x11: {  	v1 =	vld [tilespmem:$0x10]  }
0x12: {  	v2 =	vld [tilespmem:$0x20]  }
0x13: {  	v3 =	vld [tilespmem:$0x30]  }
0x14: {  	v4 =	vld [tilespmem:$0x40]  }
0x15: {  	v5 =	vld [tilespmem:$0x50]  }
0x16: {  	v6 =	vld [tilespmem:$0x60]  }
0x17: {  	v9 =	vld [tilespmem:$0x70]  }
0x18: {  	v10 =	vld [tilespmem:$0x80]  }
0x19: {  	v12 =	vld [tilespmem:$0x90]  }
0x1a: {  	v13 =	vld [tilespmem:$0xA0]  }
0x1b: {  	v14 =	vld [tilespmem:$0xB0]  }
0x1c: {  	v57 =	vld [tilespmem:$0xC0]  }
0x1d: {  	v15 =	vld [tilespmem:$0xD0]  }
0x1e: {  	v16 =	vld [tilespmem:$0xE0]  }
0x1f: {  	v17 =	vld [tilespmem:$0xF0]  }
0x20: {  	v18 =	vld [tilespmem:$0x100]  }
0x21: {  	v19 =	vld [tilespmem:$0x110]  }
0x22: {  	v21 =	vld [tilespmem:$0x120]  }
0x23: {  	v22 =	vld [tilespmem:$0x130]  }
0x24: {  	v23 =	vld [tilespmem:$0x140]  }
0x25: {  	v30 =	vld [tilespmem:$0x150]  }
0x26: {  	v24 =	vld [tilespmem:$0x160];
	v0 =	vand.u32 $0xF, v0  }
0x27: {  	v25 =	vld [tilespmem:$0x170];
	v1 =	vand.u32 $0xF, v1;
	v48 =	vand.u32 $0xF, v2;
	v50 =	vand.u32 $0xF, v3  }
0x28: {  	v27 =	vld [tilespmem:$0x180];
	v4 =	vand.u32 $0xF, v4;
	v52 =	vand.u32 $0xF, v5;
	v54 =	vand.u32 $0xF, v6  }
0x29: {  	v36 =	vld [tilespmem:$0x1B0];
	v9 =	vand.u32 $0xF, v9;
	v56 =	vand.u32 $0xF, v10;
	v12 =	vand.u32 $0xF, v12  }
0x2a: {  	v39 =	vld [tilespmem:$0x1E0];
	v13 =	vand.u32 $0xF, v13;
	v60 =	vand.u32 $0xF, v14;
	v10 =	vand.u32 $0xF, v57  }
0x2b: {  	v15 =	vand.u32 $0xF, v15;
	v16 =	vand.u32 $0xF, v16;
	v17 =	vand.u32 $0xF, v17  }
0x2c: {  	v18 =	vand.u32 $0xF, v18;
	v29 =	vand.u32 $0xF, v19;
	v31 =	vand.u32 $0xF, v21  }
0x2d: {  	v22 =	vand.u32 $0xF, v22;
	v33 =	vand.u32 $0xF, v23;
	v19 =	vand.u32 $0xF, v30  }
0x2e: {  	v24 =	vand.u32 $0xF, v24;
	v35 =	vand.u32 $0xF, v25;
	v27 =	vand.u32 $0xF, v27  }
0x2f: {  	v25 =	vand.u32 $0xF, v36;
	v42 =	vand.u32 $0xF, v39;
	vm0 =	veq.s32 v0, $0x1  }
0x30: {  	v0 =	vimm.s32 $0x0;
	vm9 =	veq.s32 v1, $0x1;
	vm10 =	veq.s32 v48, $0x1  }
0x31: {  	vm11 =	veq.s32 v50, $0x1;
	vm12 =	veq.s32 v4, $0x1;
	vm13 =	veq.s32 v52, $0x1  }
0x32: {  	vm14 =	veq.s32 v54, $0x1;
	vm15 =	veq.s32 v9, $0x1;
	vm4 =	veq.s32 v56, $0x1  }
0x33: {  	vm5 =	veq.s32 v12, $0x1;
	vm6 =	veq.s32 v13, $0x1;
	vm7 =	veq.s32 v60, $0x1  }
0x34: {  	vm8 =	veq.s32 v10, $0x1;
	v7 =	vsel vm0, $0x1, v0;
	v49 =	vsel vm9, $0x1, v0  }
0x35: {  	v51 =	vsel vm10, $0x1, v0;
	v1 =	vsel vm11, $0x1, v0;
	v53 =	vsel vm12, $0x1, v0  }
0x36: {  	v4 =	vsel vm13, $0x1, v0;
	v5 =	vsel vm14, $0x1, v0;
	v58 =	vsel vm15, $0x1, v0  }
0x37: {  	v46 =	vld [tilespmem:$0x270];
	v9 =	vsel vm4, $0x1, v0;
	v61 =	vsel vm6, $0x1, v0;
	v63 =	vsel vm7, $0x1, v0  }
0x38: {  	v30 =	vld [tilespmem:$0x1C0];
	v10 =	vsel vm8, $0x1, v0;
	vm9 =	veq.s32 v15, $0x1;
	vm10 =	veq.s32 v16, $0x1  }
0x39: {  	v36 =	vld [tilespmem:$0x220];
	vm11 =	veq.s32 v17, $0x1;
	vm12 =	veq.s32 v18, $0x1;
	vm13 =	veq.s32 v29, $0x1  }
0x3a: {  	v39 =	vld [tilespmem:$0x250];
	vm14 =	veq.s32 v31, $0x1;
	vm15 =	veq.s32 v22, $0x1;
	vm4 =	veq.s32 v33, $0x1  }
0x3b: {  	v48 =	vld [tilespmem:$0x280];
	vm6 =	veq.s32 v24, $0x1;
	vm7 =	veq.s32 v35, $0x1;
	vm8 =	veq.s32 v27, $0x1  }
0x3c: {  	v52 =	vld [tilespmem:$0x2A0];
	v8 =	vadd.s32 v7, v49;
	v15 =	vsel vm9, $0x1, v0;
	v16 =	vsel vm10, $0x1, v0  }
0x3d: {  	v29 =	vld [tilespmem:$0x1A0];
	v20 =	vsel vm12, $0x1, v0;
	v18 =	vsel vm14, $0x1, v0;
	v23 =	vsel vm15, $0x1, v0  }
0x3e: {  	v31 =	vld [tilespmem:$0x1D0];
	v26 =	vsel vm6, $0x1, v0;
	v24 =	vsel vm7, $0x1, v0;
	v8 =	vadd.s32 v51, v8  }
0x3f: {  	v33 =	vld [tilespmem:$0x1F0];
	vm14 =	veq.s32 v42, $0x1;
	v11 =	vadd.s32 v1, v8;
	v30 =	vand.u32 $0xF, v30  }
0x40: {  	v41 =	vld [tilespmem:$0x210];
	[tilespmem:$0xC90] =	vst v49;
	v36 =	vand.u32 $0xF, v36;
	v49 =	vand.u32 $0xF, v39;
	v55 =	vadd.s32 v53, v11  }
0x41: {  	vm12 =	veq.s32 v30, $0x1;
	v30 =	vsel vm14, $0x1, v0;
	vm6 =	veq.s32 v36, $0x1  }
0x42: {  	[tilespmem:$0xCC0] =	vst v53;
	v53 =	vand.u32 $0xF, v46;
	v56 =	vand.u32 $0xF, v48;
	v6 =	vadd.s32 v4, v55  }
0x43: {  	v50 =	vld [tilespmem:$0x290];
	v60 =	vand.u32 $0xF, v52;
	v38 =	vand.u32 $0xF, v29;
	v6 =	vadd.s32 v5, v6  }
0x44: {  	v40 =	vand.u32 $0xF, v31;
	v33 =	vand.u32 $0xF, v33;
	v6 =	vadd.s32 v58, v6  }
0x45: {  	v31 =	vand.u32 $0xF, v41;
	v59 =	vadd.s32 v9, v6;
	v6 =	vsel vm5, $0x1, v0  }
0x46: {  	v2 =	vsel vm6, $0x1, v0;
	vm14 =	veq.s32 v60, $0x1;
	v41 =	vld [tilespmem:$0x2F0];
	v12 =	vadd.s32 v6, v59  }
0x47: {  	vm10 =	veq.s32 v38, $0x1;
	vm15 =	veq.s32 v33, $0x1;
	v38 =	vld [tilespmem:$0x240];
	v62 =	vadd.s32 v61, v12  }
0x48: {  	[tilespmem:$0xCF0] =	vst v58;
	v58 =	vand.u32 $0xF, v50;
	vm5 =	veq.s32 v19, $0x1;
	v59 =	vld [tilespmem:$0x2D0];
	v13 =	vadd.s32 v63, v62  }
0x49: {  	v19 =	vsel vm5, $0x1, v0;
	vm5 =	veq.s32 v31, $0x1;
	v13 =	vadd.s32 v10, v13  }
0x4a: {  	[tilespmem:$0xD00] =	vst v9;
	v9 =	vsel vm14, $0x1, v0;
	v31 =	vsel vm5, $0x1, v0;
	v13 =	vadd.s32 v15, v13  }
0x4b: {  	v48 =	vand.u32 $0xF, v41;
	v28 =	vadd.s32 v16, v13;
	v13 =	vsel vm11, $0x1, v0  }
0x4c: {  	v47 =	vand.u32 $0xF, v38;
	v62 =	vld [tilespmem:$0x2E0];
	vm11 =	veq.s32 v25, $0x1;
	v17 =	vadd.s32 v13, v28  }
0x4d: {  	v11 =	vand.u32 $0xF, v59;
	v32 =	vadd.s32 v20, v17;
	v17 =	vsel vm13, $0x1, v0  }
0x4e: {  	v28 =	vld [tilespmem:$0x190];
	v25 =	vsel vm11, $0x1, v0;
	vm11 =	veq.s32 v53, $0x1;
	v21 =	vadd.s32 v17, v32  }
0x4f: {  	vm5 =	veq.s32 v11, $0x1;
	vm13 =	veq.s32 v40, $0x1;
	v21 =	vadd.s32 v18, v21  }
0x50: {  	[tilespmem:$0xD70] =	vst v13;
	v53 =	vld [tilespmem:$0x360];
	v13 =	vsel vm5, $0x1, v0;
	v34 =	vadd.s32 v23, v21;
	v21 =	vsel vm4, $0x1, v0  }
0x51: {  	v40 =	vld [tilespmem:$0x260];
	v46 =	vand.u32 $0xF, v62;
	v29 =	vsel vm13, $0x1, v0;
	v22 =	vadd.s32 v21, v34  }
0x52: {  	v54 =	vld [tilespmem:$0x2B0];
	vm13 =	veq.s32 v58, $0x1;
	vm6 =	veq.s32 v46, $0x1;
	v22 =	vadd.s32 v19, v22  }
0x53: {  	[tilespmem:$0xD90] =	vst v17;
	v17 =	vsel vm6, $0x1, v0;
	v28 =	vand.u32 $0xF, v28;
	v22 =	vadd.s32 v26, v22  }
0x54: {  	v58 =	vld [tilespmem:$0x390];
	vm9 =	veq.s32 v28, $0x1;
	v37 =	vadd.s32 v24, v22;
	v22 =	vsel vm8, $0x1, v0  }
0x55: {  	v34 =	vld [tilespmem:$0x200];
	v60 =	vand.u32 $0xF, v53;
	v27 =	vsel vm9, $0x1, v0;
	v32 =	vadd.s32 v22, v37  }
0x56: {  	[tilespmem:$0xCA0] =	vst v51;
	v28 =	vsel vm10, $0x1, v0;
	v51 =	vand.u32 $0xF, v40;
	v32 =	vadd.s32 v27, v32  }
0x57: {  	v40 =	vand.u32 $0xF, v54;
	vm14 =	veq.s32 v60, $0x1;
	v32 =	vadd.s32 v28, v32  }
0x58: {  	vm9 =	veq.s32 v49, $0x1;
	v37 =	vld [tilespmem:$0x230];
	v35 =	vadd.s32 v25, v32;
	v32 =	vsel vm12, $0x1, v0  }
0x59: {  	vm10 =	veq.s32 v51, $0x1;
	v39 =	vand.u32 $0xF, v58;
	v35 =	vadd.s32 v32, v35  }
0x5a: {  	vm8 =	veq.s32 v47, $0x1;
	v43 =	vand.u32 $0xF, v34;
	v35 =	vadd.s32 v29, v35  }
0x5b: {  	v57 =	vld [tilespmem:$0x2C0];
	[tilespmem:$0xC80] =	vst v7;
	v34 =	vsel vm15, $0x1, v0;
	vm4 =	veq.s32 v43, $0x1;
	v35 =	vadd.s32 v30, v35  }
0x5c: {  	[tilespmem:$0xCD0] =	vst v4;
	v4 =	vsel vm9, $0x1, v0;
	v33 =	vsel vm4, $0x1, v0;
	v35 =	vadd.s32 v34, v35  }
0x5d: {  	[tilespmem:$0xCE0] =	vst v5;
	v49 =	vld [tilespmem:$0x330];
	v5 =	vsel vm10, $0x1, v0;
	v45 =	vand.u32 $0xF, v37;
	v35 =	vadd.s32 v33, v35  }
0x5e: {  	[tilespmem:$0xCB0] =	vst v1;
	v51 =	vld [tilespmem:$0x350];
	vm5 =	veq.s32 v39, $0x1;
	vm7 =	veq.s32 v45, $0x1;
	v44 =	vadd.s32 v31, v35  }
0x5f: {  	[tilespmem:$0xD20] =	vst v61;
	v1 =	vsel vm8, $0x1, v0;
	v3 =	vsel vm7, $0x1, v0;
	v7 =	vadd.s32 v2, v44  }
0x60: {  	[tilespmem:$0xD30] =	vst v63;
	v47 =	vld [tilespmem:$0x320];
	vm15 =	veq.s32 v40, $0x1;
	v43 =	vand.u32 $0xF, v57;
	v7 =	vadd.s32 v3, v7  }
0x61: {  	[tilespmem:$0xD50] =	vst v15;
	v15 =	vsel vm15, $0x1, v0;
	vm12 =	veq.s32 v56, $0x1;
	v7 =	vadd.s32 v1, v7  }
0x62: {  	[tilespmem:$0xD40] =	vst v10;
	vm4 =	veq.s32 v43, $0x1;
	v54 =	vand.u32 $0xF, v49;
	v56 =	vld [tilespmem:$0x380];
	v7 =	vadd.s32 v4, v7  }
0x63: {  	[tilespmem:$0xD60] =	vst v16;
	v57 =	vand.u32 $0xF, v51;
	v43 =	vld [tilespmem:$0x3E0];
	v55 =	vadd.s32 v5, v7;
	v7 =	vsel vm11, $0x1, v0  }
0x64: {  	[tilespmem:$0xD10] =	vst v6;
	v6 =	vsel vm12, $0x1, v0;
	v12 =	vsel vm4, $0x1, v0;
	v8 =	vadd.s32 v7, v55  }
0x65: {  	[tilespmem:$0xD80] =	vst v20;
	v52 =	vand.u32 $0xF, v47;
	v44 =	vld [tilespmem:$0x300];
	v61 =	vadd.s32 v6, v8;
	v8 =	vsel vm13, $0x1, v0  }
0x66: {  	[tilespmem:$0xDA0] =	vst v18;
	vm10 =	veq.s32 v52, $0x1;
	v45 =	vld [tilespmem:$0x310];
	vm7 =	veq.s32 v48, $0x1;
	v63 =	vadd.s32 v8, v61  }
0x67: {  	[tilespmem:$0xDB0] =	vst v23;
	v20 =	vsel vm10, $0x1, v0;
	v16 =	vsel vm7, $0x1, v0;
	v42 =	vadd.s32 v9, v63  }
0x68: {  	[tilespmem:$0xDE0] =	vst v26;
	v37 =	vld [tilespmem:$0x3C0];
	v36 =	vand.u32 $0xF, v56;
	v52 =	vand.u32 $0xF, v43;
	v10 =	vadd.s32 v15, v42  }
0x69: {  	[tilespmem:$0xDF0] =	vst v24;
	v50 =	vld [tilespmem:$0x340];
	vm4 =	veq.s32 v36, $0x1;
	vm10 =	veq.s32 v52, $0x1;
	v10 =	vadd.s32 v12, v10  }
0x6a: {  	[tilespmem:$0xE60] =	vst v30;
	v40 =	vsel vm4, $0x1, v0;
	v14 =	vand.u32 $0xF, v44;
	v10 =	vadd.s32 v13, v10  }
0x6b: {  	[tilespmem:$0xEA0] =	vst v2;
	v11 =	vand.u32 $0xF, v45;
	vm8 =	veq.s32 v14, $0x1;
	v10 =	vadd.s32 v17, v10  }
0x6c: {  	[tilespmem:$0xF20] =	vst v9;
	vm9 =	veq.s32 v11, $0x1;
	v55 =	vld [tilespmem:$0x370];
	v18 =	vsel vm8, $0x1, v0;
	v10 =	vadd.s32 v16, v10  }
0x6d: {  	[tilespmem:$0xDD0] =	vst v19;
	v47 =	vand.u32 $0xF, v37;
	v19 =	vsel vm9, $0x1, v0;
	v10 =	vadd.s32 v18, v10  }
0x6e: {  	[tilespmem:$0xE90] =	vst v31;
	v35 =	vld [tilespmem:$0x3B0];
	vm11 =	veq.s32 v54, $0x1;
	v14 =	vand.u32 $0xF, v50;
	v10 =	vadd.s32 v19, v10  }
0x6f: {  	v62 =	vld [tilespmem:$0x3A0];
	[tilespmem:$0xE30] =	vst v25;
	v24 =	vsel vm11, $0x1, v0;
	vm12 =	veq.s32 v14, $0x1;
	v10 =	vadd.s32 v20, v10  }
0x70: {  	[tilespmem:$0xF50] =	vst v13;
	vm13 =	veq.s32 v57, $0x1;
	v59 =	vsel vm12, $0x1, v0;
	v10 =	vadd.s32 v24, v10  }
0x71: {  	[tilespmem:$0xE50] =	vst v29;
	v61 =	vsel vm13, $0x1, v0;
	v11 =	vand.u32 $0xF, v55;
	v10 =	vadd.s32 v59, v10  }
0x72: {  	v41 =	vld [tilespmem:$0x3D0];
	[tilespmem:$0xF60] =	vst v17;
	v63 =	vsel vm14, $0x1, v0;
	vm15 =	veq.s32 v11, $0x1;
	v10 =	vadd.s32 v61, v10  }
0x73: {  	[tilespmem:$0xDC0] =	vst v21;
	v44 =	vand.u32 $0xF, v35;
	v38 =	vsel vm15, $0x1, v0;
	v10 =	vadd.s32 v63, v10  }
0x74: {  	[tilespmem:$0xE20] =	vst v28;
	v45 =	vld [tilespmem:$0x3F0];
	vm7 =	veq.s32 v44, $0x1;
	v14 =	vand.u32 $0xF, v62;
	v10 =	vadd.s32 v38, v10  }
0x75: {  	[tilespmem:$0xE10] =	vst v27;
	vm6 =	veq.s32 v14, $0x1;
	v42 =	vsel vm5, $0x1, v0;
	v10 =	vadd.s32 v40, v10  }
0x76: {  	[tilespmem:$0xE00] =	vst v22;
	v49 =	vsel vm7, $0x1, v0;
	v46 =	vsel vm6, $0x1, v0;
	v10 =	vadd.s32 v42, v10  }
0x77: {  	[tilespmem:$0xED0] =	vst v4;
	vm8 =	veq.s32 v47, $0x1;
	v11 =	vand.u32 $0xF, v41;
	v48 =	vadd.s32 v46, v10  }
0x78: {  	[tilespmem:$0xEE0] =	vst v5;
	v50 =	vsel vm8, $0x1, v0;
	vm9 =	veq.s32 v11, $0x1;
	v2 =	vadd.s32 v49, v48  }
0x79: {  	[tilespmem:$0xEC0] =	vst v1;
	v54 =	vand.u32 $0xF, v45;
	v53 =	vsel vm9, $0x1, v0;
	v51 =	vadd.s32 v50, v2  }
0x7a: {  	[tilespmem:$0xE70] =	vst v34;
	vm11 =	veq.s32 v54, $0x1;
	v55 =	vsel vm10, $0x1, v0;
	v1 =	vadd.s32 v53, v51  }
0x7b: {  	[tilespmem:$0xF30] =	vst v15;
	v0 =	vsel vm11, $0x1, v0;
	v1 =	vadd.s32 v55, v1  }
0x7c: {  	[tilespmem:$0xE40] =	vst v32;
	v1 =	vadd.s32 v0, v1  }
0x7d: {  	[tilespmem:$0xE80] =	vst v33;
	(xrf0) =	vadd.scan.msk.s32 $0xffff, v1  }
0x7e: {  	[tilespmem:$0xF00] =	vst v6  }
0x7f: {  	[tilespmem:$0xF40] =	vst v12  }
0x80: {  	[tilespmem:$0xFA0] =	vst v20  }
0x81: {  	[tilespmem:$0xEB0] =	vst v3  }
0x82: {  	[tilespmem:$0xF70] =	vst v16  }
0x83: {  	[tilespmem:$0x1000] =	vst v40;
	v1, _, _ =	vpop (xrf0)  }
0x84: {  	[tilespmem:$0xF90] =	vst v19;
	(v2sf) =	vpush v1, $0xF  }
0x85: {  	[tilespmem:$0xEF0] =	vst v7  }
0x86: {  	[tilespmem:$0xFB0] =	vst v24  }
0x87: {  	[tilespmem:$0xF10] =	vst v8  }
0x88: {  	[tilespmem:$0xF80] =	vst v18  }
0x89: {  	[tilespmem:$0xFD0] =	vst v61  }
0x8a: {  	[tilespmem:$0x1030] =	vst v49  }
0x8b: {  	[tilespmem:$0xFC0] =	vst v59  }
0x8c: {  	[tilespmem:$0xFE0] =	vst v63  }
0x8d: {  	[tilespmem:$0x1040] =	vst v50  }
0x8e: {  	[tilespmem:$0x1010] =	vst v42  }
0x8f: {  	[tilespmem:$0x1020] =	vst v46  }
0x90: {  	[tilespmem:$0x1060] =	vst v55  }
0x91: {  	[tilespmem:$0xFF0] =	vst v38  }
0x92: {  	s10 =	simm.s32 $0x3;
	[tilespmem:$0x1050] =	vst v53  }
0x93: {  	s16 =	sadd.s32 $0x1, s1;
	p0 =	seq.s32 s1, $0xF;
	[tilespmem:$0x1070] =	vst v0;
	s17 =	spop (v2sf)  }
0x94: {  	s7 =	sand.u32 $0xF, s16;
	[bflag:$0x0] =	sbarrier.arrive $0xFFFF;
	s9 =	smov.u32 s17  }
0x95: {  	s7 =	sshll.u32 s7, $0x10;
	s9 =	simm.s32 @p0 $0x0;
	[sflag:s10] =	ssyncset.done $0x0  }
0x96: {  	[smem:s7], [sflag:$0x3] =	smem.add.s32 s9  }
0x97: {  	_ =	swait.done [sflag:s10]  }
0x98: {  	[sflag:s10] =	ssyncset.s32 $0x0  }
0x99: {  	[sflag:s10] =	ssyncset.done $0x0  }
0x9a: {  	[bflag:$0x0] =	sbarrier.arrive $0xFFFF  }
0x9b: {  	s18 =	sld [smem:$0x0];
	_ =	sdelay $0x1  }
0x9c: {  	s19 =	sadd.s32 $0x2, s1  }
0x9d: {  	s11 =	simm.s32 $0x4;
	s9 =	sand.u32 $0xF, s19;
	s7 =	sadd.s32 s17, s18  }
0x9e: {  	p0 =	slt.u32 s1, $0xE;
	s9 =	sshll.u32 s9, $0x10;
	s10 =	smov.u32 s7  }
0x9f: {  	s9 =	sor.u32 $0x1, s9;
	[sflag:s11] =	ssyncset.done $0x0;
	s10 =	simm.s32 @!p0 $0x0  }
0xa0: {  	[smem:s9], [sflag:$0x4] =	smem.add.s32 s10  }
0xa1: {  	_ =	swait.done [sflag:s11]  }
0xa2: {  	[sflag:s11] =	ssyncset.s32 $0x0  }
0xa3: {  	[sflag:s11] =	ssyncset.done $0x0  }
0xa4: {  	[bflag:$0x0] =	sbarrier.arrive $0xFFFF  }
0xa5: {  	s20 =	sld [smem:$0x1];
	_ =	sdelay $0x1  }
0xa6: {  	s21 =	sadd.s32 $0x4, s1  }
0xa7: {  	s22 =	simm.s32 $0x5;
	s10 =	sand.u32 $0xF, s21;
	s7 =	sadd.s32 s7, s20  }
0xa8: {  	p0 =	slt.u32 s1, $0xC;
	s10 =	sshll.u32 s10, $0x10;
	s9 =	smov.u32 s7  }
0xa9: {  	s10 =	sor.u32 $0x2, s10;
	[sflag:s22] =	ssyncset.done $0x0;
	s9 =	simm.s32 @!p0 $0x0  }
0xaa: {  	[smem:s10], [sflag:$0x5] =	smem.add.s32 s9  }
0xab: {  	_ =	swait.done [sflag:s22]  }
0xac: {  	[sflag:s22] =	ssyncset.s32 $0x0  }
0xad: {  	[sflag:s22] =	ssyncset.done $0x0  }
0xae: {  	[bflag:$0x0] =	sbarrier.arrive $0xFFFF  }
0xaf: {  	s23 =	sld [smem:$0x2];
	_ =	sdelay $0x2  }
0xb0: {  	s25 =	simm.s32 $0x6;
	s24 =	sxor.u32 $0x8, s1;
	s7 =	sadd.s32 s7, s23  }
0xb1: {  	p0 =	slt.u32 s1, $0x8;
	s10 =	sshll.u32 s24, $0x10;
	s9 =	smov.u32 s7  }
0xb2: {  	s10 =	sor.u32 $0x3, s10;
	[sflag:s25] =	ssyncset.done $0x0;
	s9 =	simm.s32 @!p0 $0x0  }
0xb3: {  	[smem:s10], [sflag:$0x6] =	smem.add.s32 s9  }
0xb4: {  	_ =	swait.done [sflag:s25]  }
0xb5: {  	[sflag:s25] =	ssyncset.s32 $0x0  }
0xb6: {  	[sflag:s25] =	ssyncset.done $0x0  }
0xb7: {  	[bflag:$0x0] =	sbarrier.arrive $0xFFFF  }
0xb8: {  	s26 =	sld [smem:$0x3];
	_ =	sdelay $0x2  }
0xb9: {  	s9 =	sadd.s32 s7, s26  }
0xba: {  	s8 =	simm.s32 $0x1;
	s7 =	ssub.s32 s9, s17  }
0xbb: {  	p1 =	sne.s32 s9, s17;
	p0 =	slt.s32 s7, $0x3BF8;
	s10 =	smov.u32 s7  }
0xbc: {  	s28 =	sshra.s32 s7, $0x1F;
	s8 =	simm.s32 @!p1 $0x0;
	s10 =	simm.s32 @!p0 $0x3BF8  }
0xbd: {  	s8 =	sor.u32 s8, s28;
	s29 =	sand.u32 $0x7, s10  }
0xbe: {  	s30 =	sshra.s32 s10, $0x1F;
	p5 =	sne.s32 s8, $0x1;
	p6 =	sne.s32 s29, $0x0  }
0xbf: {  	s31 =	sshrl.u32 s30, $0x1D;
	p0 =	por !p5, !p6  }
0xc0: {  	s9 =	simm.s32 $0x1;
	s8 =	sadd.s32 s31, s10;
	p0 =	por !p0, !p0  }
0xc1: {  	s8 =	sshra.s32 s8, $0x3;
	s9 =	simm.s32 @!p0 $0x0  }
0xc2: {  	s8 =	ssub.s32 s8, s9  }
0xc3: {  	s9 =	sand.u32 $0x1FFFFFFF, s8  }
0xc4: {  	s9 =	sadd.s32 s6, s9;
	s6 =	simm.s32 $0x800  }
0xc5: {  	[tilespmem:s6], [sflag:$0x1] =	stream.linear.gather [hbm4b:s9+s2], $0x408, $0x38;
	[tilespmem:$0x1880] =	vst v63  }
0xc6: {  	v56 =	vld [tilespmem:$0xC80];
	_ =	sdelay $0x1  }
0xc7: {  	v57 =	vld [tilespmem:$0xC90]  }
0xc8: {  	v58 =	vld [tilespmem:$0xCA0];
	_ =	sdelay $0x1  }
0xc9: {  	v59 =	vld [tilespmem:$0xCB0];
	(xrf0) =	vadd.scan.msk.s32 $0xffff, v56  }
0xca: {  	v60 =	vld [tilespmem:$0xCC0]  }
0xcb: {  	v61 =	vld [tilespmem:$0xCD0];
	(xrf0) =	vadd.scan.msk.s32 $0xffff, v57  }
0xcc: {  	(xrf0) =	vadd.scan.msk.s32 $0xffff, v58  }
0xcd: {  	v62 =	vld [tilespmem:$0xCE0]  }
0xce: {  	v63 =	vld [tilespmem:$0xCF0];
	(xrf0) =	vadd.scan.msk.s32 $0xffff, v59  }
0xcf: {  	(xrf0) =	vadd.scan.msk.s32 $0xffff, v60;
	v39, _, _ =	vpop (xrf0)  }
0xd0: {  	v41 =	vld [tilespmem:$0xD00];
	(xrf0) =	vadd.scan.msk.s32 $0xffff, v61;
	(v2sf) =	vpush v39, $0xF  }
0xd1: {  	v25 =	vld [tilespmem:$0xD10];
	v40, _, _ =	vpop (xrf0)  }
0xd2: {  	(xrf0) =	vadd.scan.msk.s32 $0xffff, v62;
	(v2sf) =	vpush v40, $0xF;
	v42, _, _ =	vpop (xrf0)  }
0xd3: {  	v24 =	vld [tilespmem:$0xD20];
	(xrf0) =	vadd.scan.msk.s32 $0xffff, v63;
	(v2sf) =	vpush v42, $0xF  }
0xd4: {  	v23 =	vld [tilespmem:$0xD30];
	v43, _, _ =	vpop (xrf0)  }
0xd5: {  	v22 =	vld [tilespmem:$0xD40];
	(xrf0) =	vadd.scan.msk.s32 $0xffff, v41;
	(v2sf) =	vpush v43, $0xF;
	v44, _, _ =	vpop (xrf0)  }
0xd6: {  	(v2sf) =	vpush v44, $0xF;
	v45, _, _ =	vpop (xrf0);
	(xrf0) =	vadd.scan.msk.s32 $0xffff, v25  }
0xd7: {  	v20 =	vld [tilespmem:$0xD50];
	(v2sf) =	vpush v45, $0xF  }
0xd8: {  	v16 =	vld [tilespmem:$0xD60];
	v46, _, _ =	vpop (xrf0);
	(xrf0) =	vadd.scan.msk.s32 $0xffff, v24  }
0xd9: {  	v14 =	vld [tilespmem:$0xD70];
	(v2sf) =	vpush v46, $0xF;
	v47, _, _ =	vpop (xrf0);
	(xrf0) =	vadd.scan.msk.s32 $0xffff, v23  }
0xda: {  	v11 =	vld [tilespmem:$0xD80];
	(v2sf) =	vpush v47, $0xF;
	(xrf0) =	vadd.scan.msk.s32 $0xffff, v22  }
0xdb: {  	v8 =	vld [tilespmem:$0xD90];
	v48, _, _ =	vpop (xrf0)  }
0xdc: {  	v4 =	vld [tilespmem:$0xDA0];
	(v2sf) =	vpush v48, $0xF;
	(xrf0) =	vadd.scan.msk.s32 $0xffff, v20;
	v49, _, _ =	vpop (xrf0)  }
0xdd: {  	v1 =	vld [tilespmem:$0xDB0];
	(xrf0) =	vadd.scan.msk.s32 $0xffff, v16;
	(v2sf) =	vpush v49, $0xF  }
0xde: {  	s8 =	sshll.u32 s8, $0x3;
	v2 =	vld [tilespmem:$0xDC0];
	v50, _, _ =	vpop (xrf0);
	(xrf0) =	vadd.scan.msk.s32 $0xffff, v14  }
0xdf: {  	s7 =	ssub.s32 s7, s8;
	v3 =	vld [tilespmem:$0xDD0];
	v0 =	vsub.s32 v39, v56;
	(v2sf) =	vpush v50, $0xF;
	v51, _, _ =	vpop (xrf0);
	(xrf0) =	vadd.scan.msk.s32 $0xffff, v11;
	s9 =	spop (v2sf)  }
0xe0: {  	v5 =	vld [tilespmem:$0xDE0];
	v0 =	vadd.s32 s7, v0;
	v7 =	vsub.s32 v40, v57;
	(v2sf) =	vpush v51, $0xF;
	v52, _, _ =	vpop (xrf0);
	(xrf0) =	vadd.scan.msk.s32 $0xffff, v8;
	s7 =	sadd.s32 s9, s7  }
0xe1: {  	v6 =	vld [tilespmem:$0xDF0];
	[tilespmem:$0x1080] =	vst v0;
	(xrf0) =	vadd.scan.msk.s32 $0xffff, v4;
	s10 =	spop (v2sf);
	v7 =	vadd.s32 s7, v7  }
0xe2: {  	v12 =	vsub.s32 v42, v58;
	(v2sf) =	vpush v52, $0xF;
	v53, _, _ =	vpop (xrf0);
	(xrf0) =	vadd.scan.msk.s32 $0xffff, v1;
	s7 =	sadd.s32 s10, s7;
	s11 =	spop (v2sf);
	[tilespmem:$0x1090] =	vst v7;
	v7 =	vld [tilespmem:$0xE00]  }
0xe3: {  	v9 =	vld [tilespmem:$0xE10];
	v54 =	vsub.s32 v43, v59;
	v35, _, _ =	vpop (xrf0);
	(xrf0) =	vadd.scan.msk.s32 $0xffff, v2;
	(v2sf) =	vpush v53, $0xF;
	v12 =	vadd.s32 s7, v12;
	s7 =	sadd.s32 s11, s7  }
0xe4: {  	v10 =	vld [tilespmem:$0xE20];
	v56, _, _ =	vpop (xrf0);
	(xrf0) =	vadd.scan.msk.s32 $0xffff, v3;
	s12 =	spop (v2sf);
	(v2sf) =	vpush v35, $0xF;
	[tilespmem:$0x10A0] =	vst v12;
	v12 =	vadd.s32 s7, v54  }
0xe5: {  	v55 =	vsub.s32 v44, v60;
	v37, _, _ =	vpop (xrf0);
	(xrf0) =	vadd.scan.msk.s32 $0xffff, v5;
	s7 =	sadd.s32 s7, s12;
	s13 =	spop (v2sf);
	(v2sf) =	vpush v56, $0xF;
	[tilespmem:$0x10B0] =	vst v12;
	v12 =	vld [tilespmem:$0xE30]  }
0xe6: {  	v13 =	vld [tilespmem:$0xE40];
	v57 =	vsub.s32 v45, v61;
	v26, _, _ =	vpop (xrf0);
	(xrf0) =	vadd.scan.msk.s32 $0xffff, v6;
	v17 =	vadd.s32 s7, v55;
	s7 =	sadd.s32 s7, s13;
	s14 =	spop (v2sf);
	(v2sf) =	vpush v37, $0xF  }
0xe7: {  	v15 =	vld [tilespmem:$0xE50];
	v59, _, _ =	vpop (xrf0);
	[tilespmem:$0x10C0] =	vst v17;
	v17 =	vadd.s32 s7, v57;
	(v2sf) =	vpush v26, $0xF;
	(xrf0) =	vadd.scan.msk.s32 $0xffff, v7  }
0xe8: {  	s15 =	spop (v2sf);
	v60, _, _ =	vpop (xrf0);
	[tilespmem:$0x10D0] =	vst v17;
	(v2sf) =	vpush v59, $0xF;
	v17 =	vld [tilespmem:$0xE60];
	(xrf0) =	vadd.scan.msk.s32 $0xffff, v9  }
0xe9: {  	v18 =	vld [tilespmem:$0xE70];
	v58 =	vsub.s32 v46, v62;
	v61 =	vsub.s32 v47, v63;
	s16 =	spop (v2sf);
	v62, _, _ =	vpop (xrf0);
	(v2sf) =	vpush v60, $0xF;
	(xrf0) =	vadd.scan.msk.s32 $0xffff, v10  }
0xea: {  	v19 =	vld [tilespmem:$0xE80];
	v29 =	vsub.s32 v48, v41;
	v25 =	vsub.s32 v49, v25;
	v63, _, _ =	vpop (xrf0);
	(v2sf) =	vpush v62, $0xF;
	(xrf0) =	vadd.scan.msk.s32 $0xffff, v12  }
0xeb: {  	v45 =	vld [tilespmem:$0xE90];
	v24 =	vsub.s32 v50, v24;
	v49 =	vsub.s32 v51, v23;
	s7 =	sadd.s32 s7, s14;
	s17 =	spop (v2sf);
	v44, _, _ =	vpop (xrf0);
	(v2sf) =	vpush v63, $0xF;
	(xrf0) =	vadd.scan.msk.s32 $0xffff, v13  }
0xec: {  	v22 =	vsub.s32 v52, v22;
	v21 =	vadd.s32 s7, v58;
	s7 =	sadd.s32 s7, s15;
	v46, _, _ =	vpop (xrf0);
	s18 =	spop (v2sf);
	(v2sf) =	vpush v44, $0xF;
	(xrf0) =	vadd.scan.msk.s32 $0xffff, v15  }
0xed: {  	[tilespmem:$0x10E0] =	vst v21;
	v21 =	vadd.s32 s7, v61;
	s7 =	sadd.s32 s7, s16;
	(v2sf) =	vpush v46, $0xF;
	v47, _, _ =	vpop (xrf0);
	(xrf0) =	vadd.scan.msk.s32 $0xffff, v17  }
0xee: {  	[tilespmem:$0x10F0] =	vst v21;
	v29 =	vadd.s32 s7, v29;
	s7 =	sadd.s32 s7, s17;
	s19 =	spop (v2sf);
	(v2sf) =	vpush v47, $0xF;
	v48, _, _ =	vpop (xrf0);
	(xrf0) =	vadd.scan.msk.s32 $0xffff, v18  }
0xef: {  	v51 =	vld [tilespmem:$0xEA0];
	[tilespmem:$0x1100] =	vst v29;
	v25 =	vadd.s32 s7, v25;
	s7 =	sadd.s32 s7, s18;
	s20 =	spop (v2sf);
	(v2sf) =	vpush v48, $0xF;
	v50, _, _ =	vpop (xrf0);
	(xrf0) =	vadd.scan.msk.s32 $0xffff, v19  }
0xf0: {  	[tilespmem:$0x1110] =	vst v25;
	v24 =	vadd.s32 s7, v24;
	s7 =	sadd.s32 s7, s19;
	(v2sf) =	vpush v50, $0xF;
	v52, _, _ =	vpop (xrf0);
	(xrf0) =	vadd.scan.msk.s32 $0xffff, v45  }
0xf1: {  	v20 =	vsub.s32 v53, v20;
	[tilespmem:$0x1120] =	vst v24;
	v24 =	vadd.s32 s7, v49;
	s7 =	sadd.s32 s7, s20;
	s21 =	spop (v2sf);
	(v2sf) =	vpush v52, $0xF;
	v53, _, _ =	vpop (xrf0)  }
0xf2: {  	v16 =	vsub.s32 v35, v16;
	[tilespmem:$0x1130] =	vst v24;
	v22 =	vadd.s32 s7, v22;
	s7 =	sadd.s32 s7, s21;
	s22 =	spop (v2sf);
	(v2sf) =	vpush v53, $0xF;
	v54, _, _ =	vpop (xrf0)  }
0xf3: {  	v14 =	vsub.s32 v56, v14;
	[tilespmem:$0x1140] =	vst v22;
	v20 =	vadd.s32 s7, v20;
	s7 =	sadd.s32 s7, s22;
	s23 =	spop (v2sf);
	(v2sf) =	vpush v54, $0xF;
	v55, _, _ =	vpop (xrf0)  }
0xf4: {  	[tilespmem:$0x1150] =	vst v20;
	v16 =	vadd.s32 s7, v16;
	s7 =	sadd.s32 s7, s23;
	s24 =	spop (v2sf);
	(v2sf) =	vpush v55, $0xF;
	v56, _, _ =	vpop (xrf0);
	(xrf0) =	vadd.scan.msk.s32 $0xffff, v51  }
0xf5: {  	v11 =	vsub.s32 v37, v11;
	[tilespmem:$0x1160] =	vst v16;
	v14 =	vadd.s32 s7, v14;
	s7 =	sadd.s32 s7, s24;
	s25 =	spop (v2sf);
	(v2sf) =	vpush v56, $0xF;
	v57, _, _ =	vpop (xrf0)  }
0xf6: {  	v8 =	vsub.s32 v26, v8;
	[tilespmem:$0x1170] =	vst v14;
	v11 =	vadd.s32 s7, v11;
	s7 =	sadd.s32 s7, s25;
	s26 =	spop (v2sf);
	(v2sf) =	vpush v57, $0xF;
	v58, _, _ =	vpop (xrf0)  }
0xf7: {  	v4 =	vsub.s32 v59, v4;
	[tilespmem:$0x1180] =	vst v11;
	v8 =	vadd.s32 s7, v8;
	s7 =	sadd.s32 s7, s26;
	s28 =	spop (v2sf);
	(v2sf) =	vpush v58, $0xF  }
0xf8: {  	v1 =	vsub.s32 v60, v1;
	[tilespmem:$0x1190] =	vst v8;
	v4 =	vadd.s32 s7, v4;
	s7 =	sadd.s32 s7, s28;
	s29 =	spop (v2sf)  }
0xf9: {  	v2 =	vsub.s32 v62, v2;
	[tilespmem:$0x11A0] =	vst v4;
	v1 =	vadd.s32 s7, v1;
	s7 =	sadd.s32 s7, s29;
	s30 =	spop (v2sf)  }
0xfa: {  	v60 =	vsub.s32 v63, v3;
	[tilespmem:$0x11B0] =	vst v1;
	v59 =	vadd.s32 s7, v2;
	s7 =	sadd.s32 s7, s30;
	s31 =	spop (v2sf);
	v61, _, _ =	vpop (xrf0)  }
0xfb: {  	v63 =	vsub.s32 v44, v5;
	[tilespmem:$0x11C0] =	vst v59;
	v62 =	vadd.s32 s7, v60;
	s7 =	sadd.s32 s7, s31;
	s9 =	spop (v2sf);
	(v2sf) =	vpush v61, $0xF  }
0xfc: {  	v5 =	vsub.s32 v46, v6;
	[tilespmem:$0x11D0] =	vst v62;
	v4 =	vadd.s32 s7, v63;
	s7 =	sadd.s32 s7, s9;
	s10 =	spop (v2sf)  }
0xfd: {  	v8 =	vsub.s32 v47, v7;
	[tilespmem:$0x11E0] =	vst v4;
	v6 =	vadd.s32 s7, v5;
	s7 =	sadd.s32 s7, s10;
	s11 =	spop (v2sf)  }
0xfe: {  	v26 =	vsub.s32 v48, v9;
	[tilespmem:$0x11F0] =	vst v6;
	v11 =	vadd.s32 s7, v8;
	s7 =	sadd.s32 s7, s11;
	s12 =	spop (v2sf)  }
0xff: {  	v28 =	vsub.s32 v50, v10;
	[tilespmem:$0x1200] =	vst v11;
	v27 =	vadd.s32 s7, v26;
	s7 =	sadd.s32 s7, s12;
	s13 =	spop (v2sf)  }
0x100: {  	v30 =	vsub.s32 v52, v12;
	[tilespmem:$0x1210] =	vst v27;
	v29 =	vadd.s32 s7, v28;
	s7 =	sadd.s32 s7, s13;
	s14 =	spop (v2sf)  }
0x101: {  	v32 =	vsub.s32 v53, v13;
	[tilespmem:$0x1220] =	vst v29;
	v31 =	vadd.s32 s7, v30;
	s7 =	sadd.s32 s7, s14;
	s15 =	spop (v2sf)  }
0x102: {  	v35 =	vsub.s32 v54, v15;
	[tilespmem:$0x1230] =	vst v31;
	v34 =	vadd.s32 s7, v32;
	s7 =	sadd.s32 s7, s15;
	s16 =	spop (v2sf)  }
0x103: {  	v37 =	vsub.s32 v55, v17;
	[tilespmem:$0x1240] =	vst v34;
	v36 =	vadd.s32 s7, v35;
	s7 =	sadd.s32 s7, s16;
	s17 =	spop (v2sf)  }
0x104: {  	v39 =	vsub.s32 v56, v18;
	[tilespmem:$0x1250] =	vst v36;
	v38 =	vadd.s32 s7, v37;
	s7 =	sadd.s32 s7, s17;
	s18 =	spop (v2sf)  }
0x105: {  	v41 =	vsub.s32 v57, v19;
	[tilespmem:$0x1260] =	vst v38;
	v40 =	vadd.s32 s7, v39;
	s7 =	sadd.s32 s7, s18;
	s19 =	spop (v2sf)  }
0x106: {  	v43 =	vsub.s32 v58, v45;
	[tilespmem:$0x1270] =	vst v40;
	v42 =	vadd.s32 s7, v41;
	s7 =	sadd.s32 s7, s19;
	s20 =	spop (v2sf)  }
0x107: {  	v45 =	vsub.s32 v61, v51;
	[tilespmem:$0x1280] =	vst v42;
	v44 =	vadd.s32 s7, v43;
	s7 =	sadd.s32 s7, s20  }
0x108: {  	[tilespmem:$0x1290] =	vst v44;
	v46 =	vadd.s32 s7, v45  }
0x109: {  	[tilespmem:$0x12A0] =	vst v46  }
0x10a: {  	s21 =	spop (v2sf)  }
0x10b: {  	v47 =	vld [tilespmem:$0xEB0]  }
0x10c: {  	v48 =	vld [tilespmem:$0xEC0]  }
0x10d: {  	v49 =	vld [tilespmem:$0xED0];
	_ =	sdelay $0x1  }
0x10e: {  	v50 =	vld [tilespmem:$0xEE0]  }
0x10f: {  	v51 =	vld [tilespmem:$0xEF0];
	(xrf0) =	vadd.scan.msk.s32 $0xffff, v47  }
0x110: {  	v52 =	vld [tilespmem:$0xF00];
	(xrf0) =	vadd.scan.msk.s32 $0xffff, v48  }
0x111: {  	v25 =	vld [tilespmem:$0xF10];
	(xrf0) =	vadd.scan.msk.s32 $0xffff, v49  }
0x112: {  	v26 =	vld [tilespmem:$0xF20]  }
0x113: {  	v20 =	vld [tilespmem:$0xF30];
	(xrf0) =	vadd.scan.msk.s32 $0xffff, v50  }
0x114: {  	v19 =	vld [tilespmem:$0xF40];
	(xrf0) =	vadd.scan.msk.s32 $0xffff, v51  }
0x115: {  	v18 =	vld [tilespmem:$0xF50];
	(xrf0) =	vadd.scan.msk.s32 $0xffff, v52;
	v53, _, _ =	vpop (xrf0)  }
0x116: {  	v17 =	vld [tilespmem:$0xF60];
	(xrf0) =	vadd.scan.msk.s32 $0xffff, v25;
	(v2sf) =	vpush v53, $0xF;
	v54, _, _ =	vpop (xrf0)  }
0x117: {  	v16 =	vld [tilespmem:$0xF70];
	(xrf0) =	vadd.scan.msk.s32 $0xffff, v26;
	(v2sf) =	vpush v54, $0xF;
	v55, _, _ =	vpop (xrf0)  }
0x118: {  	v15 =	vld [tilespmem:$0xF80];
	(xrf0) =	vadd.scan.msk.s32 $0xffff, v20;
	(v2sf) =	vpush v55, $0xF  }
0x119: {  	v14 =	vld [tilespmem:$0xF90];
	v56, _, _ =	vpop (xrf0);
	(xrf0) =	vadd.scan.msk.s32 $0xffff, v19  }
0x11a: {  	v13 =	vld [tilespmem:$0xFA0];
	(v2sf) =	vpush v56, $0xF;
	v57, _, _ =	vpop (xrf0);
	(xrf0) =	vadd.scan.msk.s32 $0xffff, v18  }
0x11b: {  	v10 =	vld [tilespmem:$0xFB0];
	(v2sf) =	vpush v57, $0xF;
	v58, _, _ =	vpop (xrf0);
	(xrf0) =	vadd.scan.msk.s32 $0xffff, v17  }
0x11c: {  	v12 =	vld [tilespmem:$0xFC0];
	(v2sf) =	vpush v58, $0xF;
	v59, _, _ =	vpop (xrf0);
	(xrf0) =	vadd.scan.msk.s32 $0xffff, v16  }
0x11d: {  	v11 =	vld [tilespmem:$0xFD0];
	(v2sf) =	vpush v59, $0xF;
	v60, _, _ =	vpop (xrf0);
	(xrf0) =	vadd.scan.msk.s32 $0xffff, v15  }
0x11e: {  	v9 =	vld [tilespmem:$0xFE0];
	(v2sf) =	vpush v60, $0xF;
	v61, _, _ =	vpop (xrf0);
	(xrf0) =	vadd.scan.msk.s32 $0xffff, v14  }
0x11f: {  	v8 =	vld [tilespmem:$0xFF0];
	(v2sf) =	vpush v61, $0xF;
	v62, _, _ =	vpop (xrf0);
	(xrf0) =	vadd.scan.msk.s32 $0xffff, v13  }
0x120: {  	v5 =	vld [tilespmem:$0x1000];
	(v2sf) =	vpush v62, $0xF;
	v36, _, _ =	vpop (xrf0);
	(xrf0) =	vadd.scan.msk.s32 $0xffff, v10  }
0x121: {  	v3 =	vld [tilespmem:$0x1010];
	(v2sf) =	vpush v36, $0xF;
	v63, _, _ =	vpop (xrf0);
	(xrf0) =	vadd.scan.msk.s32 $0xffff, v12  }
0x122: {  	v2 =	vld [tilespmem:$0x1020];
	(v2sf) =	vpush v63, $0xF;
	v38, _, _ =	vpop (xrf0);
	(xrf0) =	vadd.scan.msk.s32 $0xffff, v11  }
0x123: {  	v1 =	vld [tilespmem:$0x1030];
	(v2sf) =	vpush v38, $0xF;
	v39, _, _ =	vpop (xrf0);
	(xrf0) =	vadd.scan.msk.s32 $0xffff, v9  }
0x124: {  	s7 =	sadd.s32 s7, s21;
	v4 =	vld [tilespmem:$0x1040];
	v7 =	vsub.s32 v53, v47;
	(v2sf) =	vpush v39, $0xF;
	v40, _, _ =	vpop (xrf0);
	(xrf0) =	vadd.scan.msk.s32 $0xffff, v8  }
0x125: {  	v6 =	vld [tilespmem:$0x1050];
	v7 =	vadd.s32 s7, v7;
	v27 =	vsub.s32 v54, v48;
	(v2sf) =	vpush v40, $0xF;
	v41, _, _ =	vpop (xrf0);
	(xrf0) =	vadd.scan.msk.s32 $0xffff, v5;
	s22 =	spop (v2sf)  }
0x126: {  	v45 =	vld [tilespmem:$0x1060];
	[tilespmem:$0x12B0] =	vst v7;
	v21 =	vsub.s32 v55, v49;
	(v2sf) =	vpush v41, $0xF;
	v42, _, _ =	vpop (xrf0);
	(xrf0) =	vadd.scan.msk.s32 $0xffff, v3;
	s23 =	spop (v2sf)  }
0x127: {  	v22 =	vsub.s32 v56, v50;
	v50 =	vsub.s32 v57, v51;
	s7 =	sadd.s32 s7, s22;
	v46, _, _ =	vpop (xrf0);
	(xrf0) =	vadd.scan.msk.s32 $0xffff, v2;
	s24 =	spop (v2sf);
	(v2sf) =	vpush v42, $0xF  }
0x128: {  	v24 =	vsub.s32 v58, v52;
	v27 =	vadd.s32 s7, v27;
	s7 =	sadd.s32 s7, s23;
	v47, _, _ =	vpop (xrf0);
	(xrf0) =	vadd.scan.msk.s32 $0xffff, v1;
	(v2sf) =	vpush v46, $0xF  }
0x129: {  	[tilespmem:$0x12C0] =	vst v27;
	v21 =	vadd.s32 s7, v21;
	s7 =	sadd.s32 s7, s24;
	s25 =	spop (v2sf);
	v49, _, _ =	vpop (xrf0);
	(xrf0) =	vadd.scan.msk.s32 $0xffff, v4;
	(v2sf) =	vpush v47, $0xF  }
0x12a: {  	[tilespmem:$0x12D0] =	vst v21;
	v48 =	vadd.s32 s7, v22;
	s7 =	sadd.s32 s7, s25;
	s26 =	spop (v2sf);
	v51, _, _ =	vpop (xrf0);
	(xrf0) =	vadd.scan.msk.s32 $0xffff, v6;
	(v2sf) =	vpush v49, $0xF  }
0x12b: {  	[tilespmem:$0x12E0] =	vst v48;
	v21 =	vadd.s32 s7, v50;
	s7 =	sadd.s32 s7, s26;
	s28 =	spop (v2sf);
	v52, _, _ =	vpop (xrf0);
	(xrf0) =	vadd.scan.msk.s32 $0xffff, v45;
	(v2sf) =	vpush v51, $0xF  }
0x12c: {  	v55 =	vsub.s32 v59, v25;
	v53, _, _ =	vpop (xrf0);
	[tilespmem:$0x12F0] =	vst v21;
	v54 =	vadd.s32 s7, v24;
	s7 =	sadd.s32 s7, s28;
	s29 =	spop (v2sf);
	(v2sf) =	vpush v52, $0xF  }
0x12d: {  	v58 =	vsub.s32 v60, v26;
	v56, _, _ =	vpop (xrf0);
	[tilespmem:$0x1300] =	vst v54;
	v57 =	vadd.s32 s7, v55;
	s7 =	sadd.s32 s7, s29;
	s30 =	spop (v2sf);
	(v2sf) =	vpush v53, $0xF  }
0x12e: {  	v20 =	vsub.s32 v61, v20;
	v59, _, _ =	vpop (xrf0);
	[tilespmem:$0x1310] =	vst v57;
	v60 =	vadd.s32 s7, v58;
	s7 =	sadd.s32 s7, s30;
	s31 =	spop (v2sf);
	(v2sf) =	vpush v56, $0xF  }
0x12f: {  	v19 =	vsub.s32 v62, v19;
	v61, _, _ =	vpop (xrf0);
	[tilespmem:$0x1320] =	vst v60;
	v20 =	vadd.s32 s7, v20;
	s7 =	sadd.s32 s7, s31;
	s9 =	spop (v2sf);
	(v2sf) =	vpush v59, $0xF  }
0x130: {  	v18 =	vsub.s32 v36, v18;
	v62, _, _ =	vpop (xrf0);
	[tilespmem:$0x1330] =	vst v20;
	v19 =	vadd.s32 s7, v19;
	s7 =	sadd.s32 s7, s9;
	s10 =	spop (v2sf);
	(v2sf) =	vpush v61, $0xF  }
0x131: {  	v17 =	vsub.s32 v63, v17;
	[tilespmem:$0x1340] =	vst v19;
	v18 =	vadd.s32 s7, v18;
	s7 =	sadd.s32 s7, s10;
	s11 =	spop (v2sf);
	v63, _, _ =	vpop (xrf0);
	(v2sf) =	vpush v62, $0xF  }
0x132: {  	v16 =	vsub.s32 v38, v16;
	[tilespmem:$0x1350] =	vst v18;
	v17 =	vadd.s32 s7, v17;
	s7 =	sadd.s32 s7, s11;
	s12 =	spop (v2sf);
	(v2sf) =	vpush v63, $0xF  }
0x133: {  	v15 =	vsub.s32 v39, v15;
	[tilespmem:$0x1360] =	vst v17;
	s13 =	spop (v2sf);
	v16 =	vadd.s32 s7, v16;
	s7 =	sadd.s32 s7, s12  }
0x134: {  	v14 =	vsub.s32 v40, v14;
	[tilespmem:$0x1370] =	vst v16;
	s14 =	spop (v2sf);
	v15 =	vadd.s32 s7, v15;
	s7 =	sadd.s32 s7, s13  }
0x135: {  	v13 =	vsub.s32 v41, v13;
	[tilespmem:$0x1380] =	vst v15;
	s15 =	spop (v2sf);
	v14 =	vadd.s32 s7, v14;
	s7 =	sadd.s32 s7, s14  }
0x136: {  	v10 =	vsub.s32 v42, v10;
	v20 =	vld [tilespmem:$0x1070];
	[tilespmem:$0x1390] =	vst v14;
	v13 =	vadd.s32 s7, v13;
	s7 =	sadd.s32 s7, s15;
	s16 =	spop (v2sf)  }
0x137: {  	v12 =	vsub.s32 v46, v12;
	[tilespmem:$0x13A0] =	vst v13;
	v10 =	vadd.s32 s7, v10;
	s17 =	spop (v2sf);
	s7 =	sadd.s32 s7, s16  }
0x138: {  	v27 =	vsub.s32 v47, v11;
	[tilespmem:$0x13B0] =	vst v10;
	s18 =	spop (v2sf);
	v28 =	vadd.s32 s7, v12;
	s7 =	sadd.s32 s7, s17  }
0x139: {  	v9 =	vsub.s32 v49, v9;
	[tilespmem:$0x13C0] =	vst v28;
	s19 =	spop (v2sf);
	v10 =	vadd.s32 s7, v27;
	s7 =	sadd.s32 s7, s18  }
0x13a: {  	v8 =	vsub.s32 v51, v8;
	[tilespmem:$0x13D0] =	vst v10;
	s20 =	spop (v2sf);
	v9 =	vadd.s32 s7, v9;
	s7 =	sadd.s32 s7, s19  }
0x13b: {  	v5 =	vsub.s32 v52, v5;
	(xrf0) =	vadd.scan.msk.s32 $0xffff, v20;
	[tilespmem:$0x13E0] =	vst v9;
	s21 =	spop (v2sf);
	v8 =	vadd.s32 s7, v8;
	s7 =	sadd.s32 s7, s20  }
0x13c: {  	v3 =	vsub.s32 v53, v3;
	[tilespmem:$0x13F0] =	vst v8;
	s22 =	spop (v2sf);
	v5 =	vadd.s32 s7, v5;
	s7 =	sadd.s32 s7, s21  }
0x13d: {  	v2 =	vsub.s32 v56, v2;
	[tilespmem:$0x1400] =	vst v5;
	s23 =	spop (v2sf);
	v3 =	vadd.s32 s7, v3;
	s7 =	sadd.s32 s7, s22  }
0x13e: {  	v1 =	vsub.s32 v59, v1;
	[tilespmem:$0x1410] =	vst v3;
	s24 =	spop (v2sf);
	v2 =	vadd.s32 s7, v2;
	s7 =	sadd.s32 s7, s23  }
0x13f: {  	v31 =	vsub.s32 v61, v4;
	[tilespmem:$0x1420] =	vst v2;
	s25 =	spop (v2sf);
	v1 =	vadd.s32 s7, v1;
	s7 =	sadd.s32 s7, s24  }
0x140: {  	v32 =	vsub.s32 v62, v6;
	[tilespmem:$0x1430] =	vst v1;
	s26 =	spop (v2sf);
	v2 =	vadd.s32 s7, v31;
	s7 =	sadd.s32 s7, s25  }
0x141: {  	v33 =	vsub.s32 v63, v45;
	v34, _, _ =	vpop (xrf0);
	[tilespmem:$0x1440] =	vst v2;
	v1 =	vadd.s32 s7, v32;
	s7 =	sadd.s32 s7, s26;
	s28 =	spop (v2sf)  }
0x142: {  	v36 =	vsub.s32 v34, v20;
	[tilespmem:$0x1450] =	vst v1;
	v35 =	vadd.s32 s7, v33;
	s7 =	sadd.s32 s7, s28  }
0x143: {  	[tilespmem:$0x1460] =	vst v35;
	v37 =	vadd.s32 s7, v36  }
0x144: {  	s29 =	simm.s32 $0x2;
	[tilespmem:$0x1470] =	vst v37  }
0x145: {  	_ =	swait.ge [sflag:s29], $0x400  }
0x146: {  	[sflag:s29] =	ssyncset.done $0x0  }
0x147: {  	s30 =	simm.s32 $0x1;
	[sflag:s29] =	ssyncadd.s32 $0xFFFFFC00  }
0x148: {  	_ =	swait.ge [sflag:s30], $0x408  }
0x149: {  	[sflag:s30] =	ssyncset.done $0x0  }
0x14a: {  	[sflag:s30] =	ssyncadd.s32 $0xFFFFFBF8  }
0x14b: {  	v38 =	vld [tilespmem:$0xC80]  }
0x14c: {  	v0 =	vld.idx.msk [tilespmem:v0+s6+$0x0], $0xffff  }
0x14d: {  	v39 =	vld [tilespmem:$0x400]  }
0x14e: {  	v40 =	vld [tilespmem:$0x1090];
	_ =	sdelay $0x4  }
0x14f: {  	v42 =	vld [tilespmem:$0xC90];
	vm12 =	veq.s32 v38, $0x1;
	v0 =	vshll.u32 v0, $0x4;
	v41 =	vadd.s32 $0x1, v39  }
0x150: {  	v44 =	vld [tilespmem:$0x410];
	v0 =	vsel vm12, v0, v41  }
0x151: {  	v45 =	vld [tilespmem:$0x10A0];
	[tilespmem:$0x1480] =	vst v0  }
0x152: {  	v43 =	vld.idx.msk [tilespmem:v40+s6+$0x0], $0xffff;
	_ =	sdelay $0x4  }
0x153: {  	v48 =	vld [tilespmem:$0xCA0];
	vm13 =	veq.s32 v42, $0x1;
	v47 =	vadd.s32 $0x1, v44;
	v46 =	vshll.u32 v43, $0x4  }
0x154: {  	v50 =	vld [tilespmem:$0x420];
	v0 =	vsel vm13, v46, v47  }
0x155: {  	v51 =	vld [tilespmem:$0x10B0];
	[tilespmem:$0x1490] =	vst v0  }
0x156: {  	v49 =	vld.idx.msk [tilespmem:v45+s6+$0x0], $0xffff;
	_ =	sdelay $0x4  }
0x157: {  	v54 =	vld [tilespmem:$0xCB0];
	vm14 =	veq.s32 v48, $0x1;
	v53 =	vadd.s32 $0x1, v50;
	v52 =	vshll.u32 v49, $0x4  }
0x158: {  	v56 =	vld [tilespmem:$0x430];
	v0 =	vsel vm14, v52, v53  }
0x159: {  	v57 =	vld [tilespmem:$0x10C0];
	[tilespmem:$0x14A0] =	vst v0  }
0x15a: {  	v55 =	vld.idx.msk [tilespmem:v51+s6+$0x0], $0xffff;
	_ =	sdelay $0x4  }
0x15b: {  	v60 =	vld [tilespmem:$0xCC0];
	vm15 =	veq.s32 v54, $0x1;
	v59 =	vadd.s32 $0x1, v56;
	v58 =	vshll.u32 v55, $0x4  }
0x15c: {  	v62 =	vld [tilespmem:$0x440];
	v0 =	vsel vm15, v58, v59  }
0x15d: {  	v63 =	vld [tilespmem:$0x10D0];
	[tilespmem:$0x14B0] =	vst v0  }
0x15e: {  	v61 =	vld.idx.msk [tilespmem:v57+s6+$0x0], $0xffff;
	_ =	sdelay $0x4  }
0x15f: {  	v6 =	vld [tilespmem:$0xCD0];
	vm4 =	veq.s32 v60, $0x1;
	v5 =	vadd.s32 $0x1, v62;
	v4 =	vshll.u32 v61, $0x4  }
0x160: {  	v8 =	vld [tilespmem:$0x450];
	v0 =	vsel vm4, v4, v5  }
0x161: {  	v9 =	vld [tilespmem:$0x10E0];
	[tilespmem:$0x14C0] =	vst v0  }
0x162: {  	v7 =	vld.idx.msk [tilespmem:v63+s6+$0x0], $0xffff;
	_ =	sdelay $0x4  }
0x163: {  	v12 =	vld [tilespmem:$0xCE0];
	vm5 =	veq.s32 v6, $0x1;
	v11 =	vadd.s32 $0x1, v8;
	v10 =	vshll.u32 v7, $0x4  }
0x164: {  	v14 =	vld [tilespmem:$0x460];
	v0 =	vsel vm5, v10, v11  }
0x165: {  	v15 =	vld [tilespmem:$0x10F0];
	[tilespmem:$0x14D0] =	vst v0  }
0x166: {  	v13 =	vld.idx.msk [tilespmem:v9+s6+$0x0], $0xffff;
	_ =	sdelay $0x4  }
0x167: {  	v18 =	vld [tilespmem:$0xCF0];
	vm6 =	veq.s32 v12, $0x1;
	v17 =	vadd.s32 $0x1, v14;
	v16 =	vshll.u32 v13, $0x4  }
0x168: {  	v20 =	vld [tilespmem:$0x470];
	v0 =	vsel vm6, v16, v17  }
0x169: {  	v21 =	vld [tilespmem:$0x1100];
	[tilespmem:$0x14E0] =	vst v0  }
0x16a: {  	v19 =	vld.idx.msk [tilespmem:v15+s6+$0x0], $0xffff;
	_ =	sdelay $0x4  }
0x16b: {  	v24 =	vld [tilespmem:$0xD00];
	vm7 =	veq.s32 v18, $0x1;
	v23 =	vadd.s32 $0x1, v20;
	v22 =	vshll.u32 v19, $0x4  }
0x16c: {  	v26 =	vld [tilespmem:$0x480];
	v0 =	vsel vm7, v22, v23  }
0x16d: {  	v27 =	vld [tilespmem:$0x1110];
	[tilespmem:$0x14F0] =	vst v0  }
0x16e: {  	v25 =	vld.idx.msk [tilespmem:v21+s6+$0x0], $0xffff;
	_ =	sdelay $0x4  }
0x16f: {  	v30 =	vld [tilespmem:$0xD10];
	vm8 =	veq.s32 v24, $0x1;
	v29 =	vadd.s32 $0x1, v26;
	v28 =	vshll.u32 v25, $0x4  }
0x170: {  	v32 =	vld [tilespmem:$0x490];
	v0 =	vsel vm8, v28, v29  }
0x171: {  	v33 =	vld [tilespmem:$0x1120];
	[tilespmem:$0x1500] =	vst v0  }
0x172: {  	v31 =	vld.idx.msk [tilespmem:v27+s6+$0x0], $0xffff;
	_ =	sdelay $0x4  }
0x173: {  	v36 =	vld [tilespmem:$0xD20];
	vm9 =	veq.s32 v30, $0x1;
	v35 =	vadd.s32 $0x1, v32;
	v34 =	vshll.u32 v31, $0x4  }
0x174: {  	v38 =	vld [tilespmem:$0x4A0];
	v0 =	vsel vm9, v34, v35  }
0x175: {  	v39 =	vld [tilespmem:$0x1130];
	[tilespmem:$0x1510] =	vst v0  }
0x176: {  	v37 =	vld.idx.msk [tilespmem:v33+s6+$0x0], $0xffff;
	_ =	sdelay $0x4  }
0x177: {  	vm10 =	veq.s32 v36, $0x1;
	v42 =	vld [tilespmem:$0xD30];
	v41 =	vadd.s32 $0x1, v38;
	v40 =	vshll.u32 v37, $0x4  }
0x178: {  	v44 =	vld [tilespmem:$0x4B0];
	v0 =	vsel vm10, v40, v41  }
0x179: {  	v45 =	vld [tilespmem:$0x1140];
	[tilespmem:$0x1520] =	vst v0  }
0x17a: {  	v43 =	vld.idx.msk [tilespmem:v39+s6+$0x0], $0xffff;
	_ =	sdelay $0x4  }
0x17b: {  	v48 =	vld [tilespmem:$0xD40];
	vm11 =	veq.s32 v42, $0x1;
	v47 =	vadd.s32 $0x1, v44;
	v46 =	vshll.u32 v43, $0x4  }
0x17c: {  	v50 =	vld [tilespmem:$0x4C0];
	v0 =	vsel vm11, v46, v47  }
0x17d: {  	v51 =	vld [tilespmem:$0x1150];
	[tilespmem:$0x1530] =	vst v0  }
0x17e: {  	v49 =	vld.idx.msk [tilespmem:v45+s6+$0x0], $0xffff;
	_ =	sdelay $0x4  }
0x17f: {  	v54 =	vld [tilespmem:$0xD50];
	vm12 =	veq.s32 v48, $0x1;
	v53 =	vadd.s32 $0x1, v50;
	v52 =	vshll.u32 v49, $0x4  }
0x180: {  	v56 =	vld [tilespmem:$0x4D0];
	v0 =	vsel vm12, v52, v53  }
0x181: {  	v57 =	vld [tilespmem:$0x1160];
	[tilespmem:$0x1540] =	vst v0  }
0x182: {  	v55 =	vld.idx.msk [tilespmem:v51+s6+$0x0], $0xffff;
	_ =	sdelay $0x4  }
0x183: {  	v60 =	vld [tilespmem:$0xD60];
	vm13 =	veq.s32 v54, $0x1;
	v59 =	vadd.s32 $0x1, v56;
	v58 =	vshll.u32 v55, $0x4  }
0x184: {  	v62 =	vld [tilespmem:$0x4E0];
	v0 =	vsel vm13, v58, v59  }
0x185: {  	v63 =	vld [tilespmem:$0x1170];
	[tilespmem:$0x1550] =	vst v0  }
0x186: {  	v61 =	vld.idx.msk [tilespmem:v57+s6+$0x0], $0xffff;
	_ =	sdelay $0x4  }
0x187: {  	v6 =	vld [tilespmem:$0xD70];
	vm14 =	veq.s32 v60, $0x1;
	v5 =	vadd.s32 $0x1, v62;
	v4 =	vshll.u32 v61, $0x4  }
0x188: {  	v8 =	vld [tilespmem:$0x4F0];
	v0 =	vsel vm14, v4, v5  }
0x189: {  	v9 =	vld [tilespmem:$0x1180];
	[tilespmem:$0x1560] =	vst v0  }
0x18a: {  	v7 =	vld.idx.msk [tilespmem:v63+s6+$0x0], $0xffff;
	_ =	sdelay $0x4  }
0x18b: {  	v12 =	vld [tilespmem:$0xD80];
	vm15 =	veq.s32 v6, $0x1;
	v11 =	vadd.s32 $0x1, v8;
	v10 =	vshll.u32 v7, $0x4  }
0x18c: {  	v14 =	vld [tilespmem:$0x500];
	v0 =	vsel vm15, v10, v11  }
0x18d: {  	v15 =	vld [tilespmem:$0x1190];
	[tilespmem:$0x1570] =	vst v0  }
0x18e: {  	v13 =	vld.idx.msk [tilespmem:v9+s6+$0x0], $0xffff;
	_ =	sdelay $0x4  }
0x18f: {  	v18 =	vld [tilespmem:$0xD90];
	vm4 =	veq.s32 v12, $0x1;
	v17 =	vadd.s32 $0x1, v14;
	v16 =	vshll.u32 v13, $0x4  }
0x190: {  	v20 =	vld [tilespmem:$0x510];
	v0 =	vsel vm4, v16, v17  }
0x191: {  	v21 =	vld [tilespmem:$0x11A0];
	[tilespmem:$0x1580] =	vst v0  }
0x192: {  	v19 =	vld.idx.msk [tilespmem:v15+s6+$0x0], $0xffff;
	_ =	sdelay $0x4  }
0x193: {  	v24 =	vld [tilespmem:$0xDA0];
	vm5 =	veq.s32 v18, $0x1;
	v23 =	vadd.s32 $0x1, v20;
	v22 =	vshll.u32 v19, $0x4  }
0x194: {  	v26 =	vld [tilespmem:$0x520];
	v0 =	vsel vm5, v22, v23  }
0x195: {  	v27 =	vld [tilespmem:$0x11B0];
	[tilespmem:$0x1590] =	vst v0  }
0x196: {  	v25 =	vld.idx.msk [tilespmem:v21+s6+$0x0], $0xffff;
	_ =	sdelay $0x4  }
0x197: {  	v30 =	vld [tilespmem:$0xDB0];
	vm6 =	veq.s32 v24, $0x1;
	v29 =	vadd.s32 $0x1, v26;
	v28 =	vshll.u32 v25, $0x4  }
0x198: {  	v32 =	vld [tilespmem:$0x530];
	v0 =	vsel vm6, v28, v29  }
0x199: {  	v33 =	vld [tilespmem:$0x11C0];
	[tilespmem:$0x15A0] =	vst v0  }
0x19a: {  	v31 =	vld.idx.msk [tilespmem:v27+s6+$0x0], $0xffff;
	_ =	sdelay $0x4  }
0x19b: {  	v36 =	vld [tilespmem:$0xDC0];
	vm7 =	veq.s32 v30, $0x1;
	v35 =	vadd.s32 $0x1, v32;
	v34 =	vshll.u32 v31, $0x4  }
0x19c: {  	v38 =	vld [tilespmem:$0x540];
	v0 =	vsel vm7, v34, v35  }
0x19d: {  	v39 =	vld [tilespmem:$0x11D0];
	[tilespmem:$0x15B0] =	vst v0  }
0x19e: {  	v37 =	vld.idx.msk [tilespmem:v33+s6+$0x0], $0xffff;
	_ =	sdelay $0x4  }
0x19f: {  	v42 =	vld [tilespmem:$0xDD0];
	vm8 =	veq.s32 v36, $0x1;
	v41 =	vadd.s32 $0x1, v38;
	v40 =	vshll.u32 v37, $0x4  }
0x1a0: {  	v44 =	vld [tilespmem:$0x550];
	v0 =	vsel vm8, v40, v41  }
0x1a1: {  	v45 =	vld [tilespmem:$0x11E0];
	[tilespmem:$0x15C0] =	vst v0  }
0x1a2: {  	v43 =	vld.idx.msk [tilespmem:v39+s6+$0x0], $0xffff;
	_ =	sdelay $0x4  }
0x1a3: {  	v48 =	vld [tilespmem:$0xDE0];
	vm9 =	veq.s32 v42, $0x1;
	v47 =	vadd.s32 $0x1, v44;
	v46 =	vshll.u32 v43, $0x4  }
0x1a4: {  	v50 =	vld [tilespmem:$0x560];
	v0 =	vsel vm9, v46, v47  }
0x1a5: {  	v51 =	vld [tilespmem:$0x11F0];
	[tilespmem:$0x15D0] =	vst v0  }
0x1a6: {  	v49 =	vld.idx.msk [tilespmem:v45+s6+$0x0], $0xffff;
	_ =	sdelay $0x4  }
0x1a7: {  	v54 =	vld [tilespmem:$0xDF0];
	vm10 =	veq.s32 v48, $0x1;
	v53 =	vadd.s32 $0x1, v50;
	v52 =	vshll.u32 v49, $0x4  }
0x1a8: {  	v56 =	vld [tilespmem:$0x570];
	v0 =	vsel vm10, v52, v53  }
0x1a9: {  	v57 =	vld [tilespmem:$0x1200];
	[tilespmem:$0x15E0] =	vst v0  }
0x1aa: {  	v55 =	vld.idx.msk [tilespmem:v51+s6+$0x0], $0xffff;
	_ =	sdelay $0x4  }
0x1ab: {  	v60 =	vld [tilespmem:$0xE00];
	vm11 =	veq.s32 v54, $0x1;
	v59 =	vadd.s32 $0x1, v56;
	v58 =	vshll.u32 v55, $0x4  }
0x1ac: {  	v62 =	vld [tilespmem:$0x580];
	v0 =	vsel vm11, v58, v59  }
0x1ad: {  	v63 =	vld [tilespmem:$0x1210];
	[tilespmem:$0x15F0] =	vst v0  }
0x1ae: {  	v61 =	vld.idx.msk [tilespmem:v57+s6+$0x0], $0xffff;
	_ =	sdelay $0x4  }
0x1af: {  	v6 =	vld [tilespmem:$0xE10];
	vm12 =	veq.s32 v60, $0x1;
	v5 =	vadd.s32 $0x1, v62;
	v4 =	vshll.u32 v61, $0x4  }
0x1b0: {  	v8 =	vld [tilespmem:$0x590];
	v0 =	vsel vm12, v4, v5  }
0x1b1: {  	v9 =	vld [tilespmem:$0x1220];
	[tilespmem:$0x1600] =	vst v0  }
0x1b2: {  	v7 =	vld.idx.msk [tilespmem:v63+s6+$0x0], $0xffff;
	_ =	sdelay $0x4  }
0x1b3: {  	v12 =	vld [tilespmem:$0xE20];
	vm13 =	veq.s32 v6, $0x1;
	v11 =	vadd.s32 $0x1, v8;
	v10 =	vshll.u32 v7, $0x4  }
0x1b4: {  	v14 =	vld [tilespmem:$0x5A0];
	v0 =	vsel vm13, v10, v11  }
0x1b5: {  	v15 =	vld [tilespmem:$0x1230];
	[tilespmem:$0x1610] =	vst v0  }
0x1b6: {  	v13 =	vld.idx.msk [tilespmem:v9+s6+$0x0], $0xffff;
	_ =	sdelay $0x4  }
0x1b7: {  	v18 =	vld [tilespmem:$0xE30];
	vm14 =	veq.s32 v12, $0x1;
	v17 =	vadd.s32 $0x1, v14;
	v16 =	vshll.u32 v13, $0x4  }
0x1b8: {  	v20 =	vld [tilespmem:$0x5B0];
	v0 =	vsel vm14, v16, v17  }
0x1b9: {  	v21 =	vld [tilespmem:$0x1240];
	[tilespmem:$0x1620] =	vst v0  }
0x1ba: {  	v19 =	vld.idx.msk [tilespmem:v15+s6+$0x0], $0xffff;
	_ =	sdelay $0x4  }
0x1bb: {  	v24 =	vld [tilespmem:$0xE40];
	vm15 =	veq.s32 v18, $0x1;
	v23 =	vadd.s32 $0x1, v20;
	v22 =	vshll.u32 v19, $0x4  }
0x1bc: {  	v26 =	vld [tilespmem:$0x5C0];
	v0 =	vsel vm15, v22, v23  }
0x1bd: {  	v27 =	vld [tilespmem:$0x1250];
	[tilespmem:$0x1630] =	vst v0  }
0x1be: {  	v25 =	vld.idx.msk [tilespmem:v21+s6+$0x0], $0xffff;
	_ =	sdelay $0x4  }
0x1bf: {  	v30 =	vld [tilespmem:$0xE50];
	vm4 =	veq.s32 v24, $0x1;
	v29 =	vadd.s32 $0x1, v26;
	v28 =	vshll.u32 v25, $0x4  }
0x1c0: {  	v32 =	vld [tilespmem:$0x5D0];
	v0 =	vsel vm4, v28, v29  }
0x1c1: {  	v33 =	vld [tilespmem:$0x1260];
	[tilespmem:$0x1640] =	vst v0  }
0x1c2: {  	v31 =	vld.idx.msk [tilespmem:v27+s6+$0x0], $0xffff;
	_ =	sdelay $0x4  }
0x1c3: {  	v36 =	vld [tilespmem:$0xE60];
	vm5 =	veq.s32 v30, $0x1;
	v35 =	vadd.s32 $0x1, v32;
	v34 =	vshll.u32 v31, $0x4  }
0x1c4: {  	v38 =	vld [tilespmem:$0x5E0];
	v0 =	vsel vm5, v34, v35  }
0x1c5: {  	v39 =	vld [tilespmem:$0x1270];
	[tilespmem:$0x1650] =	vst v0  }
0x1c6: {  	v37 =	vld.idx.msk [tilespmem:v33+s6+$0x0], $0xffff;
	_ =	sdelay $0x4  }
0x1c7: {  	v42 =	vld [tilespmem:$0xE70];
	vm6 =	veq.s32 v36, $0x1;
	v41 =	vadd.s32 $0x1, v38;
	v40 =	vshll.u32 v37, $0x4  }
0x1c8: {  	v44 =	vld [tilespmem:$0x5F0];
	v0 =	vsel vm6, v40, v41  }
0x1c9: {  	v45 =	vld [tilespmem:$0x1280];
	[tilespmem:$0x1660] =	vst v0  }
0x1ca: {  	v43 =	vld.idx.msk [tilespmem:v39+s6+$0x0], $0xffff;
	_ =	sdelay $0x4  }
0x1cb: {  	v48 =	vld [tilespmem:$0xE80];
	vm7 =	veq.s32 v42, $0x1;
	v47 =	vadd.s32 $0x1, v44;
	v46 =	vshll.u32 v43, $0x4  }
0x1cc: {  	v50 =	vld [tilespmem:$0x600];
	v0 =	vsel vm7, v46, v47  }
0x1cd: {  	v51 =	vld [tilespmem:$0x1290];
	[tilespmem:$0x1670] =	vst v0  }
0x1ce: {  	v49 =	vld.idx.msk [tilespmem:v45+s6+$0x0], $0xffff;
	_ =	sdelay $0x4  }
0x1cf: {  	v54 =	vld [tilespmem:$0xE90];
	vm8 =	veq.s32 v48, $0x1;
	v53 =	vadd.s32 $0x1, v50;
	v52 =	vshll.u32 v49, $0x4  }
0x1d0: {  	v56 =	vld [tilespmem:$0x610];
	v0 =	vsel vm8, v52, v53  }
0x1d1: {  	v57 =	vld [tilespmem:$0x12A0];
	[tilespmem:$0x1680] =	vst v0  }
0x1d2: {  	v55 =	vld.idx.msk [tilespmem:v51+s6+$0x0], $0xffff;
	_ =	sdelay $0x4  }
0x1d3: {  	v60 =	vld [tilespmem:$0xEA0];
	vm9 =	veq.s32 v54, $0x1;
	v59 =	vadd.s32 $0x1, v56;
	v58 =	vshll.u32 v55, $0x4  }
0x1d4: {  	v62 =	vld [tilespmem:$0x620];
	v0 =	vsel vm9, v58, v59  }
0x1d5: {  	v63 =	vld [tilespmem:$0x12B0];
	[tilespmem:$0x1690] =	vst v0  }
0x1d6: {  	v61 =	vld.idx.msk [tilespmem:v57+s6+$0x0], $0xffff;
	_ =	sdelay $0x4  }
0x1d7: {  	v6 =	vadd.s32 $0x1, v62;
	vm10 =	veq.s32 v60, $0x1;
	v7 =	vld [tilespmem:$0xEB0];
	v5 =	vshll.u32 v61, $0x4  }
0x1d8: {  	v10 =	vld [tilespmem:$0x12C0];
	v0 =	vsel vm10, v5, v6  }
0x1d9: {  	v9 =	vld [tilespmem:$0x630];
	[tilespmem:$0x16A0] =	vst v0  }
0x1da: {  	v8 =	vld.idx.msk [tilespmem:v63+s6+$0x0], $0xffff;
	_ =	sdelay $0x4  }
0x1db: {  	vm11 =	veq.s32 v7, $0x1;
	v12 =	vadd.s32 $0x1, v9;
	v13 =	vld [tilespmem:$0xEC0];
	v11 =	vshll.u32 v8, $0x4  }
0x1dc: {  	v16 =	vld [tilespmem:$0x12D0];
	v0 =	vsel vm11, v11, v12  }
0x1dd: {  	v15 =	vld [tilespmem:$0x640];
	[tilespmem:$0x16B0] =	vst v0  }
0x1de: {  	v14 =	vld.idx.msk [tilespmem:v10+s6+$0x0], $0xffff;
	_ =	sdelay $0x4  }
0x1df: {  	vm12 =	veq.s32 v13, $0x1;
	v18 =	vadd.s32 $0x1, v15;
	v19 =	vld [tilespmem:$0xED0];
	v17 =	vshll.u32 v14, $0x4  }
0x1e0: {  	v22 =	vld [tilespmem:$0x12E0];
	v0 =	vsel vm12, v17, v18  }
0x1e1: {  	v21 =	vld [tilespmem:$0x650];
	[tilespmem:$0x16C0] =	vst v0  }
0x1e2: {  	v20 =	vld.idx.msk [tilespmem:v16+s6+$0x0], $0xffff;
	_ =	sdelay $0x4  }
0x1e3: {  	vm13 =	veq.s32 v19, $0x1;
	v24 =	vadd.s32 $0x1, v21;
	v25 =	vld [tilespmem:$0xEE0];
	v23 =	vshll.u32 v20, $0x4  }
0x1e4: {  	v28 =	vld [tilespmem:$0x12F0];
	v0 =	vsel vm13, v23, v24  }
0x1e5: {  	v27 =	vld [tilespmem:$0x660];
	[tilespmem:$0x16D0] =	vst v0  }
0x1e6: {  	v26 =	vld.idx.msk [tilespmem:v22+s6+$0x0], $0xffff;
	_ =	sdelay $0x4  }
0x1e7: {  	vm14 =	veq.s32 v25, $0x1;
	v30 =	vadd.s32 $0x1, v27;
	v31 =	vld [tilespmem:$0xEF0];
	v29 =	vshll.u32 v26, $0x4  }
0x1e8: {  	v34 =	vld [tilespmem:$0x1300];
	v0 =	vsel vm14, v29, v30  }
0x1e9: {  	v33 =	vld [tilespmem:$0x670];
	[tilespmem:$0x16E0] =	vst v0  }
0x1ea: {  	v32 =	vld.idx.msk [tilespmem:v28+s6+$0x0], $0xffff;
	_ =	sdelay $0x4  }
0x1eb: {  	vm15 =	veq.s32 v31, $0x1;
	v36 =	vadd.s32 $0x1, v33;
	v37 =	vld [tilespmem:$0xF00];
	v35 =	vshll.u32 v32, $0x4  }
0x1ec: {  	v40 =	vld [tilespmem:$0x1310];
	v0 =	vsel vm15, v35, v36  }
0x1ed: {  	v39 =	vld [tilespmem:$0x680];
	[tilespmem:$0x16F0] =	vst v0  }
0x1ee: {  	v38 =	vld.idx.msk [tilespmem:v34+s6+$0x0], $0xffff;
	_ =	sdelay $0x4  }
0x1ef: {  	vm4 =	veq.s32 v37, $0x1;
	v42 =	vadd.s32 $0x1, v39;
	v43 =	vld [tilespmem:$0xF10];
	v41 =	vshll.u32 v38, $0x4  }
0x1f0: {  	v46 =	vld [tilespmem:$0x1320];
	v0 =	vsel vm4, v41, v42  }
0x1f1: {  	v45 =	vld [tilespmem:$0x690];
	[tilespmem:$0x1700] =	vst v0  }
0x1f2: {  	v44 =	vld.idx.msk [tilespmem:v40+s6+$0x0], $0xffff;
	_ =	sdelay $0x4  }
0x1f3: {  	vm5 =	veq.s32 v43, $0x1;
	v48 =	vadd.s32 $0x1, v45;
	v49 =	vld [tilespmem:$0xF20];
	v47 =	vshll.u32 v44, $0x4  }
0x1f4: {  	v52 =	vld [tilespmem:$0x1330];
	v0 =	vsel vm5, v47, v48  }
0x1f5: {  	v51 =	vld [tilespmem:$0x6A0];
	[tilespmem:$0x1710] =	vst v0  }
0x1f6: {  	v50 =	vld.idx.msk [tilespmem:v46+s6+$0x0], $0xffff;
	_ =	sdelay $0x4  }
0x1f7: {  	vm6 =	veq.s32 v49, $0x1;
	v54 =	vadd.s32 $0x1, v51;
	v55 =	vld [tilespmem:$0xF30];
	v53 =	vshll.u32 v50, $0x4  }
0x1f8: {  	v58 =	vld [tilespmem:$0x1340];
	v0 =	vsel vm6, v53, v54  }
0x1f9: {  	v57 =	vld [tilespmem:$0x6B0];
	[tilespmem:$0x1720] =	vst v0  }
0x1fa: {  	v56 =	vld.idx.msk [tilespmem:v52+s6+$0x0], $0xffff;
	_ =	sdelay $0x4  }
0x1fb: {  	vm7 =	veq.s32 v55, $0x1;
	v60 =	vadd.s32 $0x1, v57;
	v61 =	vld [tilespmem:$0xF40];
	v59 =	vshll.u32 v56, $0x4  }
0x1fc: {  	v6 =	vld [tilespmem:$0x1350];
	v0 =	vsel vm7, v59, v60  }
0x1fd: {  	v63 =	vld [tilespmem:$0x6C0];
	[tilespmem:$0x1730] =	vst v0  }
0x1fe: {  	v62 =	vld.idx.msk [tilespmem:v58+s6+$0x0], $0xffff;
	_ =	sdelay $0x4  }
0x1ff: {  	v9 =	vld [tilespmem:$0xF50];
	vm8 =	veq.s32 v61, $0x1;
	v8 =	vadd.s32 $0x1, v63;
	v7 =	vshll.u32 v62, $0x4  }
0x200: {  	v11 =	vld [tilespmem:$0x6D0];
	v0 =	vsel vm8, v7, v8  }
0x201: {  	v12 =	vld [tilespmem:$0x1360];
	[tilespmem:$0x1740] =	vst v0  }
0x202: {  	v10 =	vld.idx.msk [tilespmem:v6+s6+$0x0], $0xffff;
	_ =	sdelay $0x4  }
0x203: {  	v15 =	vld [tilespmem:$0xF60];
	vm9 =	veq.s32 v9, $0x1;
	v14 =	vadd.s32 $0x1, v11;
	v13 =	vshll.u32 v10, $0x4  }
0x204: {  	v17 =	vld [tilespmem:$0x6E0];
	v0 =	vsel vm9, v13, v14  }
0x205: {  	v18 =	vld [tilespmem:$0x1370];
	[tilespmem:$0x1750] =	vst v0  }
0x206: {  	v16 =	vld.idx.msk [tilespmem:v12+s6+$0x0], $0xffff;
	_ =	sdelay $0x4  }
0x207: {  	v21 =	vld [tilespmem:$0xF70];
	vm10 =	veq.s32 v15, $0x1;
	v20 =	vadd.s32 $0x1, v17;
	v19 =	vshll.u32 v16, $0x4  }
0x208: {  	v23 =	vld [tilespmem:$0x6F0];
	v0 =	vsel vm10, v19, v20  }
0x209: {  	v24 =	vld [tilespmem:$0x1380];
	[tilespmem:$0x1760] =	vst v0  }
0x20a: {  	v22 =	vld.idx.msk [tilespmem:v18+s6+$0x0], $0xffff;
	_ =	sdelay $0x4  }
0x20b: {  	v27 =	vld [tilespmem:$0xF80];
	vm11 =	veq.s32 v21, $0x1;
	v26 =	vadd.s32 $0x1, v23;
	v25 =	vshll.u32 v22, $0x4  }
0x20c: {  	v29 =	vld [tilespmem:$0x700];
	v0 =	vsel vm11, v25, v26  }
0x20d: {  	v30 =	vld [tilespmem:$0x1390];
	[tilespmem:$0x1770] =	vst v0  }
0x20e: {  	v28 =	vld.idx.msk [tilespmem:v24+s6+$0x0], $0xffff;
	_ =	sdelay $0x4  }
0x20f: {  	v33 =	vld [tilespmem:$0xF90];
	vm12 =	veq.s32 v27, $0x1;
	v32 =	vadd.s32 $0x1, v29;
	v31 =	vshll.u32 v28, $0x4  }
0x210: {  	v35 =	vld [tilespmem:$0x710];
	v0 =	vsel vm12, v31, v32  }
0x211: {  	v36 =	vld [tilespmem:$0x13A0];
	[tilespmem:$0x1780] =	vst v0  }
0x212: {  	v34 =	vld.idx.msk [tilespmem:v30+s6+$0x0], $0xffff;
	_ =	sdelay $0x4  }
0x213: {  	v39 =	vld [tilespmem:$0xFA0];
	vm13 =	veq.s32 v33, $0x1;
	v38 =	vadd.s32 $0x1, v35;
	v37 =	vshll.u32 v34, $0x4  }
0x214: {  	v41 =	vld [tilespmem:$0x720];
	v0 =	vsel vm13, v37, v38  }
0x215: {  	v42 =	vld [tilespmem:$0x13B0];
	[tilespmem:$0x1790] =	vst v0  }
0x216: {  	v40 =	vld.idx.msk [tilespmem:v36+s6+$0x0], $0xffff;
	_ =	sdelay $0x4  }
0x217: {  	v45 =	vld [tilespmem:$0xFB0];
	vm14 =	veq.s32 v39, $0x1;
	v44 =	vadd.s32 $0x1, v41;
	v43 =	vshll.u32 v40, $0x4  }
0x218: {  	v47 =	vld [tilespmem:$0x730];
	v0 =	vsel vm14, v43, v44  }
0x219: {  	v48 =	vld [tilespmem:$0x13C0];
	[tilespmem:$0x17A0] =	vst v0  }
0x21a: {  	v46 =	vld.idx.msk [tilespmem:v42+s6+$0x0], $0xffff;
	_ =	sdelay $0x4  }
0x21b: {  	v51 =	vld [tilespmem:$0xFC0];
	vm15 =	veq.s32 v45, $0x1;
	v50 =	vadd.s32 $0x1, v47;
	v49 =	vshll.u32 v46, $0x4  }
0x21c: {  	v53 =	vld [tilespmem:$0x740];
	v0 =	vsel vm15, v49, v50  }
0x21d: {  	v54 =	vld [tilespmem:$0x13D0];
	[tilespmem:$0x17B0] =	vst v0  }
0x21e: {  	v52 =	vld.idx.msk [tilespmem:v48+s6+$0x0], $0xffff;
	_ =	sdelay $0x4  }
0x21f: {  	v57 =	vld [tilespmem:$0xFD0];
	vm4 =	veq.s32 v51, $0x1;
	v56 =	vadd.s32 $0x1, v53;
	v55 =	vshll.u32 v52, $0x4  }
0x220: {  	v59 =	vld [tilespmem:$0x750];
	v0 =	vsel vm4, v55, v56  }
0x221: {  	v60 =	vld [tilespmem:$0x13E0];
	[tilespmem:$0x17C0] =	vst v0  }
0x222: {  	v58 =	vld.idx.msk [tilespmem:v54+s6+$0x0], $0xffff;
	_ =	sdelay $0x4  }
0x223: {  	v63 =	vld [tilespmem:$0xFE0];
	vm5 =	veq.s32 v57, $0x1;
	v62 =	vadd.s32 $0x1, v59;
	v61 =	vshll.u32 v58, $0x4  }
0x224: {  	v7 =	vld [tilespmem:$0x760];
	v0 =	vsel vm5, v61, v62  }
0x225: {  	v8 =	vld [tilespmem:$0x13F0];
	[tilespmem:$0x17D0] =	vst v0  }
0x226: {  	v6 =	vld.idx.msk [tilespmem:v60+s6+$0x0], $0xffff;
	_ =	sdelay $0x4  }
0x227: {  	v11 =	vld [tilespmem:$0xFF0];
	vm6 =	veq.s32 v63, $0x1;
	v10 =	vadd.s32 $0x1, v7;
	v9 =	vshll.u32 v6, $0x4  }
0x228: {  	v13 =	vld [tilespmem:$0x770];
	v0 =	vsel vm6, v9, v10  }
0x229: {  	v14 =	vld [tilespmem:$0x1400];
	[tilespmem:$0x17E0] =	vst v0  }
0x22a: {  	v12 =	vld.idx.msk [tilespmem:v8+s6+$0x0], $0xffff;
	_ =	sdelay $0x4  }
0x22b: {  	v17 =	vld [tilespmem:$0x1000];
	vm7 =	veq.s32 v11, $0x1;
	v16 =	vadd.s32 $0x1, v13;
	v15 =	vshll.u32 v12, $0x4  }
0x22c: {  	v19 =	vld [tilespmem:$0x780];
	v0 =	vsel vm7, v15, v16  }
0x22d: {  	v20 =	vld [tilespmem:$0x1410];
	[tilespmem:$0x17F0] =	vst v0  }
0x22e: {  	v18 =	vld.idx.msk [tilespmem:v14+s6+$0x0], $0xffff;
	_ =	sdelay $0x4  }
0x22f: {  	v23 =	vld [tilespmem:$0x1010];
	vm8 =	veq.s32 v17, $0x1;
	v22 =	vadd.s32 $0x1, v19;
	v21 =	vshll.u32 v18, $0x4  }
0x230: {  	v25 =	vld [tilespmem:$0x790];
	v0 =	vsel vm8, v21, v22  }
0x231: {  	v26 =	vld [tilespmem:$0x1420];
	[tilespmem:$0x1800] =	vst v0  }
0x232: {  	v24 =	vld.idx.msk [tilespmem:v20+s6+$0x0], $0xffff;
	_ =	sdelay $0x4  }
0x233: {  	v29 =	vld [tilespmem:$0x1020];
	vm9 =	veq.s32 v23, $0x1;
	v28 =	vadd.s32 $0x1, v25;
	v27 =	vshll.u32 v24, $0x4  }
0x234: {  	v31 =	vld [tilespmem:$0x7A0];
	v0 =	vsel vm9, v27, v28  }
0x235: {  	v32 =	vld [tilespmem:$0x1430];
	[tilespmem:$0x1810] =	vst v0  }
0x236: {  	v30 =	vld.idx.msk [tilespmem:v26+s6+$0x0], $0xffff;
	_ =	sdelay $0x4  }
0x237: {  	v35 =	vld [tilespmem:$0x1030];
	vm10 =	veq.s32 v29, $0x1;
	v34 =	vadd.s32 $0x1, v31;
	v33 =	vshll.u32 v30, $0x4  }
0x238: {  	v37 =	vld [tilespmem:$0x7B0];
	v0 =	vsel vm10, v33, v34  }
0x239: {  	v38 =	vld [tilespmem:$0x1440];
	[tilespmem:$0x1820] =	vst v0  }
0x23a: {  	v36 =	vld.idx.msk [tilespmem:v32+s6+$0x0], $0xffff;
	_ =	sdelay $0x4  }
0x23b: {  	v41 =	vld [tilespmem:$0x1040];
	vm11 =	veq.s32 v35, $0x1;
	v40 =	vadd.s32 $0x1, v37;
	v39 =	vshll.u32 v36, $0x4  }
0x23c: {  	v43 =	vld [tilespmem:$0x7C0];
	v0 =	vsel vm11, v39, v40  }
0x23d: {  	v44 =	vld [tilespmem:$0x1450];
	[tilespmem:$0x1830] =	vst v0  }
0x23e: {  	v42 =	vld.idx.msk [tilespmem:v38+s6+$0x0], $0xffff;
	_ =	sdelay $0x4  }
0x23f: {  	v47 =	vld [tilespmem:$0x1050];
	vm12 =	veq.s32 v41, $0x1;
	v46 =	vadd.s32 $0x1, v43;
	v45 =	vshll.u32 v42, $0x4  }
0x240: {  	v49 =	vld [tilespmem:$0x7D0];
	v0 =	vsel vm12, v45, v46  }
0x241: {  	v50 =	vld [tilespmem:$0x1460];
	[tilespmem:$0x1840] =	vst v0  }
0x242: {  	v48 =	vld.idx.msk [tilespmem:v44+s6+$0x0], $0xffff;
	_ =	sdelay $0x4  }
0x243: {  	v53 =	vld [tilespmem:$0x1060];
	vm13 =	veq.s32 v47, $0x1;
	v52 =	vadd.s32 $0x1, v49;
	v51 =	vshll.u32 v48, $0x4  }
0x244: {  	v55 =	vld [tilespmem:$0x7E0];
	v0 =	vsel vm13, v51, v52  }
0x245: {  	v56 =	vld [tilespmem:$0x1470];
	[tilespmem:$0x1850] =	vst v0  }
0x246: {  	v54 =	vld.idx.msk [tilespmem:v50+s6+$0x0], $0xffff;
	_ =	sdelay $0x4  }
0x247: {  	vm14 =	veq.s32 v53, $0x1;
	v58 =	vadd.s32 $0x1, v55;
	v57 =	vshll.u32 v54, $0x4  }
0x248: {  	v59 =	vld [tilespmem:$0x1070];
	v0 =	vsel vm14, v57, v58  }
0x249: {  	v61 =	vld [tilespmem:$0x7F0];
	[tilespmem:$0x1860] =	vst v0  }
0x24a: {  	v60 =	vld.idx.msk [tilespmem:v56+s6+$0x0], $0xffff;
	_ =	sdelay $0x4  }
0x24b: {  	vm15 =	veq.s32 v59, $0x1;
	v63 =	vadd.s32 $0x1, v61;
	v62 =	vshll.u32 v60, $0x4  }
0x24c: {  	v0 =	vsel vm15, v62, v63  }
0x24d: {  	s3 =	sadd.s32 s3, s4;
	s31 =	simm.s32 $0x1480;
	[tilespmem:$0x1870] =	vst v0  }
0x24e: {  	[hbm4b:s3+s2] =	stream.linear.scatter [tilespmem:s31], [sflag:$0x7], $0x400, $0x38;
	[tilespmem:$0x1880] =	vst v63  }
0x24f: {  	_ =	swait.ge [sflag:s5], $0x400  }
0x250: {  	[sflag:s5] =	ssyncset.done $0x0  }
0x251: {  	[sflag:s5] =	ssyncadd.s32 $0xFFFFFC00  }
0x252: {  	_ =	sfence.sel $0x180000  }
0x253: {  	[bflag:$0x0] =	sbarrier.arrive $0xFFFF  }
0x254: {  	p0 =	sne.s32 s1, $0x0;
	_ =	strace $0x90000047  }
0x255: {  	s0 =	sadd.s32 @!p0 $0x100000, s0;
	[bflag:$0x2] =	sbarrier.arrive $0xFFFF  }
0x256: {  	[sflag:s0] =	ssyncadd.tile.s32 @!p0 $0x1;
	_ =	shalt  }
.Lfunc_end2:
_tile_overlayer_lowered:
.L_overlay_start_2:
0x257: {  	(tag) =	ssettag $0x2  }
0x258: {  	s0 =	rddreg [dreg:$0x0];
	s2 =	stileid.u32  }
0x259: {  	s1 =	rddreg [dreg:$0x1];
	p0 =	sne.s32 s2, $0x0  }
0x25a: {  	s3 =	rddreg [dreg:$0x2];
	[bflag:$0x3] =	sbarrier.arrive $0xFFFF;
	s2 =	simm.s32 @!p0 $0x1C03  }
0x25b: {  	[timem:s3], [sflag:s2] =	dma.local @!p0 [hbm:s0], s1  }
0x25c: {  	s0 =	simm.s32 @!p0 $0x3  }
0x25d: {  	_ =	swait.ge @!p0 [sflag:s0], s1  }
0x25e: {  	s1 =	ssub.s32 @!p0 $0x0, s1;
	[sflag:s0] =	ssyncset.done @!p0 $0x0  }
0x25f: {  	[sflag:s0] =	ssyncadd.s32 @!p0 s1  }
0x260: {  	[bflag:$0x3] =	sbarrier.arrive $0xFFFF  }
0x261: {  	_ =	shalt  }

</sc_bundles>
